<compile_context>
chip_gen: v7x
topology: tpu7x:2x2x1
jax: 0.10.2.dev20260603
libtpu: 0.0.44.dev20260713+nightly
codegen_flags: <defaults>
</compile_context>

<pallas_src>
import functools
import jax
import jax.numpy as jnp
from jax import lax
from jax.experimental import pallas as pl
from jax.experimental.pallas import tpu as pltpu
from jax.experimental.pallas import tpu_sc as plsc

B, N, M = 8, 2048, 2048
NC, NS, L = 2, 16, 16
NW = NC * NS
QPB = NW // B
RPW = N // QPB
UB = 4
CH = RPW // (UB * L)
JT = 16

_BCAST_DNUMS = lax.GatherDimensionNumbers(
    offset_dims=(), collapsed_slice_dims=(0,), start_index_map=(0,))


def _bcast(vec, lane_idx):
    return lax.gather(vec, lane_idx[:, None], _BCAST_DNUMS, slice_sizes=(1,),
                      mode=lax.GatherScatterMode.PROMISE_IN_BOUNDS)


def _sc_chamfer(a_hbm, b_hbm, out_hbm,
                rax, ray, raz, rbx, rby, rbz,
                c2a, mxa, mya, mza, c2b, mxb, myb, mzb, tot_v):
    wid = lax.axis_index("s") * NC + lax.axis_index("c")
    bi = wid // QPB
    q = wid % QPB

    ab = bi * 3 * N
    pltpu.sync_copy(a_hbm.at[pl.ds(ab, N)], rax)
    pltpu.sync_copy(a_hbm.at[pl.ds(ab + N, N)], ray)
    pltpu.sync_copy(a_hbm.at[pl.ds(ab + 2 * N, N)], raz)
    pltpu.sync_copy(b_hbm.at[pl.ds(ab, M)], rbx)
    pltpu.sync_copy(b_hbm.at[pl.ds(ab + M, M)], rby)
    pltpu.sync_copy(b_hbm.at[pl.ds(ab + 2 * M, M)], rbz)

    def build_quads(t, carry):
        s = pl.ds(t * L, L)
        for rx, ry, rz, c2, mx, my, mz in (
            (rax, ray, raz, c2a, mxa, mya, mza),
            (rbx, rby, rbz, c2b, mxb, myb, mzb),
        ):
            xv, yv, zv = rx[s], ry[s], rz[s]
            c2[s] = xv * xv + yv * yv + zv * zv
            mx[s] = -2.0 * xv
            my[s] = -2.0 * yv
            mz[s] = -2.0 * zv
        return carry

    lax.fori_loop(0, N // L, build_quads, 0)

    total = jnp.zeros((L,), jnp.float32)
    for (rvx, rvy, rvz), (c2s, mxs, mys, mzs) in (
        ((rax, ray, raz), (c2b, mxb, myb, mzb)),
        ((rbx, rby, rbz), (c2a, mxa, mya, mza)),
    ):
        def chunk_body(ch, tot):
            axs, ays, azs, a2s = [], [], [], []
            for u in range(UB):
                i0 = q * RPW + ch * UB * L + u * L
                s = pl.ds(i0, L)
                x, y, z = rvx[s], rvy[s], rvz[s]
                axs.append(x)
                ays.append(y)
                azs.append(z)
                a2s.append(x * x + y * y + z * z)

            def jbody(t, carry):
                s = pl.ds(t * JT, JT)
                c2v, mxv, myv, mzv = c2s[s], mxs[s], mys[s], mzs[s]
                ms = list(carry)
                for jj in range(JT):
                    lane = jnp.full((L,), jj, jnp.int32)
                    c2 = _bcast(c2v, lane)
                    mx = _bcast(mxv, lane)
                    my = _bcast(myv, lane)
                    mz = _bcast(mzv, lane)
                    for u in range(UB):
                        e = c2 + axs[u] * mx + ays[u] * my + azs[u] * mz
                        ms[u] = jnp.minimum(ms[u], e)
                return tuple(ms)

            init = tuple(jnp.full((L,), jnp.inf, jnp.float32) for _ in range(UB))
            ms = lax.fori_loop(0, M // JT, jbody, init)
            for u in range(UB):
                tot = tot + jnp.maximum(ms[u] + a2s[u], 0.0)
            return tot

        total = lax.fori_loop(0, CH, chunk_body, total)

    tot_v[...] = total
    pltpu.sync_copy(tot_v, out_hbm.at[pl.ds(wid * L, L)])


def _sc_call(a_t, b_t):
    return pl.kernel(
        _sc_chamfer,
        out_type=jax.ShapeDtypeStruct((NW * L,), jnp.float32),
        mesh=plsc.VectorSubcoreMesh(core_axis_name="c", subcore_axis_name="s"),
        scratch_types=(
            [pltpu.VMEM((N,), jnp.float32) for _ in range(6)]
            + [pltpu.VMEM((N,), jnp.float32) for _ in range(8)]
            + [pltpu.VMEM((L,), jnp.float32)]
        ),
    )(a_t, b_t)


def kernel(array1, array2):
    a_t = jnp.transpose(array1, (0, 2, 1)).reshape(B * 3 * N)
    b_t = jnp.transpose(array2, (0, 2, 1)).reshape(B * 3 * M)
    out = _sc_call(a_t, b_t)
    return jnp.sum(out) * (1.0 / (B * N))

# --- scband reference (transcript-rebuilt; emitter-appended) ---
"""Pipeline reference for scband-l2-chamfer-loss-19164144075462 (READ-ONLY COPY).

The authoritative reference and input builder live on the scoring server;
editing this copy changes nothing except your own understanding.
"""

import jax, jax.numpy as jnp
import numpy as np

def setup_inputs(seed: int = 0) -> dict:
    key = jax.random.key(seed)
    k1, k2 = jax.random.split(key)
    array1 = jax.random.normal(k1, (8, 2048, 3), dtype=jnp.float32)
    array2 = jax.random.normal(k2, (8, 2048, 3), dtype=jnp.float32)
    return {"array1": array1, "array2": array2}

def _pairwise_sqdist(a, b):
    # a: [B, N, 3], b: [B, M, 3] -> [B, N, M] squared euclidean distances
    a2 = jnp.sum(a * a, axis=-1, keepdims=True)            # [B, N, 1]
    b2 = jnp.sum(b * b, axis=-1, keepdims=True)            # [B, M, 1]
    ab = jnp.einsum('bnd,bmd->bnm', a, b)                  # [B, N, M]
    d = a2 + jnp.swapaxes(b2, 1, 2) - 2.0 * ab
    return jnp.maximum(d, 0.0)

def reference(array1, array2):
    d = _pairwise_sqdist(array1, array2)   # [B, N, M]
    dist1 = jnp.min(d, axis=2)             # nearest in array2 for each pt in array1
    dist2 = jnp.min(d, axis=1)             # nearest in array1 for each pt in array2
    dist = jnp.mean(dist1) + jnp.mean(dist2)
    return dist

if __name__ == "__main__":
    import jax
    _d = setup_inputs()
    print(jax.jit(kernel)(*tuple(_d.values())))

</pallas_src>

<mosaic_0001>
#map = affine_map<(d0, d1) -> (0)>
module attributes {stable_mosaic.version = 14 : i64} {
  func.func @_sc_chamfer(%arg0: i32, %arg1: i32, %arg2: memref<49152xf32, #tpu.memory_space<hbm>>, %arg3: memref<49152xf32, #tpu.memory_space<hbm>>, %arg4: memref<512xf32, #tpu.memory_space<hbm>>, %arg5: memref<2048xf32, #tpu.memory_space<vmem>>, %arg6: memref<2048xf32, #tpu.memory_space<vmem>>, %arg7: memref<2048xf32, #tpu.memory_space<vmem>>, %arg8: memref<2048xf32, #tpu.memory_space<vmem>>, %arg9: memref<2048xf32, #tpu.memory_space<vmem>>, %arg10: memref<2048xf32, #tpu.memory_space<vmem>>, %arg11: memref<2048xf32, #tpu.memory_space<vmem>>, %arg12: memref<2048xf32, #tpu.memory_space<vmem>>, %arg13: memref<2048xf32, #tpu.memory_space<vmem>>, %arg14: memref<2048xf32, #tpu.memory_space<vmem>>, %arg15: memref<2048xf32, #tpu.memory_space<vmem>>, %arg16: memref<2048xf32, #tpu.memory_space<vmem>>, %arg17: memref<2048xf32, #tpu.memory_space<vmem>>, %arg18: memref<2048xf32, #tpu.memory_space<vmem>>, %arg19: memref<16xf32, #tpu.memory_space<vmem>>) attributes {dimension_semantics = [#tpu.dimension_semantics<core_parallel>, #tpu.dimension_semantics<subcore_parallel>], iteration_bounds = array<i64: 2, 16>, scalar_prefetch = 0 : i64, scratch_operands = 15 : i64, tpu.core_type = #tpu.core_type<sc_vector_subcore>, window_params = [{transform_indices = #map}, {transform_indices = #map}, {transform_indices = #map}]} {
    %mul3A = arith.constant 2 : i32
    %mul3A_0 = arith.muli %arg1, %mul3A : i32
    %add3A = arith.addi %mul3A_0, %arg0 : i32
    %jit3A = arith.constant 4 : i32
    %div3A = arith.divsi %add3A, %jit3A : i32
    %sign3A = arith.constant 0 : i32
    %sign3A_1 = arith.cmpi sgt, %add3A, %sign3A : i32
    %sign3A_2 = arith.extui %sign3A_1 : i1 to i32
    %sign3A_3 = arith.constant 0 : i32
    %sign3A_4 = arith.cmpi slt, %add3A, %sign3A_3 : i32
    %sign3A_5 = arith.extui %sign3A_4 : i1 to i32
    %sign3A_6 = arith.subi %sign3A_2, %sign3A_5 : i32
    %sign3A_7 = arith.constant 0 : i32
    %sign3A_8 = arith.cmpi sgt, %jit3A, %sign3A_7 : i32
    %sign3A_9 = arith.extui %sign3A_8 : i1 to i32
    %sign3A_10 = arith.constant 0 : i32
    %sign3A_11 = arith.cmpi slt, %jit3A, %sign3A_10 : i32
    %sign3A_12 = arith.extui %sign3A_11 : i1 to i32
    %sign3A_13 = arith.subi %sign3A_9, %sign3A_12 : i32
    %ne3A = arith.cmpi ne, %sign3A_6, %sign3A_13 : i32
    %rem3A = arith.remsi %add3A, %jit3A : i32
    %ne3A_14 = arith.constant 0 : i32
    %ne3A_15 = arith.cmpi ne, %rem3A, %ne3A_14 : i32
    %and3A = arith.andi %ne3A, %ne3A_15 : i1
    %sub3A = arith.constant 1 : i32
    %sub3A_16 = arith.subi %div3A, %sub3A : i32
    %select_n3A = arith.select %and3A, %sub3A_16, %div3A : i32
    %jit3A_17 = arith.constant 4 : i32
    %eq3A = arith.constant 0 : i32
    %eq3A_18 = arith.cmpi eq, %jit3A_17, %eq3A : i32
    %jit3A_19 = arith.constant 1 : i32
    %select_n3A_20 = arith.select %eq3A_18, %jit3A_19, %jit3A_17 : i32
    %rem3A_21 = arith.remsi %add3A, %select_n3A_20 : i32
    %ne3A_22 = arith.constant 0 : i32
    %ne3A_23 = arith.cmpi ne, %rem3A_21, %ne3A_22 : i32
    %lt3A = arith.constant 0 : i32
    %lt3A_24 = arith.cmpi slt, %rem3A_21, %lt3A : i32
    %lt3A_25 = arith.constant 0 : i32
    %lt3A_26 = arith.cmpi slt, %select_n3A_20, %lt3A_25 : i32
    %ne3A_27 = arith.xori %lt3A_24, %lt3A_26 : i1
    %and3A_28 = arith.andi %ne3A_27, %ne3A_23 : i1
    %add3A_29 = arith.addi %rem3A_21, %select_n3A_20 : i32
    %select_n3A_30 = arith.select %and3A_28, %add3A_29, %rem3A_21 : i32
    %mul3A_31 = arith.constant 3 : i32
    %mul3A_32 = arith.muli %select_n3A, %mul3A_31 : i32
    %mul3A_33 = arith.constant 2048 : i32
    %mul3A_34 = arith.muli %mul3A_32, %mul3A_33 : i32
    "tpu.region"() ({
      %run_scoped3A = tpu.sem_alloc : memref<!tpu.dma_semaphore, #tpu.memory_space<semaphore_mem>>
      %dma_start3A = tpu.memref_slice %arg2[%mul3A_34] : memref<49152xf32, #tpu.memory_space<hbm>> -> memref<2048xf32, #tpu.memory_space<hbm>>
      %dma_start3A_66 = tpu.memref_slice %arg2[%mul3A_34] : memref<49152xf32, #tpu.memory_space<hbm>> -> memref<2048xf32, #tpu.memory_space<hbm>>
      tpu.enqueue_dma source(%dma_start3A_66 : memref<2048xf32, #tpu.memory_space<hbm>>) target(%arg5 : memref<2048xf32, #tpu.memory_space<vmem>>) target_semaphore(%run_scoped3A : memref<!tpu.dma_semaphore, #tpu.memory_space<semaphore_mem>>)
      %dma_wait3A = tpu.memref_slice %arg2[%mul3A_34] : memref<49152xf32, #tpu.memory_space<hbm>> -> memref<2048xf32, #tpu.memory_space<hbm>>
      %dma_wait3A_67 = tpu.memref_slice %arg2[%mul3A_34] : memref<49152xf32, #tpu.memory_space<hbm>> -> memref<2048xf32, #tpu.memory_space<hbm>>
      tpu.wait_dma2 semaphore(%run_scoped3A : memref<!tpu.dma_semaphore, #tpu.memory_space<semaphore_mem>>) src(%dma_wait3A_67 : memref<2048xf32, #tpu.memory_space<hbm>>) dst(%arg5 : memref<2048xf32, #tpu.memory_space<vmem>>)
      tpu.yield
    }) : () -> ()
    %add3A_35 = arith.constant 2048 : i32
    %add3A_36 = arith.addi %mul3A_34, %add3A_35 : i32
    "tpu.region"() ({
      %run_scoped3A = tpu.sem_alloc : memref<!tpu.dma_semaphore, #tpu.memory_space<semaphore_mem>>
      %dma_start3A = tpu.memref_slice %arg2[%add3A_36] : memref<49152xf32, #tpu.memory_space<hbm>> -> memref<2048xf32, #tpu.memory_space<hbm>>
      %dma_start3A_66 = tpu.memref_slice %arg2[%add3A_36] : memref<49152xf32, #tpu.memory_space<hbm>> -> memref<2048xf32, #tpu.memory_space<hbm>>
      tpu.enqueue_dma source(%dma_start3A_66 : memref<2048xf32, #tpu.memory_space<hbm>>) target(%arg6 : memref<2048xf32, #tpu.memory_space<vmem>>) target_semaphore(%run_scoped3A : memref<!tpu.dma_semaphore, #tpu.memory_space<semaphore_mem>>)
      %dma_wait3A = tpu.memref_slice %arg2[%add3A_36] : memref<49152xf32, #tpu.memory_space<hbm>> -> memref<2048xf32, #tpu.memory_space<hbm>>
      %dma_wait3A_67 = tpu.memref_slice %arg2[%add3A_36] : memref<49152xf32, #tpu.memory_space<hbm>> -> memref<2048xf32, #tpu.memory_space<hbm>>
      tpu.wait_dma2 semaphore(%run_scoped3A : memref<!tpu.dma_semaphore, #tpu.memory_space<semaphore_mem>>) src(%dma_wait3A_67 : memref<2048xf32, #tpu.memory_space<hbm>>) dst(%arg6 : memref<2048xf32, #tpu.memory_space<vmem>>)
      tpu.yield
    }) : () -> ()
    %add3A_37 = arith.constant 4096 : i32
    %add3A_38 = arith.addi %mul3A_34, %add3A_37 : i32
    "tpu.region"() ({
      %run_scoped3A = tpu.sem_alloc : memref<!tpu.dma_semaphore, #tpu.memory_space<semaphore_mem>>
      %dma_start3A = tpu.memref_slice %arg2[%add3A_38] : memref<49152xf32, #tpu.memory_space<hbm>> -> memref<2048xf32, #tpu.memory_space<hbm>>
      %dma_start3A_66 = tpu.memref_slice %arg2[%add3A_38] : memref<49152xf32, #tpu.memory_space<hbm>> -> memref<2048xf32, #tpu.memory_space<hbm>>
      tpu.enqueue_dma source(%dma_start3A_66 : memref<2048xf32, #tpu.memory_space<hbm>>) target(%arg7 : memref<2048xf32, #tpu.memory_space<vmem>>) target_semaphore(%run_scoped3A : memref<!tpu.dma_semaphore, #tpu.memory_space<semaphore_mem>>)
      %dma_wait3A = tpu.memref_slice %arg2[%add3A_38] : memref<49152xf32, #tpu.memory_space<hbm>> -> memref<2048xf32, #tpu.memory_space<hbm>>
      %dma_wait3A_67 = tpu.memref_slice %arg2[%add3A_38] : memref<49152xf32, #tpu.memory_space<hbm>> -> memref<2048xf32, #tpu.memory_space<hbm>>
      tpu.wait_dma2 semaphore(%run_scoped3A : memref<!tpu.dma_semaphore, #tpu.memory_space<semaphore_mem>>) src(%dma_wait3A_67 : memref<2048xf32, #tpu.memory_space<hbm>>) dst(%arg7 : memref<2048xf32, #tpu.memory_space<vmem>>)
      tpu.yield
    }) : () -> ()
    "tpu.region"() ({
      %run_scoped3A = tpu.sem_alloc : memref<!tpu.dma_semaphore, #tpu.memory_space<semaphore_mem>>
      %dma_start3A = tpu.memref_slice %arg3[%mul3A_34] : memref<49152xf32, #tpu.memory_space<hbm>> -> memref<2048xf32, #tpu.memory_space<hbm>>
      %dma_start3A_66 = tpu.memref_slice %arg3[%mul3A_34] : memref<49152xf32, #tpu.memory_space<hbm>> -> memref<2048xf32, #tpu.memory_space<hbm>>
      tpu.enqueue_dma source(%dma_start3A_66 : memref<2048xf32, #tpu.memory_space<hbm>>) target(%arg8 : memref<2048xf32, #tpu.memory_space<vmem>>) target_semaphore(%run_scoped3A : memref<!tpu.dma_semaphore, #tpu.memory_space<semaphore_mem>>)
      %dma_wait3A = tpu.memref_slice %arg3[%mul3A_34] : memref<49152xf32, #tpu.memory_space<hbm>> -> memref<2048xf32, #tpu.memory_space<hbm>>
      %dma_wait3A_67 = tpu.memref_slice %arg3[%mul3A_34] : memref<49152xf32, #tpu.memory_space<hbm>> -> memref<2048xf32, #tpu.memory_space<hbm>>
      tpu.wait_dma2 semaphore(%run_scoped3A : memref<!tpu.dma_semaphore, #tpu.memory_space<semaphore_mem>>) src(%dma_wait3A_67 : memref<2048xf32, #tpu.memory_space<hbm>>) dst(%arg8 : memref<2048xf32, #tpu.memory_space<vmem>>)
      tpu.yield
    }) : () -> ()
    %add3A_39 = arith.constant 2048 : i32
    %add3A_40 = arith.addi %mul3A_34, %add3A_39 : i32
    "tpu.region"() ({
      %run_scoped3A = tpu.sem_alloc : memref<!tpu.dma_semaphore, #tpu.memory_space<semaphore_mem>>
      %dma_start3A = tpu.memref_slice %arg3[%add3A_40] : memref<49152xf32, #tpu.memory_space<hbm>> -> memref<2048xf32, #tpu.memory_space<hbm>>
      %dma_start3A_66 = tpu.memref_slice %arg3[%add3A_40] : memref<49152xf32, #tpu.memory_space<hbm>> -> memref<2048xf32, #tpu.memory_space<hbm>>
      tpu.enqueue_dma source(%dma_start3A_66 : memref<2048xf32, #tpu.memory_space<hbm>>) target(%arg9 : memref<2048xf32, #tpu.memory_space<vmem>>) target_semaphore(%run_scoped3A : memref<!tpu.dma_semaphore, #tpu.memory_space<semaphore_mem>>)
      %dma_wait3A = tpu.memref_slice %arg3[%add3A_40] : memref<49152xf32, #tpu.memory_space<hbm>> -> memref<2048xf32, #tpu.memory_space<hbm>>
      %dma_wait3A_67 = tpu.memref_slice %arg3[%add3A_40] : memref<49152xf32, #tpu.memory_space<hbm>> -> memref<2048xf32, #tpu.memory_space<hbm>>
      tpu.wait_dma2 semaphore(%run_scoped3A : memref<!tpu.dma_semaphore, #tpu.memory_space<semaphore_mem>>) src(%dma_wait3A_67 : memref<2048xf32, #tpu.memory_space<hbm>>) dst(%arg9 : memref<2048xf32, #tpu.memory_space<vmem>>)
      tpu.yield
    }) : () -> ()
    %add3A_41 = arith.constant 4096 : i32
    %add3A_42 = arith.addi %mul3A_34, %add3A_41 : i32
    "tpu.region"() ({
      %run_scoped3A = tpu.sem_alloc : memref<!tpu.dma_semaphore, #tpu.memory_space<semaphore_mem>>
      %dma_start3A = tpu.memref_slice %arg3[%add3A_42] : memref<49152xf32, #tpu.memory_space<hbm>> -> memref<2048xf32, #tpu.memory_space<hbm>>
      %dma_start3A_66 = tpu.memref_slice %arg3[%add3A_42] : memref<49152xf32, #tpu.memory_space<hbm>> -> memref<2048xf32, #tpu.memory_space<hbm>>
      tpu.enqueue_dma source(%dma_start3A_66 : memref<2048xf32, #tpu.memory_space<hbm>>) target(%arg10 : memref<2048xf32, #tpu.memory_space<vmem>>) target_semaphore(%run_scoped3A : memref<!tpu.dma_semaphore, #tpu.memory_space<semaphore_mem>>)
      %dma_wait3A = tpu.memref_slice %arg3[%add3A_42] : memref<49152xf32, #tpu.memory_space<hbm>> -> memref<2048xf32, #tpu.memory_space<hbm>>
      %dma_wait3A_67 = tpu.memref_slice %arg3[%add3A_42] : memref<49152xf32, #tpu.memory_space<hbm>> -> memref<2048xf32, #tpu.memory_space<hbm>>
      tpu.wait_dma2 semaphore(%run_scoped3A : memref<!tpu.dma_semaphore, #tpu.memory_space<semaphore_mem>>) src(%dma_wait3A_67 : memref<2048xf32, #tpu.memory_space<hbm>>) dst(%arg10 : memref<2048xf32, #tpu.memory_space<vmem>>)
      tpu.yield
    }) : () -> ()
    %scan3A = arith.constant 0 : i32
    %scan3A_43 = arith.constant 0 : i32
    %scan3A_44 = arith.constant 128 : i32
    %scan3A_45 = arith.addi %scan3A_43, %scan3A_44 : i32
    %scan3A_46 = arith.constant 1 : i32
    scf.for %scan3A_66 = %scan3A_43 to %scan3A_45 step %scan3A_46  : i32 {
      %mul3A_67 = arith.constant 16 : i32
      %mul3A_68 = arith.muli %scan3A_66, %mul3A_67 : i32
      %get3A = arith.index_cast %mul3A_68 : i32 to index
      %get3A_69 = tpu.vector_load %arg5[%get3A] {strides = array<i32>} : memref<2048xf32, #tpu.memory_space<vmem>>, vector<16xf32>,
      %get3A_70 = vector.shape_cast %get3A_69 : vector<16xf32> to vector<16xf32>
      %get3A_71 = arith.index_cast %mul3A_68 : i32 to index
      %get3A_72 = tpu.vector_load %arg6[%get3A_71] {strides = array<i32>} : memref<2048xf32, #tpu.memory_space<vmem>>, vector<16xf32>,
      %get3A_73 = vector.shape_cast %get3A_72 : vector<16xf32> to vector<16xf32>
      %get3A_74 = arith.index_cast %mul3A_68 : i32 to index
      %get3A_75 = tpu.vector_load %arg7[%get3A_74] {strides = array<i32>} : memref<2048xf32, #tpu.memory_space<vmem>>, vector<16xf32>,
      %get3A_76 = vector.shape_cast %get3A_75 : vector<16xf32> to vector<16xf32>
      %mul3A_77 = arith.mulf %get3A_70, %get3A_70 : vector<16xf32>
      %mul3A_78 = arith.mulf %get3A_73, %get3A_73 : vector<16xf32>
      %add3A_79 = arith.addf %mul3A_77, %mul3A_78 : vector<16xf32>
      %mul3A_80 = arith.mulf %get3A_76, %get3A_76 : vector<16xf32>
      %add3A_81 = arith.addf %add3A_79, %mul3A_80 : vector<16xf32>
      %swap3A_82 = arith.index_cast %mul3A_68 : i32 to index
      %swap3A_83 = tpu.vector_load %arg11[%swap3A_82] {strides = array<i32>} : memref<2048xf32, #tpu.memory_space<vmem>>, vector<16xf32>,
      %swap3A_84 = vector.shape_cast %swap3A_83 : vector<16xf32> to vector<16xf32>
      %swap3A_85 = vector.shape_cast %add3A_81 : vector<16xf32> to vector<16xf32>
      tpu.vector_store %arg11[%swap3A_82], %swap3A_85 {strides = array<i32>} : memref<2048xf32, #tpu.memory_space<vmem>>, vector<16xf32>,
      %mul3A_86 = arith.constant -2.000000e+00 : f32
      %mul3A_87 = vector.broadcast %mul3A_86 : f32 to vector<16xf32>
      %mul3A_88 = arith.mulf %mul3A_87, %get3A_70 : vector<16xf32>
      %swap3A_89 = arith.index_cast %mul3A_68 : i32 to index
      %swap3A_90 = tpu.vector_load %arg12[%swap3A_89] {strides = array<i32>} : memref<2048xf32, #tpu.memory_space<vmem>>, vector<16xf32>,
      %swap3A_91 = vector.shape_cast %swap3A_90 : vector<16xf32> to vector<16xf32>
      %swap3A_92 = vector.shape_cast %mul3A_88 : vector<16xf32> to vector<16xf32>
      tpu.vector_store %arg12[%swap3A_89], %swap3A_92 {strides = array<i32>} : memref<2048xf32, #tpu.memory_space<vmem>>, vector<16xf32>,
      %mul3A_93 = arith.constant -2.000000e+00 : f32
      %mul3A_94 = vector.broadcast %mul3A_93 : f32 to vector<16xf32>
      %mul3A_95 = arith.mulf %mul3A_94, %get3A_73 : vector<16xf32>
      %swap3A_96 = arith.index_cast %mul3A_68 : i32 to index
      %swap3A_97 = tpu.vector_load %arg13[%swap3A_96] {strides = array<i32>} : memref<2048xf32, #tpu.memory_space<vmem>>, vector<16xf32>,
      %swap3A_98 = vector.shape_cast %swap3A_97 : vector<16xf32> to vector<16xf32>
      %swap3A_99 = vector.shape_cast %mul3A_95 : vector<16xf32> to vector<16xf32>
      tpu.vector_store %arg13[%swap3A_96], %swap3A_99 {strides = array<i32>} : memref<2048xf32, #tpu.memory_space<vmem>>, vector<16xf32>,
      %mul3A_100 = arith.constant -2.000000e+00 : f32
      %mul3A_101 = vector.broadcast %mul3A_100 : f32 to vector<16xf32>
      %mul3A_102 = arith.mulf %mul3A_101, %get3A_76 : vector<16xf32>
      %swap3A_103 = arith.index_cast %mul3A_68 : i32 to index
      %swap3A_104 = tpu.vector_load %arg14[%swap3A_103] {strides = array<i32>} : memref<2048xf32, #tpu.memory_space<vmem>>, vector<16xf32>,
      %swap3A_105 = vector.shape_cast %swap3A_104 : vector<16xf32> to vector<16xf32>
      %swap3A_106 = vector.shape_cast %mul3A_102 : vector<16xf32> to vector<16xf32>
      tpu.vector_store %arg14[%swap3A_103], %swap3A_106 {strides = array<i32>} : memref<2048xf32, #tpu.memory_space<vmem>>, vector<16xf32>,
      %get3A_107 = arith.index_cast %mul3A_68 : i32 to index
      %get3A_108 = tpu.vector_load %arg8[%get3A_107] {strides = array<i32>} : memref<2048xf32, #tpu.memory_space<vmem>>, vector<16xf32>,
      %get3A_109 = vector.shape_cast %get3A_108 : vector<16xf32> to vector<16xf32>
      %get3A_110 = arith.index_cast %mul3A_68 : i32 to index
      %get3A_111 = tpu.vector_load %arg9[%get3A_110] {strides = array<i32>} : memref<2048xf32, #tpu.memory_space<vmem>>, vector<16xf32>,
      %get3A_112 = vector.shape_cast %get3A_111 : vector<16xf32> to vector<16xf32>
      %get3A_113 = arith.index_cast %mul3A_68 : i32 to index
      %get3A_114 = tpu.vector_load %arg10[%get3A_113] {strides = array<i32>} : memref<2048xf32, #tpu.memory_space<vmem>>, vector<16xf32>,
      %get3A_115 = vector.shape_cast %get3A_114 : vector<16xf32> to vector<16xf32>
      %mul3A_116 = arith.mulf %get3A_109, %get3A_109 : vector<16xf32>
      %mul3A_117 = arith.mulf %get3A_112, %get3A_112 : vector<16xf32>
      %add3A_118 = arith.addf %mul3A_116, %mul3A_117 : vector<16xf32>
      %mul3A_119 = arith.mulf %get3A_115, %get3A_115 : vector<16xf32>
      %add3A_120 = arith.addf %add3A_118, %mul3A_119 : vector<16xf32>
      %swap3A_121 = arith.index_cast %mul3A_68 : i32 to index
      %swap3A_122 = tpu.vector_load %arg15[%swap3A_121] {strides = array<i32>} : memref<2048xf32, #tpu.memory_space<vmem>>, vector<16xf32>,
      %swap3A_123 = vector.shape_cast %swap3A_122 : vector<16xf32> to vector<16xf32>
      %swap3A_124 = vector.shape_cast %add3A_120 : vector<16xf32> to vector<16xf32>
      tpu.vector_store %arg15[%swap3A_121], %swap3A_124 {strides = array<i32>} : memref<2048xf32, #tpu.memory_space<vmem>>, vector<16xf32>,
      %mul3A_125 = arith.constant -2.000000e+00 : f32
      %mul3A_126 = vector.broadcast %mul3A_125 : f32 to vector<16xf32>
      %mul3A_127 = arith.mulf %mul3A_126, %get3A_109 : vector<16xf32>
      %swap3A_128 = arith.index_cast %mul3A_68 : i32 to index
      %swap3A_129 = tpu.vector_load %arg16[%swap3A_128] {strides = array<i32>} : memref<2048xf32, #tpu.memory_space<vmem>>, vector<16xf32>,
      %swap3A_130 = vector.shape_cast %swap3A_129 : vector<16xf32> to vector<16xf32>
      %swap3A_131 = vector.shape_cast %mul3A_127 : vector<16xf32> to vector<16xf32>
      tpu.vector_store %arg16[%swap3A_128], %swap3A_131 {strides = array<i32>} : memref<2048xf32, #tpu.memory_space<vmem>>, vector<16xf32>,
      %mul3A_132 = arith.constant -2.000000e+00 : f32
      %mul3A_133 = vector.broadcast %mul3A_132 : f32 to vector<16xf32>
      %mul3A_134 = arith.mulf %mul3A_133, %get3A_112 : vector<16xf32>
      %swap3A_135 = arith.index_cast %mul3A_68 : i32 to index
      %swap3A_136 = tpu.vector_load %arg17[%swap3A_135] {strides = array<i32>} : memref<2048xf32, #tpu.memory_space<vmem>>, vector<16xf32>,
      %swap3A_137 = vector.shape_cast %swap3A_136 : vector<16xf32> to vector<16xf32>
      %swap3A_138 = vector.shape_cast %mul3A_134 : vector<16xf32> to vector<16xf32>
      tpu.vector_store %arg17[%swap3A_135], %swap3A_138 {strides = array<i32>} : memref<2048xf32, #tpu.memory_space<vmem>>, vector<16xf32>,
      %mul3A_139 = arith.constant -2.000000e+00 : f32
      %mul3A_140 = vector.broadcast %mul3A_139 : f32 to vector<16xf32>
      %mul3A_141 = arith.mulf %mul3A_140, %get3A_115 : vector<16xf32>
      %swap3A_142 = arith.index_cast %mul3A_68 : i32 to index
      %swap3A_143 = tpu.vector_load %arg18[%swap3A_142] {strides = array<i32>} : memref<2048xf32, #tpu.memory_space<vmem>>, vector<16xf32>,
      %swap3A_144 = vector.shape_cast %swap3A_143 : vector<16xf32> to vector<16xf32>
      %swap3A_145 = vector.shape_cast %mul3A_141 : vector<16xf32> to vector<16xf32>
      tpu.vector_store %arg18[%swap3A_142], %swap3A_145 {strides = array<i32>} : memref<2048xf32, #tpu.memory_space<vmem>>, vector<16xf32>,
    }
    %scan3A_47 = arith.constant 128 : i32
    %broadcast_in_dim3A = arith.constant 0.000000e+00 : f32
    %broadcast_in_dim3A_48 = vector.broadcast %broadcast_in_dim3A : f32 to vector<16xf32>
    %scan3A_49 = arith.constant 0 : i32
    %scan3A_50 = arith.constant 8 : i32
    %scan3A_51 = arith.addi %scan3A_49, %scan3A_50 : i32
    %scan3A_52 = arith.constant 1 : i32
    %scan3A_53 = scf.for %scan3A_66 = %scan3A_49 to %scan3A_51 step %scan3A_52 iter_args(%scan3A_67 = %broadcast_in_dim3A_48) -> (vector<16xf32>)  : i32 {
      %mul3A_68 = arith.constant 512 : i32
      %mul3A_69 = arith.muli %select_n3A_30, %mul3A_68 : i32
      %mul3A_70 = arith.constant 4 : i32
      %mul3A_71 = arith.muli %scan3A_66, %mul3A_70 : i32
      %mul3A_72 = arith.constant 16 : i32
      %mul3A_73 = arith.muli %mul3A_71, %mul3A_72 : i32
      %add3A_74 = arith.addi %mul3A_69, %mul3A_73 : i32
      %add3A_75 = arith.constant 0 : i32
      %add3A_76 = arith.addi %add3A_74, %add3A_75 : i32
      %get3A = arith.index_cast %add3A_76 : i32 to index
      %get3A_77 = tpu.vector_load %arg5[%get3A] {strides = array<i32>} : memref<2048xf32, #tpu.memory_space<vmem>>, vector<16xf32>,
      %get3A_78 = vector.shape_cast %get3A_77 : vector<16xf32> to vector<16xf32>
      %get3A_79 = arith.index_cast %add3A_76 : i32 to index
      %get3A_80 = tpu.vector_load %arg6[%get3A_79] {strides = array<i32>} : memref<2048xf32, #tpu.memory_space<vmem>>, vector<16xf32>,
      %get3A_81 = vector.shape_cast %get3A_80 : vector<16xf32> to vector<16xf32>
      %get3A_82 = arith.index_cast %add3A_76 : i32 to index
      %get3A_83 = tpu.vector_load %arg7[%get3A_82] {strides = array<i32>} : memref<2048xf32, #tpu.memory_space<vmem>>, vector<16xf32>,
      %get3A_84 = vector.shape_cast %get3A_83 : vector<16xf32> to vector<16xf32>
      %mul3A_85 = arith.mulf %get3A_78, %get3A_78 : vector<16xf32>
      %mul3A_86 = arith.mulf %get3A_81, %get3A_81 : vector<16xf32>
      %add3A_87 = arith.addf %mul3A_85, %mul3A_86 : vector<16xf32>
      %mul3A_88 = arith.mulf %get3A_84, %get3A_84 : vector<16xf32>
      %add3A_89 = arith.addf %add3A_87, %mul3A_88 : vector<16xf32>
      %mul3A_90 = arith.constant 512 : i32
      %mul3A_91 = arith.muli %select_n3A_30, %mul3A_90 : i32
      %mul3A_92 = arith.constant 4 : i32
      %mul3A_93 = arith.muli %scan3A_66, %mul3A_92 : i32
      %mul3A_94 = arith.constant 16 : i32
      %mul3A_95 = arith.muli %mul3A_93, %mul3A_94 : i32
      %add3A_96 = arith.addi %mul3A_91, %mul3A_95 : i32
      %add3A_97 = arith.constant 16 : i32
      %add3A_98 = arith.addi %add3A_96, %add3A_97 : i32
      %get3A_99 = arith.index_cast %add3A_98 : i32 to index
      %get3A_100 = tpu.vector_load %arg5[%get3A_99] {strides = array<i32>} : memref<2048xf32, #tpu.memory_space<vmem>>, vector<16xf32>,
      %get3A_101 = vector.shape_cast %get3A_100 : vector<16xf32> to vector<16xf32>
      %get3A_102 = arith.index_cast %add3A_98 : i32 to index
      %get3A_103 = tpu.vector_load %arg6[%get3A_102] {strides = array<i32>} : memref<2048xf32, #tpu.memory_space<vmem>>, vector<16xf32>,
      %get3A_104 = vector.shape_cast %get3A_103 : vector<16xf32> to vector<16xf32>
      %get3A_105 = arith.index_cast %add3A_98 : i32 to index
      %get3A_106 = tpu.vector_load %arg7[%get3A_105] {strides = array<i32>} : memref<2048xf32, #tpu.memory_space<vmem>>, vector<16xf32>,
      %get3A_107 = vector.shape_cast %get3A_106 : vector<16xf32> to vector<16xf32>
      %mul3A_108 = arith.mulf %get3A_101, %get3A_101 : vector<16xf32>
      %mul3A_109 = arith.mulf %get3A_104, %get3A_104 : vector<16xf32>
      %add3A_110 = arith.addf %mul3A_108, %mul3A_109 : vector<16xf32>
      %mul3A_111 = arith.mulf %get3A_107, %get3A_107 : vector<16xf32>
      %add3A_112 = arith.addf %add3A_110, %mul3A_111 : vector<16xf32>
      %mul3A_113 = arith.constant 512 : i32
      %mul3A_114 = arith.muli %select_n3A_30, %mul3A_113 : i32
      %mul3A_115 = arith.constant 4 : i32
      %mul3A_116 = arith.muli %scan3A_66, %mul3A_115 : i32
      %mul3A_117 = arith.constant 16 : i32
      %mul3A_118 = arith.muli %mul3A_116, %mul3A_117 : i32
      %add3A_119 = arith.addi %mul3A_114, %mul3A_118 : i32
      %add3A_120 = arith.constant 32 : i32
      %add3A_121 = arith.addi %add3A_119, %add3A_120 : i32
      %get3A_122 = arith.index_cast %add3A_121 : i32 to index
      %get3A_123 = tpu.vector_load %arg5[%get3A_122] {strides = array<i32>} : memref<2048xf32, #tpu.memory_space<vmem>>, vector<16xf32>,
      %get3A_124 = vector.shape_cast %get3A_123 : vector<16xf32> to vector<16xf32>
      %get3A_125 = arith.index_cast %add3A_121 : i32 to index
      %get3A_126 = tpu.vector_load %arg6[%get3A_125] {strides = array<i32>} : memref<2048xf32, #tpu.memory_space<vmem>>, vector<16xf32>,
      %get3A_127 = vector.shape_cast %get3A_126 : vector<16xf32> to vector<16xf32>
      %get3A_128 = arith.index_cast %add3A_121 : i32 to index
      %get3A_129 = tpu.vector_load %arg7[%get3A_128] {strides = array<i32>} : memref<2048xf32, #tpu.memory_space<vmem>>, vector<16xf32>,
      %get3A_130 = vector.shape_cast %get3A_129 : vector<16xf32> to vector<16xf32>
      %mul3A_131 = arith.mulf %get3A_124, %get3A_124 : vector<16xf32>
      %mul3A_132 = arith.mulf %get3A_127, %get3A_127 : vector<16xf32>
      %add3A_133 = arith.addf %mul3A_131, %mul3A_132 : vector<16xf32>
      %mul3A_134 = arith.mulf %get3A_130, %get3A_130 : vector<16xf32>
      %add3A_135 = arith.addf %add3A_133, %mul3A_134 : vector<16xf32>
      %mul3A_136 = arith.constant 512 : i32
      %mul3A_137 = arith.muli %select_n3A_30, %mul3A_136 : i32
      %mul3A_138 = arith.constant 4 : i32
      %mul3A_139 = arith.muli %scan3A_66, %mul3A_138 : i32
      %mul3A_140 = arith.constant 16 : i32
      %mul3A_141 = arith.muli %mul3A_139, %mul3A_140 : i32
      %add3A_142 = arith.addi %mul3A_137, %mul3A_141 : i32
      %add3A_143 = arith.constant 48 : i32
      %add3A_144 = arith.addi %add3A_142, %add3A_143 : i32
      %get3A_145 = arith.index_cast %add3A_144 : i32 to index
      %get3A_146 = tpu.vector_load %arg5[%get3A_145] {strides = array<i32>} : memref<2048xf32, #tpu.memory_space<vmem>>, vector<16xf32>,
      %get3A_147 = vector.shape_cast %get3A_146 : vector<16xf32> to vector<16xf32>
      %get3A_148 = arith.index_cast %add3A_144 : i32 to index
      %get3A_149 = tpu.vector_load %arg6[%get3A_148] {strides = array<i32>} : memref<2048xf32, #tpu.memory_space<vmem>>, vector<16xf32>,
      %get3A_150 = vector.shape_cast %get3A_149 : vector<16xf32> to vector<16xf32>
      %get3A_151 = arith.index_cast %add3A_144 : i32 to index
      %get3A_152 = tpu.vector_load %arg7[%get3A_151] {strides = array<i32>} : memref<2048xf32, #tpu.memory_space<vmem>>, vector<16xf32>,
      %get3A_153 = vector.shape_cast %get3A_152 : vector<16xf32> to vector<16xf32>
      %mul3A_154 = arith.mulf %get3A_147, %get3A_147 : vector<16xf32>
      %mul3A_155 = arith.mulf %get3A_150, %get3A_150 : vector<16xf32>
      %add3A_156 = arith.addf %mul3A_154, %mul3A_155 : vector<16xf32>
      %mul3A_157 = arith.mulf %get3A_153, %get3A_153 : vector<16xf32>
      %add3A_158 = arith.addf %add3A_156, %mul3A_157 : vector<16xf32>
      %broadcast_in_dim3A_159 = arith.constant 0x7F800000 : f32
      %broadcast_in_dim3A_160 = vector.broadcast %broadcast_in_dim3A_159 : f32 to vector<16xf32>
      %broadcast_in_dim3A_161 = arith.constant 0x7F800000 : f32
      %broadcast_in_dim3A_162 = vector.broadcast %broadcast_in_dim3A_161 : f32 to vector<16xf32>
      %broadcast_in_dim3A_163 = arith.constant 0x7F800000 : f32
      %broadcast_in_dim3A_164 = vector.broadcast %broadcast_in_dim3A_163 : f32 to vector<16xf32>
      %broadcast_in_dim3A_165 = arith.constant 0x7F800000 : f32
      %broadcast_in_dim3A_166 = vector.broadcast %broadcast_in_dim3A_165 : f32 to vector<16xf32>
      %scan3A_167 = arith.constant 0 : i32
      %scan3A_168 = arith.constant 128 : i32
      %scan3A_169 = arith.addi %scan3A_167, %scan3A_168 : i32
      %scan3A_170 = arith.constant 1 : i32
      %scan3A_171:4 = scf.for %scan3A_192 = %scan3A_167 to %scan3A_169 step %scan3A_170 iter_args(%scan3A_193 = %broadcast_in_dim3A_160, %scan3A_194 = %broadcast_in_dim3A_162, %scan3A_195 = %broadcast_in_dim3A_164, %scan3A_196 = %broadcast_in_dim3A_166) -> (vector<16xf32>, vector<16xf32>, vector<16xf32>, vector<16xf32>)  : i32 {
        %mul3A_197 = arith.constant 16 : i32
        %mul3A_198 = arith.muli %scan3A_192, %mul3A_197 : i32
        %get3A_199 = arith.index_cast %mul3A_198 : i32 to index
        %get3A_200 = tpu.vector_load %arg15[%get3A_199] {strides = array<i32>} : memref<2048xf32, #tpu.memory_space<vmem>>, vector<16xf32>,
        %get3A_201 = vector.shape_cast %get3A_200 : vector<16xf32> to vector<16xf32>
        %get3A_202 = arith.index_cast %mul3A_198 : i32 to index
        %get3A_203 = tpu.vector_load %arg16[%get3A_202] {strides = array<i32>} : memref<2048xf32, #tpu.memory_space<vmem>>, vector<16xf32>,
        %get3A_204 = vector.shape_cast %get3A_203 : vector<16xf32> to vector<16xf32>
        %get3A_205 = arith.index_cast %mul3A_198 : i32 to index
        %get3A_206 = tpu.vector_load %arg17[%get3A_205] {strides = array<i32>} : memref<2048xf32, #tpu.memory_space<vmem>>, vector<16xf32>,
        %get3A_207 = vector.shape_cast %get3A_206 : vector<16xf32> to vector<16xf32>
        %get3A_208 = arith.index_cast %mul3A_198 : i32 to index
        %get3A_209 = tpu.vector_load %arg18[%get3A_208] {strides = array<i32>} : memref<2048xf32, #tpu.memory_space<vmem>>, vector<16xf32>,
        %get3A_210 = vector.shape_cast %get3A_209 : vector<16xf32> to vector<16xf32>
        %broadcast_in_dim3A_211 = arith.constant 0 : i32
        %broadcast_in_dim3A_212 = vector.broadcast %broadcast_in_dim3A_211 : i32 to vector<16xi32>
        %broadcast_in_dim3A_213 = vector.shape_cast %broadcast_in_dim3A_212 : vector<16xi32> to vector<16x1xi32>
        %gather3A = vector.shape_cast %broadcast_in_dim3A_213 : vector<16x1xi32> to vector<16xi32>
        %gather3A_214 = tpu.dynamic_gather %get3A_201[%gather3A] in [0] : vector<16xf32>, vector<16xi32> -> vector<16xf32>
        %broadcast_in_dim3A_215 = vector.shape_cast %broadcast_in_dim3A_212 : vector<16xi32> to vector<16x1xi32>
        %gather3A_216 = vector.shape_cast %broadcast_in_dim3A_215 : vector<16x1xi32> to vector<16xi32>
        %gather3A_217 = tpu.dynamic_gather %get3A_204[%gather3A_216] in [0] : vector<16xf32>, vector<16xi32> -> vector<16xf32>
        %broadcast_in_dim3A_218 = vector.shape_cast %broadcast_in_dim3A_212 : vector<16xi32> to vector<16x1xi32>
        %gather3A_219 = vector.shape_cast %broadcast_in_dim3A_218 : vector<16x1xi32> to vector<16xi32>
        %gather3A_220 = tpu.dynamic_gather %get3A_207[%gather3A_219] in [0] : vector<16xf32>, vector<16xi32> -> vector<16xf32>
        %broadcast_in_dim3A_221 = vector.shape_cast %broadcast_in_dim3A_212 : vector<16xi32> to vector<16x1xi32>
        %gather3A_222 = vector.shape_cast %broadcast_in_dim3A_221 : vector<16x1xi32> to vector<16xi32>
        %gather3A_223 = tpu.dynamic_gather %get3A_210[%gather3A_222] in [0] : vector<16xf32>, vector<16xi32> -> vector<16xf32>
        %mul3A_224 = arith.mulf %get3A_78, %gather3A_217 : vector<16xf32>
        %add3A_225 = arith.addf %gather3A_214, %mul3A_224 : vector<16xf32>
        %mul3A_226 = arith.mulf %get3A_81, %gather3A_220 : vector<16xf32>
        %add3A_227 = arith.addf %add3A_225, %mul3A_226 : vector<16xf32>
        %mul3A_228 = arith.mulf %get3A_84, %gather3A_223 : vector<16xf32>
        %add3A_229 = arith.addf %add3A_227, %mul3A_228 : vector<16xf32>
        %min3A = arith.minimumf %scan3A_193, %add3A_229 : vector<16xf32>
        %mul3A_230 = arith.mulf %get3A_101, %gather3A_217 : vector<16xf32>
        %add3A_231 = arith.addf %gather3A_214, %mul3A_230 : vector<16xf32>
        %mul3A_232 = arith.mulf %get3A_104, %gather3A_220 : vector<16xf32>
        %add3A_233 = arith.addf %add3A_231, %mul3A_232 : vector<16xf32>
        %mul3A_234 = arith.mulf %get3A_107, %gather3A_223 : vector<16xf32>
        %add3A_235 = arith.addf %add3A_233, %mul3A_234 : vector<16xf32>
        %min3A_236 = arith.minimumf %scan3A_194, %add3A_235 : vector<16xf32>
        %mul3A_237 = arith.mulf %get3A_124, %gather3A_217 : vector<16xf32>
        %add3A_238 = arith.addf %gather3A_214, %mul3A_237 : vector<16xf32>
        %mul3A_239 = arith.mulf %get3A_127, %gather3A_220 : vector<16xf32>
        %add3A_240 = arith.addf %add3A_238, %mul3A_239 : vector<16xf32>
        %mul3A_241 = arith.mulf %get3A_130, %gather3A_223 : vector<16xf32>
        %add3A_242 = arith.addf %add3A_240, %mul3A_241 : vector<16xf32>
        %min3A_243 = arith.minimumf %scan3A_195, %add3A_242 : vector<16xf32>
        %mul3A_244 = arith.mulf %get3A_147, %gather3A_217 : vector<16xf32>
        %add3A_245 = arith.addf %gather3A_214, %mul3A_244 : vector<16xf32>
        %mul3A_246 = arith.mulf %get3A_150, %gather3A_220 : vector<16xf32>
        %add3A_247 = arith.addf %add3A_245, %mul3A_246 : vector<16xf32>
        %mul3A_248 = arith.mulf %get3A_153, %gather3A_223 : vector<16xf32>
        %add3A_249 = arith.addf %add3A_247, %mul3A_248 : vector<16xf32>
        %min3A_250 = arith.minimumf %scan3A_196, %add3A_249 : vector<16xf32>
        %broadcast_in_dim3A_251 = arith.constant 1 : i32
        %broadcast_in_dim3A_252 = vector.broadcast %broadcast_in_dim3A_251 : i32 to vector<16xi32>
        %broadcast_in_dim3A_253 = vector.shape_cast %broadcast_in_dim3A_252 : vector<16xi32> to vector<16x1xi32>
        %gather3A_254 = vector.shape_cast %broadcast_in_dim3A_253 : vector<16x1xi32> to vector<16xi32>
        %gather3A_255 = tpu.dynamic_gather %get3A_201[%gather3A_254] in [0] : vector<16xf32>, vector<16xi32> -> vector<16xf32>
        %broadcast_in_dim3A_256 = vector.shape_cast %broadcast_in_dim3A_252 : vector<16xi32> to vector<16x1xi32>
        %gather3A_257 = vector.shape_cast %broadcast_in_dim3A_256 : vector<16x1xi32> to vector<16xi32>
        %gather3A_258 = tpu.dynamic_gather %get3A_204[%gather3A_257] in [0] : vector<16xf32>, vector<16xi32> -> vector<16xf32>
        %broadcast_in_dim3A_259 = vector.shape_cast %broadcast_in_dim3A_252 : vector<16xi32> to vector<16x1xi32>
        %gather3A_260 = vector.shape_cast %broadcast_in_dim3A_259 : vector<16x1xi32> to vector<16xi32>
        %gather3A_261 = tpu.dynamic_gather %get3A_207[%gather3A_260] in [0] : vector<16xf32>, vector<16xi32> -> vector<16xf32>
        %broadcast_in_dim3A_262 = vector.shape_cast %broadcast_in_dim3A_252 : vector<16xi32> to vector<16x1xi32>
        %gather3A_263 = vector.shape_cast %broadcast_in_dim3A_262 : vector<16x1xi32> to vector<16xi32>
        %gather3A_264 = tpu.dynamic_gather %get3A_210[%gather3A_263] in [0] : vector<16xf32>, vector<16xi32> -> vector<16xf32>
        %mul3A_265 = arith.mulf %get3A_78, %gather3A_258 : vector<16xf32>
        %add3A_266 = arith.addf %gather3A_255, %mul3A_265 : vector<16xf32>
        %mul3A_267 = arith.mulf %get3A_81, %gather3A_261 : vector<16xf32>
        %add3A_268 = arith.addf %add3A_266, %mul3A_267 : vector<16xf32>
        %mul3A_269 = arith.mulf %get3A_84, %gather3A_264 : vector<16xf32>
        %add3A_270 = arith.addf %add3A_268, %mul3A_269 : vector<16xf32>
        %min3A_271 = arith.minimumf %min3A, %add3A_270 : vector<16xf32>
        %mul3A_272 = arith.mulf %get3A_101, %gather3A_258 : vector<16xf32>
        %add3A_273 = arith.addf %gather3A_255, %mul3A_272 : vector<16xf32>
        %mul3A_274 = arith.mulf %get3A_104, %gather3A_261 : vector<16xf32>
        %add3A_275 = arith.addf %add3A_273, %mul3A_274 : vector<16xf32>
        %mul3A_276 = arith.mulf %get3A_107, %gather3A_264 : vector<16xf32>
        %add3A_277 = arith.addf %add3A_275, %mul3A_276 : vector<16xf32>
        %min3A_278 = arith.minimumf %min3A_236, %add3A_277 : vector<16xf32>
        %mul3A_279 = arith.mulf %get3A_124, %gather3A_258 : vector<16xf32>
        %add3A_280 = arith.addf %gather3A_255, %mul3A_279 : vector<16xf32>
        %mul3A_281 = arith.mulf %get3A_127, %gather3A_261 : vector<16xf32>
        %add3A_282 = arith.addf %add3A_280, %mul3A_281 : vector<16xf32>
        %mul3A_283 = arith.mulf %get3A_130, %gather3A_264 : vector<16xf32>
        %add3A_284 = arith.addf %add3A_282, %mul3A_283 : vector<16xf32>
        %min3A_285 = arith.minimumf %min3A_243, %add3A_284 : vector<16xf32>
        %mul3A_286 = arith.mulf %get3A_147, %gather3A_258 : vector<16xf32>
        %add3A_287 = arith.addf %gather3A_255, %mul3A_286 : vector<16xf32>
        %mul3A_288 = arith.mulf %get3A_150, %gather3A_261 : vector<16xf32>
        %add3A_289 = arith.addf %add3A_287, %mul3A_288 : vector<16xf32>
        %mul3A_290 = arith.mulf %get3A_153, %gather3A_264 : vector<16xf32>
        %add3A_291 = arith.addf %add3A_289, %mul3A_290 : vector<16xf32>
        %min3A_292 = arith.minimumf %min3A_250, %add3A_291 : vector<16xf32>
        %broadcast_in_dim3A_293 = arith.constant 2 : i32
        %broadcast_in_dim3A_294 = vector.broadcast %broadcast_in_dim3A_293 : i32 to vector<16xi32>
        %broadcast_in_dim3A_295 = vector.shape_cast %broadcast_in_dim3A_294 : vector<16xi32> to vector<16x1xi32>
        %gather3A_296 = vector.shape_cast %broadcast_in_dim3A_295 : vector<16x1xi32> to vector<16xi32>
        %gather3A_297 = tpu.dynamic_gather %get3A_201[%gather3A_296] in [0] : vector<16xf32>, vector<16xi32> -> vector<16xf32>
        %broadcast_in_dim3A_298 = vector.shape_cast %broadcast_in_dim3A_294 : vector<16xi32> to vector<16x1xi32>
        %gather3A_299 = vector.shape_cast %broadcast_in_dim3A_298 : vector<16x1xi32> to vector<16xi32>
        %gather3A_300 = tpu.dynamic_gather %get3A_204[%gather3A_299] in [0] : vector<16xf32>, vector<16xi32> -> vector<16xf32>
        %broadcast_in_dim3A_301 = vector.shape_cast %broadcast_in_dim3A_294 : vector<16xi32> to vector<16x1xi32>
        %gather3A_302 = vector.shape_cast %broadcast_in_dim3A_301 : vector<16x1xi32> to vector<16xi32>
        %gather3A_303 = tpu.dynamic_gather %get3A_207[%gather3A_302] in [0] : vector<16xf32>, vector<16xi32> -> vector<16xf32>
        %broadcast_in_dim3A_304 = vector.shape_cast %broadcast_in_dim3A_294 : vector<16xi32> to vector<16x1xi32>
        %gather3A_305 = vector.shape_cast %broadcast_in_dim3A_304 : vector<16x1xi32> to vector<16xi32>
        %gather3A_306 = tpu.dynamic_gather %get3A_210[%gather3A_305] in [0] : vector<16xf32>, vector<16xi32> -> vector<16xf32>
        %mul3A_307 = arith.mulf %get3A_78, %gather3A_300 : vector<16xf32>
        %add3A_308 = arith.addf %gather3A_297, %mul3A_307 : vector<16xf32>
        %mul3A_309 = arith.mulf %get3A_81, %gather3A_303 : vector<16xf32>
        %add3A_310 = arith.addf %add3A_308, %mul3A_309 : vector<16xf32>
        %mul3A_311 = arith.mulf %get3A_84, %gather3A_306 : vector<16xf32>
        %add3A_312 = arith.addf %add3A_310, %mul3A_311 : vector<16xf32>
        %min3A_313 = arith.minimumf %min3A_271, %add3A_312 : vector<16xf32>
        %mul3A_314 = arith.mulf %get3A_101, %gather3A_300 : vector<16xf32>
        %add3A_315 = arith.addf %gather3A_297, %mul3A_314 : vector<16xf32>
        %mul3A_316 = arith.mulf %get3A_104, %gather3A_303 : vector<16xf32>
        %add3A_317 = arith.addf %add3A_315, %mul3A_316 : vector<16xf32>
        %mul3A_318 = arith.mulf %get3A_107, %gather3A_306 : vector<16xf32>
        %add3A_319 = arith.addf %add3A_317, %mul3A_318 : vector<16xf32>
        %min3A_320 = arith.minimumf %min3A_278, %add3A_319 : vector<16xf32>
        %mul3A_321 = arith.mulf %get3A_124, %gather3A_300 : vector<16xf32>
        %add3A_322 = arith.addf %gather3A_297, %mul3A_321 : vector<16xf32>
        %mul3A_323 = arith.mulf %get3A_127, %gather3A_303 : vector<16xf32>
        %add3A_324 = arith.addf %add3A_322, %mul3A_323 : vector<16xf32>
        %mul3A_325 = arith.mulf %get3A_130, %gather3A_306 : vector<16xf32>
        %add3A_326 = arith.addf %add3A_324, %mul3A_325 : vector<16xf32>
        %min3A_327 = arith.minimumf %min3A_285, %add3A_326 : vector<16xf32>
        %mul3A_328 = arith.mulf %get3A_147, %gather3A_300 : vector<16xf32>
        %add3A_329 = arith.addf %gather3A_297, %mul3A_328 : vector<16xf32>
        %mul3A_330 = arith.mulf %get3A_150, %gather3A_303 : vector<16xf32>
        %add3A_331 = arith.addf %add3A_329, %mul3A_330 : vector<16xf32>
        %mul3A_332 = arith.mulf %get3A_153, %gather3A_306 : vector<16xf32>
        %add3A_333 = arith.addf %add3A_331, %mul3A_332 : vector<16xf32>
        %min3A_334 = arith.minimumf %min3A_292, %add3A_333 : vector<16xf32>
        %broadcast_in_dim3A_335 = arith.constant 3 : i32
        %broadcast_in_dim3A_336 = vector.broadcast %broadcast_in_dim3A_335 : i32 to vector<16xi32>
        %broadcast_in_dim3A_337 = vector.shape_cast %broadcast_in_dim3A_336 : vector<16xi32> to vector<16x1xi32>
        %gather3A_338 = vector.shape_cast %broadcast_in_dim3A_337 : vector<16x1xi32> to vector<16xi32>
        %gather3A_339 = tpu.dynamic_gather %get3A_201[%gather3A_338] in [0] : vector<16xf32>, vector<16xi32> -> vector<16xf32>
        %broadcast_in_dim3A_340 = vector.shape_cast %broadcast_in_dim3A_336 : vector<16xi32> to vector<16x1xi32>
        %gather3A_341 = vector.shape_cast %broadcast_in_dim3A_340 : vector<16x1xi32> to vector<16xi32>
        %gather3A_342 = tpu.dynamic_gather %get3A_204[%gather3A_341] in [0] : vector<16xf32>, vector<16xi32> -> vector<16xf32>
        %broadcast_in_dim3A_343 = vector.shape_cast %broadcast_in_dim3A_336 : vector<16xi32> to vector<16x1xi32>
        %gather3A_344 = vector.shape_cast %broadcast_in_dim3A_343 : vector<16x1xi32> to vector<16xi32>
        %gather3A_345 = tpu.dynamic_gather %get3A_207[%gather3A_344] in [0] : vector<16xf32>, vector<16xi32> -> vector<16xf32>
        %broadcast_in_dim3A_346 = vector.shape_cast %broadcast_in_dim3A_336 : vector<16xi32> to vector<16x1xi32>
        %gather3A_347 = vector.shape_cast %broadcast_in_dim3A_346 : vector<16x1xi32> to vector<16xi32>
        %gather3A_348 = tpu.dynamic_gather %get3A_210[%gather3A_347] in [0] : vector<16xf32>, vector<16xi32> -> vector<16xf32>
        %mul3A_349 = arith.mulf %get3A_78, %gather3A_342 : vector<16xf32>
        %add3A_350 = arith.addf %gather3A_339, %mul3A_349 : vector<16xf32>
        %mul3A_351 = arith.mulf %get3A_81, %gather3A_345 : vector<16xf32>
        %add3A_352 = arith.addf %add3A_350, %mul3A_351 : vector<16xf32>
        %mul3A_353 = arith.mulf %get3A_84, %gather3A_348 : vector<16xf32>
        %add3A_354 = arith.addf %add3A_352, %mul3A_353 : vector<16xf32>
        %min3A_355 = arith.minimumf %min3A_313, %add3A_354 : vector<16xf32>
        %mul3A_356 = arith.mulf %get3A_101, %gather3A_342 : vector<16xf32>
        %add3A_357 = arith.addf %gather3A_339, %mul3A_356 : vector<16xf32>
        %mul3A_358 = arith.mulf %get3A_104, %gather3A_345 : vector<16xf32>
        %add3A_359 = arith.addf %add3A_357, %mul3A_358 : vector<16xf32>
        %mul3A_360 = arith.mulf %get3A_107, %gather3A_348 : vector<16xf32>
        %add3A_361 = arith.addf %add3A_359, %mul3A_360 : vector<16xf32>
        %min3A_362 = arith.minimumf %min3A_320, %add3A_361 : vector<16xf32>
        %mul3A_363 = arith.mulf %get3A_124, %gather3A_342 : vector<16xf32>
        %add3A_364 = arith.addf %gather3A_339, %mul3A_363 : vector<16xf32>
        %mul3A_365 = arith.mulf %get3A_127, %gather3A_345 : vector<16xf32>
        %add3A_366 = arith.addf %add3A_364, %mul3A_365 : vector<16xf32>
        %mul3A_367 = arith.mulf %get3A_130, %gather3A_348 : vector<16xf32>
        %add3A_368 = arith.addf %add3A_366, %mul3A_367 : vector<16xf32>
        %min3A_369 = arith.minimumf %min3A_327, %add3A_368 : vector<16xf32>
        %mul3A_370 = arith.mulf %get3A_147, %gather3A_342 : vector<16xf32>
        %add3A_371 = arith.addf %gather3A_339, %mul3A_370 : vector<16xf32>
        %mul3A_372 = arith.mulf %get3A_150, %gather3A_345 : vector<16xf32>
        %add3A_373 = arith.addf %add3A_371, %mul3A_372 : vector<16xf32>
        %mul3A_374 = arith.mulf %get3A_153, %gather3A_348 : vector<16xf32>
        %add3A_375 = arith.addf %add3A_373, %mul3A_374 : vector<16xf32>
        %min3A_376 = arith.minimumf %min3A_334, %add3A_375 : vector<16xf32>
        %broadcast_in_dim3A_377 = arith.constant 4 : i32
        %broadcast_in_dim3A_378 = vector.broadcast %broadcast_in_dim3A_377 : i32 to vector<16xi32>
        %broadcast_in_dim3A_379 = vector.shape_cast %broadcast_in_dim3A_378 : vector<16xi32> to vector<16x1xi32>
        %gather3A_380 = vector.shape_cast %broadcast_in_dim3A_379 : vector<16x1xi32> to vector<16xi32>
        %gather3A_381 = tpu.dynamic_gather %get3A_201[%gather3A_380] in [0] : vector<16xf32>, vector<16xi32> -> vector<16xf32>
        %broadcast_in_dim3A_382 = vector.shape_cast %broadcast_in_dim3A_378 : vector<16xi32> to vector<16x1xi32>
        %gather3A_383 = vector.shape_cast %broadcast_in_dim3A_382 : vector<16x1xi32> to vector<16xi32>
        %gather3A_384 = tpu.dynamic_gather %get3A_204[%gather3A_383] in [0] : vector<16xf32>, vector<16xi32> -> vector<16xf32>
        %broadcast_in_dim3A_385 = vector.shape_cast %broadcast_in_dim3A_378 : vector<16xi32> to vector<16x1xi32>
        %gather3A_386 = vector.shape_cast %broadcast_in_dim3A_385 : vector<16x1xi32> to vector<16xi32>
        %gather3A_387 = tpu.dynamic_gather %get3A_207[%gather3A_386] in [0] : vector<16xf32>, vector<16xi32> -> vector<16xf32>
        %broadcast_in_dim3A_388 = vector.shape_cast %broadcast_in_dim3A_378 : vector<16xi32> to vector<16x1xi32>
        %gather3A_389 = vector.shape_cast %broadcast_in_dim3A_388 : vector<16x1xi32> to vector<16xi32>
        %gather3A_390 = tpu.dynamic_gather %get3A_210[%gather3A_389] in [0] : vector<16xf32>, vector<16xi32> -> vector<16xf32>
        %mul3A_391 = arith.mulf %get3A_78, %gather3A_384 : vector<16xf32>
        %add3A_392 = arith.addf %gather3A_381, %mul3A_391 : vector<16xf32>
        %mul3A_393 = arith.mulf %get3A_81, %gather3A_387 : vector<16xf32>
        %add3A_394 = arith.addf %add3A_392, %mul3A_393 : vector<16xf32>
        %mul3A_395 = arith.mulf %get3A_84, %gather3A_390 : vector<16xf32>
        %add3A_396 = arith.addf %add3A_394, %mul3A_395 : vector<16xf32>
        %min3A_397 = arith.minimumf %min3A_355, %add3A_396 : vector<16xf32>
        %mul3A_398 = arith.mulf %get3A_101, %gather3A_384 : vector<16xf32>
        %add3A_399 = arith.addf %gather3A_381, %mul3A_398 : vector<16xf32>
        %mul3A_400 = arith.mulf %get3A_104, %gather3A_387 : vector<16xf32>
        %add3A_401 = arith.addf %add3A_399, %mul3A_400 : vector<16xf32>
        %mul3A_402 = arith.mulf %get3A_107, %gather3A_390 : vector<16xf32>
        %add3A_403 = arith.addf %add3A_401, %mul3A_402 : vector<16xf32>
        %min3A_404 = arith.minimumf %min3A_362, %add3A_403 : vector<16xf32>
        %mul3A_405 = arith.mulf %get3A_124, %gather3A_384 : vector<16xf32>
        %add3A_406 = arith.addf %gather3A_381, %mul3A_405 : vector<16xf32>
        %mul3A_407 = arith.mulf %get3A_127, %gather3A_387 : vector<16xf32>
        %add3A_408 = arith.addf %add3A_406, %mul3A_407 : vector<16xf32>
        %mul3A_409 = arith.mulf %get3A_130, %gather3A_390 : vector<16xf32>
        %add3A_410 = arith.addf %add3A_408, %mul3A_409 : vector<16xf32>
        %min3A_411 = arith.minimumf %min3A_369, %add3A_410 : vector<16xf32>
        %mul3A_412 = arith.mulf %get3A_147, %gather3A_384 : vector<16xf32>
        %add3A_413 = arith.addf %gather3A_381, %mul3A_412 : vector<16xf32>
        %mul3A_414 = arith.mulf %get3A_150, %gather3A_387 : vector<16xf32>
        %add3A_415 = arith.addf %add3A_413, %mul3A_414 : vector<16xf32>
        %mul3A_416 = arith.mulf %get3A_153, %gather3A_390 : vector<16xf32>
        %add3A_417 = arith.addf %add3A_415, %mul3A_416 : vector<16xf32>
        %min3A_418 = arith.minimumf %min3A_376, %add3A_417 : vector<16xf32>
        %broadcast_in_dim3A_419 = arith.constant 5 : i32
        %broadcast_in_dim3A_420 = vector.broadcast %broadcast_in_dim3A_419 : i32 to vector<16xi32>
        %broadcast_in_dim3A_421 = vector.shape_cast %broadcast_in_dim3A_420 : vector<16xi32> to vector<16x1xi32>
        %gather3A_422 = vector.shape_cast %broadcast_in_dim3A_421 : vector<16x1xi32> to vector<16xi32>
        %gather3A_423 = tpu.dynamic_gather %get3A_201[%gather3A_422] in [0] : vector<16xf32>, vector<16xi32> -> vector<16xf32>
        %broadcast_in_dim3A_424 = vector.shape_cast %broadcast_in_dim3A_420 : vector<16xi32> to vector<16x1xi32>
        %gather3A_425 = vector.shape_cast %broadcast_in_dim3A_424 : vector<16x1xi32> to vector<16xi32>
        %gather3A_426 = tpu.dynamic_gather %get3A_204[%gather3A_425] in [0] : vector<16xf32>, vector<16xi32> -> vector<16xf32>
        %broadcast_in_dim3A_427 = vector.shape_cast %broadcast_in_dim3A_420 : vector<16xi32> to vector<16x1xi32>
        %gather3A_428 = vector.shape_cast %broadcast_in_dim3A_427 : vector<16x1xi32> to vector<16xi32>
        %gather3A_429 = tpu.dynamic_gather %get3A_207[%gather3A_428] in [0] : vector<16xf32>, vector<16xi32> -> vector<16xf32>
        %broadcast_in_dim3A_430 = vector.shape_cast %broadcast_in_dim3A_420 : vector<16xi32> to vector<16x1xi32>
        %gather3A_431 = vector.shape_cast %broadcast_in_dim3A_430 : vector<16x1xi32> to vector<16xi32>
        %gather3A_432 = tpu.dynamic_gather %get3A_210[%gather3A_431] in [0] : vector<16xf32>, vector<16xi32> -> vector<16xf32>
        %mul3A_433 = arith.mulf %get3A_78, %gather3A_426 : vector<16xf32>
        %add3A_434 = arith.addf %gather3A_423, %mul3A_433 : vector<16xf32>
        %mul3A_435 = arith.mulf %get3A_81, %gather3A_429 : vector<16xf32>
        %add3A_436 = arith.addf %add3A_434, %mul3A_435 : vector<16xf32>
        %mul3A_437 = arith.mulf %get3A_84, %gather3A_432 : vector<16xf32>
        %add3A_438 = arith.addf %add3A_436, %mul3A_437 : vector<16xf32>
        %min3A_439 = arith.minimumf %min3A_397, %add3A_438 : vector<16xf32>
        %mul3A_440 = arith.mulf %get3A_101, %gather3A_426 : vector<16xf32>
        %add3A_441 = arith.addf %gather3A_423, %mul3A_440 : vector<16xf32>
        %mul3A_442 = arith.mulf %get3A_104, %gather3A_429 : vector<16xf32>
        %add3A_443 = arith.addf %add3A_441, %mul3A_442 : vector<16xf32>
        %mul3A_444 = arith.mulf %get3A_107, %gather3A_432 : vector<16xf32>
        %add3A_445 = arith.addf %add3A_443, %mul3A_444 : vector<16xf32>
        %min3A_446 = arith.minimumf %min3A_404, %add3A_445 : vector<16xf32>
        %mul3A_447 = arith.mulf %get3A_124, %gather3A_426 : vector<16xf32>
        %add3A_448 = arith.addf %gather3A_423, %mul3A_447 : vector<16xf32>
        %mul3A_449 = arith.mulf %get3A_127, %gather3A_429 : vector<16xf32>
        %add3A_450 = arith.addf %add3A_448, %mul3A_449 : vector<16xf32>
        %mul3A_451 = arith.mulf %get3A_130, %gather3A_432 : vector<16xf32>
        %add3A_452 = arith.addf %add3A_450, %mul3A_451 : vector<16xf32>
        %min3A_453 = arith.minimumf %min3A_411, %add3A_452 : vector<16xf32>
        %mul3A_454 = arith.mulf %get3A_147, %gather3A_426 : vector<16xf32>
        %add3A_455 = arith.addf %gather3A_423, %mul3A_454 : vector<16xf32>
        %mul3A_456 = arith.mulf %get3A_150, %gather3A_429 : vector<16xf32>
        %add3A_457 = arith.addf %add3A_455, %mul3A_456 : vector<16xf32>
        %mul3A_458 = arith.mulf %get3A_153, %gather3A_432 : vector<16xf32>
        %add3A_459 = arith.addf %add3A_457, %mul3A_458 : vector<16xf32>
        %min3A_460 = arith.minimumf %min3A_418, %add3A_459 : vector<16xf32>
        %broadcast_in_dim3A_461 = arith.constant 6 : i32
        %broadcast_in_dim3A_462 = vector.broadcast %broadcast_in_dim3A_461 : i32 to vector<16xi32>
        %broadcast_in_dim3A_463 = vector.shape_cast %broadcast_in_dim3A_462 : vector<16xi32> to vector<16x1xi32>
        %gather3A_464 = vector.shape_cast %broadcast_in_dim3A_463 : vector<16x1xi32> to vector<16xi32>
        %gather3A_465 = tpu.dynamic_gather %get3A_201[%gather3A_464] in [0] : vector<16xf32>, vector<16xi32> -> vector<16xf32>
        %broadcast_in_dim3A_466 = vector.shape_cast %broadcast_in_dim3A_462 : vector<16xi32> to vector<16x1xi32>
        %gather3A_467 = vector.shape_cast %broadcast_in_dim3A_466 : vector<16x1xi32> to vector<16xi32>
        %gather3A_468 = tpu.dynamic_gather %get3A_204[%gather3A_467] in [0] : vector<16xf32>, vector<16xi32> -> vector<16xf32>
        %broadcast_in_dim3A_469 = vector.shape_cast %broadcast_in_dim3A_462 : vector<16xi32> to vector<16x1xi32>
        %gather3A_470 = vector.shape_cast %broadcast_in_dim3A_469 : vector<16x1xi32> to vector<16xi32>
        %gather3A_471 = tpu.dynamic_gather %get3A_207[%gather3A_470] in [0] : vector<16xf32>, vector<16xi32> -> vector<16xf32>
        %broadcast_in_dim3A_472 = vector.shape_cast %broadcast_in_dim3A_462 : vector<16xi32> to vector<16x1xi32>
        %gather3A_473 = vector.shape_cast %broadcast_in_dim3A_472 : vector<16x1xi32> to vector<16xi32>
        %gather3A_474 = tpu.dynamic_gather %get3A_210[%gather3A_473] in [0] : vector<16xf32>, vector<16xi32> -> vector<16xf32>
        %mul3A_475 = arith.mulf %get3A_78, %gather3A_468 : vector<16xf32>
        %add3A_476 = arith.addf %gather3A_465, %mul3A_475 : vector<16xf32>
        %mul3A_477 = arith.mulf %get3A_81, %gather3A_471 : vector<16xf32>
        %add3A_478 = arith.addf %add3A_476, %mul3A_477 : vector<16xf32>
        %mul3A_479 = arith.mulf %get3A_84, %gather3A_474 : vector<16xf32>
        %add3A_480 = arith.addf %add3A_478, %mul3A_479 : vector<16xf32>
        %min3A_481 = arith.minimumf %min3A_439, %add3A_480 : vector<16xf32>
        %mul3A_482 = arith.mulf %get3A_101, %gather3A_468 : vector<16xf32>
        %add3A_483 = arith.addf %gather3A_465, %mul3A_482 : vector<16xf32>
        %mul3A_484 = arith.mulf %get3A_104, %gather3A_471 : vector<16xf32>
        %add3A_485 = arith.addf %add3A_483, %mul3A_484 : vector<16xf32>
        %mul3A_486 = arith.mulf %get3A_107, %gather3A_474 : vector<16xf32>
        %add3A_487 = arith.addf %add3A_485, %mul3A_486 : vector<16xf32>
        %min3A_488 = arith.minimumf %min3A_446, %add3A_487 : vector<16xf32>
        %mul3A_489 = arith.mulf %get3A_124, %gather3A_468 : vector<16xf32>
        %add3A_490 = arith.addf %gather3A_465, %mul3A_489 : vector<16xf32>
        %mul3A_491 = arith.mulf %get3A_127, %gather3A_471 : vector<16xf32>
        %add3A_492 = arith.addf %add3A_490, %mul3A_491 : vector<16xf32>
        %mul3A_493 = arith.mulf %get3A_130, %gather3A_474 : vector<16xf32>
        %add3A_494 = arith.addf %add3A_492, %mul3A_493 : vector<16xf32>
        %min3A_495 = arith.minimumf %min3A_453, %add3A_494 : vector<16xf32>
        %mul3A_496 = arith.mulf %get3A_147, %gather3A_468 : vector<16xf32>
        %add3A_497 = arith.addf %gather3A_465, %mul3A_496 : vector<16xf32>
        %mul3A_498 = arith.mulf %get3A_150, %gather3A_471 : vector<16xf32>
        %add3A_499 = arith.addf %add3A_497, %mul3A_498 : vector<16xf32>
        %mul3A_500 = arith.mulf %get3A_153, %gather3A_474 : vector<16xf32>
        %add3A_501 = arith.addf %add3A_499, %mul3A_500 : vector<16xf32>
        %min3A_502 = arith.minimumf %min3A_460, %add3A_501 : vector<16xf32>
        %broadcast_in_dim3A_503 = arith.constant 7 : i32
        %broadcast_in_dim3A_504 = vector.broadcast %broadcast_in_dim3A_503 : i32 to vector<16xi32>
        %broadcast_in_dim3A_505 = vector.shape_cast %broadcast_in_dim3A_504 : vector<16xi32> to vector<16x1xi32>
        %gather3A_506 = vector.shape_cast %broadcast_in_dim3A_505 : vector<16x1xi32> to vector<16xi32>
        %gather3A_507 = tpu.dynamic_gather %get3A_201[%gather3A_506] in [0] : vector<16xf32>, vector<16xi32> -> vector<16xf32>
        %broadcast_in_dim3A_508 = vector.shape_cast %broadcast_in_dim3A_504 : vector<16xi32> to vector<16x1xi32>
        %gather3A_509 = vector.shape_cast %broadcast_in_dim3A_508 : vector<16x1xi32> to vector<16xi32>
        %gather3A_510 = tpu.dynamic_gather %get3A_204[%gather3A_509] in [0] : vector<16xf32>, vector<16xi32> -> vector<16xf32>
        %broadcast_in_dim3A_511 = vector.shape_cast %broadcast_in_dim3A_504 : vector<16xi32> to vector<16x1xi32>
        %gather3A_512 = vector.shape_cast %broadcast_in_dim3A_511 : vector<16x1xi32> to vector<16xi32>
        %gather3A_513 = tpu.dynamic_gather %get3A_207[%gather3A_512] in [0] : vector<16xf32>, vector<16xi32> -> vector<16xf32>
        %broadcast_in_dim3A_514 = vector.shape_cast %broadcast_in_dim3A_504 : vector<16xi32> to vector<16x1xi32>
        %gather3A_515 = vector.shape_cast %broadcast_in_dim3A_514 : vector<16x1xi32> to vector<16xi32>
        %gather3A_516 = tpu.dynamic_gather %get3A_210[%gather3A_515] in [0] : vector<16xf32>, vector<16xi32> -> vector<16xf32>
        %mul3A_517 = arith.mulf %get3A_78, %gather3A_510 : vector<16xf32>
        %add3A_518 = arith.addf %gather3A_507, %mul3A_517 : vector<16xf32>
        %mul3A_519 = arith.mulf %get3A_81, %gather3A_513 : vector<16xf32>
        %add3A_520 = arith.addf %add3A_518, %mul3A_519 : vector<16xf32>
        %mul3A_521 = arith.mulf %get3A_84, %gather3A_516 : vector<16xf32>
        %add3A_522 = arith.addf %add3A_520, %mul3A_521 : vector<16xf32>
        %min3A_523 = arith.minimumf %min3A_481, %add3A_522 : vector<16xf32>
        %mul3A_524 = arith.mulf %get3A_101, %gather3A_510 : vector<16xf32>
        %add3A_525 = arith.addf %gather3A_507, %mul3A_524 : vector<16xf32>
        %mul3A_526 = arith.mulf %get3A_104, %gather3A_513 : vector<16xf32>
        %add3A_527 = arith.addf %add3A_525, %mul3A_526 : vector<16xf32>
        %mul3A_528 = arith.mulf %get3A_107, %gather3A_516 : vector<16xf32>
        %add3A_529 = arith.addf %add3A_527, %mul3A_528 : vector<16xf32>
        %min3A_530 = arith.minimumf %min3A_488, %add3A_529 : vector<16xf32>
        %mul3A_531 = arith.mulf %get3A_124, %gather3A_510 : vector<16xf32>
        %add3A_532 = arith.addf %gather3A_507, %mul3A_531 : vector<16xf32>
        %mul3A_533 = arith.mulf %get3A_127, %gather3A_513 : vector<16xf32>
        %add3A_534 = arith.addf %add3A_532, %mul3A_533 : vector<16xf32>
        %mul3A_535 = arith.mulf %get3A_130, %gather3A_516 : vector<16xf32>
        %add3A_536 = arith.addf %add3A_534, %mul3A_535 : vector<16xf32>
        %min3A_537 = arith.minimumf %min3A_495, %add3A_536 : vector<16xf32>
        %mul3A_538 = arith.mulf %get3A_147, %gather3A_510 : vector<16xf32>
        %add3A_539 = arith.addf %gather3A_507, %mul3A_538 : vector<16xf32>
        %mul3A_540 = arith.mulf %get3A_150, %gather3A_513 : vector<16xf32>
        %add3A_541 = arith.addf %add3A_539, %mul3A_540 : vector<16xf32>
        %mul3A_542 = arith.mulf %get3A_153, %gather3A_516 : vector<16xf32>
        %add3A_543 = arith.addf %add3A_541, %mul3A_542 : vector<16xf32>
        %min3A_544 = arith.minimumf %min3A_502, %add3A_543 : vector<16xf32>
        %broadcast_in_dim3A_545 = arith.constant 8 : i32
        %broadcast_in_dim3A_546 = vector.broadcast %broadcast_in_dim3A_545 : i32 to vector<16xi32>
        %broadcast_in_dim3A_547 = vector.shape_cast %broadcast_in_dim3A_546 : vector<16xi32> to vector<16x1xi32>
        %gather3A_548 = vector.shape_cast %broadcast_in_dim3A_547 : vector<16x1xi32> to vector<16xi32>
        %gather3A_549 = tpu.dynamic_gather %get3A_201[%gather3A_548] in [0] : vector<16xf32>, vector<16xi32> -> vector<16xf32>
        %broadcast_in_dim3A_550 = vector.shape_cast %broadcast_in_dim3A_546 : vector<16xi32> to vector<16x1xi32>
        %gather3A_551 = vector.shape_cast %broadcast_in_dim3A_550 : vector<16x1xi32> to vector<16xi32>
        %gather3A_552 = tpu.dynamic_gather %get3A_204[%gather3A_551] in [0] : vector<16xf32>, vector<16xi32> -> vector<16xf32>
        %broadcast_in_dim3A_553 = vector.shape_cast %broadcast_in_dim3A_546 : vector<16xi32> to vector<16x1xi32>
        %gather3A_554 = vector.shape_cast %broadcast_in_dim3A_553 : vector<16x1xi32> to vector<16xi32>
        %gather3A_555 = tpu.dynamic_gather %get3A_207[%gather3A_554] in [0] : vector<16xf32>, vector<16xi32> -> vector<16xf32>
        %broadcast_in_dim3A_556 = vector.shape_cast %broadcast_in_dim3A_546 : vector<16xi32> to vector<16x1xi32>
        %gather3A_557 = vector.shape_cast %broadcast_in_dim3A_556 : vector<16x1xi32> to vector<16xi32>
        %gather3A_558 = tpu.dynamic_gather %get3A_210[%gather3A_557] in [0] : vector<16xf32>, vector<16xi32> -> vector<16xf32>
        %mul3A_559 = arith.mulf %get3A_78, %gather3A_552 : vector<16xf32>
        %add3A_560 = arith.addf %gather3A_549, %mul3A_559 : vector<16xf32>
        %mul3A_561 = arith.mulf %get3A_81, %gather3A_555 : vector<16xf32>
        %add3A_562 = arith.addf %add3A_560, %mul3A_561 : vector<16xf32>
        %mul3A_563 = arith.mulf %get3A_84, %gather3A_558 : vector<16xf32>
        %add3A_564 = arith.addf %add3A_562, %mul3A_563 : vector<16xf32>
        %min3A_565 = arith.minimumf %min3A_523, %add3A_564 : vector<16xf32>
        %mul3A_566 = arith.mulf %get3A_101, %gather3A_552 : vector<16xf32>
        %add3A_567 = arith.addf %gather3A_549, %mul3A_566 : vector<16xf32>
        %mul3A_568 = arith.mulf %get3A_104, %gather3A_555 : vector<16xf32>
        %add3A_569 = arith.addf %add3A_567, %mul3A_568 : vector<16xf32>
        %mul3A_570 = arith.mulf %get3A_107, %gather3A_558 : vector<16xf32>
        %add3A_571 = arith.addf %add3A_569, %mul3A_570 : vector<16xf32>
        %min3A_572 = arith.minimumf %min3A_530, %add3A_571 : vector<16xf32>
        %mul3A_573 = arith.mulf %get3A_124, %gather3A_552 : vector<16xf32>
        %add3A_574 = arith.addf %gather3A_549, %mul3A_573 : vector<16xf32>
        %mul3A_575 = arith.mulf %get3A_127, %gather3A_555 : vector<16xf32>
        %add3A_576 = arith.addf %add3A_574, %mul3A_575 : vector<16xf32>
        %mul3A_577 = arith.mulf %get3A_130, %gather3A_558 : vector<16xf32>
        %add3A_578 = arith.addf %add3A_576, %mul3A_577 : vector<16xf32>
        %min3A_579 = arith.minimumf %min3A_537, %add3A_578 : vector<16xf32>
        %mul3A_580 = arith.mulf %get3A_147, %gather3A_552 : vector<16xf32>
        %add3A_581 = arith.addf %gather3A_549, %mul3A_580 : vector<16xf32>
        %mul3A_582 = arith.mulf %get3A_150, %gather3A_555 : vector<16xf32>
        %add3A_583 = arith.addf %add3A_581, %mul3A_582 : vector<16xf32>
        %mul3A_584 = arith.mulf %get3A_153, %gather3A_558 : vector<16xf32>
        %add3A_585 = arith.addf %add3A_583, %mul3A_584 : vector<16xf32>
        %min3A_586 = arith.minimumf %min3A_544, %add3A_585 : vector<16xf32>
        %broadcast_in_dim3A_587 = arith.constant 9 : i32
        %broadcast_in_dim3A_588 = vector.broadcast %broadcast_in_dim3A_587 : i32 to vector<16xi32>
        %broadcast_in_dim3A_589 = vector.shape_cast %broadcast_in_dim3A_588 : vector<16xi32> to vector<16x1xi32>
        %gather3A_590 = vector.shape_cast %broadcast_in_dim3A_589 : vector<16x1xi32> to vector<16xi32>
        %gather3A_591 = tpu.dynamic_gather %get3A_201[%gather3A_590] in [0] : vector<16xf32>, vector<16xi32> -> vector<16xf32>
        %broadcast_in_dim3A_592 = vector.shape_cast %broadcast_in_dim3A_588 : vector<16xi32> to vector<16x1xi32>
        %gather3A_593 = vector.shape_cast %broadcast_in_dim3A_592 : vector<16x1xi32> to vector<16xi32>
        %gather3A_594 = tpu.dynamic_gather %get3A_204[%gather3A_593] in [0] : vector<16xf32>, vector<16xi32> -> vector<16xf32>
        %broadcast_in_dim3A_595 = vector.shape_cast %broadcast_in_dim3A_588 : vector<16xi32> to vector<16x1xi32>
        %gather3A_596 = vector.shape_cast %broadcast_in_dim3A_595 : vector<16x1xi32> to vector<16xi32>
        %gather3A_597 = tpu.dynamic_gather %get3A_207[%gather3A_596] in [0] : vector<16xf32>, vector<16xi32> -> vector<16xf32>
        %broadcast_in_dim3A_598 = vector.shape_cast %broadcast_in_dim3A_588 : vector<16xi32> to vector<16x1xi32>
        %gather3A_599 = vector.shape_cast %broadcast_in_dim3A_598 : vector<16x1xi32> to vector<16xi32>
        %gather3A_600 = tpu.dynamic_gather %get3A_210[%gather3A_599] in [0] : vector<16xf32>, vector<16xi32> -> vector<16xf32>
        %mul3A_601 = arith.mulf %get3A_78, %gather3A_594 : vector<16xf32>
        %add3A_602 = arith.addf %gather3A_591, %mul3A_601 : vector<16xf32>
        %mul3A_603 = arith.mulf %get3A_81, %gather3A_597 : vector<16xf32>
        %add3A_604 = arith.addf %add3A_602, %mul3A_603 : vector<16xf32>
        %mul3A_605 = arith.mulf %get3A_84, %gather3A_600 : vector<16xf32>
        %add3A_606 = arith.addf %add3A_604, %mul3A_605 : vector<16xf32>
        %min3A_607 = arith.minimumf %min3A_565, %add3A_606 : vector<16xf32>
        %mul3A_608 = arith.mulf %get3A_101, %gather3A_594 : vector<16xf32>
        %add3A_609 = arith.addf %gather3A_591, %mul3A_608 : vector<16xf32>
        %mul3A_610 = arith.mulf %get3A_104, %gather3A_597 : vector<16xf32>
        %add3A_611 = arith.addf %add3A_609, %mul3A_610 : vector<16xf32>
        %mul3A_612 = arith.mulf %get3A_107, %gather3A_600 : vector<16xf32>
        %add3A_613 = arith.addf %add3A_611, %mul3A_612 : vector<16xf32>
        %min3A_614 = arith.minimumf %min3A_572, %add3A_613 : vector<16xf32>
        %mul3A_615 = arith.mulf %get3A_124, %gather3A_594 : vector<16xf32>
        %add3A_616 = arith.addf %gather3A_591, %mul3A_615 : vector<16xf32>
        %mul3A_617 = arith.mulf %get3A_127, %gather3A_597 : vector<16xf32>
        %add3A_618 = arith.addf %add3A_616, %mul3A_617 : vector<16xf32>
        %mul3A_619 = arith.mulf %get3A_130, %gather3A_600 : vector<16xf32>
        %add3A_620 = arith.addf %add3A_618, %mul3A_619 : vector<16xf32>
        %min3A_621 = arith.minimumf %min3A_579, %add3A_620 : vector<16xf32>
        %mul3A_622 = arith.mulf %get3A_147, %gather3A_594 : vector<16xf32>
        %add3A_623 = arith.addf %gather3A_591, %mul3A_622 : vector<16xf32>
        %mul3A_624 = arith.mulf %get3A_150, %gather3A_597 : vector<16xf32>
        %add3A_625 = arith.addf %add3A_623, %mul3A_624 : vector<16xf32>
        %mul3A_626 = arith.mulf %get3A_153, %gather3A_600 : vector<16xf32>
        %add3A_627 = arith.addf %add3A_625, %mul3A_626 : vector<16xf32>
        %min3A_628 = arith.minimumf %min3A_586, %add3A_627 : vector<16xf32>
        %broadcast_in_dim3A_629 = arith.constant 10 : i32
        %broadcast_in_dim3A_630 = vector.broadcast %broadcast_in_dim3A_629 : i32 to vector<16xi32>
        %broadcast_in_dim3A_631 = vector.shape_cast %broadcast_in_dim3A_630 : vector<16xi32> to vector<16x1xi32>
        %gather3A_632 = vector.shape_cast %broadcast_in_dim3A_631 : vector<16x1xi32> to vector<16xi32>
        %gather3A_633 = tpu.dynamic_gather %get3A_201[%gather3A_632] in [0] : vector<16xf32>, vector<16xi32> -> vector<16xf32>
        %broadcast_in_dim3A_634 = vector.shape_cast %broadcast_in_dim3A_630 : vector<16xi32> to vector<16x1xi32>
        %gather3A_635 = vector.shape_cast %broadcast_in_dim3A_634 : vector<16x1xi32> to vector<16xi32>
        %gather3A_636 = tpu.dynamic_gather %get3A_204[%gather3A_635] in [0] : vector<16xf32>, vector<16xi32> -> vector<16xf32>
        %broadcast_in_dim3A_637 = vector.shape_cast %broadcast_in_dim3A_630 : vector<16xi32> to vector<16x1xi32>
        %gather3A_638 = vector.shape_cast %broadcast_in_dim3A_637 : vector<16x1xi32> to vector<16xi32>
        %gather3A_639 = tpu.dynamic_gather %get3A_207[%gather3A_638] in [0] : vector<16xf32>, vector<16xi32> -> vector<16xf32>
        %broadcast_in_dim3A_640 = vector.shape_cast %broadcast_in_dim3A_630 : vector<16xi32> to vector<16x1xi32>
        %gather3A_641 = vector.shape_cast %broadcast_in_dim3A_640 : vector<16x1xi32> to vector<16xi32>
        %gather3A_642 = tpu.dynamic_gather %get3A_210[%gather3A_641] in [0] : vector<16xf32>, vector<16xi32> -> vector<16xf32>
        %mul3A_643 = arith.mulf %get3A_78, %gather3A_636 : vector<16xf32>
        %add3A_644 = arith.addf %gather3A_633, %mul3A_643 : vector<16xf32>
        %mul3A_645 = arith.mulf %get3A_81, %gather3A_639 : vector<16xf32>
        %add3A_646 = arith.addf %add3A_644, %mul3A_645 : vector<16xf32>
        %mul3A_647 = arith.mulf %get3A_84, %gather3A_642 : vector<16xf32>
        %add3A_648 = arith.addf %add3A_646, %mul3A_647 : vector<16xf32>
        %min3A_649 = arith.minimumf %min3A_607, %add3A_648 : vector<16xf32>
        %mul3A_650 = arith.mulf %get3A_101, %gather3A_636 : vector<16xf32>
        %add3A_651 = arith.addf %gather3A_633, %mul3A_650 : vector<16xf32>
        %mul3A_652 = arith.mulf %get3A_104, %gather3A_639 : vector<16xf32>
        %add3A_653 = arith.addf %add3A_651, %mul3A_652 : vector<16xf32>
        %mul3A_654 = arith.mulf %get3A_107, %gather3A_642 : vector<16xf32>
        %add3A_655 = arith.addf %add3A_653, %mul3A_654 : vector<16xf32>
        %min3A_656 = arith.minimumf %min3A_614, %add3A_655 : vector<16xf32>
        %mul3A_657 = arith.mulf %get3A_124, %gather3A_636 : vector<16xf32>
        %add3A_658 = arith.addf %gather3A_633, %mul3A_657 : vector<16xf32>
        %mul3A_659 = arith.mulf %get3A_127, %gather3A_639 : vector<16xf32>
        %add3A_660 = arith.addf %add3A_658, %mul3A_659 : vector<16xf32>
        %mul3A_661 = arith.mulf %get3A_130, %gather3A_642 : vector<16xf32>
        %add3A_662 = arith.addf %add3A_660, %mul3A_661 : vector<16xf32>
        %min3A_663 = arith.minimumf %min3A_621, %add3A_662 : vector<16xf32>
        %mul3A_664 = arith.mulf %get3A_147, %gather3A_636 : vector<16xf32>
        %add3A_665 = arith.addf %gather3A_633, %mul3A_664 : vector<16xf32>
        %mul3A_666 = arith.mulf %get3A_150, %gather3A_639 : vector<16xf32>
        %add3A_667 = arith.addf %add3A_665, %mul3A_666 : vector<16xf32>
        %mul3A_668 = arith.mulf %get3A_153, %gather3A_642 : vector<16xf32>
        %add3A_669 = arith.addf %add3A_667, %mul3A_668 : vector<16xf32>
        %min3A_670 = arith.minimumf %min3A_628, %add3A_669 : vector<16xf32>
        %broadcast_in_dim3A_671 = arith.constant 11 : i32
        %broadcast_in_dim3A_672 = vector.broadcast %broadcast_in_dim3A_671 : i32 to vector<16xi32>
        %broadcast_in_dim3A_673 = vector.shape_cast %broadcast_in_dim3A_672 : vector<16xi32> to vector<16x1xi32>
        %gather3A_674 = vector.shape_cast %broadcast_in_dim3A_673 : vector<16x1xi32> to vector<16xi32>
        %gather3A_675 = tpu.dynamic_gather %get3A_201[%gather3A_674] in [0] : vector<16xf32>, vector<16xi32> -> vector<16xf32>
        %broadcast_in_dim3A_676 = vector.shape_cast %broadcast_in_dim3A_672 : vector<16xi32> to vector<16x1xi32>
        %gather3A_677 = vector.shape_cast %broadcast_in_dim3A_676 : vector<16x1xi32> to vector<16xi32>
        %gather3A_678 = tpu.dynamic_gather %get3A_204[%gather3A_677] in [0] : vector<16xf32>, vector<16xi32> -> vector<16xf32>
        %broadcast_in_dim3A_679 = vector.shape_cast %broadcast_in_dim3A_672 : vector<16xi32> to vector<16x1xi32>
        %gather3A_680 = vector.shape_cast %broadcast_in_dim3A_679 : vector<16x1xi32> to vector<16xi32>
        %gather3A_681 = tpu.dynamic_gather %get3A_207[%gather3A_680] in [0] : vector<16xf32>, vector<16xi32> -> vector<16xf32>
        %broadcast_in_dim3A_682 = vector.shape_cast %broadcast_in_dim3A_672 : vector<16xi32> to vector<16x1xi32>
        %gather3A_683 = vector.shape_cast %broadcast_in_dim3A_682 : vector<16x1xi32> to vector<16xi32>
        %gather3A_684 = tpu.dynamic_gather %get3A_210[%gather3A_683] in [0] : vector<16xf32>, vector<16xi32> -> vector<16xf32>
        %mul3A_685 = arith.mulf %get3A_78, %gather3A_678 : vector<16xf32>
        %add3A_686 = arith.addf %gather3A_675, %mul3A_685 : vector<16xf32>
        %mul3A_687 = arith.mulf %get3A_81, %gather3A_681 : vector<16xf32>
        %add3A_688 = arith.addf %add3A_686, %mul3A_687 : vector<16xf32>
        %mul3A_689 = arith.mulf %get3A_84, %gather3A_684 : vector<16xf32>
        %add3A_690 = arith.addf %add3A_688, %mul3A_689 : vector<16xf32>
        %min3A_691 = arith.minimumf %min3A_649, %add3A_690 : vector<16xf32>
        %mul3A_692 = arith.mulf %get3A_101, %gather3A_678 : vector<16xf32>
        %add3A_693 = arith.addf %gather3A_675, %mul3A_692 : vector<16xf32>
        %mul3A_694 = arith.mulf %get3A_104, %gather3A_681 : vector<16xf32>
        %add3A_695 = arith.addf %add3A_693, %mul3A_694 : vector<16xf32>
        %mul3A_696 = arith.mulf %get3A_107, %gather3A_684 : vector<16xf32>
        %add3A_697 = arith.addf %add3A_695, %mul3A_696 : vector<16xf32>
        %min3A_698 = arith.minimumf %min3A_656, %add3A_697 : vector<16xf32>
        %mul3A_699 = arith.mulf %get3A_124, %gather3A_678 : vector<16xf32>
        %add3A_700 = arith.addf %gather3A_675, %mul3A_699 : vector<16xf32>
        %mul3A_701 = arith.mulf %get3A_127, %gather3A_681 : vector<16xf32>
        %add3A_702 = arith.addf %add3A_700, %mul3A_701 : vector<16xf32>
        %mul3A_703 = arith.mulf %get3A_130, %gather3A_684 : vector<16xf32>
        %add3A_704 = arith.addf %add3A_702, %mul3A_703 : vector<16xf32>
        %min3A_705 = arith.minimumf %min3A_663, %add3A_704 : vector<16xf32>
        %mul3A_706 = arith.mulf %get3A_147, %gather3A_678 : vector<16xf32>
        %add3A_707 = arith.addf %gather3A_675, %mul3A_706 : vector<16xf32>
        %mul3A_708 = arith.mulf %get3A_150, %gather3A_681 : vector<16xf32>
        %add3A_709 = arith.addf %add3A_707, %mul3A_708 : vector<16xf32>
        %mul3A_710 = arith.mulf %get3A_153, %gather3A_684 : vector<16xf32>
        %add3A_711 = arith.addf %add3A_709, %mul3A_710 : vector<16xf32>
        %min3A_712 = arith.minimumf %min3A_670, %add3A_711 : vector<16xf32>
        %broadcast_in_dim3A_713 = arith.constant 12 : i32
        %broadcast_in_dim3A_714 = vector.broadcast %broadcast_in_dim3A_713 : i32 to vector<16xi32>
        %broadcast_in_dim3A_715 = vector.shape_cast %broadcast_in_dim3A_714 : vector<16xi32> to vector<16x1xi32>
        %gather3A_716 = vector.shape_cast %broadcast_in_dim3A_715 : vector<16x1xi32> to vector<16xi32>
        %gather3A_717 = tpu.dynamic_gather %get3A_201[%gather3A_716] in [0] : vector<16xf32>, vector<16xi32> -> vector<16xf32>
        %broadcast_in_dim3A_718 = vector.shape_cast %broadcast_in_dim3A_714 : vector<16xi32> to vector<16x1xi32>
        %gather3A_719 = vector.shape_cast %broadcast_in_dim3A_718 : vector<16x1xi32> to vector<16xi32>
        %gather3A_720 = tpu.dynamic_gather %get3A_204[%gather3A_719] in [0] : vector<16xf32>, vector<16xi32> -> vector<16xf32>
        %broadcast_in_dim3A_721 = vector.shape_cast %broadcast_in_dim3A_714 : vector<16xi32> to vector<16x1xi32>
        %gather3A_722 = vector.shape_cast %broadcast_in_dim3A_721 : vector<16x1xi32> to vector<16xi32>
        %gather3A_723 = tpu.dynamic_gather %get3A_207[%gather3A_722] in [0] : vector<16xf32>, vector<16xi32> -> vector<16xf32>
        %broadcast_in_dim3A_724 = vector.shape_cast %broadcast_in_dim3A_714 : vector<16xi32> to vector<16x1xi32>
        %gather3A_725 = vector.shape_cast %broadcast_in_dim3A_724 : vector<16x1xi32> to vector<16xi32>
        %gather3A_726 = tpu.dynamic_gather %get3A_210[%gather3A_725] in [0] : vector<16xf32>, vector<16xi32> -> vector<16xf32>
        %mul3A_727 = arith.mulf %get3A_78, %gather3A_720 : vector<16xf32>
        %add3A_728 = arith.addf %gather3A_717, %mul3A_727 : vector<16xf32>
        %mul3A_729 = arith.mulf %get3A_81, %gather3A_723 : vector<16xf32>
        %add3A_730 = arith.addf %add3A_728, %mul3A_729 : vector<16xf32>
        %mul3A_731 = arith.mulf %get3A_84, %gather3A_726 : vector<16xf32>
        %add3A_732 = arith.addf %add3A_730, %mul3A_731 : vector<16xf32>
        %min3A_733 = arith.minimumf %min3A_691, %add3A_732 : vector<16xf32>
        %mul3A_734 = arith.mulf %get3A_101, %gather3A_720 : vector<16xf32>
        %add3A_735 = arith.addf %gather3A_717, %mul3A_734 : vector<16xf32>
        %mul3A_736 = arith.mulf %get3A_104, %gather3A_723 : vector<16xf32>
        %add3A_737 = arith.addf %add3A_735, %mul3A_736 : vector<16xf32>
        %mul3A_738 = arith.mulf %get3A_107, %gather3A_726 : vector<16xf32>
        %add3A_739 = arith.addf %add3A_737, %mul3A_738 : vector<16xf32>
        %min3A_740 = arith.minimumf %min3A_698, %add3A_739 : vector<16xf32>
        %mul3A_741 = arith.mulf %get3A_124, %gather3A_720 : vector<16xf32>
        %add3A_742 = arith.addf %gather3A_717, %mul3A_741 : vector<16xf32>
        %mul3A_743 = arith.mulf %get3A_127, %gather3A_723 : vector<16xf32>
        %add3A_744 = arith.addf %add3A_742, %mul3A_743 : vector<16xf32>
        %mul3A_745 = arith.mulf %get3A_130, %gather3A_726 : vector<16xf32>
        %add3A_746 = arith.addf %add3A_744, %mul3A_745 : vector<16xf32>
        %min3A_747 = arith.minimumf %min3A_705, %add3A_746 : vector<16xf32>
        %mul3A_748 = arith.mulf %get3A_147, %gather3A_720 : vector<16xf32>
        %add3A_749 = arith.addf %gather3A_717, %mul3A_748 : vector<16xf32>
        %mul3A_750 = arith.mulf %get3A_150, %gather3A_723 : vector<16xf32>
        %add3A_751 = arith.addf %add3A_749, %mul3A_750 : vector<16xf32>
        %mul3A_752 = arith.mulf %get3A_153, %gather3A_726 : vector<16xf32>
        %add3A_753 = arith.addf %add3A_751, %mul3A_752 : vector<16xf32>
        %min3A_754 = arith.minimumf %min3A_712, %add3A_753 : vector<16xf32>
        %broadcast_in_dim3A_755 = arith.constant 13 : i32
        %broadcast_in_dim3A_756 = vector.broadcast %broadcast_in_dim3A_755 : i32 to vector<16xi32>
        %broadcast_in_dim3A_757 = vector.shape_cast %broadcast_in_dim3A_756 : vector<16xi32> to vector<16x1xi32>
        %gather3A_758 = vector.shape_cast %broadcast_in_dim3A_757 : vector<16x1xi32> to vector<16xi32>
        %gather3A_759 = tpu.dynamic_gather %get3A_201[%gather3A_758] in [0] : vector<16xf32>, vector<16xi32> -> vector<16xf32>
        %broadcast_in_dim3A_760 = vector.shape_cast %broadcast_in_dim3A_756 : vector<16xi32> to vector<16x1xi32>
        %gather3A_761 = vector.shape_cast %broadcast_in_dim3A_760 : vector<16x1xi32> to vector<16xi32>
        %gather3A_762 = tpu.dynamic_gather %get3A_204[%gather3A_761] in [0] : vector<16xf32>, vector<16xi32> -> vector<16xf32>
        %broadcast_in_dim3A_763 = vector.shape_cast %broadcast_in_dim3A_756 : vector<16xi32> to vector<16x1xi32>
        %gather3A_764 = vector.shape_cast %broadcast_in_dim3A_763 : vector<16x1xi32> to vector<16xi32>
        %gather3A_765 = tpu.dynamic_gather %get3A_207[%gather3A_764] in [0] : vector<16xf32>, vector<16xi32> -> vector<16xf32>
        %broadcast_in_dim3A_766 = vector.shape_cast %broadcast_in_dim3A_756 : vector<16xi32> to vector<16x1xi32>
        %gather3A_767 = vector.shape_cast %broadcast_in_dim3A_766 : vector<16x1xi32> to vector<16xi32>
        %gather3A_768 = tpu.dynamic_gather %get3A_210[%gather3A_767] in [0] : vector<16xf32>, vector<16xi32> -> vector<16xf32>
        %mul3A_769 = arith.mulf %get3A_78, %gather3A_762 : vector<16xf32>
        %add3A_770 = arith.addf %gather3A_759, %mul3A_769 : vector<16xf32>
        %mul3A_771 = arith.mulf %get3A_81, %gather3A_765 : vector<16xf32>
        %add3A_772 = arith.addf %add3A_770, %mul3A_771 : vector<16xf32>
        %mul3A_773 = arith.mulf %get3A_84, %gather3A_768 : vector<16xf32>
        %add3A_774 = arith.addf %add3A_772, %mul3A_773 : vector<16xf32>
        %min3A_775 = arith.minimumf %min3A_733, %add3A_774 : vector<16xf32>
        %mul3A_776 = arith.mulf %get3A_101, %gather3A_762 : vector<16xf32>
        %add3A_777 = arith.addf %gather3A_759, %mul3A_776 : vector<16xf32>
        %mul3A_778 = arith.mulf %get3A_104, %gather3A_765 : vector<16xf32>
        %add3A_779 = arith.addf %add3A_777, %mul3A_778 : vector<16xf32>
        %mul3A_780 = arith.mulf %get3A_107, %gather3A_768 : vector<16xf32>
        %add3A_781 = arith.addf %add3A_779, %mul3A_780 : vector<16xf32>
        %min3A_782 = arith.minimumf %min3A_740, %add3A_781 : vector<16xf32>
        %mul3A_783 = arith.mulf %get3A_124, %gather3A_762 : vector<16xf32>
        %add3A_784 = arith.addf %gather3A_759, %mul3A_783 : vector<16xf32>
        %mul3A_785 = arith.mulf %get3A_127, %gather3A_765 : vector<16xf32>
        %add3A_786 = arith.addf %add3A_784, %mul3A_785 : vector<16xf32>
        %mul3A_787 = arith.mulf %get3A_130, %gather3A_768 : vector<16xf32>
        %add3A_788 = arith.addf %add3A_786, %mul3A_787 : vector<16xf32>
        %min3A_789 = arith.minimumf %min3A_747, %add3A_788 : vector<16xf32>
        %mul3A_790 = arith.mulf %get3A_147, %gather3A_762 : vector<16xf32>
        %add3A_791 = arith.addf %gather3A_759, %mul3A_790 : vector<16xf32>
        %mul3A_792 = arith.mulf %get3A_150, %gather3A_765 : vector<16xf32>
        %add3A_793 = arith.addf %add3A_791, %mul3A_792 : vector<16xf32>
        %mul3A_794 = arith.mulf %get3A_153, %gather3A_768 : vector<16xf32>
        %add3A_795 = arith.addf %add3A_793, %mul3A_794 : vector<16xf32>
        %min3A_796 = arith.minimumf %min3A_754, %add3A_795 : vector<16xf32>
        %broadcast_in_dim3A_797 = arith.constant 14 : i32
        %broadcast_in_dim3A_798 = vector.broadcast %broadcast_in_dim3A_797 : i32 to vector<16xi32>
        %broadcast_in_dim3A_799 = vector.shape_cast %broadcast_in_dim3A_798 : vector<16xi32> to vector<16x1xi32>
        %gather3A_800 = vector.shape_cast %broadcast_in_dim3A_799 : vector<16x1xi32> to vector<16xi32>
        %gather3A_801 = tpu.dynamic_gather %get3A_201[%gather3A_800] in [0] : vector<16xf32>, vector<16xi32> -> vector<16xf32>
        %broadcast_in_dim3A_802 = vector.shape_cast %broadcast_in_dim3A_798 : vector<16xi32> to vector<16x1xi32>
        %gather3A_803 = vector.shape_cast %broadcast_in_dim3A_802 : vector<16x1xi32> to vector<16xi32>
        %gather3A_804 = tpu.dynamic_gather %get3A_204[%gather3A_803] in [0] : vector<16xf32>, vector<16xi32> -> vector<16xf32>
        %broadcast_in_dim3A_805 = vector.shape_cast %broadcast_in_dim3A_798 : vector<16xi32> to vector<16x1xi32>
        %gather3A_806 = vector.shape_cast %broadcast_in_dim3A_805 : vector<16x1xi32> to vector<16xi32>
        %gather3A_807 = tpu.dynamic_gather %get3A_207[%gather3A_806] in [0] : vector<16xf32>, vector<16xi32> -> vector<16xf32>
        %broadcast_in_dim3A_808 = vector.shape_cast %broadcast_in_dim3A_798 : vector<16xi32> to vector<16x1xi32>
        %gather3A_809 = vector.shape_cast %broadcast_in_dim3A_808 : vector<16x1xi32> to vector<16xi32>
        %gather3A_810 = tpu.dynamic_gather %get3A_210[%gather3A_809] in [0] : vector<16xf32>, vector<16xi32> -> vector<16xf32>
        %mul3A_811 = arith.mulf %get3A_78, %gather3A_804 : vector<16xf32>
        %add3A_812 = arith.addf %gather3A_801, %mul3A_811 : vector<16xf32>
        %mul3A_813 = arith.mulf %get3A_81, %gather3A_807 : vector<16xf32>
        %add3A_814 = arith.addf %add3A_812, %mul3A_813 : vector<16xf32>
        %mul3A_815 = arith.mulf %get3A_84, %gather3A_810 : vector<16xf32>
        %add3A_816 = arith.addf %add3A_814, %mul3A_815 : vector<16xf32>
        %min3A_817 = arith.minimumf %min3A_775, %add3A_816 : vector<16xf32>
        %mul3A_818 = arith.mulf %get3A_101, %gather3A_804 : vector<16xf32>
        %add3A_819 = arith.addf %gather3A_801, %mul3A_818 : vector<16xf32>
        %mul3A_820 = arith.mulf %get3A_104, %gather3A_807 : vector<16xf32>
        %add3A_821 = arith.addf %add3A_819, %mul3A_820 : vector<16xf32>
        %mul3A_822 = arith.mulf %get3A_107, %gather3A_810 : vector<16xf32>
        %add3A_823 = arith.addf %add3A_821, %mul3A_822 : vector<16xf32>
        %min3A_824 = arith.minimumf %min3A_782, %add3A_823 : vector<16xf32>
        %mul3A_825 = arith.mulf %get3A_124, %gather3A_804 : vector<16xf32>
        %add3A_826 = arith.addf %gather3A_801, %mul3A_825 : vector<16xf32>
        %mul3A_827 = arith.mulf %get3A_127, %gather3A_807 : vector<16xf32>
        %add3A_828 = arith.addf %add3A_826, %mul3A_827 : vector<16xf32>
        %mul3A_829 = arith.mulf %get3A_130, %gather3A_810 : vector<16xf32>
        %add3A_830 = arith.addf %add3A_828, %mul3A_829 : vector<16xf32>
        %min3A_831 = arith.minimumf %min3A_789, %add3A_830 : vector<16xf32>
        %mul3A_832 = arith.mulf %get3A_147, %gather3A_804 : vector<16xf32>
        %add3A_833 = arith.addf %gather3A_801, %mul3A_832 : vector<16xf32>
        %mul3A_834 = arith.mulf %get3A_150, %gather3A_807 : vector<16xf32>
        %add3A_835 = arith.addf %add3A_833, %mul3A_834 : vector<16xf32>
        %mul3A_836 = arith.mulf %get3A_153, %gather3A_810 : vector<16xf32>
        %add3A_837 = arith.addf %add3A_835, %mul3A_836 : vector<16xf32>
        %min3A_838 = arith.minimumf %min3A_796, %add3A_837 : vector<16xf32>
        %broadcast_in_dim3A_839 = arith.constant 15 : i32
        %broadcast_in_dim3A_840 = vector.broadcast %broadcast_in_dim3A_839 : i32 to vector<16xi32>
        %broadcast_in_dim3A_841 = vector.shape_cast %broadcast_in_dim3A_840 : vector<16xi32> to vector<16x1xi32>
        %gather3A_842 = vector.shape_cast %broadcast_in_dim3A_841 : vector<16x1xi32> to vector<16xi32>
        %gather3A_843 = tpu.dynamic_gather %get3A_201[%gather3A_842] in [0] : vector<16xf32>, vector<16xi32> -> vector<16xf32>
        %broadcast_in_dim3A_844 = vector.shape_cast %broadcast_in_dim3A_840 : vector<16xi32> to vector<16x1xi32>
        %gather3A_845 = vector.shape_cast %broadcast_in_dim3A_844 : vector<16x1xi32> to vector<16xi32>
        %gather3A_846 = tpu.dynamic_gather %get3A_204[%gather3A_845] in [0] : vector<16xf32>, vector<16xi32> -> vector<16xf32>
        %broadcast_in_dim3A_847 = vector.shape_cast %broadcast_in_dim3A_840 : vector<16xi32> to vector<16x1xi32>
        %gather3A_848 = vector.shape_cast %broadcast_in_dim3A_847 : vector<16x1xi32> to vector<16xi32>
        %gather3A_849 = tpu.dynamic_gather %get3A_207[%gather3A_848] in [0] : vector<16xf32>, vector<16xi32> -> vector<16xf32>
        %broadcast_in_dim3A_850 = vector.shape_cast %broadcast_in_dim3A_840 : vector<16xi32> to vector<16x1xi32>
        %gather3A_851 = vector.shape_cast %broadcast_in_dim3A_850 : vector<16x1xi32> to vector<16xi32>
        %gather3A_852 = tpu.dynamic_gather %get3A_210[%gather3A_851] in [0] : vector<16xf32>, vector<16xi32> -> vector<16xf32>
        %mul3A_853 = arith.mulf %get3A_78, %gather3A_846 : vector<16xf32>
        %add3A_854 = arith.addf %gather3A_843, %mul3A_853 : vector<16xf32>
        %mul3A_855 = arith.mulf %get3A_81, %gather3A_849 : vector<16xf32>
        %add3A_856 = arith.addf %add3A_854, %mul3A_855 : vector<16xf32>
        %mul3A_857 = arith.mulf %get3A_84, %gather3A_852 : vector<16xf32>
        %add3A_858 = arith.addf %add3A_856, %mul3A_857 : vector<16xf32>
        %min3A_859 = arith.minimumf %min3A_817, %add3A_858 : vector<16xf32>
        %mul3A_860 = arith.mulf %get3A_101, %gather3A_846 : vector<16xf32>
        %add3A_861 = arith.addf %gather3A_843, %mul3A_860 : vector<16xf32>
        %mul3A_862 = arith.mulf %get3A_104, %gather3A_849 : vector<16xf32>
        %add3A_863 = arith.addf %add3A_861, %mul3A_862 : vector<16xf32>
        %mul3A_864 = arith.mulf %get3A_107, %gather3A_852 : vector<16xf32>
        %add3A_865 = arith.addf %add3A_863, %mul3A_864 : vector<16xf32>
        %min3A_866 = arith.minimumf %min3A_824, %add3A_865 : vector<16xf32>
        %mul3A_867 = arith.mulf %get3A_124, %gather3A_846 : vector<16xf32>
        %add3A_868 = arith.addf %gather3A_843, %mul3A_867 : vector<16xf32>
        %mul3A_869 = arith.mulf %get3A_127, %gather3A_849 : vector<16xf32>
        %add3A_870 = arith.addf %add3A_868, %mul3A_869 : vector<16xf32>
        %mul3A_871 = arith.mulf %get3A_130, %gather3A_852 : vector<16xf32>
        %add3A_872 = arith.addf %add3A_870, %mul3A_871 : vector<16xf32>
        %min3A_873 = arith.minimumf %min3A_831, %add3A_872 : vector<16xf32>
        %mul3A_874 = arith.mulf %get3A_147, %gather3A_846 : vector<16xf32>
        %add3A_875 = arith.addf %gather3A_843, %mul3A_874 : vector<16xf32>
        %mul3A_876 = arith.mulf %get3A_150, %gather3A_849 : vector<16xf32>
        %add3A_877 = arith.addf %add3A_875, %mul3A_876 : vector<16xf32>
        %mul3A_878 = arith.mulf %get3A_153, %gather3A_852 : vector<16xf32>
        %add3A_879 = arith.addf %add3A_877, %mul3A_878 : vector<16xf32>
        %min3A_880 = arith.minimumf %min3A_838, %add3A_879 : vector<16xf32>
        scf.yield %min3A_859, %min3A_866, %min3A_873, %min3A_880 : vector<16xf32>, vector<16xf32>, vector<16xf32>, vector<16xf32>
      }
      %scan3A_172 = arith.constant 128 : i32
      %add3A_173 = arith.addf %scan3A_171#0, %add3A_89 : vector<16xf32>
      %max3A = arith.constant 0.000000e+00 : f32
      %max3A_174 = vector.broadcast %max3A : f32 to vector<16xf32>
      %max3A_175 = arith.maximumf %add3A_173, %max3A_174 : vector<16xf32>
      %add3A_176 = arith.addf %scan3A_67, %max3A_175 : vector<16xf32>
      %add3A_177 = arith.addf %scan3A_171#1, %add3A_112 : vector<16xf32>
      %max3A_178 = arith.constant 0.000000e+00 : f32
      %max3A_179 = vector.broadcast %max3A_178 : f32 to vector<16xf32>
      %max3A_180 = arith.maximumf %add3A_177, %max3A_179 : vector<16xf32>
      %add3A_181 = arith.addf %add3A_176, %max3A_180 : vector<16xf32>
      %add3A_182 = arith.addf %scan3A_171#2, %add3A_135 : vector<16xf32>
      %max3A_183 = arith.constant 0.000000e+00 : f32
      %max3A_184 = vector.broadcast %max3A_183 : f32 to vector<16xf32>
      %max3A_185 = arith.maximumf %add3A_182, %max3A_184 : vector<16xf32>
      %add3A_186 = arith.addf %add3A_181, %max3A_185 : vector<16xf32>
      %add3A_187 = arith.addf %scan3A_171#3, %add3A_158 : vector<16xf32>
      %max3A_188 = arith.constant 0.000000e+00 : f32
      %max3A_189 = vector.broadcast %max3A_188 : f32 to vector<16xf32>
      %max3A_190 = arith.maximumf %add3A_187, %max3A_189 : vector<16xf32>
      %add3A_191 = arith.addf %add3A_186, %max3A_190 : vector<16xf32>
      scf.yield %add3A_191 : vector<16xf32>
    }
    %scan3A_54 = arith.constant 8 : i32
    %scan3A_55 = arith.constant 0 : i32
    %scan3A_56 = arith.constant 8 : i32
    %scan3A_57 = arith.addi %scan3A_55, %scan3A_56 : i32
    %scan3A_58 = arith.constant 1 : i32
    %scan3A_59 = scf.for %scan3A_66 = %scan3A_55 to %scan3A_57 step %scan3A_58 iter_args(%scan3A_67 = %scan3A_53) -> (vector<16xf32>)  : i32 {
      %mul3A_68 = arith.constant 512 : i32
      %mul3A_69 = arith.muli %select_n3A_30, %mul3A_68 : i32
      %mul3A_70 = arith.constant 4 : i32
      %mul3A_71 = arith.muli %scan3A_66, %mul3A_70 : i32
      %mul3A_72 = arith.constant 16 : i32
      %mul3A_73 = arith.muli %mul3A_71, %mul3A_72 : i32
      %add3A_74 = arith.addi %mul3A_69, %mul3A_73 : i32
      %add3A_75 = arith.constant 0 : i32
      %add3A_76 = arith.addi %add3A_74, %add3A_75 : i32
      %get3A = arith.index_cast %add3A_76 : i32 to index
      %get3A_77 = tpu.vector_load %arg8[%get3A] {strides = array<i32>} : memref<2048xf32, #tpu.memory_space<vmem>>, vector<16xf32>,
      %get3A_78 = vector.shape_cast %get3A_77 : vector<16xf32> to vector<16xf32>
      %get3A_79 = arith.index_cast %add3A_76 : i32 to index
      %get3A_80 = tpu.vector_load %arg9[%get3A_79] {strides = array<i32>} : memref<2048xf32, #tpu.memory_space<vmem>>, vector<16xf32>,
      %get3A_81 = vector.shape_cast %get3A_80 : vector<16xf32> to vector<16xf32>
      %get3A_82 = arith.index_cast %add3A_76 : i32 to index
      %get3A_83 = tpu.vector_load %arg10[%get3A_82] {strides = array<i32>} : memref<2048xf32, #tpu.memory_space<vmem>>, vector<16xf32>,
      %get3A_84 = vector.shape_cast %get3A_83 : vector<16xf32> to vector<16xf32>
      %mul3A_85 = arith.mulf %get3A_78, %get3A_78 : vector<16xf32>
      %mul3A_86 = arith.mulf %get3A_81, %get3A_81 : vector<16xf32>
      %add3A_87 = arith.addf %mul3A_85, %mul3A_86 : vector<16xf32>
      %mul3A_88 = arith.mulf %get3A_84, %get3A_84 : vector<16xf32>
      %add3A_89 = arith.addf %add3A_87, %mul3A_88 : vector<16xf32>
      %mul3A_90 = arith.constant 512 : i32
      %mul3A_91 = arith.muli %select_n3A_30, %mul3A_90 : i32
      %mul3A_92 = arith.constant 4 : i32
      %mul3A_93 = arith.muli %scan3A_66, %mul3A_92 : i32
      %mul3A_94 = arith.constant 16 : i32
      %mul3A_95 = arith.muli %mul3A_93, %mul3A_94 : i32
      %add3A_96 = arith.addi %mul3A_91, %mul3A_95 : i32
      %add3A_97 = arith.constant 16 : i32
      %add3A_98 = arith.addi %add3A_96, %add3A_97 : i32
      %get3A_99 = arith.index_cast %add3A_98 : i32 to index
      %get3A_100 = tpu.vector_load %arg8[%get3A_99] {strides = array<i32>} : memref<2048xf32, #tpu.memory_space<vmem>>, vector<16xf32>,
      %get3A_101 = vector.shape_cast %get3A_100 : vector<16xf32> to vector<16xf32>
      %get3A_102 = arith.index_cast %add3A_98 : i32 to index
      %get3A_103 = tpu.vector_load %arg9[%get3A_102] {strides = array<i32>} : memref<2048xf32, #tpu.memory_space<vmem>>, vector<16xf32>,
      %get3A_104 = vector.shape_cast %get3A_103 : vector<16xf32> to vector<16xf32>
      %get3A_105 = arith.index_cast %add3A_98 : i32 to index
      %get3A_106 = tpu.vector_load %arg10[%get3A_105] {strides = array<i32>} : memref<2048xf32, #tpu.memory_space<vmem>>, vector<16xf32>,
      %get3A_107 = vector.shape_cast %get3A_106 : vector<16xf32> to vector<16xf32>
      %mul3A_108 = arith.mulf %get3A_101, %get3A_101 : vector<16xf32>
      %mul3A_109 = arith.mulf %get3A_104, %get3A_104 : vector<16xf32>
      %add3A_110 = arith.addf %mul3A_108, %mul3A_109 : vector<16xf32>
      %mul3A_111 = arith.mulf %get3A_107, %get3A_107 : vector<16xf32>
      %add3A_112 = arith.addf %add3A_110, %mul3A_111 : vector<16xf32>
      %mul3A_113 = arith.constant 512 : i32
      %mul3A_114 = arith.muli %select_n3A_30, %mul3A_113 : i32
      %mul3A_115 = arith.constant 4 : i32
      %mul3A_116 = arith.muli %scan3A_66, %mul3A_115 : i32
      %mul3A_117 = arith.constant 16 : i32
      %mul3A_118 = arith.muli %mul3A_116, %mul3A_117 : i32
      %add3A_119 = arith.addi %mul3A_114, %mul3A_118 : i32
      %add3A_120 = arith.constant 32 : i32
      %add3A_121 = arith.addi %add3A_119, %add3A_120 : i32
      %get3A_122 = arith.index_cast %add3A_121 : i32 to index
      %get3A_123 = tpu.vector_load %arg8[%get3A_122] {strides = array<i32>} : memref<2048xf32, #tpu.memory_space<vmem>>, vector<16xf32>,
      %get3A_124 = vector.shape_cast %get3A_123 : vector<16xf32> to vector<16xf32>
      %get3A_125 = arith.index_cast %add3A_121 : i32 to index
      %get3A_126 = tpu.vector_load %arg9[%get3A_125] {strides = array<i32>} : memref<2048xf32, #tpu.memory_space<vmem>>, vector<16xf32>,
      %get3A_127 = vector.shape_cast %get3A_126 : vector<16xf32> to vector<16xf32>
      %get3A_128 = arith.index_cast %add3A_121 : i32 to index
      %get3A_129 = tpu.vector_load %arg10[%get3A_128] {strides = array<i32>} : memref<2048xf32, #tpu.memory_space<vmem>>, vector<16xf32>,
      %get3A_130 = vector.shape_cast %get3A_129 : vector<16xf32> to vector<16xf32>
      %mul3A_131 = arith.mulf %get3A_124, %get3A_124 : vector<16xf32>
      %mul3A_132 = arith.mulf %get3A_127, %get3A_127 : vector<16xf32>
      %add3A_133 = arith.addf %mul3A_131, %mul3A_132 : vector<16xf32>
      %mul3A_134 = arith.mulf %get3A_130, %get3A_130 : vector<16xf32>
      %add3A_135 = arith.addf %add3A_133, %mul3A_134 : vector<16xf32>
      %mul3A_136 = arith.constant 512 : i32
      %mul3A_137 = arith.muli %select_n3A_30, %mul3A_136 : i32
      %mul3A_138 = arith.constant 4 : i32
      %mul3A_139 = arith.muli %scan3A_66, %mul3A_138 : i32
      %mul3A_140 = arith.constant 16 : i32
      %mul3A_141 = arith.muli %mul3A_139, %mul3A_140 : i32
      %add3A_142 = arith.addi %mul3A_137, %mul3A_141 : i32
      %add3A_143 = arith.constant 48 : i32
      %add3A_144 = arith.addi %add3A_142, %add3A_143 : i32
      %get3A_145 = arith.index_cast %add3A_144 : i32 to index
      %get3A_146 = tpu.vector_load %arg8[%get3A_145] {strides = array<i32>} : memref<2048xf32, #tpu.memory_space<vmem>>, vector<16xf32>,
      %get3A_147 = vector.shape_cast %get3A_146 : vector<16xf32> to vector<16xf32>
      %get3A_148 = arith.index_cast %add3A_144 : i32 to index
      %get3A_149 = tpu.vector_load %arg9[%get3A_148] {strides = array<i32>} : memref<2048xf32, #tpu.memory_space<vmem>>, vector<16xf32>,
      %get3A_150 = vector.shape_cast %get3A_149 : vector<16xf32> to vector<16xf32>
      %get3A_151 = arith.index_cast %add3A_144 : i32 to index
      %get3A_152 = tpu.vector_load %arg10[%get3A_151] {strides = array<i32>} : memref<2048xf32, #tpu.memory_space<vmem>>, vector<16xf32>,
      %get3A_153 = vector.shape_cast %get3A_152 : vector<16xf32> to vector<16xf32>
      %mul3A_154 = arith.mulf %get3A_147, %get3A_147 : vector<16xf32>
      %mul3A_155 = arith.mulf %get3A_150, %get3A_150 : vector<16xf32>
      %add3A_156 = arith.addf %mul3A_154, %mul3A_155 : vector<16xf32>
      %mul3A_157 = arith.mulf %get3A_153, %get3A_153 : vector<16xf32>
      %add3A_158 = arith.addf %add3A_156, %mul3A_157 : vector<16xf32>
      %broadcast_in_dim3A_159 = arith.constant 0x7F800000 : f32
      %broadcast_in_dim3A_160 = vector.broadcast %broadcast_in_dim3A_159 : f32 to vector<16xf32>
      %broadcast_in_dim3A_161 = arith.constant 0x7F800000 : f32
      %broadcast_in_dim3A_162 = vector.broadcast %broadcast_in_dim3A_161 : f32 to vector<16xf32>
      %broadcast_in_dim3A_163 = arith.constant 0x7F800000 : f32
      %broadcast_in_dim3A_164 = vector.broadcast %broadcast_in_dim3A_163 : f32 to vector<16xf32>
      %broadcast_in_dim3A_165 = arith.constant 0x7F800000 : f32
      %broadcast_in_dim3A_166 = vector.broadcast %broadcast_in_dim3A_165 : f32 to vector<16xf32>
      %scan3A_167 = arith.constant 0 : i32
      %scan3A_168 = arith.constant 128 : i32
      %scan3A_169 = arith.addi %scan3A_167, %scan3A_168 : i32
      %scan3A_170 = arith.constant 1 : i32
      %scan3A_171:4 = scf.for %scan3A_192 = %scan3A_167 to %scan3A_169 step %scan3A_170 iter_args(%scan3A_193 = %broadcast_in_dim3A_160, %scan3A_194 = %broadcast_in_dim3A_162, %scan3A_195 = %broadcast_in_dim3A_164, %scan3A_196 = %broadcast_in_dim3A_166) -> (vector<16xf32>, vector<16xf32>, vector<16xf32>, vector<16xf32>)  : i32 {
        %mul3A_197 = arith.constant 16 : i32
        %mul3A_198 = arith.muli %scan3A_192, %mul3A_197 : i32
        %get3A_199 = arith.index_cast %mul3A_198 : i32 to index
        %get3A_200 = tpu.vector_load %arg11[%get3A_199] {strides = array<i32>} : memref<2048xf32, #tpu.memory_space<vmem>>, vector<16xf32>,
        %get3A_201 = vector.shape_cast %get3A_200 : vector<16xf32> to vector<16xf32>
        %get3A_202 = arith.index_cast %mul3A_198 : i32 to index
        %get3A_203 = tpu.vector_load %arg12[%get3A_202] {strides = array<i32>} : memref<2048xf32, #tpu.memory_space<vmem>>, vector<16xf32>,
        %get3A_204 = vector.shape_cast %get3A_203 : vector<16xf32> to vector<16xf32>
        %get3A_205 = arith.index_cast %mul3A_198 : i32 to index
        %get3A_206 = tpu.vector_load %arg13[%get3A_205] {strides = array<i32>} : memref<2048xf32, #tpu.memory_space<vmem>>, vector<16xf32>,
        %get3A_207 = vector.shape_cast %get3A_206 : vector<16xf32> to vector<16xf32>
        %get3A_208 = arith.index_cast %mul3A_198 : i32 to index
        %get3A_209 = tpu.vector_load %arg14[%get3A_208] {strides = array<i32>} : memref<2048xf32, #tpu.memory_space<vmem>>, vector<16xf32>,
        %get3A_210 = vector.shape_cast %get3A_209 : vector<16xf32> to vector<16xf32>
        %broadcast_in_dim3A_211 = arith.constant 0 : i32
        %broadcast_in_dim3A_212 = vector.broadcast %broadcast_in_dim3A_211 : i32 to vector<16xi32>
        %broadcast_in_dim3A_213 = vector.shape_cast %broadcast_in_dim3A_212 : vector<16xi32> to vector<16x1xi32>
        %gather3A = vector.shape_cast %broadcast_in_dim3A_213 : vector<16x1xi32> to vector<16xi32>
        %gather3A_214 = tpu.dynamic_gather %get3A_201[%gather3A] in [0] : vector<16xf32>, vector<16xi32> -> vector<16xf32>
        %broadcast_in_dim3A_215 = vector.shape_cast %broadcast_in_dim3A_212 : vector<16xi32> to vector<16x1xi32>
        %gather3A_216 = vector.shape_cast %broadcast_in_dim3A_215 : vector<16x1xi32> to vector<16xi32>
        %gather3A_217 = tpu.dynamic_gather %get3A_204[%gather3A_216] in [0] : vector<16xf32>, vector<16xi32> -> vector<16xf32>
        %broadcast_in_dim3A_218 = vector.shape_cast %broadcast_in_dim3A_212 : vector<16xi32> to vector<16x1xi32>
        %gather3A_219 = vector.shape_cast %broadcast_in_dim3A_218 : vector<16x1xi32> to vector<16xi32>
        %gather3A_220 = tpu.dynamic_gather %get3A_207[%gather3A_219] in [0] : vector<16xf32>, vector<16xi32> -> vector<16xf32>
        %broadcast_in_dim3A_221 = vector.shape_cast %broadcast_in_dim3A_212 : vector<16xi32> to vector<16x1xi32>
        %gather3A_222 = vector.shape_cast %broadcast_in_dim3A_221 : vector<16x1xi32> to vector<16xi32>
        %gather3A_223 = tpu.dynamic_gather %get3A_210[%gather3A_222] in [0] : vector<16xf32>, vector<16xi32> -> vector<16xf32>
        %mul3A_224 = arith.mulf %get3A_78, %gather3A_217 : vector<16xf32>
        %add3A_225 = arith.addf %gather3A_214, %mul3A_224 : vector<16xf32>
        %mul3A_226 = arith.mulf %get3A_81, %gather3A_220 : vector<16xf32>
        %add3A_227 = arith.addf %add3A_225, %mul3A_226 : vector<16xf32>
        %mul3A_228 = arith.mulf %get3A_84, %gather3A_223 : vector<16xf32>
        %add3A_229 = arith.addf %add3A_227, %mul3A_228 : vector<16xf32>
        %min3A = arith.minimumf %scan3A_193, %add3A_229 : vector<16xf32>
        %mul3A_230 = arith.mulf %get3A_101, %gather3A_217 : vector<16xf32>
        %add3A_231 = arith.addf %gather3A_214, %mul3A_230 : vector<16xf32>
        %mul3A_232 = arith.mulf %get3A_104, %gather3A_220 : vector<16xf32>
        %add3A_233 = arith.addf %add3A_231, %mul3A_232 : vector<16xf32>
        %mul3A_234 = arith.mulf %get3A_107, %gather3A_223 : vector<16xf32>
        %add3A_235 = arith.addf %add3A_233, %mul3A_234 : vector<16xf32>
        %min3A_236 = arith.minimumf %scan3A_194, %add3A_235 : vector<16xf32>
        %mul3A_237 = arith.mulf %get3A_124, %gather3A_217 : vector<16xf32>
        %add3A_238 = arith.addf %gather3A_214, %mul3A_237 : vector<16xf32>
        %mul3A_239 = arith.mulf %get3A_127, %gather3A_220 : vector<16xf32>
        %add3A_240 = arith.addf %add3A_238, %mul3A_239 : vector<16xf32>
        %mul3A_241 = arith.mulf %get3A_130, %gather3A_223 : vector<16xf32>
        %add3A_242 = arith.addf %add3A_240, %mul3A_241 : vector<16xf32>
        %min3A_243 = arith.minimumf %scan3A_195, %add3A_242 : vector<16xf32>
        %mul3A_244 = arith.mulf %get3A_147, %gather3A_217 : vector<16xf32>
        %add3A_245 = arith.addf %gather3A_214, %mul3A_244 : vector<16xf32>
        %mul3A_246 = arith.mulf %get3A_150, %gather3A_220 : vector<16xf32>
        %add3A_247 = arith.addf %add3A_245, %mul3A_246 : vector<16xf32>
        %mul3A_248 = arith.mulf %get3A_153, %gather3A_223 : vector<16xf32>
        %add3A_249 = arith.addf %add3A_247, %mul3A_248 : vector<16xf32>
        %min3A_250 = arith.minimumf %scan3A_196, %add3A_249 : vector<16xf32>
        %broadcast_in_dim3A_251 = arith.constant 1 : i32
        %broadcast_in_dim3A_252 = vector.broadcast %broadcast_in_dim3A_251 : i32 to vector<16xi32>
        %broadcast_in_dim3A_253 = vector.shape_cast %broadcast_in_dim3A_252 : vector<16xi32> to vector<16x1xi32>
        %gather3A_254 = vector.shape_cast %broadcast_in_dim3A_253 : vector<16x1xi32> to vector<16xi32>
        %gather3A_255 = tpu.dynamic_gather %get3A_201[%gather3A_254] in [0] : vector<16xf32>, vector<16xi32> -> vector<16xf32>
        %broadcast_in_dim3A_256 = vector.shape_cast %broadcast_in_dim3A_252 : vector<16xi32> to vector<16x1xi32>
        %gather3A_257 = vector.shape_cast %broadcast_in_dim3A_256 : vector<16x1xi32> to vector<16xi32>
        %gather3A_258 = tpu.dynamic_gather %get3A_204[%gather3A_257] in [0] : vector<16xf32>, vector<16xi32> -> vector<16xf32>
        %broadcast_in_dim3A_259 = vector.shape_cast %broadcast_in_dim3A_252 : vector<16xi32> to vector<16x1xi32>
        %gather3A_260 = vector.shape_cast %broadcast_in_dim3A_259 : vector<16x1xi32> to vector<16xi32>
        %gather3A_261 = tpu.dynamic_gather %get3A_207[%gather3A_260] in [0] : vector<16xf32>, vector<16xi32> -> vector<16xf32>
        %broadcast_in_dim3A_262 = vector.shape_cast %broadcast_in_dim3A_252 : vector<16xi32> to vector<16x1xi32>
        %gather3A_263 = vector.shape_cast %broadcast_in_dim3A_262 : vector<16x1xi32> to vector<16xi32>
        %gather3A_264 = tpu.dynamic_gather %get3A_210[%gather3A_263] in [0] : vector<16xf32>, vector<16xi32> -> vector<16xf32>
        %mul3A_265 = arith.mulf %get3A_78, %gather3A_258 : vector<16xf32>
        %add3A_266 = arith.addf %gather3A_255, %mul3A_265 : vector<16xf32>
        %mul3A_267 = arith.mulf %get3A_81, %gather3A_261 : vector<16xf32>
        %add3A_268 = arith.addf %add3A_266, %mul3A_267 : vector<16xf32>
        %mul3A_269 = arith.mulf %get3A_84, %gather3A_264 : vector<16xf32>
        %add3A_270 = arith.addf %add3A_268, %mul3A_269 : vector<16xf32>
        %min3A_271 = arith.minimumf %min3A, %add3A_270 : vector<16xf32>
        %mul3A_272 = arith.mulf %get3A_101, %gather3A_258 : vector<16xf32>
        %add3A_273 = arith.addf %gather3A_255, %mul3A_272 : vector<16xf32>
        %mul3A_274 = arith.mulf %get3A_104, %gather3A_261 : vector<16xf32>
        %add3A_275 = arith.addf %add3A_273, %mul3A_274 : vector<16xf32>
        %mul3A_276 = arith.mulf %get3A_107, %gather3A_264 : vector<16xf32>
        %add3A_277 = arith.addf %add3A_275, %mul3A_276 : vector<16xf32>
        %min3A_278 = arith.minimumf %min3A_236, %add3A_277 : vector<16xf32>
        %mul3A_279 = arith.mulf %get3A_124, %gather3A_258 : vector<16xf32>
        %add3A_280 = arith.addf %gather3A_255, %mul3A_279 : vector<16xf32>
        %mul3A_281 = arith.mulf %get3A_127, %gather3A_261 : vector<16xf32>
        %add3A_282 = arith.addf %add3A_280, %mul3A_281 : vector<16xf32>
        %mul3A_283 = arith.mulf %get3A_130, %gather3A_264 : vector<16xf32>
        %add3A_284 = arith.addf %add3A_282, %mul3A_283 : vector<16xf32>
        %min3A_285 = arith.minimumf %min3A_243, %add3A_284 : vector<16xf32>
        %mul3A_286 = arith.mulf %get3A_147, %gather3A_258 : vector<16xf32>
        %add3A_287 = arith.addf %gather3A_255, %mul3A_286 : vector<16xf32>
        %mul3A_288 = arith.mulf %get3A_150, %gather3A_261 : vector<16xf32>
        %add3A_289 = arith.addf %add3A_287, %mul3A_288 : vector<16xf32>
        %mul3A_290 = arith.mulf %get3A_153, %gather3A_264 : vector<16xf32>
        %add3A_291 = arith.addf %add3A_289, %mul3A_290 : vector<16xf32>
        %min3A_292 = arith.minimumf %min3A_250, %add3A_291 : vector<16xf32>
        %broadcast_in_dim3A_293 = arith.constant 2 : i32
        %broadcast_in_dim3A_294 = vector.broadcast %broadcast_in_dim3A_293 : i32 to vector<16xi32>
        %broadcast_in_dim3A_295 = vector.shape_cast %broadcast_in_dim3A_294 : vector<16xi32> to vector<16x1xi32>
        %gather3A_296 = vector.shape_cast %broadcast_in_dim3A_295 : vector<16x1xi32> to vector<16xi32>
        %gather3A_297 = tpu.dynamic_gather %get3A_201[%gather3A_296] in [0] : vector<16xf32>, vector<16xi32> -> vector<16xf32>
        %broadcast_in_dim3A_298 = vector.shape_cast %broadcast_in_dim3A_294 : vector<16xi32> to vector<16x1xi32>
        %gather3A_299 = vector.shape_cast %broadcast_in_dim3A_298 : vector<16x1xi32> to vector<16xi32>
        %gather3A_300 = tpu.dynamic_gather %get3A_204[%gather3A_299] in [0] : vector<16xf32>, vector<16xi32> -> vector<16xf32>
        %broadcast_in_dim3A_301 = vector.shape_cast %broadcast_in_dim3A_294 : vector<16xi32> to vector<16x1xi32>
        %gather3A_302 = vector.shape_cast %broadcast_in_dim3A_301 : vector<16x1xi32> to vector<16xi32>
        %gather3A_303 = tpu.dynamic_gather %get3A_207[%gather3A_302] in [0] : vector<16xf32>, vector<16xi32> -> vector<16xf32>
        %broadcast_in_dim3A_304 = vector.shape_cast %broadcast_in_dim3A_294 : vector<16xi32> to vector<16x1xi32>
        %gather3A_305 = vector.shape_cast %broadcast_in_dim3A_304 : vector<16x1xi32> to vector<16xi32>
        %gather3A_306 = tpu.dynamic_gather %get3A_210[%gather3A_305] in [0] : vector<16xf32>, vector<16xi32> -> vector<16xf32>
        %mul3A_307 = arith.mulf %get3A_78, %gather3A_300 : vector<16xf32>
        %add3A_308 = arith.addf %gather3A_297, %mul3A_307 : vector<16xf32>
        %mul3A_309 = arith.mulf %get3A_81, %gather3A_303 : vector<16xf32>
        %add3A_310 = arith.addf %add3A_308, %mul3A_309 : vector<16xf32>
        %mul3A_311 = arith.mulf %get3A_84, %gather3A_306 : vector<16xf32>
        %add3A_312 = arith.addf %add3A_310, %mul3A_311 : vector<16xf32>
        %min3A_313 = arith.minimumf %min3A_271, %add3A_312 : vector<16xf32>
        %mul3A_314 = arith.mulf %get3A_101, %gather3A_300 : vector<16xf32>
        %add3A_315 = arith.addf %gather3A_297, %mul3A_314 : vector<16xf32>
        %mul3A_316 = arith.mulf %get3A_104, %gather3A_303 : vector<16xf32>
        %add3A_317 = arith.addf %add3A_315, %mul3A_316 : vector<16xf32>
        %mul3A_318 = arith.mulf %get3A_107, %gather3A_306 : vector<16xf32>
        %add3A_319 = arith.addf %add3A_317, %mul3A_318 : vector<16xf32>
        %min3A_320 = arith.minimumf %min3A_278, %add3A_319 : vector<16xf32>
        %mul3A_321 = arith.mulf %get3A_124, %gather3A_300 : vector<16xf32>
        %add3A_322 = arith.addf %gather3A_297, %mul3A_321 : vector<16xf32>
        %mul3A_323 = arith.mulf %get3A_127, %gather3A_303 : vector<16xf32>
        %add3A_324 = arith.addf %add3A_322, %mul3A_323 : vector<16xf32>
        %mul3A_325 = arith.mulf %get3A_130, %gather3A_306 : vector<16xf32>
        %add3A_326 = arith.addf %add3A_324, %mul3A_325 : vector<16xf32>
        %min3A_327 = arith.minimumf %min3A_285, %add3A_326 : vector<16xf32>
        %mul3A_328 = arith.mulf %get3A_147, %gather3A_300 : vector<16xf32>
        %add3A_329 = arith.addf %gather3A_297, %mul3A_328 : vector<16xf32>
        %mul3A_330 = arith.mulf %get3A_150, %gather3A_303 : vector<16xf32>
        %add3A_331 = arith.addf %add3A_329, %mul3A_330 : vector<16xf32>
        %mul3A_332 = arith.mulf %get3A_153, %gather3A_306 : vector<16xf32>
        %add3A_333 = arith.addf %add3A_331, %mul3A_332 : vector<16xf32>
        %min3A_334 = arith.minimumf %min3A_292, %add3A_333 : vector<16xf32>
        %broadcast_in_dim3A_335 = arith.constant 3 : i32
        %broadcast_in_dim3A_336 = vector.broadcast %broadcast_in_dim3A_335 : i32 to vector<16xi32>
        %broadcast_in_dim3A_337 = vector.shape_cast %broadcast_in_dim3A_336 : vector<16xi32> to vector<16x1xi32>
        %gather3A_338 = vector.shape_cast %broadcast_in_dim3A_337 : vector<16x1xi32> to vector<16xi32>
        %gather3A_339 = tpu.dynamic_gather %get3A_201[%gather3A_338] in [0] : vector<16xf32>, vector<16xi32> -> vector<16xf32>
        %broadcast_in_dim3A_340 = vector.shape_cast %broadcast_in_dim3A_336 : vector<16xi32> to vector<16x1xi32>
        %gather3A_341 = vector.shape_cast %broadcast_in_dim3A_340 : vector<16x1xi32> to vector<16xi32>
        %gather3A_342 = tpu.dynamic_gather %get3A_204[%gather3A_341] in [0] : vector<16xf32>, vector<16xi32> -> vector<16xf32>
        %broadcast_in_dim3A_343 = vector.shape_cast %broadcast_in_dim3A_336 : vector<16xi32> to vector<16x1xi32>
        %gather3A_344 = vector.shape_cast %broadcast_in_dim3A_343 : vector<16x1xi32> to vector<16xi32>
        %gather3A_345 = tpu.dynamic_gather %get3A_207[%gather3A_344] in [0] : vector<16xf32>, vector<16xi32> -> vector<16xf32>
        %broadcast_in_dim3A_346 = vector.shape_cast %broadcast_in_dim3A_336 : vector<16xi32> to vector<16x1xi32>
        %gather3A_347 = vector.shape_cast %broadcast_in_dim3A_346 : vector<16x1xi32> to vector<16xi32>
        %gather3A_348 = tpu.dynamic_gather %get3A_210[%gather3A_347] in [0] : vector<16xf32>, vector<16xi32> -> vector<16xf32>
        %mul3A_349 = arith.mulf %get3A_78, %gather3A_342 : vector<16xf32>
        %add3A_350 = arith.addf %gather3A_339, %mul3A_349 : vector<16xf32>
        %mul3A_351 = arith.mulf %get3A_81, %gather3A_345 : vector<16xf32>
        %add3A_352 = arith.addf %add3A_350, %mul3A_351 : vector<16xf32>
        %mul3A_353 = arith.mulf %get3A_84, %gather3A_348 : vector<16xf32>
        %add3A_354 = arith.addf %add3A_352, %mul3A_353 : vector<16xf32>
        %min3A_355 = arith.minimumf %min3A_313, %add3A_354 : vector<16xf32>
        %mul3A_356 = arith.mulf %get3A_101, %gather3A_342 : vector<16xf32>
        %add3A_357 = arith.addf %gather3A_339, %mul3A_356 : vector<16xf32>
        %mul3A_358 = arith.mulf %get3A_104, %gather3A_345 : vector<16xf32>
        %add3A_359 = arith.addf %add3A_357, %mul3A_358 : vector<16xf32>
        %mul3A_360 = arith.mulf %get3A_107, %gather3A_348 : vector<16xf32>
        %add3A_361 = arith.addf %add3A_359, %mul3A_360 : vector<16xf32>
        %min3A_362 = arith.minimumf %min3A_320, %add3A_361 : vector<16xf32>
        %mul3A_363 = arith.mulf %get3A_124, %gather3A_342 : vector<16xf32>
        %add3A_364 = arith.addf %gather3A_339, %mul3A_363 : vector<16xf32>
        %mul3A_365 = arith.mulf %get3A_127, %gather3A_345 : vector<16xf32>
        %add3A_366 = arith.addf %add3A_364, %mul3A_365 : vector<16xf32>
        %mul3A_367 = arith.mulf %get3A_130, %gather3A_348 : vector<16xf32>
        %add3A_368 = arith.addf %add3A_366, %mul3A_367 : vector<16xf32>
        %min3A_369 = arith.minimumf %min3A_327, %add3A_368 : vector<16xf32>
        %mul3A_370 = arith.mulf %get3A_147, %gather3A_342 : vector<16xf32>
        %add3A_371 = arith.addf %gather3A_339, %mul3A_370 : vector<16xf32>
        %mul3A_372 = arith.mulf %get3A_150, %gather3A_345 : vector<16xf32>
        %add3A_373 = arith.addf %add3A_371, %mul3A_372 : vector<16xf32>
        %mul3A_374 = arith.mulf %get3A_153, %gather3A_348 : vector<16xf32>
        %add3A_375 = arith.addf %add3A_373, %mul3A_374 : vector<16xf32>
        %min3A_376 = arith.minimumf %min3A_334, %add3A_375 : vector<16xf32>
        %broadcast_in_dim3A_377 = arith.constant 4 : i32
        %broadcast_in_dim3A_378 = vector.broadcast %broadcast_in_dim3A_377 : i32 to vector<16xi32>
        %broadcast_in_dim3A_379 = vector.shape_cast %broadcast_in_dim3A_378 : vector<16xi32> to vector<16x1xi32>
        %gather3A_380 = vector.shape_cast %broadcast_in_dim3A_379 : vector<16x1xi32> to vector<16xi32>
        %gather3A_381 = tpu.dynamic_gather %get3A_201[%gather3A_380] in [0] : vector<16xf32>, vector<16xi32> -> vector<16xf32>
        %broadcast_in_dim3A_382 = vector.shape_cast %broadcast_in_dim3A_378 : vector<16xi32> to vector<16x1xi32>
        %gather3A_383 = vector.shape_cast %broadcast_in_dim3A_382 : vector<16x1xi32> to vector<16xi32>
        %gather3A_384 = tpu.dynamic_gather %get3A_204[%gather3A_383] in [0] : vector<16xf32>, vector<16xi32> -> vector<16xf32>
        %broadcast_in_dim3A_385 = vector.shape_cast %broadcast_in_dim3A_378 : vector<16xi32> to vector<16x1xi32>
        %gather3A_386 = vector.shape_cast %broadcast_in_dim3A_385 : vector<16x1xi32> to vector<16xi32>
        %gather3A_387 = tpu.dynamic_gather %get3A_207[%gather3A_386] in [0] : vector<16xf32>, vector<16xi32> -> vector<16xf32>
        %broadcast_in_dim3A_388 = vector.shape_cast %broadcast_in_dim3A_378 : vector<16xi32> to vector<16x1xi32>
        %gather3A_389 = vector.shape_cast %broadcast_in_dim3A_388 : vector<16x1xi32> to vector<16xi32>
        %gather3A_390 = tpu.dynamic_gather %get3A_210[%gather3A_389] in [0] : vector<16xf32>, vector<16xi32> -> vector<16xf32>
        %mul3A_391 = arith.mulf %get3A_78, %gather3A_384 : vector<16xf32>
        %add3A_392 = arith.addf %gather3A_381, %mul3A_391 : vector<16xf32>
        %mul3A_393 = arith.mulf %get3A_81, %gather3A_387 : vector<16xf32>
        %add3A_394 = arith.addf %add3A_392, %mul3A_393 : vector<16xf32>
        %mul3A_395 = arith.mulf %get3A_84, %gather3A_390 : vector<16xf32>
        %add3A_396 = arith.addf %add3A_394, %mul3A_395 : vector<16xf32>
        %min3A_397 = arith.minimumf %min3A_355, %add3A_396 : vector<16xf32>
        %mul3A_398 = arith.mulf %get3A_101, %gather3A_384 : vector<16xf32>
        %add3A_399 = arith.addf %gather3A_381, %mul3A_398 : vector<16xf32>
        %mul3A_400 = arith.mulf %get3A_104, %gather3A_387 : vector<16xf32>
        %add3A_401 = arith.addf %add3A_399, %mul3A_400 : vector<16xf32>
        %mul3A_402 = arith.mulf %get3A_107, %gather3A_390 : vector<16xf32>
        %add3A_403 = arith.addf %add3A_401, %mul3A_402 : vector<16xf32>
        %min3A_404 = arith.minimumf %min3A_362, %add3A_403 : vector<16xf32>
        %mul3A_405 = arith.mulf %get3A_124, %gather3A_384 : vector<16xf32>
        %add3A_406 = arith.addf %gather3A_381, %mul3A_405 : vector<16xf32>
        %mul3A_407 = arith.mulf %get3A_127, %gather3A_387 : vector<16xf32>
        %add3A_408 = arith.addf %add3A_406, %mul3A_407 : vector<16xf32>
        %mul3A_409 = arith.mulf %get3A_130, %gather3A_390 : vector<16xf32>
        %add3A_410 = arith.addf %add3A_408, %mul3A_409 : vector<16xf32>
        %min3A_411 = arith.minimumf %min3A_369, %add3A_410 : vector<16xf32>
        %mul3A_412 = arith.mulf %get3A_147, %gather3A_384 : vector<16xf32>
        %add3A_413 = arith.addf %gather3A_381, %mul3A_412 : vector<16xf32>
        %mul3A_414 = arith.mulf %get3A_150, %gather3A_387 : vector<16xf32>
        %add3A_415 = arith.addf %add3A_413, %mul3A_414 : vector<16xf32>
        %mul3A_416 = arith.mulf %get3A_153, %gather3A_390 : vector<16xf32>
        %add3A_417 = arith.addf %add3A_415, %mul3A_416 : vector<16xf32>
        %min3A_418 = arith.minimumf %min3A_376, %add3A_417 : vector<16xf32>
        %broadcast_in_dim3A_419 = arith.constant 5 : i32
        %broadcast_in_dim3A_420 = vector.broadcast %broadcast_in_dim3A_419 : i32 to vector<16xi32>
        %broadcast_in_dim3A_421 = vector.shape_cast %broadcast_in_dim3A_420 : vector<16xi32> to vector<16x1xi32>
        %gather3A_422 = vector.shape_cast %broadcast_in_dim3A_421 : vector<16x1xi32> to vector<16xi32>
        %gather3A_423 = tpu.dynamic_gather %get3A_201[%gather3A_422] in [0] : vector<16xf32>, vector<16xi32> -> vector<16xf32>
        %broadcast_in_dim3A_424 = vector.shape_cast %broadcast_in_dim3A_420 : vector<16xi32> to vector<16x1xi32>
        %gather3A_425 = vector.shape_cast %broadcast_in_dim3A_424 : vector<16x1xi32> to vector<16xi32>
        %gather3A_426 = tpu.dynamic_gather %get3A_204[%gather3A_425] in [0] : vector<16xf32>, vector<16xi32> -> vector<16xf32>
        %broadcast_in_dim3A_427 = vector.shape_cast %broadcast_in_dim3A_420 : vector<16xi32> to vector<16x1xi32>
        %gather3A_428 = vector.shape_cast %broadcast_in_dim3A_427 : vector<16x1xi32> to vector<16xi32>
        %gather3A_429 = tpu.dynamic_gather %get3A_207[%gather3A_428] in [0] : vector<16xf32>, vector<16xi32> -> vector<16xf32>
        %broadcast_in_dim3A_430 = vector.shape_cast %broadcast_in_dim3A_420 : vector<16xi32> to vector<16x1xi32>
        %gather3A_431 = vector.shape_cast %broadcast_in_dim3A_430 : vector<16x1xi32> to vector<16xi32>
        %gather3A_432 = tpu.dynamic_gather %get3A_210[%gather3A_431] in [0] : vector<16xf32>, vector<16xi32> -> vector<16xf32>
        %mul3A_433 = arith.mulf %get3A_78, %gather3A_426 : vector<16xf32>
        %add3A_434 = arith.addf %gather3A_423, %mul3A_433 : vector<16xf32>
        %mul3A_435 = arith.mulf %get3A_81, %gather3A_429 : vector<16xf32>
        %add3A_436 = arith.addf %add3A_434, %mul3A_435 : vector<16xf32>
        %mul3A_437 = arith.mulf %get3A_84, %gather3A_432 : vector<16xf32>
        %add3A_438 = arith.addf %add3A_436, %mul3A_437 : vector<16xf32>
        %min3A_439 = arith.minimumf %min3A_397, %add3A_438 : vector<16xf32>
        %mul3A_440 = arith.mulf %get3A_101, %gather3A_426 : vector<16xf32>
        %add3A_441 = arith.addf %gather3A_423, %mul3A_440 : vector<16xf32>
        %mul3A_442 = arith.mulf %get3A_104, %gather3A_429 : vector<16xf32>
        %add3A_443 = arith.addf %add3A_441, %mul3A_442 : vector<16xf32>
        %mul3A_444 = arith.mulf %get3A_107, %gather3A_432 : vector<16xf32>
        %add3A_445 = arith.addf %add3A_443, %mul3A_444 : vector<16xf32>
        %min3A_446 = arith.minimumf %min3A_404, %add3A_445 : vector<16xf32>
        %mul3A_447 = arith.mulf %get3A_124, %gather3A_426 : vector<16xf32>
        %add3A_448 = arith.addf %gather3A_423, %mul3A_447 : vector<16xf32>
        %mul3A_449 = arith.mulf %get3A_127, %gather3A_429 : vector<16xf32>
        %add3A_450 = arith.addf %add3A_448, %mul3A_449 : vector<16xf32>
        %mul3A_451 = arith.mulf %get3A_130, %gather3A_432 : vector<16xf32>
        %add3A_452 = arith.addf %add3A_450, %mul3A_451 : vector<16xf32>
        %min3A_453 = arith.minimumf %min3A_411, %add3A_452 : vector<16xf32>
        %mul3A_454 = arith.mulf %get3A_147, %gather3A_426 : vector<16xf32>
        %add3A_455 = arith.addf %gather3A_423, %mul3A_454 : vector<16xf32>
        %mul3A_456 = arith.mulf %get3A_150, %gather3A_429 : vector<16xf32>
        %add3A_457 = arith.addf %add3A_455, %mul3A_456 : vector<16xf32>
        %mul3A_458 = arith.mulf %get3A_153, %gather3A_432 : vector<16xf32>
        %add3A_459 = arith.addf %add3A_457, %mul3A_458 : vector<16xf32>
        %min3A_460 = arith.minimumf %min3A_418, %add3A_459 : vector<16xf32>
        %broadcast_in_dim3A_461 = arith.constant 6 : i32
        %broadcast_in_dim3A_462 = vector.broadcast %broadcast_in_dim3A_461 : i32 to vector<16xi32>
        %broadcast_in_dim3A_463 = vector.shape_cast %broadcast_in_dim3A_462 : vector<16xi32> to vector<16x1xi32>
        %gather3A_464 = vector.shape_cast %broadcast_in_dim3A_463 : vector<16x1xi32> to vector<16xi32>
        %gather3A_465 = tpu.dynamic_gather %get3A_201[%gather3A_464] in [0] : vector<16xf32>, vector<16xi32> -> vector<16xf32>
        %broadcast_in_dim3A_466 = vector.shape_cast %broadcast_in_dim3A_462 : vector<16xi32> to vector<16x1xi32>
        %gather3A_467 = vector.shape_cast %broadcast_in_dim3A_466 : vector<16x1xi32> to vector<16xi32>
        %gather3A_468 = tpu.dynamic_gather %get3A_204[%gather3A_467] in [0] : vector<16xf32>, vector<16xi32> -> vector<16xf32>
        %broadcast_in_dim3A_469 = vector.shape_cast %broadcast_in_dim3A_462 : vector<16xi32> to vector<16x1xi32>
        %gather3A_470 = vector.shape_cast %broadcast_in_dim3A_469 : vector<16x1xi32> to vector<16xi32>
        %gather3A_471 = tpu.dynamic_gather %get3A_207[%gather3A_470] in [0] : vector<16xf32>, vector<16xi32> -> vector<16xf32>
        %broadcast_in_dim3A_472 = vector.shape_cast %broadcast_in_dim3A_462 : vector<16xi32> to vector<16x1xi32>
        %gather3A_473 = vector.shape_cast %broadcast_in_dim3A_472 : vector<16x1xi32> to vector<16xi32>
        %gather3A_474 = tpu.dynamic_gather %get3A_210[%gather3A_473] in [0] : vector<16xf32>, vector<16xi32> -> vector<16xf32>
        %mul3A_475 = arith.mulf %get3A_78, %gather3A_468 : vector<16xf32>
        %add3A_476 = arith.addf %gather3A_465, %mul3A_475 : vector<16xf32>
        %mul3A_477 = arith.mulf %get3A_81, %gather3A_471 : vector<16xf32>
        %add3A_478 = arith.addf %add3A_476, %mul3A_477 : vector<16xf32>
        %mul3A_479 = arith.mulf %get3A_84, %gather3A_474 : vector<16xf32>
        %add3A_480 = arith.addf %add3A_478, %mul3A_479 : vector<16xf32>
        %min3A_481 = arith.minimumf %min3A_439, %add3A_480 : vector<16xf32>
        %mul3A_482 = arith.mulf %get3A_101, %gather3A_468 : vector<16xf32>
        %add3A_483 = arith.addf %gather3A_465, %mul3A_482 : vector<16xf32>
        %mul3A_484 = arith.mulf %get3A_104, %gather3A_471 : vector<16xf32>
        %add3A_485 = arith.addf %add3A_483, %mul3A_484 : vector<16xf32>
        %mul3A_486 = arith.mulf %get3A_107, %gather3A_474 : vector<16xf32>
        %add3A_487 = arith.addf %add3A_485, %mul3A_486 : vector<16xf32>
        %min3A_488 = arith.minimumf %min3A_446, %add3A_487 : vector<16xf32>
        %mul3A_489 = arith.mulf %get3A_124, %gather3A_468 : vector<16xf32>
        %add3A_490 = arith.addf %gather3A_465, %mul3A_489 : vector<16xf32>
        %mul3A_491 = arith.mulf %get3A_127, %gather3A_471 : vector<16xf32>
        %add3A_492 = arith.addf %add3A_490, %mul3A_491 : vector<16xf32>
        %mul3A_493 = arith.mulf %get3A_130, %gather3A_474 : vector<16xf32>
        %add3A_494 = arith.addf %add3A_492, %mul3A_493 : vector<16xf32>
        %min3A_495 = arith.minimumf %min3A_453, %add3A_494 : vector<16xf32>
        %mul3A_496 = arith.mulf %get3A_147, %gather3A_468 : vector<16xf32>
        %add3A_497 = arith.addf %gather3A_465, %mul3A_496 : vector<16xf32>
        %mul3A_498 = arith.mulf %get3A_150, %gather3A_471 : vector<16xf32>
        %add3A_499 = arith.addf %add3A_497, %mul3A_498 : vector<16xf32>
        %mul3A_500 = arith.mulf %get3A_153, %gather3A_474 : vector<16xf32>
        %add3A_501 = arith.addf %add3A_499, %mul3A_500 : vector<16xf32>
        %min3A_502 = arith.minimumf %min3A_460, %add3A_501 : vector<16xf32>
        %broadcast_in_dim3A_503 = arith.constant 7 : i32
        %broadcast_in_dim3A_504 = vector.broadcast %broadcast_in_dim3A_503 : i32 to vector<16xi32>
        %broadcast_in_dim3A_505 = vector.shape_cast %broadcast_in_dim3A_504 : vector<16xi32> to vector<16x1xi32>
        %gather3A_506 = vector.shape_cast %broadcast_in_dim3A_505 : vector<16x1xi32> to vector<16xi32>
        %gather3A_507 = tpu.dynamic_gather %get3A_201[%gather3A_506] in [0] : vector<16xf32>, vector<16xi32> -> vector<16xf32>
        %broadcast_in_dim3A_508 = vector.shape_cast %broadcast_in_dim3A_504 : vector<16xi32> to vector<16x1xi32>
        %gather3A_509 = vector.shape_cast %broadcast_in_dim3A_508 : vector<16x1xi32> to vector<16xi32>
        %gather3A_510 = tpu.dynamic_gather %get3A_204[%gather3A_509] in [0] : vector<16xf32>, vector<16xi32> -> vector<16xf32>
        %broadcast_in_dim3A_511 = vector.shape_cast %broadcast_in_dim3A_504 : vector<16xi32> to vector<16x1xi32>
        %gather3A_512 = vector.shape_cast %broadcast_in_dim3A_511 : vector<16x1xi32> to vector<16xi32>
        %gather3A_513 = tpu.dynamic_gather %get3A_207[%gather3A_512] in [0] : vector<16xf32>, vector<16xi32> -> vector<16xf32>
        %broadcast_in_dim3A_514 = vector.shape_cast %broadcast_in_dim3A_504 : vector<16xi32> to vector<16x1xi32>
        %gather3A_515 = vector.shape_cast %broadcast_in_dim3A_514 : vector<16x1xi32> to vector<16xi32>
        %gather3A_516 = tpu.dynamic_gather %get3A_210[%gather3A_515] in [0] : vector<16xf32>, vector<16xi32> -> vector<16xf32>
        %mul3A_517 = arith.mulf %get3A_78, %gather3A_510 : vector<16xf32>
        %add3A_518 = arith.addf %gather3A_507, %mul3A_517 : vector<16xf32>
        %mul3A_519 = arith.mulf %get3A_81, %gather3A_513 : vector<16xf32>
        %add3A_520 = arith.addf %add3A_518, %mul3A_519 : vector<16xf32>
        %mul3A_521 = arith.mulf %get3A_84, %gather3A_516 : vector<16xf32>
        %add3A_522 = arith.addf %add3A_520, %mul3A_521 : vector<16xf32>
        %min3A_523 = arith.minimumf %min3A_481, %add3A_522 : vector<16xf32>
        %mul3A_524 = arith.mulf %get3A_101, %gather3A_510 : vector<16xf32>
        %add3A_525 = arith.addf %gather3A_507, %mul3A_524 : vector<16xf32>
        %mul3A_526 = arith.mulf %get3A_104, %gather3A_513 : vector<16xf32>
        %add3A_527 = arith.addf %add3A_525, %mul3A_526 : vector<16xf32>
        %mul3A_528 = arith.mulf %get3A_107, %gather3A_516 : vector<16xf32>
        %add3A_529 = arith.addf %add3A_527, %mul3A_528 : vector<16xf32>
        %min3A_530 = arith.minimumf %min3A_488, %add3A_529 : vector<16xf32>
        %mul3A_531 = arith.mulf %get3A_124, %gather3A_510 : vector<16xf32>
        %add3A_532 = arith.addf %gather3A_507, %mul3A_531 : vector<16xf32>
        %mul3A_533 = arith.mulf %get3A_127, %gather3A_513 : vector<16xf32>
        %add3A_534 = arith.addf %add3A_532, %mul3A_533 : vector<16xf32>
        %mul3A_535 = arith.mulf %get3A_130, %gather3A_516 : vector<16xf32>
        %add3A_536 = arith.addf %add3A_534, %mul3A_535 : vector<16xf32>
        %min3A_537 = arith.minimumf %min3A_495, %add3A_536 : vector<16xf32>
        %mul3A_538 = arith.mulf %get3A_147, %gather3A_510 : vector<16xf32>
        %add3A_539 = arith.addf %gather3A_507, %mul3A_538 : vector<16xf32>
        %mul3A_540 = arith.mulf %get3A_150, %gather3A_513 : vector<16xf32>
        %add3A_541 = arith.addf %add3A_539, %mul3A_540 : vector<16xf32>
        %mul3A_542 = arith.mulf %get3A_153, %gather3A_516 : vector<16xf32>
        %add3A_543 = arith.addf %add3A_541, %mul3A_542 : vector<16xf32>
        %min3A_544 = arith.minimumf %min3A_502, %add3A_543 : vector<16xf32>
        %broadcast_in_dim3A_545 = arith.constant 8 : i32
        %broadcast_in_dim3A_546 = vector.broadcast %broadcast_in_dim3A_545 : i32 to vector<16xi32>
        %broadcast_in_dim3A_547 = vector.shape_cast %broadcast_in_dim3A_546 : vector<16xi32> to vector<16x1xi32>
        %gather3A_548 = vector.shape_cast %broadcast_in_dim3A_547 : vector<16x1xi32> to vector<16xi32>
        %gather3A_549 = tpu.dynamic_gather %get3A_201[%gather3A_548] in [0] : vector<16xf32>, vector<16xi32> -> vector<16xf32>
        %broadcast_in_dim3A_550 = vector.shape_cast %broadcast_in_dim3A_546 : vector<16xi32> to vector<16x1xi32>
        %gather3A_551 = vector.shape_cast %broadcast_in_dim3A_550 : vector<16x1xi32> to vector<16xi32>
        %gather3A_552 = tpu.dynamic_gather %get3A_204[%gather3A_551] in [0] : vector<16xf32>, vector<16xi32> -> vector<16xf32>
        %broadcast_in_dim3A_553 = vector.shape_cast %broadcast_in_dim3A_546 : vector<16xi32> to vector<16x1xi32>
        %gather3A_554 = vector.shape_cast %broadcast_in_dim3A_553 : vector<16x1xi32> to vector<16xi32>
        %gather3A_555 = tpu.dynamic_gather %get3A_207[%gather3A_554] in [0] : vector<16xf32>, vector<16xi32> -> vector<16xf32>
        %broadcast_in_dim3A_556 = vector.shape_cast %broadcast_in_dim3A_546 : vector<16xi32> to vector<16x1xi32>
        %gather3A_557 = vector.shape_cast %broadcast_in_dim3A_556 : vector<16x1xi32> to vector<16xi32>
        %gather3A_558 = tpu.dynamic_gather %get3A_210[%gather3A_557] in [0] : vector<16xf32>, vector<16xi32> -> vector<16xf32>
        %mul3A_559 = arith.mulf %get3A_78, %gather3A_552 : vector<16xf32>
        %add3A_560 = arith.addf %gather3A_549, %mul3A_559 : vector<16xf32>
        %mul3A_561 = arith.mulf %get3A_81, %gather3A_555 : vector<16xf32>
        %add3A_562 = arith.addf %add3A_560, %mul3A_561 : vector<16xf32>
        %mul3A_563 = arith.mulf %get3A_84, %gather3A_558 : vector<16xf32>
        %add3A_564 = arith.addf %add3A_562, %mul3A_563 : vector<16xf32>
        %min3A_565 = arith.minimumf %min3A_523, %add3A_564 : vector<16xf32>
        %mul3A_566 = arith.mulf %get3A_101, %gather3A_552 : vector<16xf32>
        %add3A_567 = arith.addf %gather3A_549, %mul3A_566 : vector<16xf32>
        %mul3A_568 = arith.mulf %get3A_104, %gather3A_555 : vector<16xf32>
        %add3A_569 = arith.addf %add3A_567, %mul3A_568 : vector<16xf32>
        %mul3A_570 = arith.mulf %get3A_107, %gather3A_558 : vector<16xf32>
        %add3A_571 = arith.addf %add3A_569, %mul3A_570 : vector<16xf32>
        %min3A_572 = arith.minimumf %min3A_530, %add3A_571 : vector<16xf32>
        %mul3A_573 = arith.mulf %get3A_124, %gather3A_552 : vector<16xf32>
        %add3A_574 = arith.addf %gather3A_549, %mul3A_573 : vector<16xf32>
        %mul3A_575 = arith.mulf %get3A_127, %gather3A_555 : vector<16xf32>
        %add3A_576 = arith.addf %add3A_574, %mul3A_575 : vector<16xf32>
        %mul3A_577 = arith.mulf %get3A_130, %gather3A_558 : vector<16xf32>
        %add3A_578 = arith.addf %add3A_576, %mul3A_577 : vector<16xf32>
        %min3A_579 = arith.minimumf %min3A_537, %add3A_578 : vector<16xf32>
        %mul3A_580 = arith.mulf %get3A_147, %gather3A_552 : vector<16xf32>
        %add3A_581 = arith.addf %gather3A_549, %mul3A_580 : vector<16xf32>
        %mul3A_582 = arith.mulf %get3A_150, %gather3A_555 : vector<16xf32>
        %add3A_583 = arith.addf %add3A_581, %mul3A_582 : vector<16xf32>
        %mul3A_584 = arith.mulf %get3A_153, %gather3A_558 : vector<16xf32>
        %add3A_585 = arith.addf %add3A_583, %mul3A_584 : vector<16xf32>
        %min3A_586 = arith.minimumf %min3A_544, %add3A_585 : vector<16xf32>
        %broadcast_in_dim3A_587 = arith.constant 9 : i32
        %broadcast_in_dim3A_588 = vector.broadcast %broadcast_in_dim3A_587 : i32 to vector<16xi32>
        %broadcast_in_dim3A_589 = vector.shape_cast %broadcast_in_dim3A_588 : vector<16xi32> to vector<16x1xi32>
        %gather3A_590 = vector.shape_cast %broadcast_in_dim3A_589 : vector<16x1xi32> to vector<16xi32>
        %gather3A_591 = tpu.dynamic_gather %get3A_201[%gather3A_590] in [0] : vector<16xf32>, vector<16xi32> -> vector<16xf32>
        %broadcast_in_dim3A_592 = vector.shape_cast %broadcast_in_dim3A_588 : vector<16xi32> to vector<16x1xi32>
        %gather3A_593 = vector.shape_cast %broadcast_in_dim3A_592 : vector<16x1xi32> to vector<16xi32>
        %gather3A_594 = tpu.dynamic_gather %get3A_204[%gather3A_593] in [0] : vector<16xf32>, vector<16xi32> -> vector<16xf32>
        %broadcast_in_dim3A_595 = vector.shape_cast %broadcast_in_dim3A_588 : vector<16xi32> to vector<16x1xi32>
        %gather3A_596 = vector.shape_cast %broadcast_in_dim3A_595 : vector<16x1xi32> to vector<16xi32>
        %gather3A_597 = tpu.dynamic_gather %get3A_207[%gather3A_596] in [0] : vector<16xf32>, vector<16xi32> -> vector<16xf32>
        %broadcast_in_dim3A_598 = vector.shape_cast %broadcast_in_dim3A_588 : vector<16xi32> to vector<16x1xi32>
        %gather3A_599 = vector.shape_cast %broadcast_in_dim3A_598 : vector<16x1xi32> to vector<16xi32>
        %gather3A_600 = tpu.dynamic_gather %get3A_210[%gather3A_599] in [0] : vector<16xf32>, vector<16xi32> -> vector<16xf32>
        %mul3A_601 = arith.mulf %get3A_78, %gather3A_594 : vector<16xf32>
        %add3A_602 = arith.addf %gather3A_591, %mul3A_601 : vector<16xf32>
        %mul3A_603 = arith.mulf %get3A_81, %gather3A_597 : vector<16xf32>
        %add3A_604 = arith.addf %add3A_602, %mul3A_603 : vector<16xf32>
        %mul3A_605 = arith.mulf %get3A_84, %gather3A_600 : vector<16xf32>
        %add3A_606 = arith.addf %add3A_604, %mul3A_605 : vector<16xf32>
        %min3A_607 = arith.minimumf %min3A_565, %add3A_606 : vector<16xf32>
        %mul3A_608 = arith.mulf %get3A_101, %gather3A_594 : vector<16xf32>
        %add3A_609 = arith.addf %gather3A_591, %mul3A_608 : vector<16xf32>
        %mul3A_610 = arith.mulf %get3A_104, %gather3A_597 : vector<16xf32>
        %add3A_611 = arith.addf %add3A_609, %mul3A_610 : vector<16xf32>
        %mul3A_612 = arith.mulf %get3A_107, %gather3A_600 : vector<16xf32>
        %add3A_613 = arith.addf %add3A_611, %mul3A_612 : vector<16xf32>
        %min3A_614 = arith.minimumf %min3A_572, %add3A_613 : vector<16xf32>
        %mul3A_615 = arith.mulf %get3A_124, %gather3A_594 : vector<16xf32>
        %add3A_616 = arith.addf %gather3A_591, %mul3A_615 : vector<16xf32>
        %mul3A_617 = arith.mulf %get3A_127, %gather3A_597 : vector<16xf32>
        %add3A_618 = arith.addf %add3A_616, %mul3A_617 : vector<16xf32>
        %mul3A_619 = arith.mulf %get3A_130, %gather3A_600 : vector<16xf32>
        %add3A_620 = arith.addf %add3A_618, %mul3A_619 : vector<16xf32>
        %min3A_621 = arith.minimumf %min3A_579, %add3A_620 : vector<16xf32>
        %mul3A_622 = arith.mulf %get3A_147, %gather3A_594 : vector<16xf32>
        %add3A_623 = arith.addf %gather3A_591, %mul3A_622 : vector<16xf32>
        %mul3A_624 = arith.mulf %get3A_150, %gather3A_597 : vector<16xf32>
        %add3A_625 = arith.addf %add3A_623, %mul3A_624 : vector<16xf32>
        %mul3A_626 = arith.mulf %get3A_153, %gather3A_600 : vector<16xf32>
        %add3A_627 = arith.addf %add3A_625, %mul3A_626 : vector<16xf32>
        %min3A_628 = arith.minimumf %min3A_586, %add3A_627 : vector<16xf32>
        %broadcast_in_dim3A_629 = arith.constant 10 : i32
        %broadcast_in_dim3A_630 = vector.broadcast %broadcast_in_dim3A_629 : i32 to vector<16xi32>
        %broadcast_in_dim3A_631 = vector.shape_cast %broadcast_in_dim3A_630 : vector<16xi32> to vector<16x1xi32>
        %gather3A_632 = vector.shape_cast %broadcast_in_dim3A_631 : vector<16x1xi32> to vector<16xi32>
        %gather3A_633 = tpu.dynamic_gather %get3A_201[%gather3A_632] in [0] : vector<16xf32>, vector<16xi32> -> vector<16xf32>
        %broadcast_in_dim3A_634 = vector.shape_cast %broadcast_in_dim3A_630 : vector<16xi32> to vector<16x1xi32>
        %gather3A_635 = vector.shape_cast %broadcast_in_dim3A_634 : vector<16x1xi32> to vector<16xi32>
        %gather3A_636 = tpu.dynamic_gather %get3A_204[%gather3A_635] in [0] : vector<16xf32>, vector<16xi32> -> vector<16xf32>
        %broadcast_in_dim3A_637 = vector.shape_cast %broadcast_in_dim3A_630 : vector<16xi32> to vector<16x1xi32>
        %gather3A_638 = vector.shape_cast %broadcast_in_dim3A_637 : vector<16x1xi32> to vector<16xi32>
        %gather3A_639 = tpu.dynamic_gather %get3A_207[%gather3A_638] in [0] : vector<16xf32>, vector<16xi32> -> vector<16xf32>
        %broadcast_in_dim3A_640 = vector.shape_cast %broadcast_in_dim3A_630 : vector<16xi32> to vector<16x1xi32>
        %gather3A_641 = vector.shape_cast %broadcast_in_dim3A_640 : vector<16x1xi32> to vector<16xi32>
        %gather3A_642 = tpu.dynamic_gather %get3A_210[%gather3A_641] in [0] : vector<16xf32>, vector<16xi32> -> vector<16xf32>
        %mul3A_643 = arith.mulf %get3A_78, %gather3A_636 : vector<16xf32>
        %add3A_644 = arith.addf %gather3A_633, %mul3A_643 : vector<16xf32>
        %mul3A_645 = arith.mulf %get3A_81, %gather3A_639 : vector<16xf32>
        %add3A_646 = arith.addf %add3A_644, %mul3A_645 : vector<16xf32>
        %mul3A_647 = arith.mulf %get3A_84, %gather3A_642 : vector<16xf32>
        %add3A_648 = arith.addf %add3A_646, %mul3A_647 : vector<16xf32>
        %min3A_649 = arith.minimumf %min3A_607, %add3A_648 : vector<16xf32>
        %mul3A_650 = arith.mulf %get3A_101, %gather3A_636 : vector<16xf32>
        %add3A_651 = arith.addf %gather3A_633, %mul3A_650 : vector<16xf32>
        %mul3A_652 = arith.mulf %get3A_104, %gather3A_639 : vector<16xf32>
        %add3A_653 = arith.addf %add3A_651, %mul3A_652 : vector<16xf32>
        %mul3A_654 = arith.mulf %get3A_107, %gather3A_642 : vector<16xf32>
        %add3A_655 = arith.addf %add3A_653, %mul3A_654 : vector<16xf32>
        %min3A_656 = arith.minimumf %min3A_614, %add3A_655 : vector<16xf32>
        %mul3A_657 = arith.mulf %get3A_124, %gather3A_636 : vector<16xf32>
        %add3A_658 = arith.addf %gather3A_633, %mul3A_657 : vector<16xf32>
        %mul3A_659 = arith.mulf %get3A_127, %gather3A_639 : vector<16xf32>
        %add3A_660 = arith.addf %add3A_658, %mul3A_659 : vector<16xf32>
        %mul3A_661 = arith.mulf %get3A_130, %gather3A_642 : vector<16xf32>
        %add3A_662 = arith.addf %add3A_660, %mul3A_661 : vector<16xf32>
        %min3A_663 = arith.minimumf %min3A_621, %add3A_662 : vector<16xf32>
        %mul3A_664 = arith.mulf %get3A_147, %gather3A_636 : vector<16xf32>
        %add3A_665 = arith.addf %gather3A_633, %mul3A_664 : vector<16xf32>
        %mul3A_666 = arith.mulf %get3A_150, %gather3A_639 : vector<16xf32>
        %add3A_667 = arith.addf %add3A_665, %mul3A_666 : vector<16xf32>
        %mul3A_668 = arith.mulf %get3A_153, %gather3A_642 : vector<16xf32>
        %add3A_669 = arith.addf %add3A_667, %mul3A_668 : vector<16xf32>
        %min3A_670 = arith.minimumf %min3A_628, %add3A_669 : vector<16xf32>
        %broadcast_in_dim3A_671 = arith.constant 11 : i32
        %broadcast_in_dim3A_672 = vector.broadcast %broadcast_in_dim3A_671 : i32 to vector<16xi32>
        %broadcast_in_dim3A_673 = vector.shape_cast %broadcast_in_dim3A_672 : vector<16xi32> to vector<16x1xi32>
        %gather3A_674 = vector.shape_cast %broadcast_in_dim3A_673 : vector<16x1xi32> to vector<16xi32>
        %gather3A_675 = tpu.dynamic_gather %get3A_201[%gather3A_674] in [0] : vector<16xf32>, vector<16xi32> -> vector<16xf32>
        %broadcast_in_dim3A_676 = vector.shape_cast %broadcast_in_dim3A_672 : vector<16xi32> to vector<16x1xi32>
        %gather3A_677 = vector.shape_cast %broadcast_in_dim3A_676 : vector<16x1xi32> to vector<16xi32>
        %gather3A_678 = tpu.dynamic_gather %get3A_204[%gather3A_677] in [0] : vector<16xf32>, vector<16xi32> -> vector<16xf32>
        %broadcast_in_dim3A_679 = vector.shape_cast %broadcast_in_dim3A_672 : vector<16xi32> to vector<16x1xi32>
        %gather3A_680 = vector.shape_cast %broadcast_in_dim3A_679 : vector<16x1xi32> to vector<16xi32>
        %gather3A_681 = tpu.dynamic_gather %get3A_207[%gather3A_680] in [0] : vector<16xf32>, vector<16xi32> -> vector<16xf32>
        %broadcast_in_dim3A_682 = vector.shape_cast %broadcast_in_dim3A_672 : vector<16xi32> to vector<16x1xi32>
        %gather3A_683 = vector.shape_cast %broadcast_in_dim3A_682 : vector<16x1xi32> to vector<16xi32>
        %gather3A_684 = tpu.dynamic_gather %get3A_210[%gather3A_683] in [0] : vector<16xf32>, vector<16xi32> -> vector<16xf32>
        %mul3A_685 = arith.mulf %get3A_78, %gather3A_678 : vector<16xf32>
        %add3A_686 = arith.addf %gather3A_675, %mul3A_685 : vector<16xf32>
        %mul3A_687 = arith.mulf %get3A_81, %gather3A_681 : vector<16xf32>
        %add3A_688 = arith.addf %add3A_686, %mul3A_687 : vector<16xf32>
        %mul3A_689 = arith.mulf %get3A_84, %gather3A_684 : vector<16xf32>
        %add3A_690 = arith.addf %add3A_688, %mul3A_689 : vector<16xf32>
        %min3A_691 = arith.minimumf %min3A_649, %add3A_690 : vector<16xf32>
        %mul3A_692 = arith.mulf %get3A_101, %gather3A_678 : vector<16xf32>
        %add3A_693 = arith.addf %gather3A_675, %mul3A_692 : vector<16xf32>
        %mul3A_694 = arith.mulf %get3A_104, %gather3A_681 : vector<16xf32>
        %add3A_695 = arith.addf %add3A_693, %mul3A_694 : vector<16xf32>
        %mul3A_696 = arith.mulf %get3A_107, %gather3A_684 : vector<16xf32>
        %add3A_697 = arith.addf %add3A_695, %mul3A_696 : vector<16xf32>
        %min3A_698 = arith.minimumf %min3A_656, %add3A_697 : vector<16xf32>
        %mul3A_699 = arith.mulf %get3A_124, %gather3A_678 : vector<16xf32>
        %add3A_700 = arith.addf %gather3A_675, %mul3A_699 : vector<16xf32>
        %mul3A_701 = arith.mulf %get3A_127, %gather3A_681 : vector<16xf32>
        %add3A_702 = arith.addf %add3A_700, %mul3A_701 : vector<16xf32>
        %mul3A_703 = arith.mulf %get3A_130, %gather3A_684 : vector<16xf32>
        %add3A_704 = arith.addf %add3A_702, %mul3A_703 : vector<16xf32>
        %min3A_705 = arith.minimumf %min3A_663, %add3A_704 : vector<16xf32>
        %mul3A_706 = arith.mulf %get3A_147, %gather3A_678 : vector<16xf32>
        %add3A_707 = arith.addf %gather3A_675, %mul3A_706 : vector<16xf32>
        %mul3A_708 = arith.mulf %get3A_150, %gather3A_681 : vector<16xf32>
        %add3A_709 = arith.addf %add3A_707, %mul3A_708 : vector<16xf32>
        %mul3A_710 = arith.mulf %get3A_153, %gather3A_684 : vector<16xf32>
        %add3A_711 = arith.addf %add3A_709, %mul3A_710 : vector<16xf32>
        %min3A_712 = arith.minimumf %min3A_670, %add3A_711 : vector<16xf32>
        %broadcast_in_dim3A_713 = arith.constant 12 : i32
        %broadcast_in_dim3A_714 = vector.broadcast %broadcast_in_dim3A_713 : i32 to vector<16xi32>
        %broadcast_in_dim3A_715 = vector.shape_cast %broadcast_in_dim3A_714 : vector<16xi32> to vector<16x1xi32>
        %gather3A_716 = vector.shape_cast %broadcast_in_dim3A_715 : vector<16x1xi32> to vector<16xi32>
        %gather3A_717 = tpu.dynamic_gather %get3A_201[%gather3A_716] in [0] : vector<16xf32>, vector<16xi32> -> vector<16xf32>
        %broadcast_in_dim3A_718 = vector.shape_cast %broadcast_in_dim3A_714 : vector<16xi32> to vector<16x1xi32>
        %gather3A_719 = vector.shape_cast %broadcast_in_dim3A_718 : vector<16x1xi32> to vector<16xi32>
        %gather3A_720 = tpu.dynamic_gather %get3A_204[%gather3A_719] in [0] : vector<16xf32>, vector<16xi32> -> vector<16xf32>
        %broadcast_in_dim3A_721 = vector.shape_cast %broadcast_in_dim3A_714 : vector<16xi32> to vector<16x1xi32>
        %gather3A_722 = vector.shape_cast %broadcast_in_dim3A_721 : vector<16x1xi32> to vector<16xi32>
        %gather3A_723 = tpu.dynamic_gather %get3A_207[%gather3A_722] in [0] : vector<16xf32>, vector<16xi32> -> vector<16xf32>
        %broadcast_in_dim3A_724 = vector.shape_cast %broadcast_in_dim3A_714 : vector<16xi32> to vector<16x1xi32>
        %gather3A_725 = vector.shape_cast %broadcast_in_dim3A_724 : vector<16x1xi32> to vector<16xi32>
        %gather3A_726 = tpu.dynamic_gather %get3A_210[%gather3A_725] in [0] : vector<16xf32>, vector<16xi32> -> vector<16xf32>
        %mul3A_727 = arith.mulf %get3A_78, %gather3A_720 : vector<16xf32>
        %add3A_728 = arith.addf %gather3A_717, %mul3A_727 : vector<16xf32>
        %mul3A_729 = arith.mulf %get3A_81, %gather3A_723 : vector<16xf32>
        %add3A_730 = arith.addf %add3A_728, %mul3A_729 : vector<16xf32>
        %mul3A_731 = arith.mulf %get3A_84, %gather3A_726 : vector<16xf32>
        %add3A_732 = arith.addf %add3A_730, %mul3A_731 : vector<16xf32>
        %min3A_733 = arith.minimumf %min3A_691, %add3A_732 : vector<16xf32>
        %mul3A_734 = arith.mulf %get3A_101, %gather3A_720 : vector<16xf32>
        %add3A_735 = arith.addf %gather3A_717, %mul3A_734 : vector<16xf32>
        %mul3A_736 = arith.mulf %get3A_104, %gather3A_723 : vector<16xf32>
        %add3A_737 = arith.addf %add3A_735, %mul3A_736 : vector<16xf32>
        %mul3A_738 = arith.mulf %get3A_107, %gather3A_726 : vector<16xf32>
        %add3A_739 = arith.addf %add3A_737, %mul3A_738 : vector<16xf32>
        %min3A_740 = arith.minimumf %min3A_698, %add3A_739 : vector<16xf32>
        %mul3A_741 = arith.mulf %get3A_124, %gather3A_720 : vector<16xf32>
        %add3A_742 = arith.addf %gather3A_717, %mul3A_741 : vector<16xf32>
        %mul3A_743 = arith.mulf %get3A_127, %gather3A_723 : vector<16xf32>
        %add3A_744 = arith.addf %add3A_742, %mul3A_743 : vector<16xf32>
        %mul3A_745 = arith.mulf %get3A_130, %gather3A_726 : vector<16xf32>
        %add3A_746 = arith.addf %add3A_744, %mul3A_745 : vector<16xf32>
        %min3A_747 = arith.minimumf %min3A_705, %add3A_746 : vector<16xf32>
        %mul3A_748 = arith.mulf %get3A_147, %gather3A_720 : vector<16xf32>
        %add3A_749 = arith.addf %gather3A_717, %mul3A_748 : vector<16xf32>
        %mul3A_750 = arith.mulf %get3A_150, %gather3A_723 : vector<16xf32>
        %add3A_751 = arith.addf %add3A_749, %mul3A_750 : vector<16xf32>
        %mul3A_752 = arith.mulf %get3A_153, %gather3A_726 : vector<16xf32>
        %add3A_753 = arith.addf %add3A_751, %mul3A_752 : vector<16xf32>
        %min3A_754 = arith.minimumf %min3A_712, %add3A_753 : vector<16xf32>
        %broadcast_in_dim3A_755 = arith.constant 13 : i32
        %broadcast_in_dim3A_756 = vector.broadcast %broadcast_in_dim3A_755 : i32 to vector<16xi32>
        %broadcast_in_dim3A_757 = vector.shape_cast %broadcast_in_dim3A_756 : vector<16xi32> to vector<16x1xi32>
        %gather3A_758 = vector.shape_cast %broadcast_in_dim3A_757 : vector<16x1xi32> to vector<16xi32>
        %gather3A_759 = tpu.dynamic_gather %get3A_201[%gather3A_758] in [0] : vector<16xf32>, vector<16xi32> -> vector<16xf32>
        %broadcast_in_dim3A_760 = vector.shape_cast %broadcast_in_dim3A_756 : vector<16xi32> to vector<16x1xi32>
        %gather3A_761 = vector.shape_cast %broadcast_in_dim3A_760 : vector<16x1xi32> to vector<16xi32>
        %gather3A_762 = tpu.dynamic_gather %get3A_204[%gather3A_761] in [0] : vector<16xf32>, vector<16xi32> -> vector<16xf32>
        %broadcast_in_dim3A_763 = vector.shape_cast %broadcast_in_dim3A_756 : vector<16xi32> to vector<16x1xi32>
        %gather3A_764 = vector.shape_cast %broadcast_in_dim3A_763 : vector<16x1xi32> to vector<16xi32>
        %gather3A_765 = tpu.dynamic_gather %get3A_207[%gather3A_764] in [0] : vector<16xf32>, vector<16xi32> -> vector<16xf32>
        %broadcast_in_dim3A_766 = vector.shape_cast %broadcast_in_dim3A_756 : vector<16xi32> to vector<16x1xi32>
        %gather3A_767 = vector.shape_cast %broadcast_in_dim3A_766 : vector<16x1xi32> to vector<16xi32>
        %gather3A_768 = tpu.dynamic_gather %get3A_210[%gather3A_767] in [0] : vector<16xf32>, vector<16xi32> -> vector<16xf32>
        %mul3A_769 = arith.mulf %get3A_78, %gather3A_762 : vector<16xf32>
        %add3A_770 = arith.addf %gather3A_759, %mul3A_769 : vector<16xf32>
        %mul3A_771 = arith.mulf %get3A_81, %gather3A_765 : vector<16xf32>
        %add3A_772 = arith.addf %add3A_770, %mul3A_771 : vector<16xf32>
        %mul3A_773 = arith.mulf %get3A_84, %gather3A_768 : vector<16xf32>
        %add3A_774 = arith.addf %add3A_772, %mul3A_773 : vector<16xf32>
        %min3A_775 = arith.minimumf %min3A_733, %add3A_774 : vector<16xf32>
        %mul3A_776 = arith.mulf %get3A_101, %gather3A_762 : vector<16xf32>
        %add3A_777 = arith.addf %gather3A_759, %mul3A_776 : vector<16xf32>
        %mul3A_778 = arith.mulf %get3A_104, %gather3A_765 : vector<16xf32>
        %add3A_779 = arith.addf %add3A_777, %mul3A_778 : vector<16xf32>
        %mul3A_780 = arith.mulf %get3A_107, %gather3A_768 : vector<16xf32>
        %add3A_781 = arith.addf %add3A_779, %mul3A_780 : vector<16xf32>
        %min3A_782 = arith.minimumf %min3A_740, %add3A_781 : vector<16xf32>
        %mul3A_783 = arith.mulf %get3A_124, %gather3A_762 : vector<16xf32>
        %add3A_784 = arith.addf %gather3A_759, %mul3A_783 : vector<16xf32>
        %mul3A_785 = arith.mulf %get3A_127, %gather3A_765 : vector<16xf32>
        %add3A_786 = arith.addf %add3A_784, %mul3A_785 : vector<16xf32>
        %mul3A_787 = arith.mulf %get3A_130, %gather3A_768 : vector<16xf32>
        %add3A_788 = arith.addf %add3A_786, %mul3A_787 : vector<16xf32>
        %min3A_789 = arith.minimumf %min3A_747, %add3A_788 : vector<16xf32>
        %mul3A_790 = arith.mulf %get3A_147, %gather3A_762 : vector<16xf32>
        %add3A_791 = arith.addf %gather3A_759, %mul3A_790 : vector<16xf32>
        %mul3A_792 = arith.mulf %get3A_150, %gather3A_765 : vector<16xf32>
        %add3A_793 = arith.addf %add3A_791, %mul3A_792 : vector<16xf32>
        %mul3A_794 = arith.mulf %get3A_153, %gather3A_768 : vector<16xf32>
        %add3A_795 = arith.addf %add3A_793, %mul3A_794 : vector<16xf32>
        %min3A_796 = arith.minimumf %min3A_754, %add3A_795 : vector<16xf32>
        %broadcast_in_dim3A_797 = arith.constant 14 : i32
        %broadcast_in_dim3A_798 = vector.broadcast %broadcast_in_dim3A_797 : i32 to vector<16xi32>
        %broadcast_in_dim3A_799 = vector.shape_cast %broadcast_in_dim3A_798 : vector<16xi32> to vector<16x1xi32>
        %gather3A_800 = vector.shape_cast %broadcast_in_dim3A_799 : vector<16x1xi32> to vector<16xi32>
        %gather3A_801 = tpu.dynamic_gather %get3A_201[%gather3A_800] in [0] : vector<16xf32>, vector<16xi32> -> vector<16xf32>
        %broadcast_in_dim3A_802 = vector.shape_cast %broadcast_in_dim3A_798 : vector<16xi32> to vector<16x1xi32>
        %gather3A_803 = vector.shape_cast %broadcast_in_dim3A_802 : vector<16x1xi32> to vector<16xi32>
        %gather3A_804 = tpu.dynamic_gather %get3A_204[%gather3A_803] in [0] : vector<16xf32>, vector<16xi32> -> vector<16xf32>
        %broadcast_in_dim3A_805 = vector.shape_cast %broadcast_in_dim3A_798 : vector<16xi32> to vector<16x1xi32>
        %gather3A_806 = vector.shape_cast %broadcast_in_dim3A_805 : vector<16x1xi32> to vector<16xi32>
        %gather3A_807 = tpu.dynamic_gather %get3A_207[%gather3A_806] in [0] : vector<16xf32>, vector<16xi32> -> vector<16xf32>
        %broadcast_in_dim3A_808 = vector.shape_cast %broadcast_in_dim3A_798 : vector<16xi32> to vector<16x1xi32>
        %gather3A_809 = vector.shape_cast %broadcast_in_dim3A_808 : vector<16x1xi32> to vector<16xi32>
        %gather3A_810 = tpu.dynamic_gather %get3A_210[%gather3A_809] in [0] : vector<16xf32>, vector<16xi32> -> vector<16xf32>
        %mul3A_811 = arith.mulf %get3A_78, %gather3A_804 : vector<16xf32>
        %add3A_812 = arith.addf %gather3A_801, %mul3A_811 : vector<16xf32>
        %mul3A_813 = arith.mulf %get3A_81, %gather3A_807 : vector<16xf32>
        %add3A_814 = arith.addf %add3A_812, %mul3A_813 : vector<16xf32>
        %mul3A_815 = arith.mulf %get3A_84, %gather3A_810 : vector<16xf32>
        %add3A_816 = arith.addf %add3A_814, %mul3A_815 : vector<16xf32>
        %min3A_817 = arith.minimumf %min3A_775, %add3A_816 : vector<16xf32>
        %mul3A_818 = arith.mulf %get3A_101, %gather3A_804 : vector<16xf32>
        %add3A_819 = arith.addf %gather3A_801, %mul3A_818 : vector<16xf32>
        %mul3A_820 = arith.mulf %get3A_104, %gather3A_807 : vector<16xf32>
        %add3A_821 = arith.addf %add3A_819, %mul3A_820 : vector<16xf32>
        %mul3A_822 = arith.mulf %get3A_107, %gather3A_810 : vector<16xf32>
        %add3A_823 = arith.addf %add3A_821, %mul3A_822 : vector<16xf32>
        %min3A_824 = arith.minimumf %min3A_782, %add3A_823 : vector<16xf32>
        %mul3A_825 = arith.mulf %get3A_124, %gather3A_804 : vector<16xf32>
        %add3A_826 = arith.addf %gather3A_801, %mul3A_825 : vector<16xf32>
        %mul3A_827 = arith.mulf %get3A_127, %gather3A_807 : vector<16xf32>
        %add3A_828 = arith.addf %add3A_826, %mul3A_827 : vector<16xf32>
        %mul3A_829 = arith.mulf %get3A_130, %gather3A_810 : vector<16xf32>
        %add3A_830 = arith.addf %add3A_828, %mul3A_829 : vector<16xf32>
        %min3A_831 = arith.minimumf %min3A_789, %add3A_830 : vector<16xf32>
        %mul3A_832 = arith.mulf %get3A_147, %gather3A_804 : vector<16xf32>
        %add3A_833 = arith.addf %gather3A_801, %mul3A_832 : vector<16xf32>
        %mul3A_834 = arith.mulf %get3A_150, %gather3A_807 : vector<16xf32>
        %add3A_835 = arith.addf %add3A_833, %mul3A_834 : vector<16xf32>
        %mul3A_836 = arith.mulf %get3A_153, %gather3A_810 : vector<16xf32>
        %add3A_837 = arith.addf %add3A_835, %mul3A_836 : vector<16xf32>
        %min3A_838 = arith.minimumf %min3A_796, %add3A_837 : vector<16xf32>
        %broadcast_in_dim3A_839 = arith.constant 15 : i32
        %broadcast_in_dim3A_840 = vector.broadcast %broadcast_in_dim3A_839 : i32 to vector<16xi32>
        %broadcast_in_dim3A_841 = vector.shape_cast %broadcast_in_dim3A_840 : vector<16xi32> to vector<16x1xi32>
        %gather3A_842 = vector.shape_cast %broadcast_in_dim3A_841 : vector<16x1xi32> to vector<16xi32>
        %gather3A_843 = tpu.dynamic_gather %get3A_201[%gather3A_842] in [0] : vector<16xf32>, vector<16xi32> -> vector<16xf32>
        %broadcast_in_dim3A_844 = vector.shape_cast %broadcast_in_dim3A_840 : vector<16xi32> to vector<16x1xi32>
        %gather3A_845 = vector.shape_cast %broadcast_in_dim3A_844 : vector<16x1xi32> to vector<16xi32>
        %gather3A_846 = tpu.dynamic_gather %get3A_204[%gather3A_845] in [0] : vector<16xf32>, vector<16xi32> -> vector<16xf32>
        %broadcast_in_dim3A_847 = vector.shape_cast %broadcast_in_dim3A_840 : vector<16xi32> to vector<16x1xi32>
        %gather3A_848 = vector.shape_cast %broadcast_in_dim3A_847 : vector<16x1xi32> to vector<16xi32>
        %gather3A_849 = tpu.dynamic_gather %get3A_207[%gather3A_848] in [0] : vector<16xf32>, vector<16xi32> -> vector<16xf32>
        %broadcast_in_dim3A_850 = vector.shape_cast %broadcast_in_dim3A_840 : vector<16xi32> to vector<16x1xi32>
        %gather3A_851 = vector.shape_cast %broadcast_in_dim3A_850 : vector<16x1xi32> to vector<16xi32>
        %gather3A_852 = tpu.dynamic_gather %get3A_210[%gather3A_851] in [0] : vector<16xf32>, vector<16xi32> -> vector<16xf32>
        %mul3A_853 = arith.mulf %get3A_78, %gather3A_846 : vector<16xf32>
        %add3A_854 = arith.addf %gather3A_843, %mul3A_853 : vector<16xf32>
        %mul3A_855 = arith.mulf %get3A_81, %gather3A_849 : vector<16xf32>
        %add3A_856 = arith.addf %add3A_854, %mul3A_855 : vector<16xf32>
        %mul3A_857 = arith.mulf %get3A_84, %gather3A_852 : vector<16xf32>
        %add3A_858 = arith.addf %add3A_856, %mul3A_857 : vector<16xf32>
        %min3A_859 = arith.minimumf %min3A_817, %add3A_858 : vector<16xf32>
        %mul3A_860 = arith.mulf %get3A_101, %gather3A_846 : vector<16xf32>
        %add3A_861 = arith.addf %gather3A_843, %mul3A_860 : vector<16xf32>
        %mul3A_862 = arith.mulf %get3A_104, %gather3A_849 : vector<16xf32>
        %add3A_863 = arith.addf %add3A_861, %mul3A_862 : vector<16xf32>
        %mul3A_864 = arith.mulf %get3A_107, %gather3A_852 : vector<16xf32>
        %add3A_865 = arith.addf %add3A_863, %mul3A_864 : vector<16xf32>
        %min3A_866 = arith.minimumf %min3A_824, %add3A_865 : vector<16xf32>
        %mul3A_867 = arith.mulf %get3A_124, %gather3A_846 : vector<16xf32>
        %add3A_868 = arith.addf %gather3A_843, %mul3A_867 : vector<16xf32>
        %mul3A_869 = arith.mulf %get3A_127, %gather3A_849 : vector<16xf32>
        %add3A_870 = arith.addf %add3A_868, %mul3A_869 : vector<16xf32>
        %mul3A_871 = arith.mulf %get3A_130, %gather3A_852 : vector<16xf32>
        %add3A_872 = arith.addf %add3A_870, %mul3A_871 : vector<16xf32>
        %min3A_873 = arith.minimumf %min3A_831, %add3A_872 : vector<16xf32>
        %mul3A_874 = arith.mulf %get3A_147, %gather3A_846 : vector<16xf32>
        %add3A_875 = arith.addf %gather3A_843, %mul3A_874 : vector<16xf32>
        %mul3A_876 = arith.mulf %get3A_150, %gather3A_849 : vector<16xf32>
        %add3A_877 = arith.addf %add3A_875, %mul3A_876 : vector<16xf32>
        %mul3A_878 = arith.mulf %get3A_153, %gather3A_852 : vector<16xf32>
        %add3A_879 = arith.addf %add3A_877, %mul3A_878 : vector<16xf32>
        %min3A_880 = arith.minimumf %min3A_838, %add3A_879 : vector<16xf32>
        scf.yield %min3A_859, %min3A_866, %min3A_873, %min3A_880 : vector<16xf32>, vector<16xf32>, vector<16xf32>, vector<16xf32>
      }
      %scan3A_172 = arith.constant 128 : i32
      %add3A_173 = arith.addf %scan3A_171#0, %add3A_89 : vector<16xf32>
      %max3A = arith.constant 0.000000e+00 : f32
      %max3A_174 = vector.broadcast %max3A : f32 to vector<16xf32>
      %max3A_175 = arith.maximumf %add3A_173, %max3A_174 : vector<16xf32>
      %add3A_176 = arith.addf %scan3A_67, %max3A_175 : vector<16xf32>
      %add3A_177 = arith.addf %scan3A_171#1, %add3A_112 : vector<16xf32>
      %max3A_178 = arith.constant 0.000000e+00 : f32
      %max3A_179 = vector.broadcast %max3A_178 : f32 to vector<16xf32>
      %max3A_180 = arith.maximumf %add3A_177, %max3A_179 : vector<16xf32>
      %add3A_181 = arith.addf %add3A_176, %max3A_180 : vector<16xf32>
      %add3A_182 = arith.addf %scan3A_171#2, %add3A_135 : vector<16xf32>
      %max3A_183 = arith.constant 0.000000e+00 : f32
      %max3A_184 = vector.broadcast %max3A_183 : f32 to vector<16xf32>
      %max3A_185 = arith.maximumf %add3A_182, %max3A_184 : vector<16xf32>
      %add3A_186 = arith.addf %add3A_181, %max3A_185 : vector<16xf32>
      %add3A_187 = arith.addf %scan3A_171#3, %add3A_158 : vector<16xf32>
      %max3A_188 = arith.constant 0.000000e+00 : f32
      %max3A_189 = vector.broadcast %max3A_188 : f32 to vector<16xf32>
      %max3A_190 = arith.maximumf %add3A_187, %max3A_189 : vector<16xf32>
      %add3A_191 = arith.addf %add3A_186, %max3A_190 : vector<16xf32>
      scf.yield %add3A_191 : vector<16xf32>
    }
    %scan3A_60 = arith.constant 8 : i32
    %swap3A = arith.constant 0 : index
    %swap3A_61 = tpu.vector_load %arg19[%swap3A] {strides = array<i32>} : memref<16xf32, #tpu.memory_space<vmem>>, vector<16xf32>,
    %swap3A_62 = vector.shape_cast %swap3A_61 : vector<16xf32> to vector<16xf32>
    %swap3A_63 = vector.shape_cast %scan3A_59 : vector<16xf32> to vector<16xf32>
    tpu.vector_store %arg19[%swap3A], %swap3A_63 {strides = array<i32>} : memref<16xf32, #tpu.memory_space<vmem>>, vector<16xf32>,
    %mul3A_64 = arith.constant 16 : i32
    %mul3A_65 = arith.muli %add3A, %mul3A_64 : i32
    "tpu.region"() ({
      %run_scoped3A = tpu.sem_alloc : memref<!tpu.dma_semaphore, #tpu.memory_space<semaphore_mem>>
      %dma_start3A = tpu.memref_slice %arg4[%mul3A_65] : memref<512xf32, #tpu.memory_space<hbm>> -> memref<16xf32, #tpu.memory_space<hbm>>
      %dma_start3A_66 = tpu.memref_slice %arg4[%mul3A_65] : memref<512xf32, #tpu.memory_space<hbm>> -> memref<16xf32, #tpu.memory_space<hbm>>
      tpu.enqueue_dma source(%arg19 : memref<16xf32, #tpu.memory_space<vmem>>) target(%dma_start3A_66 : memref<16xf32, #tpu.memory_space<hbm>>) target_semaphore(%run_scoped3A : memref<!tpu.dma_semaphore, #tpu.memory_space<semaphore_mem>>)
      %dma_wait3A = tpu.memref_slice %arg4[%mul3A_65] : memref<512xf32, #tpu.memory_space<hbm>> -> memref<16xf32, #tpu.memory_space<hbm>>
      %dma_wait3A_67 = tpu.memref_slice %arg4[%mul3A_65] : memref<512xf32, #tpu.memory_space<hbm>> -> memref<16xf32, #tpu.memory_space<hbm>>
      tpu.wait_dma2 semaphore(%run_scoped3A : memref<!tpu.dma_semaphore, #tpu.memory_space<semaphore_mem>>) src(%arg19 : memref<16xf32, #tpu.memory_space<vmem>>) dst(%dma_wait3A_67 : memref<16xf32, #tpu.memory_space<hbm>>)
      tpu.yield
    }) : () -> ()
    return
  }
}

</mosaic_0001>

<sc_bundles>
// kernel: kernel.3.cloned.1.call-start
scs
__scs_entry_jumppad:
0x0: {  	(pc) =	sbr.rel $0x88, $3  }
0x1: {  	(tag) =	ssettag $0x0;
	lr =	simm.s32 $0x1  }
0x2: {  	[smem:$0x3F9F] =	sst lr;
	_ =	strace $0xD0000000  }
0x3: {  	_ = 	snop  }
0x4: {  	_ = 	snop  }
0x5: {  	_ = 	snop  }
0x6: {  	_ = 	snop  }
0x7: {  	_ = 	snop  }
__scs_overlays_trampoline_lowered:
0x8: {  	[smem:$0x3FAE] =	sst s0  }
0x9: {  	[smem:$0x3FAF] =	sst s1  }
0xa: {  	[smem:$0x3FB0] =	sst s2  }
0xb: {  	[smem:$0x3FB1] =	sst s3  }
0xc: {  	[smem:$0x3FB2] =	sst s4  }
0xd: {  	[smem:$0x3FB3] =	sst s5  }
0xe: {  	[smem:$0x3FB4] =	sst s6  }
0xf: {  	[smem:$0x3FB5] =	sst s7  }
0x10: {  	[smem:$0x3FB6] =	sst s8  }
0x11: {  	[smem:$0x3FB7] =	sst s9;
	s0 =	simm.s32 @!p0 $0x0  }
0x12: {  	s1 =	sld [smem:$0x3F9D];
	s0 =	simm.s32 @p0 $0x1  }
0x13: {  	[smem:$0x3FB8] =	sst s0;
	s0 =	simm.s32 @!p1 $0x0  }
0x14: {  	s2 =	sld [smem:$0x3F9C];
	s0 =	simm.s32 @p1 $0x1  }
0x15: {  	[smem:$0x3FB9] =	sst s0;
	s0 =	simm.s32 @!p2 $0x0  }
0x16: {  	s3 =	sld [smem:$0x3FDB];
	s0 =	simm.s32 @p2 $0x1  }
0x17: {  	s4 =	simm.s32 $0x1BF5;
	[smem:$0x3FBB] =	sst s0  }
0x18: {  	s0 =	sld [smem:$0x3F9E];
	_ =	swait.ge [sflag:s4], $0x0  }
0x19: {  	s7 =	sld [smem:$0x3F9F]  }
0x1a: {  	s8 =	sadd.s32 $0xFFFFE003, lr  }
0x1b: {  	s9 =	sadd.s32 $0xFFFFFEF7, lr;
	s5 =	simm.s32 $0xFFFFFFFF;
	p2 =	slt.u32 s8, $0xFFFFF086  }
0x1c: {  	p1 =	slt.u32 s9, $0xF7A;
	s5 =	simm.s32 @!p2 $0x0  }
0x1d: {  	s5 =	simm.s32 @p1 $0x1;
	p0 =	seq.s32 s7, s2  }
0x1e: {  	s7 =	smul.u32 @!p0 $0xF7A, s2;
	p2 =	seq.s32 @!p0 s5, $0x0  }
0x1f: {  	s9 =	smul.u32 $0xF7A, s1;
	s8 =	simm.s32 @!p0 $0x1BF5;
	p2 =	por !p2, p0  }
0x20: {  	[sflag:s8] =	ssyncset.s32 @!p0 $0xFFFFF086;
	s6 =	sadd.s32 @!p0 s3, s7;
	s7 =	simm.s32 @!p0 $0x108  }
0x21: {  	s3 =	sadd.s32 s3, s9;
	s6 =	sadd.s32 @!p0 $0x88, s6;
	s7 =	simm.s32 @p2 $0x1082  }
0x22: {  	[simem:s7], [sflag:s8] =	dma.local @!p0 [hbm:s6], $0xF7A  }
0x23: {  	s9 =	sor.u32 $0xD0000000, s2;
	s6 =	simm.s32 $0x108;
	_ =	swait.ge @!p0 [sflag:s8], $0x0  }
0x24: {  	s3 =	sadd.s32 $0x88, s3;
	s6 =	simm.s32 @!p1 $0x1082;
	[sflag:s4] =	ssyncset.s32 $0xFFFFF086  }
0x25: {  	[simem:s6], [sflag:s4] =	dma.local [hbm:s3], $0xF7A  }
0x26: {  	[smem:$0x3F9F] =	sst s1;
	(tag) =	ssettag s2;
	_ =	strace s9  }
0x27: {  	s1 =	sld [smem:$0x3FAF]  }
0x28: {  	s2 =	sld [smem:$0x3FB0]  }
0x29: {  	s4 =	sld [smem:$0x3FB2]  }
0x2a: {  	p0 =	seq.s32 s5, $0x0;
	s5 =	sld [smem:$0x3FB3]  }
0x2b: {  	s6 =	sld [smem:$0x3FB4]  }
0x2c: {  	s7 =	sld [smem:$0x3FB5]  }
0x2d: {  	s3 =	simm.s32 $0x108;
	s8 =	sld [smem:$0x3FB6]  }
0x2e: {  	s3 =	simm.s32 @!p0 $0x1082;
	s9 =	sld [smem:$0x3FB7]  }
0x2f: {  	lr =	sadd.s32 s0, s3;
	s0 =	sld [smem:$0x3FAE]  }
0x30: {  	s3 =	sld [smem:$0x3FB1]  }
0x31: {  	[smem:$0x3FBA] =	sst s10  }
0x32: {  	s10 =	sld [smem:$0x3FB8];
	_ =	sdelay $0x3  }
0x33: {  	p0 =	seq.s32 s10, $0x1;
	s10 =	sld [smem:$0x3FBA];
	_ =	sdelay $0x3  }
0x34: {  	[smem:$0x3FBA] =	sst s10  }
0x35: {  	s10 =	sld [smem:$0x3FB9];
	_ =	sdelay $0x3  }
0x36: {  	p1 =	seq.s32 s10, $0x1;
	s10 =	sld [smem:$0x3FBA];
	_ =	sdelay $0x3  }
0x37: {  	[smem:$0x3FBA] =	sst s10  }
0x38: {  	s10 =	sld [smem:$0x3FBB]  }
0x39: {  	_ = 	snop;
	(pc) =	sbr.ind lr, $3  }
0x3a: {  	_ = 	snop  }
0x3b: {  	_ = 	snop  }
0x3c: {  	p2 =	seq.s32 s10, $0x1;
	s10 =	sld [smem:$0x3FBA]  }
0x3d: {  	_ =	shalt  }
0x3e: {  	_ =	shalt  }
0x3f: {  	_ =	shalt  }
0x40: {  	_ =	shalt  }
0x41: {  	_ =	shalt  }
0x42: {  	_ =	shalt  }
0x43: {  	_ =	shalt  }
0x44: {  	_ =	shalt  }
0x45: {  	_ =	shalt  }
0x46: {  	_ =	shalt  }
0x47: {  	_ =	shalt  }
0x48: {  	_ =	shalt  }
0x49: {  	_ =	shalt  }
0x4a: {  	_ =	shalt  }
0x4b: {  	_ =	shalt  }
0x4c: {  	_ =	shalt  }
0x4d: {  	_ =	shalt  }
0x4e: {  	_ =	shalt  }
0x4f: {  	_ =	shalt  }
0x50: {  	_ =	shalt  }
0x51: {  	_ =	shalt  }
0x52: {  	_ =	shalt  }
0x53: {  	_ =	shalt  }
0x54: {  	_ =	shalt  }
0x55: {  	_ =	shalt  }
0x56: {  	_ =	shalt  }
0x57: {  	_ =	shalt  }
0x58: {  	_ =	shalt  }
0x59: {  	_ =	shalt  }
0x5a: {  	_ =	shalt  }
0x5b: {  	_ =	shalt  }
0x5c: {  	_ =	shalt  }
0x5d: {  	_ =	shalt  }
0x5e: {  	_ =	shalt  }
0x5f: {  	_ =	shalt  }
0x60: {  	_ =	shalt  }
0x61: {  	_ =	shalt  }
0x62: {  	_ =	shalt  }
0x63: {  	_ =	shalt  }
0x64: {  	_ =	shalt  }
0x65: {  	_ =	shalt  }
0x66: {  	_ =	shalt  }
0x67: {  	_ =	shalt  }
0x68: {  	_ =	shalt  }
0x69: {  	_ =	shalt  }
0x6a: {  	_ =	shalt  }
0x6b: {  	_ =	shalt  }
0x6c: {  	_ =	shalt  }
0x6d: {  	_ =	shalt  }
0x6e: {  	_ =	shalt  }
0x6f: {  	_ =	shalt  }
0x70: {  	_ =	shalt  }
0x71: {  	_ =	shalt  }
0x72: {  	_ =	shalt  }
0x73: {  	_ =	shalt  }
0x74: {  	_ =	shalt  }
0x75: {  	_ =	shalt  }
0x76: {  	_ =	shalt  }
0x77: {  	_ =	shalt  }
0x78: {  	_ =	shalt  }
0x79: {  	_ =	shalt  }
0x7a: {  	_ =	shalt  }
0x7b: {  	_ =	shalt  }
0x7c: {  	_ =	shalt  }
0x7d: {  	_ =	shalt  }
0x7e: {  	_ =	shalt  }
0x7f: {  	_ =	shalt  }
0x80: {  	_ =	shalt  }
0x81: {  	_ =	shalt  }
0x82: {  	_ =	shalt  }
0x83: {  	_ =	shalt  }
0x84: {  	_ =	shalt  }
0x85: {  	_ =	shalt  }
0x86: {  	_ =	shalt  }
0x87: {  	_ =	shalt  }
.Lfunc_end0:
.L_simem_size_0:
called_computation_lowered:
.L_overlay_start_0:
0x88: {  	s2 =	sld [smem:$0x3FD9]  }
0x89: {  	s3 =	sld [smem:$0x3FFE];
	_ =	sdelay $0x1  }
0x8a: {  	s1 =	srdreg.scid  }
0x8b: {  	s0 =	sand.u32 $0x1, s1  }
0x8c: {  	s16 =	sshll.u32 s0, $0xA;
	s2 =	sadd.s32 s3, s2  }
0x8d: {  	s2 =	sadd.s32 s2, s16  }
0x8e: {  	[smem:$0x3FC6] =	sst s2  }
0x8f: {  	_ = 	snop  }
0x90: {  	(tm) =	ssettm $0x1  }
0x91: {  	s17 =	sld [smem:$0x3FFB];
	_ =	sdelay $0x3  }
0x92: {  	_ =	strace s17  }
0x93: {  	s2 =	sld [smem:$0x3FFC];
	_ =	sdelay $0x3  }
0x94: {  	_ =	strace s2  }
0x95: {  	s2 =	sld [smem:$0x3FFD];
	_ =	sdelay $0x3  }
0x96: {  	_ =	strace s2  }
0x97: {  	_ =	strace $0x8FFFFFFF  }
0x98: {  	s18 =	sld [smem:$0x3FDB];
	_ =	sdelay $0x1  }
0x99: {  	s19 =	simm.s32 $_scs_section_size  }
0x9a: {  	s4 =	simm.s32 $_size__tile_overlayer_lowered;
	s5 =	simm.s32 $_tile_overlayer_lowered  }
0x9b: {  	s22 =	simm.s32 $0x1BFF;
	s21 =	sshll.u32 s5, $0x1;
	s2 =	sadd.s32 s19, s18  }
0x9c: {  	s6 =	simm.s32 $0x0;
	s20 =	sshll.u32 s4, $0x1;
	s4 =	sadd.s32 s21, s2  }
0x9d: {  	[timem:s6], [sflag:s22] =	dma.local [hbm:s4], s20  }
0x9e: {  	_ =	swait.ge [sflag:s22], s20  }
0x9f: {  	s3 =	ssub.s32 $0x0, s20;
	[sflag:s22] =	ssyncset.done $0x0  }
0xa0: {  	[sflag:s22] =	ssyncadd.s32 s3;
	_ =	sdelay $0x1  }
0xa1: {  	s23 =	simm.s32 $0x1B8B  }
0xa2: {  	_ =	swait.ge [sflag:s23], $0x1  }
0xa3: {  	[sflag:s23] =	ssyncset.done $0x0  }
0xa4: {  	s25 =	simm.s32 $0x1B8E;
	s24 =	sld [smem:$0x3FFE];
	[sflag:s23] =	ssyncadd.s32 $0xFFFFFFFF  }
0xa5: {  	s26 =	simm.s32 $execute0_lowered;
	[smem:$0x3FD2] =	sst s25  }
0xa6: {  	s4 =	sshll.u32 s26, $0x1;
	_ =	strace $0x80000046;
	[dreg:$0x1] =	wrdreg $0xFFFFFFFF  }
0xa7: {  	s28 =	simm.s32 $_size_execute0_lowered;
	s2 =	sadd.s32 s2, s4;
	[dreg:$0x0] =	wrdreg $0x0  }
0xa8: {  	s4 =	sshll.u32 s28, $0x1;
	[dreg:$0x2] =	wrdreg s2  }
0xa9: {  	[dreg:$0x3] =	wrdreg s4  }
0xaa: {  	[dreg:$0x4] =	wrdreg $0xC0  }
0xab: {  	_ =	task [dreg:s6], $0x5FFFF  }
0xac: {  	[dreg:$0x1] =	wrdreg $0xFFFFFFFF  }
0xad: {  	[dreg:$0x0] =	wrdreg $0x60  }
0xae: {  	[dreg:$0x2] =	wrdreg s24  }
0xaf: {  	[dreg:$0x3] =	wrdreg $0x9  }
0xb0: {  	_ =	task.clear_ibuf [dreg:s6], $0x4FFFF;
	_ =	strace $0x90000046  }
0xb1: {  	s29 =	simm.s32 $0x9;
	_ =	strace $0x80000048  }
0xb2: {  	_ =	swait.ge [sflag:s29], $0x1  }
0xb3: {  	[sflag:s29] =	ssyncadd.s32 $0xFFFFFFFF  }
0xb4: {  	_ =	strace $0x90000048  }
0xb5: {  	_ =	sfence  }
0xb6: {  	s30 =	sld [smem:$0x0];
	_ =	sdelay $0x2  }
0xb7: {  	s31 =	sshll.u32 s1, $0xD;
	s1 =	sshrl.u32 s1, $0x2  }
0xb8: {  	s3 =	sand.u32 $0x4000, s31;
	s1 =	sadd.s32 s1, s30  }
0xb9: {  	s0 =	sor.u32 s3, s0;
	s1 =	sshll.u32 s1, $0x11  }
0xba: {  	s0 =	sor.u32 s1, s0  }
0xbb: {  	s0 =	sadd.s32 $0x8F2B, s0  }
0xbc: {  	[sflag:s0] =	ssyncadd.remote.s32 $0x1  }
0xbd: {  	_ =	sfence.sel $0xFFFF  }
0xbe: {  	[dreg:$0x0] =	wrdreg $0xFFFFFFFF;
	(pc) =	sbr.abs _section_cstart, $3  }
0xbf: {  	[dreg:$0x1] =	wrdreg $0xFFFFFFFF  }
0xc0: {  	_ =	task.clear_ibuf [dreg:s6], $0x2FFFF;
	_ =	strace $0x9FFFFFFF  }
0xc1: {  	(tm) =	ssettm $0x7FFFFFFF  }
tec
execute0_lowered:
.L_overlay_start_1:
0x0: {  	(tag) =	ssettag $0x1  }
0x1: {  	s3 =	rddreg [dreg:$0x0]  }
0x2: {  	s0 =	rddreg [dreg:$0x1];
	s2 =	simm.s32 $0x0;
	s4 =	srdreg.scid  }
0x3: {  	s1 =	stileid.u32;
	s14 =	simm.s32 $0x1000;
	s15 =	simm.s32 $0x1800  }
0x4: {  	s16 =	simm.s32 $0x2000;
	s17 =	simm.s32 $0x2800;
	s18 =	simm.s32 $0x7000  }
0x5: {  	[smem:$0x7FF] =	sst s2;
	s4 =	sand.u32 $0x1, s4;
	s5 =	sshll.u32 s1, $0x1  }
0x6: {  	s6 =	sshrl.u32 s1, $0x1;
	s7 =	sadd.s32 $0x200, s3;
	s9 =	sadd.s32 $0x1A00, s3  }
0x7: {  	s8 =	sor.u32 s4, s5;
	s26 =	smul.u32 $0x1800, s6;
	s4 =	ssub.s32 $0x2, s4  }
0x8: {  	s28 =	sshll.u32 s8, $0x1;
	s29 =	sshrl.u32 s4, $0x1;
	s31 =	sshll.u32 s8, $0x9  }
0x9: {  	s10 =	sadd.s32 s28, s3;
	s30 =	sshrl.u32 s26, $0x3;
	s11 =	ssub.s32 s4, s29  }
0xa: {  	s12 =	sadd.s32 $0x100, s30;
	s13 =	sadd.s32 $0x200, s30;
	s3 =	sadd.s32 s7, s30  }
0xb: {  	s6 =	sadd.s32 s9, s30;
	s4 =	sadd.s32 s7, s12;
	s5 =	sadd.s32 s7, s13  }
0xc: {  	v33 =	vimm.s32 $0x1;
	v35 =	vimm.s32 $0x2;
	v20 =	vimm.s32 $0x3;
	s7 =	sadd.s32 s9, s12;
	s8 =	sadd.s32 s9, s13;
	s9 =	sand.u32 $0x600, s31  }
0xd: {  	v58 =	vimm.s32 $0x4;
	v13 =	vimm.s32 $0xA;
	s19 =	simm.s32 $0x0;
	_ =	strace $0x80000047;
	s10 =	sadd.s32 $0x3200, s10;
	v0 =	vmov s9  }
0xe: {  	v28 =	vimm.s32 $0xD;
	v44 =	vimm.s32 $0xE;
	v14 =	vimm.s32 $0xF;
	s11 =	smax.u32 s11, $0x1;
	s12 =	simm.s32 $0x1;
	s13 =	simm.s32 $0x800;
	[tilespmem:$0x1FFF0] =	vst v0  }
.LBB2_1:
0xf: {  	[tilespmem:s2], [sflag:$0x1] =	stream.linear.gather [hbm4b:s3+s2], $0x800, $0x38;
	[tilespmem:$0x7080] =	vst v63  }
0x10: {  	_ =	swait.ge [sflag:s12], $0x800  }
0x11: {  	[sflag:s12] =	ssyncset.done $0x0  }
0x12: {  	[sflag:s12] =	ssyncadd.s32 $0xFFFFF800  }
0x13: {  	[tilespmem:s13], [sflag:$0x1] =	stream.linear.gather [hbm4b:s4+s2], $0x800, $0x38;
	[tilespmem:$0x7080] =	vst v63  }
0x14: {  	_ =	swait.ge [sflag:s12], $0x800  }
0x15: {  	[sflag:s12] =	ssyncset.done $0x0  }
0x16: {  	[sflag:s12] =	ssyncadd.s32 $0xFFFFF800  }
0x17: {  	[tilespmem:s14], [sflag:$0x1] =	stream.linear.gather [hbm4b:s5+s2], $0x800, $0x38;
	[tilespmem:$0x7080] =	vst v63  }
0x18: {  	_ =	swait.ge [sflag:s12], $0x800  }
0x19: {  	[sflag:s12] =	ssyncset.done $0x0  }
0x1a: {  	[sflag:s12] =	ssyncadd.s32 $0xFFFFF800  }
0x1b: {  	[tilespmem:s15], [sflag:$0x1] =	stream.linear.gather [hbm4b:s6+s2], $0x800, $0x38;
	[tilespmem:$0x7080] =	vst v63  }
0x1c: {  	_ =	swait.ge [sflag:s12], $0x800  }
0x1d: {  	[sflag:s12] =	ssyncset.done $0x0  }
0x1e: {  	[sflag:s12] =	ssyncadd.s32 $0xFFFFF800  }
0x1f: {  	[tilespmem:s16], [sflag:$0x1] =	stream.linear.gather [hbm4b:s7+s2], $0x800, $0x38;
	[tilespmem:$0x7080] =	vst v63  }
0x20: {  	_ =	swait.ge [sflag:s12], $0x800  }
0x21: {  	[sflag:s12] =	ssyncset.done $0x0  }
0x22: {  	[sflag:s12] =	ssyncadd.s32 $0xFFFFF800  }
0x23: {  	[tilespmem:s17], [sflag:$0x1] =	stream.linear.gather [hbm4b:s8+s2], $0x800, $0x38;
	[tilespmem:$0x7080] =	vst v63  }
0x24: {  	_ =	swait.ge [sflag:s12], $0x800  }
0x25: {  	[sflag:s12] =	ssyncset.done $0x0  }
0x26: {  	s21 =	simm.s32 $0x0;
	[sflag:s12] =	ssyncadd.s32 $0xFFFFF800  }
0x27: {  	v1 =	vld [tilespmem:s21+$0x1800]  }
0x28: {  	v8 =	vld [tilespmem:s21+$0x2000]  }
0x29: {  	v5 =	vld [tilespmem:s21+$0x0]  }
0x2a: {  	v0 =	vld [tilespmem:s21+$0x2800]  }
0x2b: {  	v3 =	vld [tilespmem:s21+$0x800]  }
0x2c: {  	v2 =	vld [tilespmem:s21+$0x1000];
	v9 =	vmul.f32 $-2.000000000e+00, v1  }
0x2d: {  	v7 =	vmul.f32 v1, v1;
	v10 =	vmul.f32 v8, v8  }
0x2e: {  	s20 =	simm.s32 $0x10;
	v4 =	vmul.f32 v5, v5;
	v6 =	vmul.f32 $-2.000000000e+00, v5  }
0x2f: {  	s22 =	simm.s32 $0x80;
	v1 =	vld [tilespmem:s20+$0x1800];
	v8 =	vmul.f32 $-2.000000000e+00, v8;
	v5 =	vadd.f32 v10, v7;
	v7 =	vmul.f32 v0, v0;
	[tilespmem:s21+$0x5800] =	vst v9  }
.LBB2_2:
0x30: {  	p0 =	sne.s32 s22, $0x1FC0;
	v9 =	vld [tilespmem:s20+$0x2000];
	v10 =	vmul.f32 v3, v3;
	[tilespmem:s21+$0x3800] =	vst v6;
	v3 =	vmul.f32 $-2.000000000e+00, v3  }
0x31: {  	v6 =	vld [tilespmem:s20+$0x0];
	v11 =	vmul.f32 v2, v2;
	v12 =	vmul.f32 $-2.000000000e+00, v2;
	v2 =	vadd.f32 v7, v5;
	[tilespmem:s21+$0x6000] =	vst v8  }
0x32: {  	v5 =	vmul.f32 $-2.000000000e+00, v0;
	v4 =	vadd.f32 v10, v4;
	[tilespmem:s21+$0x4000] =	vst v3;
	v0 =	vld [tilespmem:s20+$0x2800]  }
.Ltmp0:
0x33: {  	v3 =	vld [tilespmem:s20+$0x800];
	[tilespmem:s21+$0x5000] =	vst v2;
	(pc) =	sbr.rel @p0 .LBB2_2-.Ltmp0, $4  }
0x34: {  	v2 =	vld [tilespmem:s20+$0x1000];
	v8 =	vmul.f32 $-2.000000000e+00, v1;
	v7 =	vadd.f32 v11, v4;
	[tilespmem:s21+$0x4800] =	vst v12  }
0x35: {  	v10 =	vmul.f32 v1, v1;
	v11 =	vmul.f32 v9, v9;
	[tilespmem:s21+$0x6800] =	vst v5  }
0x36: {  	v4 =	vmul.f32 v6, v6;
	v6 =	vmul.f32 $-2.000000000e+00, v6;
	[tilespmem:s21+$0x3000] =	vst v7;
	s21 =	smov.u32 s20;
	s20 =	sshra.s32 s22, $0x2  }
0x37: {  	s22 =	sadd.s32 $0x40, s22;
	v1 =	vld [tilespmem:s20+$0x1800];
	v5 =	vadd.f32 v11, v10;
	v7 =	vmul.f32 v0, v0;
	[tilespmem:s21+$0x5800] =	vst v8;
	v8 =	vmul.f32 $-2.000000000e+00, v9  }
0x38: {  	v9 =	vld [tilespmem:s20+$0x2000];
	[tilespmem:s21+$0x3800] =	vst v6;
	v10 =	vmul.f32 $-2.000000000e+00, v3;
	v3 =	vmul.f32 v3, v3  }
0x39: {  	v6 =	vld [tilespmem:s20+$0x0];
	[tilespmem:s21+$0x6000] =	vst v8;
	v5 =	vadd.f32 v7, v5  }
0x3a: {  	v57 =	vmul.f32 v2, v2;
	v2 =	vmul.f32 $-2.000000000e+00, v2;
	v8 =	vld [tilespmem:s20+$0x2800];
	[tilespmem:s21+$0x4000] =	vst v10;
	v3 =	vadd.f32 v3, v4  }
0x3b: {  	v0 =	vmul.f32 $-2.000000000e+00, v0;
	v56 =	vld [tilespmem:s20+$0x800];
	[tilespmem:s21+$0x5000] =	vst v5  }
0x3c: {  	v59 =	vld [tilespmem:s20+$0x1000];
	v60 =	vmul.f32 $-2.000000000e+00, v1;
	v3 =	vadd.f32 v57, v3;
	[tilespmem:s21+$0x4800] =	vst v2  }
0x3d: {  	v1 =	vmul.f32 v1, v1;
	[tilespmem:s21+$0x6800] =	vst v0;
	v2 =	vmul.f32 v9, v9  }
0x3e: {  	v0 =	vmul.f32 v6, v6;
	v6 =	vmul.f32 $-2.000000000e+00, v6;
	[tilespmem:s21+$0x3000] =	vst v3  }
0x3f: {  	v3 =	vmul.f32 $-2.000000000e+00, v9;
	v1 =	vadd.f32 v2, v1;
	v2 =	vmul.f32 v8, v8;
	[tilespmem:s20+$0x5800] =	vst v60  }
0x40: {  	v63 =	vmul.f32 $-2.000000000e+00, v8;
	v61 =	vmul.f32 v56, v56;
	[tilespmem:s20+$0x3800] =	vst v6  }
0x41: {  	v62 =	vmul.f32 $-2.000000000e+00, v56;
	[tilespmem:s20+$0x6000] =	vst v3  }
0x42: {  	v1 =	vadd.f32 v2, v1;
	v2 =	vmul.f32 v59, v59;
	[tilespmem:s20+$0x6800] =	vst v63;
	v0 =	vadd.f32 v61, v0  }
0x43: {  	v3 =	vmul.f32 $-2.000000000e+00, v59;
	[tilespmem:s20+$0x4000] =	vst v62  }
0x44: {  	[tilespmem:s20+$0x5000] =	vst v1;
	v0 =	vadd.f32 v2, v0  }
0x45: {  	[tilespmem:s20+$0x4800] =	vst v3  }
0x46: {  	[tilespmem:s20+$0x3000] =	vst v0;
	s20 =	simm.s32 $0x0;
	v0 =	vimm.f32 $0.0e+00  }
.LBB2_4:
0x47: {  	s21 =	simm.s32 $0x0  }
0x48: {  	v3 =	vld [tilespmem:s21+$0x5000]  }
0x49: {  	[tilespmem:$0x1F9D0] =	vst v0;
	v0 =	vld [tilespmem:s21+$0x5800];
	_ =	sdelay $0x3  }
0x4a: {  	v1 =	vperm.xlane v3, v14;
	v2 =	vperm.xlane v3, v44  }
0x4b: {  	v12 =	vimm.s32 $0xC;
	v4 =	vperm.xlane v3, v28;
	v5 =	vperm.xlane v0, v14  }
0x4c: {  	v11 =	vimm.s32 $0xB;
	v6 =	vperm.xlane v3, v12;
	v7 =	vperm.xlane v0, v44  }
0x4d: {  	v18 =	vimm.s32 $0x9;
	v8 =	vperm.xlane v3, v11;
	v9 =	vperm.xlane v0, v28  }
0x4e: {  	s22 =	sshll.u32 s20, $0x6;
	v16 =	vimm.s32 $0xA;
	v10 =	vperm.xlane v3, v13;
	v12 =	vperm.xlane v0, v12  }
0x4f: {  	v19 =	vimm.s32 $0x7;
	s23 =	sadd.s32 s9, s22;
	v13 =	vperm.xlane v3, v18;
	v14 =	vperm.xlane v0, v11  }
0x50: {  	v27 =	vimm.s32 $0x6;
	s24 =	sand.u32 $0x40, s22;
	s23 =	sand.u32 $0x780, s23;
	v16 =	vperm.xlane v0, v16;
	v17 =	vperm.xlane v3, v19  }
0x51: {  	s23 =	sor.u32 s24, s23;
	v18 =	vperm.xlane v0, v18;
	v22 =	vperm.xlane v3, v27  }
0x52: {  	v61 =	vld [tilespmem:s23+$0x10];
	v25 =	vperm.xlane v0, v19;
	v26 =	vperm.xlane v3, v58  }
0x53: {  	v36 =	vld [tilespmem:s23+$0x20];
	v27 =	vperm.xlane v0, v27;
	v32 =	vperm.xlane v3, v35  }
0x54: {  	v21 =	vld [tilespmem:$0x1FFF0];
	v11 =	vimm.s32 $0x8;
	v29 =	vperm.xlane v0, v58;
	v37 =	vperm.xlane v0, v35  }
0x55: {  	v15 =	vperm.xlane v3, v11;
	v23 =	vperm.xlane v0, v11;
	v11 =	vimm.s32 $0x5  }
0x56: {  	v39 =	vperm.xlane v0, v33;
	v24 =	vperm.xlane v3, v11  }
0x57: {  	v28 =	vperm.xlane v0, v11;
	v11 =	vperm.xlane v3, v33  }
0x58: {  	v34 =	vmul.f32 v5, v61;
	v63 =	vmul.f32 v5, v36  }
0x59: {  	v40 =	vmul.f32 v7, v61;
	v41 =	vmul.f32 v7, v36  }
0x5a: {  	v43 =	vmul.f32 v9, v61;
	v44 =	vmul.f32 v9, v36  }
0x5b: {  	v46 =	vmul.f32 v12, v61;
	v47 =	vmul.f32 v12, v36  }
0x5c: {  	v21 =	vld.idx.msk [tilespmem:v21+s22+$0x0 ss:$0x1], $0xffff;
	v49 =	vmul.f32 v14, v61;
	v50 =	vmul.f32 v14, v36  }
0x5d: {  	v19 =	vld [tilespmem:s23+$0x30];
	v52 =	vmul.f32 v16, v61;
	v53 =	vmul.f32 v16, v36  }
0x5e: {  	v55 =	vmul.f32 v18, v61;
	v56 =	vmul.f32 v18, v36  }
0x5f: {  	v59 =	vmul.f32 v25, v61;
	v60 =	vmul.f32 v27, v61  }
0x60: {  	v34 =	vadd.f32 v34, v1;
	v35 =	vadd.f32 v63, v1;
	v63 =	vmul.f32 v23, v61  }
0x61: {  	v43 =	vadd.f32 v43, v4;
	v44 =	vadd.f32 v44, v4;
	v62 =	vmul.f32 v5, v21  }
0x62: {  	v46 =	vadd.f32 v46, v6;
	v5 =	vmul.f32 v5, v19;
	v38 =	vmul.f32 v7, v21  }
0x63: {  	v47 =	vadd.f32 v47, v6;
	v7 =	vmul.f32 v7, v19;
	v42 =	vmul.f32 v9, v21  }
0x64: {  	v9 =	vmul.f32 v9, v19;
	v33 =	vadd.f32 v62, v1;
	v1 =	vadd.f32 v5, v1  }
0x65: {  	v49 =	vadd.f32 v49, v8;
	v45 =	vmul.f32 v12, v21;
	v12 =	vmul.f32 v12, v19  }
0x66: {  	v48 =	vmul.f32 v14, v21;
	v14 =	vmul.f32 v14, v19;
	[tilespmem:$0x1FA30] =	vst v1;
	v1 =	vadd.f32 v7, v2  }
0x67: {  	v50 =	vadd.f32 v50, v8;
	v51 =	vmul.f32 v16, v21;
	[tilespmem:$0x1FA20] =	vst v33;
	v33 =	vmul.f32 v23, v21  }
0x68: {  	v16 =	vmul.f32 v16, v19;
	v54 =	vmul.f32 v18, v21;
	[tilespmem:$0x1FA40] =	vst v1;
	v1 =	vadd.f32 v42, v4  }
0x69: {  	v18 =	vmul.f32 v18, v19;
	v5 =	vmul.f32 v23, v36;
	v33 =	vadd.f32 v33, v15  }
0x6a: {  	v62 =	vmul.f32 v27, v36;
	[tilespmem:$0x1FA50] =	vst v1;
	v1 =	vadd.f32 v9, v4;
	v9 =	vadd.f32 v45, v6  }
0x6b: {  	v23 =	vmul.f32 v23, v19;
	v6 =	vadd.f32 v12, v6;
	v12 =	vadd.f32 v48, v8  }
0x6c: {  	v42 =	vmul.f32 v25, v21;
	v8 =	vadd.f32 v14, v8;
	v14 =	vadd.f32 v51, v10  }
0x6d: {  	v48 =	vmul.f32 v27, v21;
	v51 =	vadd.f32 v52, v10;
	v52 =	vadd.f32 v53, v10  }
0x6e: {  	v4 =	vmul.f32 v27, v19;
	v10 =	vadd.f32 v16, v10;
	v16 =	vadd.f32 v54, v13  }
0x6f: {  	v27 =	vadd.f32 v55, v13;
	v53 =	vadd.f32 v56, v13;
	[tilespmem:$0x1FA60] =	vst v1;
	v1 =	vmul.f32 v28, v36  }
0x70: {  	v45 =	vmul.f32 v25, v36;
	v54 =	vadd.f32 v18, v13;
	v18 =	vadd.f32 v63, v15  }
0x71: {  	v55 =	vadd.f32 v5, v15;
	v5 =	vmul.f32 v28, v19;
	v1 =	vadd.f32 v1, v24  }
0x72: {  	v25 =	vmul.f32 v25, v19;
	v13 =	vadd.f32 v23, v15;
	v15 =	vadd.f32 v42, v17  }
0x73: {  	v23 =	vmul.f32 v29, v21;
	v63 =	vadd.f32 v59, v17;
	[tilespmem:$0x1FB00] =	vst v1;
	v1 =	vadd.f32 v5, v24  }
0x74: {  	v30 =	vperm.xlane v0, v20;
	v56 =	vadd.f32 v45, v17;
	v42 =	vadd.f32 v25, v17  }
0x75: {  	v59 =	vmul.f32 v29, v61;
	v17 =	vadd.f32 v48, v22;
	[tilespmem:$0x1FB20] =	vst v1;
	v1 =	vadd.f32 v23, v26  }
0x76: {  	v31 =	vperm.xlane v3, v20;
	v48 =	vadd.f32 v60, v22;
	v45 =	vadd.f32 v62, v22  }
0x77: {  	v60 =	vadd.f32 v4, v22;
	v22 =	vmul.f32 v30, v61;
	[tilespmem:$0x1FB40] =	vst v1;
	v1 =	vadd.f32 v59, v26;
	_ =	sdelay $0x1  }
0x78: {  	v5 =	vmul.f32 v30, v36;
	[tilespmem:$0x1FB50] =	vst v1;
	v1 =	vadd.f32 v22, v31  }
0x79: {  	v40 =	vadd.f32 v40, v2  }
0x7a: {  	v41 =	vadd.f32 v41, v2;
	v23 =	vmul.f32 v30, v19;
	[tilespmem:$0x1FB90] =	vst v1;
	v1 =	vadd.f32 v5, v31  }
0x7b: {  	v57 =	vmul.f32 v28, v21;
	v38 =	vadd.f32 v38, v2;
	v2 =	vmul.f32 v28, v61  }
0x7c: {  	v7 =	vld [tilespmem:$0x1FFF0];
	v25 =	vmul.f32 v29, v36;
	v22 =	vmul.f32 v37, v61;
	[tilespmem:$0x1FBB0] =	vst v1;
	v1 =	vadd.f32 v23, v31  }
0x7d: {  	v62 =	vmul.f32 v29, v19;
	v4 =	vmul.f32 v30, v21  }
0x7e: {  	v29 =	vadd.f32 v57, v24;
	v23 =	vmul.f32 v37, v36;
	[tilespmem:$0x1FBD0] =	vst v1;
	v1 =	vadd.f32 v22, v32  }
0x7f: {  	v57 =	vadd.f32 v2, v24;
	v30 =	vadd.f32 v4, v31;
	v4 =	vmul.f32 v37, v21  }
0x80: {  	v2 =	vimm.s32 $0x0;
	v24 =	vmul.f32 v37, v19;
	[tilespmem:$0x1FBF0] =	vst v1;
	v1 =	vadd.f32 v23, v32  }
0x81: {  	v59 =	vadd.f32 v25, v26;
	v31 =	vadd.f32 v4, v32;
	v4 =	vmul.f32 v39, v21  }
0x82: {  	v5 =	vld [tilespmem:s21+$0x6000];
	[tilespmem:$0x1FC10] =	vst v1;
	v1 =	vadd.f32 v24, v32;
	v32 =	vperm.xlane v0, v2;
	v0 =	vmul.f32 v39, v61  }
0x83: {  	[tilespmem:$0x1FA10] =	vst v19;
	v26 =	vadd.f32 v62, v26;
	v62 =	vperm.xlane v3, v2;
	v2 =	vmul.f32 v39, v36  }
0x84: {  	v22 =	vld.idx.msk [tilespmem:v7+s22+$0x800 ss:$0x1], $0xffff;
	v37 =	vadd.f32 v4, v11;
	v39 =	vmul.f32 v39, v19;
	v0 =	vadd.f32 v0, v11  }
0x85: {  	v25 =	vld [tilespmem:s23+$0x820];
	[tilespmem:$0x1FC30] =	vst v1;
	v3 =	vmul.f32 v32, v21;
	v4 =	vadd.f32 v2, v11;
	v1 =	vmul.f32 v32, v36  }
0x86: {  	v2 =	vmul.f32 v32, v61;
	v32 =	vmul.f32 v32, v19;
	v19 =	vld [tilespmem:$0x1FA20];
	[tilespmem:$0x1FC50] =	vst v0;
	v0 =	vimm.s32 $0xF  }
0x87: {  	v1 =	vadd.f32 v1, v62;
	v0 =	vperm.xlane v5, v0;
	_ =	sdelay $0x1  }
0x88: {  	v2 =	vadd.f32 v2, v62;
	[tilespmem:$0x1FCC0] =	vst v1;
	v1 =	vmul.f32 v0, v22  }
0x89: {  	[tilespmem:$0x1FA00] =	vst v36;
	v24 =	vld [tilespmem:s23+$0x810]  }
0x8a: {  	v23 =	vld [tilespmem:s23+$0x830];
	[tilespmem:$0x1FCA0] =	vst v2;
	v2 =	vadd.f32 v32, v62;
	v36 =	vadd.f32 v1, v19;
	v1 =	vmul.f32 v0, v25  }
0x8b: {  	[tilespmem:$0x1F9E0] =	vst v21;
	v21 =	vimm.s32 $0xE  }
0x8c: {  	[tilespmem:$0x1FCD0] =	vst v2;
	v2 =	vperm.xlane v5, v21;
	v19 =	vld [tilespmem:$0x1FA30];
	v1 =	vadd.f32 v1, v35  }
0x8d: {  	v11 =	vadd.f32 v39, v11  }
0x8e: {  	v39 =	vadd.f32 v3, v62;
	v3 =	vmul.f32 v0, v24;
	[tilespmem:$0x1FCF0] =	vst v1;
	v1 =	vmul.f32 v2, v24  }
0x8f: {  	v0 =	vmul.f32 v0, v23;
	v32 =	vmul.f32 v2, v22  }
0x90: {  	v34 =	vadd.f32 v3, v34;
	v62 =	vmul.f32 v2, v25;
	v1 =	vadd.f32 v1, v40  }
0x91: {  	v28 =	vld [tilespmem:$0x1FA50];
	v3 =	vimm.s32 $0xD;
	v19 =	vadd.f32 v0, v19;
	v0 =	vadd.f32 v32, v38  }
0x92: {  	v3 =	vperm.xlane v5, v3;
	[tilespmem:$0x1FD30] =	vst v1;
	v1 =	vadd.f32 v62, v41  }
0x93: {  	[tilespmem:$0x1FD20] =	vst v0;
	v0 =	vmul.f32 v2, v23;
	v2 =	vld [tilespmem:$0x1FA40]  }
0x94: {  	[tilespmem:$0x1FD50] =	vst v1;
	v1 =	vmul.f32 v3, v22;
	_ =	sdelay $0x1  }
0x95: {  	v1 =	vadd.f32 v1, v28;
	_ =	sdelay $0x1  }
0x96: {  	v0 =	vadd.f32 v0, v2;
	[tilespmem:$0x1FD80] =	vst v1;
	v1 =	vmul.f32 v3, v25  }
0x97: {  	v40 =	vimm.s32 $0xC  }
0x98: {  	[tilespmem:$0x1FD70] =	vst v0;
	v0 =	vperm.xlane v5, v40;
	v1 =	vadd.f32 v1, v44;
	_ =	sdelay $0x1  }
0x99: {  	[tilespmem:$0x1FDA0] =	vst v1;
	v1 =	vmul.f32 v0, v24;
	_ =	sdelay $0x1  }
0x9a: {  	v2 =	vmul.f32 v3, v24;
	v38 =	vmul.f32 v0, v25;
	v1 =	vadd.f32 v1, v46  }
0x9b: {  	[tilespmem:$0x1F9F0] =	vst v61;
	v61 =	vimm.s32 $0xB  }
0x9c: {  	v62 =	vadd.f32 v2, v43;
	v2 =	vperm.xlane v5, v61;
	[tilespmem:$0x1FDE0] =	vst v1;
	v1 =	vadd.f32 v38, v47;
	_ =	sdelay $0x1  }
0x9d: {  	v44 =	vld [tilespmem:$0x1FA60];
	[tilespmem:$0x1FE00] =	vst v1;
	v1 =	vmul.f32 v2, v22;
	_ =	sdelay $0x1  }
0x9e: {  	v32 =	vmul.f32 v0, v22;
	v0 =	vmul.f32 v0, v23;
	v1 =	vadd.f32 v1, v12  }
0x9f: {  	v3 =	vmul.f32 v3, v23  }
0xa0: {  	v0 =	vadd.f32 v0, v6;
	[tilespmem:$0x1FE20] =	vst v1;
	v1 =	vmul.f32 v2, v25  }
0xa1: {  	v43 =	vimm.s32 $0xA;
	v44 =	vadd.f32 v3, v44;
	v3 =	vadd.f32 v32, v9  }
0xa2: {  	[tilespmem:$0x1FE10] =	vst v0;
	v0 =	vperm.xlane v5, v43;
	v1 =	vadd.f32 v1, v50  }
0xa3: {  	[tilespmem:$0x1FDD0] =	vst v3;
	v3 =	vmul.f32 v2, v24  }
0xa4: {  	[tilespmem:$0x1FE40] =	vst v1;
	v1 =	vmul.f32 v0, v24  }
0xa5: {  	v3 =	vadd.f32 v3, v49  }
0xa6: {  	v9 =	vmul.f32 v0, v25;
	v1 =	vadd.f32 v1, v51  }
0xa7: {  	v46 =	vimm.s32 $0x9;
	[tilespmem:$0x1FE30] =	vst v3  }
0xa8: {  	v3 =	vperm.xlane v5, v46;
	[tilespmem:$0x1FE70] =	vst v1;
	v1 =	vadd.f32 v9, v52;
	_ =	sdelay $0x1  }
0xa9: {  	[tilespmem:$0x1FEA0] =	vst v1;
	v1 =	vmul.f32 v3, v22  }
0xaa: {  	v2 =	vmul.f32 v2, v23  }
0xab: {  	v6 =	vmul.f32 v0, v22;
	v0 =	vmul.f32 v0, v23;
	v1 =	vadd.f32 v1, v16  }
0xac: {  	v2 =	vadd.f32 v2, v8  }
0xad: {  	v0 =	vadd.f32 v0, v10;
	[tilespmem:$0x1FEE0] =	vst v1;
	v1 =	vmul.f32 v3, v25  }
0xae: {  	v47 =	vimm.s32 $0x8;
	[tilespmem:$0x1FE50] =	vst v2;
	v2 =	vadd.f32 v6, v14  }
0xaf: {  	[tilespmem:$0x1FEB0] =	vst v0;
	v0 =	vperm.xlane v5, v47;
	v1 =	vadd.f32 v1, v53  }
0xb0: {  	[tilespmem:$0x1FE60] =	vst v2;
	v2 =	vmul.f32 v3, v24  }
0xb1: {  	[tilespmem:$0x1FF20] =	vst v1;
	v1 =	vmul.f32 v0, v24  }
0xb2: {  	v2 =	vadd.f32 v2, v27  }
0xb3: {  	v8 =	vmul.f32 v0, v25;
	v1 =	vadd.f32 v1, v18  }
0xb4: {  	v49 =	vimm.s32 $0x7;
	[tilespmem:$0x1FF10] =	vst v2  }
0xb5: {  	v2 =	vperm.xlane v5, v49;
	[tilespmem:$0x1FF60] =	vst v1;
	v1 =	vadd.f32 v8, v55;
	_ =	sdelay $0x1  }
0xb6: {  	[tilespmem:$0x1FF70] =	vst v1;
	v1 =	vmul.f32 v2, v22  }
0xb7: {  	v3 =	vmul.f32 v3, v23  }
0xb8: {  	v6 =	vmul.f32 v0, v22;
	v0 =	vmul.f32 v0, v23;
	v1 =	vadd.f32 v1, v15  }
0xb9: {  	v3 =	vadd.f32 v3, v54  }
0xba: {  	v0 =	vadd.f32 v0, v13;
	[tilespmem:$0x1FA80] =	vst v1;
	v1 =	vmul.f32 v2, v25  }
0xbb: {  	[tilespmem:$0x1FF30] =	vst v3;
	v3 =	vadd.f32 v6, v33;
	v33 =	vimm.s32 $0x6  }
0xbc: {  	[tilespmem:$0x1FA70] =	vst v0;
	v0 =	vperm.xlane v5, v33;
	v1 =	vadd.f32 v1, v56  }
0xbd: {  	[tilespmem:$0x1FF40] =	vst v3;
	v3 =	vmul.f32 v2, v24  }
0xbe: {  	[tilespmem:$0x1FAA0] =	vst v1;
	v1 =	vmul.f32 v0, v24  }
0xbf: {  	v3 =	vadd.f32 v3, v63  }
0xc0: {  	v8 =	vmul.f32 v0, v25;
	v1 =	vadd.f32 v1, v48  }
0xc1: {  	v63 =	vimm.s32 $0x5;
	[tilespmem:$0x1FA90] =	vst v3;
	v6 =	vmul.f32 v0, v22;
	v2 =	vmul.f32 v2, v23  }
0xc2: {  	v3 =	vperm.xlane v5, v63;
	[tilespmem:$0x1FAC0] =	vst v1;
	v1 =	vadd.f32 v8, v45  }
0xc3: {  	v9 =	vld [tilespmem:$0x1FB20];
	v56 =	vadd.f32 v2, v42;
	v2 =	vadd.f32 v6, v17  }
0xc4: {  	[tilespmem:$0x1FAD0] =	vst v1;
	v1 =	vmul.f32 v3, v22  }
0xc5: {  	[tilespmem:$0x1FAB0] =	vst v2;
	v2 =	vmul.f32 v3, v24  }
0xc6: {  	v32 =	vadd.f32 v1, v29;
	v1 =	vmul.f32 v3, v25;
	v3 =	vmul.f32 v3, v23  }
0xc7: {  	v0 =	vmul.f32 v0, v23  }
0xc8: {  	v3 =	vadd.f32 v3, v9  }
0xc9: {  	v0 =	vadd.f32 v0, v60  }
0xca: {  	[tilespmem:$0x1FB30] =	vst v3;
	v3 =	vld [tilespmem:$0x1FB40]  }
0xcb: {  	[tilespmem:$0x1FAE0] =	vst v0;
	v0 =	vperm.xlane v5, v58;
	v8 =	vld [tilespmem:$0x1FB00];
	_ =	sdelay $0x1  }
0xcc: {  	v6 =	vmul.f32 v0, v22;
	_ =	sdelay $0x1  }
0xcd: {  	v38 =	vadd.f32 v6, v3;
	v3 =	vld [tilespmem:$0x1FB50]  }
0xce: {  	v1 =	vadd.f32 v1, v8;
	_ =	sdelay $0x1  }
0xcf: {  	[tilespmem:$0x1FB10] =	vst v1;
	v1 =	vmul.f32 v0, v24  }
0xd0: {  	v2 =	vadd.f32 v2, v57  }
0xd1: {  	v8 =	vmul.f32 v0, v25;
	v1 =	vadd.f32 v1, v3  }
0xd2: {  	[tilespmem:$0x1FAF0] =	vst v2  }
0xd3: {  	v2 =	vperm.xlane v5, v20;
	[tilespmem:$0x1FB60] =	vst v1;
	v1 =	vadd.f32 v8, v59  }
0xd4: {  	v10 =	vld [tilespmem:$0x1FBD0]  }
0xd5: {  	[tilespmem:$0x1FB70] =	vst v1;
	v1 =	vmul.f32 v2, v22  }
0xd6: {  	v3 =	vmul.f32 v2, v24  }
0xd7: {  	v9 =	vld [tilespmem:$0x1FBB0];
	v48 =	vadd.f32 v1, v30;
	v1 =	vmul.f32 v2, v25;
	v2 =	vmul.f32 v2, v23  }
0xd8: {  	v0 =	vmul.f32 v0, v23  }
0xd9: {  	v2 =	vadd.f32 v2, v10  }
0xda: {  	v0 =	vadd.f32 v0, v26  }
0xdb: {  	v45 =	vimm.s32 $0x2;
	[tilespmem:$0x1FBE0] =	vst v2;
	v2 =	vld [tilespmem:$0x1FBF0]  }
0xdc: {  	[tilespmem:$0x1FB80] =	vst v0;
	v0 =	vperm.xlane v5, v45;
	v1 =	vadd.f32 v1, v9;
	_ =	sdelay $0x1  }
0xdd: {  	[tilespmem:$0x1FBC0] =	vst v1;
	v1 =	vmul.f32 v0, v24;
	_ =	sdelay $0x1  }
0xde: {  	v1 =	vadd.f32 v1, v2;
	_ =	sdelay $0x1  }
0xdf: {  	[tilespmem:$0x1FC00] =	vst v1;
	v1 =	vld [tilespmem:$0x1FC10];
	_ =	sdelay $0x2  }
0xe0: {  	v9 =	vmul.f32 v0, v25  }
0xe1: {  	v6 =	vld [tilespmem:$0x1FB90]  }
0xe2: {  	v1 =	vadd.f32 v9, v1;
	_ =	sdelay $0x1  }
0xe3: {  	[tilespmem:$0x1FC20] =	vst v1;
	v1 =	vld [tilespmem:$0x1FC30];
	_ =	sdelay $0x1  }
0xe4: {  	v27 =	vld.idx.msk [tilespmem:v7+s22+$0x1000 ss:$0x1], $0xffff;
	v3 =	vadd.f32 v3, v6  }
0xe5: {  	v7 =	vld [tilespmem:$0x1FC50];
	v29 =	vimm.s32 $0x1;
	v8 =	vmul.f32 v0, v22;
	v0 =	vmul.f32 v0, v23  }
0xe6: {  	v6 =	vperm.xlane v5, v29;
	[tilespmem:$0x1FBA0] =	vst v3;
	v3 =	vld [tilespmem:s21+$0x6800]  }
0xe7: {  	v0 =	vadd.f32 v0, v1  }
0xe8: {  	v35 =	vimm.s32 $0x0;
	v14 =	vld [tilespmem:s23+$0x1010];
	v51 =	vadd.f32 v8, v31;
	v8 =	vmul.f32 v6, v22  }
0xe9: {  	[tilespmem:$0x1FC40] =	vst v0;
	v0 =	vperm.xlane v5, v35;
	v5 =	vmul.f32 v6, v24  }
0xea: {  	v12 =	vadd.f32 v8, v37;
	v1 =	vimm.s32 $0xF  }
0xeb: {  	v8 =	vperm.xlane v3, v1;
	v20 =	vadd.f32 v5, v7;
	v5 =	vmul.f32 v6, v23;
	_ =	sdelay $0x1  }
0xec: {  	v57 =	vadd.f32 v5, v11;
	v5 =	vmul.f32 v8, v14;
	_ =	sdelay $0x1  }
0xed: {  	v26 =	vld [tilespmem:s23+$0x1020];
	v5 =	vadd.f32 v5, v34  }
0xee: {  	v2 =	vld [tilespmem:s23+$0x1030]  }
0xef: {  	[tilespmem:$0x1FCE0] =	vst v5;
	v5 =	vld [tilespmem:$0x1FCF0]  }
0xf0: {  	v9 =	vmul.f32 v6, v25;
	_ =	sdelay $0x1  }
0xf1: {  	v4 =	vadd.f32 v9, v4;
	v11 =	vmul.f32 v8, v26;
	_ =	sdelay $0x1  }
0xf2: {  	[tilespmem:$0x1FC60] =	vst v4;
	v4 =	vmul.f32 v8, v27;
	v8 =	vmul.f32 v8, v2;
	v5 =	vadd.f32 v11, v5;
	_ =	sdelay $0x1  }
0xf3: {  	v7 =	vld [tilespmem:$0x1FCA0];
	[tilespmem:$0x1FD00] =	vst v5;
	v5 =	vadd.f32 v8, v19;
	_ =	sdelay $0x1  }
0xf4: {  	[tilespmem:$0x1FD10] =	vst v5;
	v5 =	vld [tilespmem:$0x1FD20]  }
0xf5: {  	v6 =	vperm.xlane v3, v21;
	v10 =	vmul.f32 v0, v24;
	_ =	sdelay $0x1  }
0xf6: {  	v41 =	vadd.f32 v10, v7;
	v7 =	vld [tilespmem:$0x1FCC0];
	v10 =	vmul.f32 v6, v27;
	_ =	sdelay $0x1  }
0xf7: {  	v8 =	vperm.xlane v3, v49;
	v49 =	vadd.f32 v10, v5;
	v5 =	vld [tilespmem:$0x1FD30]  }
0xf8: {  	v13 =	vmul.f32 v0, v25;
	_ =	sdelay $0x1  }
0xf9: {  	v21 =	vadd.f32 v13, v7;
	v13 =	vmul.f32 v6, v14;
	v7 =	vld [tilespmem:$0x1FCD0]  }
0xfa: {  	v1 =	vimm.s32 $0x3  }
0xfb: {  	v5 =	vadd.f32 v13, v5;
	v13 =	vperm.xlane v3, v1;
	v1 =	vld [tilespmem:$0x1FD50]  }
0xfc: {  	v9 =	vmul.f32 v0, v22;
	v0 =	vmul.f32 v0, v23;
	_ =	sdelay $0x1  }
0xfd: {  	[tilespmem:$0x1FCB0] =	vst v23;
	v23 =	vadd.f32 v0, v7;
	v0 =	vmul.f32 v6, v26;
	_ =	sdelay $0x1  }
0xfe: {  	v0 =	vadd.f32 v0, v1;
	v1 =	vld [tilespmem:$0x1FD70];
	_ =	sdelay $0x2  }
0xff: {  	v6 =	vmul.f32 v6, v2;
	_ =	sdelay $0x1  }
0x100: {  	v28 =	vimm.s32 $0xD;
	v15 =	vperm.xlane v3, v40;
	v40 =	vadd.f32 v6, v1;
	v1 =	vld [tilespmem:$0x1FD80]  }
0x101: {  	[tilespmem:$0x1FC70] =	vst v22;
	v22 =	vadd.f32 v4, v36;
	v4 =	vperm.xlane v3, v28;
	_ =	sdelay $0x1  }
0x102: {  	[tilespmem:$0x1FD60] =	vst v0;
	v0 =	vmul.f32 v4, v27;
	v6 =	vmul.f32 v4, v14  }
0x103: {  	v19 =	vld [tilespmem:$0x1FE10]  }
0x104: {  	[tilespmem:$0x1FD40] =	vst v5;
	v5 =	vadd.f32 v0, v1;
	v1 =	vadd.f32 v6, v62;
	_ =	sdelay $0x1  }
0x105: {  	v31 =	vmul.f32 v15, v2;
	[tilespmem:$0x1FD90] =	vst v1;
	v1 =	vld [tilespmem:$0x1FDA0]  }
0x106: {  	[tilespmem:$0x1FC80] =	vst v24;
	v24 =	vimm.s32 $0x4  }
0x107: {  	v16 =	vperm.xlane v3, v61;
	v34 =	vperm.xlane v3, v24;
	v24 =	vadd.f32 v31, v19;
	v19 =	vld [tilespmem:$0x1FE20]  }
0x108: {  	v0 =	vmul.f32 v4, v26;
	v4 =	vmul.f32 v4, v2;
	_ =	sdelay $0x1  }
0x109: {  	v0 =	vadd.f32 v0, v1;
	v1 =	vadd.f32 v4, v44;
	v4 =	vmul.f32 v16, v27;
	_ =	sdelay $0x1  }
0x10a: {  	v55 =	vadd.f32 v4, v19;
	v19 =	vld [tilespmem:$0x1FE30];
	_ =	sdelay $0x1  }
0x10b: {  	v7 =	vmul.f32 v15, v14;
	v6 =	vmul.f32 v15, v27;
	[tilespmem:$0x1FDB0] =	vst v0  }
0x10c: {  	v0 =	vmul.f32 v15, v26;
	[tilespmem:$0x1FDC0] =	vst v1;
	v1 =	vmul.f32 v16, v14;
	v15 =	vld [tilespmem:$0x1FDD0];
	_ =	sdelay $0x1  }
0x10d: {  	v17 =	vperm.xlane v3, v43;
	v43 =	vadd.f32 v1, v19;
	v1 =	vld [tilespmem:$0x1FE40];
	_ =	sdelay $0x2  }
0x10e: {  	v30 =	vadd.f32 v6, v15;
	v6 =	vmul.f32 v16, v26;
	_ =	sdelay $0x1  }
0x10f: {  	v11 =	vperm.xlane v3, v46;
	v46 =	vadd.f32 v6, v1;
	v1 =	vld [tilespmem:$0x1FE50]  }
0x110: {  	v15 =	vld [tilespmem:$0x1FDE0];
	_ =	sdelay $0x1  }
0x111: {  	v16 =	vmul.f32 v16, v2;
	_ =	sdelay $0x1  }
0x112: {  	v18 =	vperm.xlane v3, v47;
	v47 =	vadd.f32 v16, v1;
	v1 =	vld [tilespmem:$0x1FE60]  }
0x113: {  	v7 =	vadd.f32 v7, v15;
	_ =	sdelay $0x1  }
0x114: {  	[tilespmem:$0x1FDF0] =	vst v7;
	v7 =	vmul.f32 v17, v27;
	_ =	sdelay $0x1  }
0x115: {  	v37 =	vadd.f32 v7, v1;
	v1 =	vld [tilespmem:$0x1FE70];
	_ =	sdelay $0x2  }
0x116: {  	v33 =	vperm.xlane v3, v33;
	v50 =	vmul.f32 v17, v14;
	_ =	sdelay $0x1  }
0x117: {  	v50 =	vadd.f32 v50, v1;
	v1 =	vmul.f32 v33, v27;
	_ =	sdelay $0x1  }
0x118: {  	v15 =	vld [tilespmem:$0x1FE00];
	[tilespmem:$0x1FE80] =	vst v1;
	v1 =	vmul.f32 v33, v14;
	_ =	sdelay $0x1  }
0x119: {  	[tilespmem:$0x1FE90] =	vst v1;
	v1 =	vld [tilespmem:$0x1FEA0];
	_ =	sdelay $0x2  }
0x11a: {  	v10 =	vperm.xlane v3, v63;
	v15 =	vadd.f32 v0, v15;
	v0 =	vmul.f32 v17, v26;
	_ =	sdelay $0x1  }
0x11b: {  	v19 =	vadd.f32 v0, v1;
	v1 =	vmul.f32 v10, v27;
	_ =	sdelay $0x1  }
0x11c: {  	[tilespmem:$0x1FEC0] =	vst v1;
	v1 =	vmul.f32 v10, v14;
	_ =	sdelay $0x1  }
0x11d: {  	[tilespmem:$0x1FED0] =	vst v1;
	v1 =	vld [tilespmem:$0x1FEE0];
	_ =	sdelay $0x2  }
0x11e: {  	v58 =	vmul.f32 v11, v27;
	_ =	sdelay $0x1  }
0x11f: {  	v16 =	vadd.f32 v58, v1;
	v1 =	vmul.f32 v10, v26;
	_ =	sdelay $0x1  }
0x120: {  	[tilespmem:$0x1FEF0] =	vst v1;
	v1 =	vmul.f32 v10, v2  }
0x121: {  	v0 =	vld [tilespmem:$0x1FEB0]  }
0x122: {  	[tilespmem:$0x1FF00] =	vst v1;
	v1 =	vld [tilespmem:$0x1FF10];
	_ =	sdelay $0x2  }
0x123: {  	v59 =	vmul.f32 v11, v14;
	v17 =	vmul.f32 v17, v2;
	_ =	sdelay $0x1  }
0x124: {  	v0 =	vadd.f32 v17, v0;
	v17 =	vadd.f32 v59, v1;
	v1 =	vld [tilespmem:$0x1FF20];
	_ =	sdelay $0x2  }
0x125: {  	v53 =	vmul.f32 v18, v27;
	v4 =	vmul.f32 v11, v26  }
0x126: {  	v61 =	vmul.f32 v18, v14;
	v63 =	vperm.xlane v3, v29  }
0x127: {  	v29 =	vmul.f32 v18, v2;
	v6 =	vmul.f32 v18, v26;
	v18 =	vadd.f32 v4, v1;
	v1 =	vld [tilespmem:$0x1FF30]  }
0x128: {  	v54 =	vperm.xlane v3, v45;
	v3 =	vperm.xlane v3, v35;
	_ =	sdelay $0x1  }
0x129: {  	v9 =	vadd.f32 v9, v39;
	v11 =	vmul.f32 v11, v2;
	v4 =	vmul.f32 v3, v27;
	_ =	sdelay $0x1  }
0x12a: {  	v11 =	vadd.f32 v11, v1;
	v1 =	vadd.f32 v4, v9;
	_ =	sdelay $0x1  }
0x12b: {  	[tilespmem:$0x1FFC0] =	vst v1;
	v1 =	vld [tilespmem:$0x1FF40];
	_ =	sdelay $0x4  }
0x12c: {  	v9 =	vadd.f32 v53, v1;
	v1 =	vld [tilespmem:$0x1FF60];
	_ =	sdelay $0x2  }
0x12d: {  	v52 =	vmul.f32 v54, v14  }
0x12e: {  	v45 =	vmov v56;
	v56 =	vmul.f32 v34, v26;
	v39 =	vmul.f32 v34, v2  }
0x12f: {  	v44 =	vmul.f32 v34, v14;
	v10 =	vmul.f32 v34, v27;
	v34 =	vadd.f32 v61, v1;
	v1 =	vld [tilespmem:$0x1FF70]  }
0x130: {  	v42 =	vmul.f32 v33, v2;
	v36 =	vmul.f32 v8, v27  }
0x131: {  	[tilespmem:$0x1FC90] =	vst v25;
	v25 =	vmul.f32 v8, v2;
	v4 =	vmul.f32 v63, v27  }
0x132: {  	v31 =	vmul.f32 v8, v26;
	v62 =	vmul.f32 v33, v26  }
0x133: {  	v33 =	vmul.f32 v54, v2;
	v12 =	vadd.f32 v4, v12;
	v4 =	vmul.f32 v54, v27  }
0x134: {  	v53 =	vmul.f32 v54, v26;
	v54 =	vadd.f32 v6, v1;
	v1 =	vimm.f32 $+Inf  }
0x135: {  	v35 =	vmul.f32 v8, v14;
	v8 =	vmul.f32 v13, v27;
	[tilespmem:$0x1FFB0] =	vst v1;
	v1 =	vld [tilespmem:$0x1FFC0]  }
0x136: {  	v60 =	vmul.f32 v13, v26;
	v7 =	vmul.f32 v3, v14  }
0x137: {  	[tilespmem:$0x1FF80] =	vst v14;
	v58 =	vmul.f32 v13, v14;
	v59 =	vmul.f32 v13, v2  }
0x138: {  	[tilespmem:$0x1FF50] =	vst v27;
	v13 =	vadd.f32 v4, v51;
	v51 =	vmul.f32 v63, v14;
	v4 =	vmul.f32 v3, v2  }
0x139: {  	[tilespmem:$0x1FFA0] =	vst v2;
	v61 =	vmul.f32 v63, v26;
	v63 =	vmul.f32 v63, v2;
	v2 =	vimm.f32 $+Inf  }
0x13a: {  	[tilespmem:$0x1FF90] =	vst v26;
	v26 =	vmul.f32 v3, v26;
	v3 =	vmin.f32 v2, v1;
	v1 =	vimm.f32 $+Inf  }
0x13b: {  	[tilespmem:$0x1FFD0] =	vst v1;
	v1 =	vimm.f32 $+Inf  }
0x13c: {  	s21 =	simm.s32 $0x40;
	[tilespmem:$0x1FFE0] =	vst v1  }
.LBB2_5:
0x13d: {  	v1 =	vld [tilespmem:$0x1FA70];
	_ =	sdelay $0x4  }
0x13e: {  	v3 =	vmin.f32 v3, v12;
	v12 =	vadd.f32 v29, v1;
	v1 =	vld [tilespmem:$0x1FA80];
	_ =	sdelay $0x4  }
0x13f: {  	v3 =	vmin.f32 v3, v13;
	v13 =	vadd.f32 v36, v1;
	v1 =	vld [tilespmem:$0x1FEC0];
	_ =	sdelay $0x2  }
0x140: {  	v8 =	vadd.f32 v8, v48;
	_ =	sdelay $0x1  }
0x141: {  	v3 =	vmin.f32 v3, v8;
	v8 =	vadd.f32 v1, v32;
	v1 =	vld [tilespmem:$0x1FA90];
	_ =	sdelay $0x3  }
0x142: {  	v2 =	vld [tilespmem:$0x1FAB0]  }
0x143: {  	v14 =	vadd.f32 v35, v1;
	v1 =	vld [tilespmem:$0x1FE80];
	_ =	sdelay $0x2  }
0x144: {  	v10 =	vadd.f32 v10, v38;
	_ =	sdelay $0x1  }
0x145: {  	v3 =	vmin.f32 v3, v10;
	v10 =	vadd.f32 v1, v2;
	v1 =	vld [tilespmem:$0x1FAA0];
	_ =	sdelay $0x3  }
0x146: {  	v2 =	vld [tilespmem:$0x1FAC0]  }
0x147: {  	v38 =	vadd.f32 v31, v1;
	v1 =	vld [tilespmem:$0x1FE90];
	_ =	sdelay $0x4  }
0x148: {  	v3 =	vmin.f32 v3, v8;
	v8 =	vadd.f32 v1, v2;
	v1 =	vld [tilespmem:$0x1FAD0];
	_ =	sdelay $0x4  }
0x149: {  	v3 =	vmin.f32 v3, v10;
	v10 =	vadd.f32 v62, v1;
	v1 =	vld [tilespmem:$0x1FAE0];
	_ =	sdelay $0x3  }
0x14a: {  	v2 =	vld [tilespmem:$0x1FAF0]  }
0x14b: {  	v62 =	vadd.f32 v42, v1;
	v1 =	vld [tilespmem:$0x1FED0];
	_ =	sdelay $0x3  }
0x14c: {  	v6 =	vld [tilespmem:$0x1FB10]  }
0x14d: {  	v2 =	vadd.f32 v1, v2;
	v1 =	vld [tilespmem:$0x1FEF0];
	_ =	sdelay $0x4  }
0x14e: {  	v1 =	vadd.f32 v1, v6;
	v6 =	vld [tilespmem:$0x1FB60];
	_ =	sdelay $0x3  }
0x14f: {  	v48 =	vadd.f32 v25, v45;
	v25 =	vld [tilespmem:$0x1FB30]  }
0x150: {  	v3 =	vmin.f32 v3, v13;
	v13 =	vadd.f32 v44, v6;
	v6 =	vld [tilespmem:$0x1FF00];
	_ =	sdelay $0x4  }
0x151: {  	v42 =	vadd.f32 v6, v25;
	v6 =	vld [tilespmem:$0x1FB70];
	_ =	sdelay $0x4  }
0x152: {  	v3 =	vmin.f32 v3, v9;
	v9 =	vadd.f32 v56, v6;
	v6 =	vld [tilespmem:$0x1FB80];
	_ =	sdelay $0x4  }
0x153: {  	v39 =	vadd.f32 v39, v6;
	v6 =	vld [tilespmem:$0x1FBA0];
	_ =	sdelay $0x4  }
0x154: {  	v3 =	vmin.f32 v3, v16;
	v16 =	vadd.f32 v58, v6;
	v6 =	vld [tilespmem:$0x1FBC0];
	_ =	sdelay $0x2  }
0x155: {  	v3 =	vmin.f32 v3, v37  }
0x156: {  	v3 =	vmin.f32 v3, v55  }
0x157: {  	v3 =	vmin.f32 v3, v30;
	v44 =	vadd.f32 v60, v6;
	v6 =	vld [tilespmem:$0x1FC00]  }
0x158: {  	v3 =	vmin.f32 v3, v5  }
0x159: {  	v3 =	vmin.f32 v3, v49  }
0x15a: {  	v3 =	vmin.f32 v3, v22  }
0x15b: {  	[tilespmem:$0x1F990] =	vst v3;
	v3 =	vld [tilespmem:$0x1FFB0]  }
0x15c: {  	v60 =	vadd.f32 v52, v6;
	v6 =	vld [tilespmem:$0x1FBE0];
	_ =	sdelay $0x1  }
0x15d: {  	v7 =	vadd.f32 v7, v41;
	_ =	sdelay $0x1  }
0x15e: {  	v3 =	vmin.f32 v3, v7;
	v7 =	vld [tilespmem:$0x1FFD0]  }
0x15f: {  	v36 =	vadd.f32 v59, v6;
	v6 =	vld [tilespmem:$0x1FC20];
	_ =	sdelay $0x1  }
0x160: {  	v5 =	vadd.f32 v26, v21;
	_ =	sdelay $0x1  }
0x161: {  	v5 =	vmin.f32 v7, v5;
	v7 =	vld [tilespmem:$0x1FFE0]  }
0x162: {  	v53 =	vadd.f32 v53, v6;
	v6 =	vld [tilespmem:$0x1FC40];
	_ =	sdelay $0x1  }
0x163: {  	v30 =	vadd.f32 v51, v20  }
0x164: {  	v4 =	vadd.f32 v4, v23  }
0x165: {  	v41 =	vadd.f32 v63, v57;
	v3 =	vmin.f32 v3, v30  }
0x166: {  	v4 =	vmin.f32 v7, v4;
	v3 =	vmin.f32 v3, v60;
	v33 =	vadd.f32 v33, v6  }
0x167: {  	v4 =	vmin.f32 v4, v41;
	v3 =	vmin.f32 v3, v16;
	v6 =	vld [tilespmem:$0x1FC60]  }
0x168: {  	v3 =	vmin.f32 v3, v13;
	v4 =	vmin.f32 v4, v33  }
0x169: {  	v2 =	vmin.f32 v3, v2;
	v4 =	vmin.f32 v4, v36  }
0x16a: {  	v2 =	vmin.f32 v2, v8;
	v4 =	vmin.f32 v4, v39  }
0x16b: {  	v2 =	vmin.f32 v2, v14;
	v3 =	vmin.f32 v4, v42;
	v4 =	vld [tilespmem:$0x1FDF0]  }
0x16c: {  	v2 =	vmin.f32 v2, v34;
	v6 =	vadd.f32 v61, v6  }
0x16d: {  	v2 =	vmin.f32 v2, v17  }
0x16e: {  	v2 =	vmin.f32 v2, v50;
	v5 =	vmin.f32 v5, v6  }
0x16f: {  	v2 =	vmin.f32 v2, v43;
	v5 =	vmin.f32 v5, v53  }
0x170: {  	v5 =	vmin.f32 v5, v44;
	v2 =	vmin.f32 v2, v4;
	v4 =	vld [tilespmem:$0x1FD90]  }
0x171: {  	v5 =	vmin.f32 v5, v9  }
0x172: {  	v1 =	vmin.f32 v5, v1  }
0x173: {  	v1 =	vmin.f32 v1, v10  }
0x174: {  	v1 =	vmin.f32 v1, v38  }
0x175: {  	v1 =	vmin.f32 v1, v54;
	v2 =	vmin.f32 v2, v4;
	v4 =	vld [tilespmem:$0x1FDB0]  }
0x176: {  	v1 =	vmin.f32 v1, v18  }
0x177: {  	v1 =	vmin.f32 v1, v19  }
0x178: {  	v3 =	vmin.f32 v3, v62;
	v1 =	vmin.f32 v1, v46  }
0x179: {  	v3 =	vmin.f32 v3, v48;
	v1 =	vmin.f32 v1, v15  }
0x17a: {  	v3 =	vmin.f32 v3, v12;
	v1 =	vmin.f32 v1, v4;
	v4 =	vld [tilespmem:$0x1FDC0]  }
0x17b: {  	v3 =	vmin.f32 v3, v11  }
0x17c: {  	v0 =	vmin.f32 v3, v0  }
0x17d: {  	v0 =	vmin.f32 v0, v47  }
0x17e: {  	v0 =	vmin.f32 v0, v24  }
0x17f: {  	v0 =	vmin.f32 v0, v4;
	v4 =	vld [tilespmem:$0x1FD40];
	_ =	sdelay $0x4  }
0x180: {  	v2 =	vmin.f32 v2, v4;
	v4 =	vld [tilespmem:$0x1FD60];
	_ =	sdelay $0x4  }
0x181: {  	v1 =	vmin.f32 v1, v4;
	v4 =	vld [tilespmem:$0x1FCE0];
	_ =	sdelay $0x4  }
0x182: {  	v2 =	vmin.f32 v2, v4  }
0x183: {  	[tilespmem:$0x1FFB0] =	vst v2;
	v2 =	vld [tilespmem:$0x1FD00];
	_ =	sdelay $0x3  }
0x184: {  	s22 =	sshra.s32 s21, $0x2  }
0x185: {  	v8 =	vld [tilespmem:s22+$0x5000];
	v1 =	vmin.f32 v1, v2  }
0x186: {  	[tilespmem:$0x1FFD0] =	vst v1;
	v1 =	vld [tilespmem:$0x1FD10]  }
0x187: {  	v3 =	vld [tilespmem:s22+$0x6800]  }
0x188: {  	v17 =	vld [tilespmem:s22+$0x6000]  }
0x189: {  	v57 =	vld [tilespmem:s22+$0x5800]  }
0x18a: {  	v0 =	vmin.f32 v0, v40  }
0x18b: {  	v4 =	vimm.s32 $0xB;
	v0 =	vmin.f32 v0, v1;
	v1 =	vimm.s32 $0xE  }
0x18c: {  	v24 =	vperm.xlane v3, v4;
	v36 =	vperm.xlane v3, v1  }
0x18d: {  	[tilespmem:$0x1FFE0] =	vst v0;
	v0 =	vimm.s32 $0xF;
	v59 =	vperm.xlane v8, v1;
	v23 =	vperm.xlane v17, v1  }
0x18e: {  	v53 =	vperm.xlane v57, v1;
	v19 =	vperm.xlane v3, v0  }
0x18f: {  	v1 =	vimm.s32 $0x9;
	v60 =	vperm.xlane v8, v0;
	v22 =	vperm.xlane v17, v0  }
0x190: {  	v15 =	vperm.xlane v57, v0;
	v52 =	vperm.xlane v3, v1  }
0x191: {  	v6 =	vimm.s32 $0x4;
	v54 =	vperm.xlane v8, v1;
	v43 =	vperm.xlane v17, v1  }
0x192: {  	v0 =	vimm.s32 $0xB;
	v61 =	vperm.xlane v57, v1;
	v1 =	vperm.xlane v3, v6  }
0x193: {  	v38 =	vperm.xlane v8, v4;
	v9 =	vperm.xlane v57, v0;
	v0 =	vimm.s32 $0x6  }
0x194: {  	v51 =	vperm.xlane v17, v4;
	v4 =	vimm.s32 $0x8;
	[tilespmem:$0x1F1B0] =	vst v1;
	v1 =	vperm.xlane v8, v0  }
0x195: {  	v48 =	vperm.xlane v3, v4;
	v55 =	vperm.xlane v8, v4  }
0x196: {  	v7 =	vperm.xlane v17, v4;
	v2 =	vimm.s32 $0xA;
	[tilespmem:$0x1F140] =	vst v1;
	v1 =	vperm.xlane v17, v0  }
0x197: {  	v37 =	vperm.xlane v57, v4;
	v4 =	vimm.s32 $0x3;
	v62 =	vperm.xlane v3, v2  }
0x198: {  	v5 =	vimm.s32 $0xC;
	v31 =	vperm.xlane v8, v2;
	[tilespmem:$0x1F210] =	vst v1;
	v1 =	vperm.xlane v3, v4  }
0x199: {  	v47 =	vperm.xlane v17, v2;
	v32 =	vperm.xlane v57, v2;
	v2 =	vimm.s32 $0x5  }
0x19a: {  	v42 =	vperm.xlane v8, v5;
	[tilespmem:$0x1F600] =	vst v1;
	v1 =	vperm.xlane v8, v2  }
0x19b: {  	v63 =	vperm.xlane v17, v5;
	v21 =	vperm.xlane v3, v5  }
0x19c: {  	v46 =	vperm.xlane v57, v5;
	v5 =	vimm.s32 $0x7;
	[tilespmem:$0x1F150] =	vst v1;
	v1 =	vperm.xlane v17, v2  }
0x19d: {  	v44 =	vperm.xlane v3, v5  }
0x19e: {  	v56 =	vperm.xlane v8, v5;
	v10 =	vperm.xlane v17, v5;
	[tilespmem:$0x1F2F0] =	vst v1;
	v1 =	vimm.s32 $0x2  }
0x19f: {  	v39 =	vperm.xlane v57, v5;
	v5 =	vperm.xlane v3, v1;
	_ =	sdelay $0x1  }
0x1a0: {  	[tilespmem:$0x1F6D0] =	vst v5;
	v5 =	vperm.xlane v8, v6;
	_ =	sdelay $0x1  }
0x1a1: {  	[tilespmem:$0x1F160] =	vst v5;
	v5 =	vperm.xlane v17, v6;
	_ =	sdelay $0x1  }
0x1a2: {  	v33 =	vperm.xlane v3, v0;
	[tilespmem:$0x1F3C0] =	vst v5;
	v5 =	vimm.s32 $0x1  }
0x1a3: {  	v34 =	vperm.xlane v57, v0;
	v0 =	vperm.xlane v3, v5;
	_ =	sdelay $0x1  }
0x1a4: {  	[tilespmem:$0x1F7C0] =	vst v0;
	v0 =	vperm.xlane v8, v4;
	_ =	sdelay $0x1  }
0x1a5: {  	[tilespmem:$0x1F170] =	vst v0;
	v0 =	vperm.xlane v17, v4;
	_ =	sdelay $0x1  }
0x1a6: {  	v16 =	vperm.xlane v3, v2;
	[tilespmem:$0x1F490] =	vst v0;
	v0 =	vimm.s32 $0x0  }
0x1a7: {  	v18 =	vperm.xlane v57, v2;
	v2 =	vperm.xlane v3, v0;
	_ =	sdelay $0x1  }
0x1a8: {  	[tilespmem:$0x1F8D0] =	vst v2;
	v2 =	vperm.xlane v8, v1;
	_ =	sdelay $0x1  }
0x1a9: {  	[tilespmem:$0x1F180] =	vst v2;
	v2 =	vperm.xlane v17, v1;
	_ =	sdelay $0x1  }
0x1aa: {  	[tilespmem:$0x1F510] =	vst v2;
	v2 =	vperm.xlane v8, v5  }
0x1ab: {  	v30 =	vperm.xlane v57, v4;
	v4 =	vld [tilespmem:$0x1FF50]  }
0x1ac: {  	[tilespmem:$0x1F190] =	vst v2;
	v2 =	vperm.xlane v17, v5  }
0x1ad: {  	v26 =	vperm.xlane v57, v6;
	v6 =	vld [tilespmem:$0x1FF80]  }
0x1ae: {  	[tilespmem:$0x1F530] =	vst v2;
	v2 =	vperm.xlane v8, v0  }
0x1af: {  	v13 =	vld [tilespmem:$0x1FF90];
	v58 =	vperm.xlane v57, v0  }
0x1b0: {  	[tilespmem:$0x1F1A0] =	vst v2;
	v2 =	vperm.xlane v17, v0;
	v0 =	vmul.f32 v19, v4  }
0x1b1: {  	v14 =	vld [tilespmem:$0x1FFA0]  }
0x1b2: {  	[tilespmem:$0x1F610] =	vst v0;
	v0 =	vmul.f32 v19, v6;
	_ =	sdelay $0x1  }
0x1b3: {  	[tilespmem:$0x1F620] =	vst v0;
	v0 =	vmul.f32 v19, v13;
	_ =	sdelay $0x1  }
0x1b4: {  	[tilespmem:$0x1F640] =	vst v0;
	v0 =	vmul.f32 v19, v14;
	_ =	sdelay $0x1  }
0x1b5: {  	[tilespmem:$0x1F650] =	vst v0;
	v0 =	vmul.f32 v36, v4;
	_ =	sdelay $0x1  }
0x1b6: {  	[tilespmem:$0x1F660] =	vst v0;
	v0 =	vmul.f32 v36, v6;
	_ =	sdelay $0x1  }
0x1b7: {  	[tilespmem:$0x1F680] =	vst v0;
	v0 =	vmul.f32 v36, v13;
	_ =	sdelay $0x1  }
0x1b8: {  	v20 =	vperm.xlane v3, v28;
	[tilespmem:$0x1F6A0] =	vst v0;
	v0 =	vmul.f32 v36, v14;
	_ =	sdelay $0x1  }
0x1b9: {  	[tilespmem:$0x1F6B0] =	vst v0;
	v0 =	vmul.f32 v20, v4;
	_ =	sdelay $0x1  }
0x1ba: {  	[tilespmem:$0x1F6E0] =	vst v0;
	v0 =	vmul.f32 v20, v6  }
0x1bb: {  	v41 =	vld [tilespmem:$0x1FC70]  }
0x1bc: {  	[tilespmem:$0x1F700] =	vst v0;
	v0 =	vmul.f32 v20, v13  }
0x1bd: {  	v36 =	vld [tilespmem:$0x1FC80]  }
0x1be: {  	[tilespmem:$0x1F720] =	vst v0;
	v0 =	vmul.f32 v20, v14  }
0x1bf: {  	v40 =	vld [tilespmem:$0x1FC90]  }
0x1c0: {  	[tilespmem:$0x1F740] =	vst v0;
	v0 =	vmul.f32 v22, v41  }
0x1c1: {  	v35 =	vld [tilespmem:$0x1FCB0]  }
0x1c2: {  	[tilespmem:$0x1F1C0] =	vst v0;
	v0 =	vmul.f32 v22, v36;
	_ =	sdelay $0x1  }
0x1c3: {  	[tilespmem:$0x1F1E0] =	vst v0;
	v0 =	vmul.f32 v22, v40;
	_ =	sdelay $0x1  }
0x1c4: {  	[tilespmem:$0x1F1F0] =	vst v0;
	v0 =	vmul.f32 v22, v35;
	_ =	sdelay $0x1  }
0x1c5: {  	[tilespmem:$0x1F200] =	vst v0;
	v0 =	vmul.f32 v21, v4;
	_ =	sdelay $0x1  }
0x1c6: {  	[tilespmem:$0x1F760] =	vst v0;
	v0 =	vmul.f32 v21, v6;
	_ =	sdelay $0x1  }
0x1c7: {  	[tilespmem:$0x1F780] =	vst v0;
	v0 =	vmul.f32 v21, v13;
	_ =	sdelay $0x1  }
0x1c8: {  	[tilespmem:$0x1F790] =	vst v0;
	v0 =	vmul.f32 v21, v14;
	_ =	sdelay $0x1  }
0x1c9: {  	[tilespmem:$0x1F7B0] =	vst v0;
	v0 =	vmul.f32 v23, v41  }
0x1ca: {  	v49 =	vperm.xlane v57, v1;
	v1 =	vmul.f32 v48, v4  }
0x1cb: {  	[tilespmem:$0x1F220] =	vst v0;
	v0 =	vmul.f32 v23, v36  }
0x1cc: {  	[tilespmem:$0x1F950] =	vst v1;
	v1 =	vmul.f32 v48, v6  }
0x1cd: {  	[tilespmem:$0x1F240] =	vst v0;
	v0 =	vmul.f32 v23, v40  }
0x1ce: {  	[tilespmem:$0x1F970] =	vst v1;
	v1 =	vmul.f32 v48, v13  }
0x1cf: {  	v50 =	vperm.xlane v57, v28;
	[tilespmem:$0x1F260] =	vst v0;
	v0 =	vmul.f32 v23, v35  }
0x1d0: {  	v57 =	vperm.xlane v57, v5;
	v5 =	vmul.f32 v16, v4;
	[tilespmem:$0x1F9B0] =	vst v1  }
0x1d1: {  	[tilespmem:$0x1F270] =	vst v0;
	v0 =	vmul.f32 v24, v4  }
0x1d2: {  	v1 =	vmul.f32 v48, v14;
	[tilespmem:$0x1FEC0] =	vst v5  }
0x1d3: {  	[tilespmem:$0x1F7D0] =	vst v0;
	v0 =	vmul.f32 v24, v6  }
0x1d4: {  	v5 =	vmul.f32 v16, v6;
	[tilespmem:$0x1F560] =	vst v1  }
0x1d5: {  	[tilespmem:$0x1F7F0] =	vst v0;
	v0 =	vmul.f32 v24, v13  }
0x1d6: {  	[tilespmem:$0x1FED0] =	vst v5  }
0x1d7: {  	v25 =	vperm.xlane v17, v28;
	[tilespmem:$0x1F810] =	vst v0;
	v0 =	vmul.f32 v24, v14  }
0x1d8: {  	v1 =	vmul.f32 v47, v41;
	[tilespmem:$0x1F580] =	vst v2  }
0x1d9: {  	[tilespmem:$0x1F830] =	vst v0;
	v0 =	vmul.f32 v25, v41  }
0x1da: {  	v5 =	vmul.f32 v16, v13;
	[tilespmem:$0x1F3D0] =	vst v1  }
0x1db: {  	[tilespmem:$0x1F280] =	vst v0;
	v0 =	vmul.f32 v25, v36  }
0x1dc: {  	v2 =	vmul.f32 v44, v4;
	[tilespmem:$0x1FEF0] =	vst v5;
	v20 =	vld [tilespmem:$0x1F9E0]  }
0x1dd: {  	[tilespmem:$0x1F2A0] =	vst v0;
	v0 =	vmul.f32 v25, v40  }
0x1de: {  	v5 =	vmul.f32 v16, v14;
	[tilespmem:$0x1F590] =	vst v2;
	v21 =	vld [tilespmem:$0x1F9F0]  }
0x1df: {  	[tilespmem:$0x1F2B0] =	vst v0;
	v0 =	vmul.f32 v25, v35  }
0x1e0: {  	v2 =	vmul.f32 v44, v6;
	[tilespmem:$0x1FF00] =	vst v5;
	v22 =	vld [tilespmem:$0x1FA00]  }
0x1e1: {  	[tilespmem:$0x1F2D0] =	vst v0;
	v0 =	vmul.f32 v15, v20  }
0x1e2: {  	v5 =	vmul.f32 v10, v41;
	[tilespmem:$0x1F5A0] =	vst v2;
	v23 =	vld [tilespmem:$0x1FA10]  }
0x1e3: {  	[tilespmem:$0x1F0F0] =	vst v0;
	v0 =	vmul.f32 v15, v21  }
0x1e4: {  	v2 =	vmul.f32 v44, v13;
	[tilespmem:$0x1F4E0] =	vst v5  }
0x1e5: {  	[tilespmem:$0x1F100] =	vst v0;
	v0 =	vmul.f32 v15, v22  }
0x1e6: {  	[tilespmem:$0x1F570] =	vst v2;
	v2 =	vmul.f32 v44, v14  }
0x1e7: {  	[tilespmem:$0x1F110] =	vst v0;
	v0 =	vmul.f32 v15, v23  }
0x1e8: {  	[tilespmem:$0x1F9A0] =	vst v2;
	v2 =	vmul.f32 v43, v41  }
0x1e9: {  	[tilespmem:$0x1F120] =	vst v0;
	v0 =	vmul.f32 v62, v4  }
0x1ea: {  	[tilespmem:$0x1F430] =	vst v2;
	v1 =	vmul.f32 v47, v36  }
0x1eb: {  	[tilespmem:$0x1F850] =	vst v0;
	v0 =	vmul.f32 v62, v6  }
0x1ec: {  	v2 =	vmul.f32 v43, v36;
	[tilespmem:$0x1F3E0] =	vst v1  }
0x1ed: {  	[tilespmem:$0x1F870] =	vst v0;
	v0 =	vmul.f32 v62, v13  }
0x1ee: {  	v5 =	vmul.f32 v10, v36;
	[tilespmem:$0x1F450] =	vst v2  }
0x1ef: {  	[tilespmem:$0x1F890] =	vst v0;
	v0 =	vmul.f32 v62, v14  }
0x1f0: {  	v1 =	vmul.f32 v47, v40;
	[tilespmem:$0x1F500] =	vst v5  }
0x1f1: {  	[tilespmem:$0x1F8B0] =	vst v0;
	v0 =	vmul.f32 v63, v41  }
0x1f2: {  	v2 =	vmul.f32 v43, v40;
	[tilespmem:$0x1F3F0] =	vst v1  }
0x1f3: {  	[tilespmem:$0x1F300] =	vst v0;
	v0 =	vmul.f32 v63, v36  }
0x1f4: {  	[tilespmem:$0x1F460] =	vst v2;
	v2 =	vmul.f32 v43, v35  }
0x1f5: {  	[tilespmem:$0x1F320] =	vst v0;
	v0 =	vmul.f32 v63, v40  }
0x1f6: {  	[tilespmem:$0x1F480] =	vst v2;
	v2 =	vmul.f32 v33, v4  }
0x1f7: {  	[tilespmem:$0x1F330] =	vst v0;
	v0 =	vmul.f32 v63, v35  }
0x1f8: {  	[tilespmem:$0x1FE80] =	vst v2;
	v2 =	vmul.f32 v33, v6  }
0x1f9: {  	[tilespmem:$0x1F350] =	vst v0;
	v0 =	vmul.f32 v53, v23  }
0x1fa: {  	[tilespmem:$0x1FE90] =	vst v2;
	v2 =	vmul.f32 v33, v13  }
0x1fb: {  	[tilespmem:$0x1F130] =	vst v0;
	v0 =	vmul.f32 v52, v4  }
0x1fc: {  	[tilespmem:$0x1F710] =	vst v2;
	v2 =	vmul.f32 v33, v14  }
0x1fd: {  	[tilespmem:$0x1F8E0] =	vst v0;
	v0 =	vmul.f32 v52, v6  }
0x1fe: {  	v45 =	vperm.xlane v8, v28;
	[tilespmem:$0x1F5F0] =	vst v2;
	v2 =	vmul.f32 v7, v41  }
0x1ff: {  	v1 =	vmul.f32 v47, v35;
	v5 =	vld [tilespmem:$0x1F0F0];
	[tilespmem:$0x1F900] =	vst v0;
	v0 =	vmul.f32 v52, v13  }
0x200: {  	v29 =	vmul.f32 v32, v20;
	[tilespmem:$0x1F4A0] =	vst v2;
	v2 =	vmul.f32 v7, v36  }
0x201: {  	v16 =	vmov v10;
	v10 =	vmul.f32 v39, v20;
	[tilespmem:$0x1F920] =	vst v0;
	v0 =	vmul.f32 v52, v14  }
0x202: {  	v3 =	vmul.f32 v50, v22;
	[tilespmem:$0x1F4B0] =	vst v2;
	v2 =	vmul.f32 v7, v40  }
0x203: {  	v27 =	vmul.f32 v9, v22;
	[tilespmem:$0x1F940] =	vst v0;
	v0 =	vmul.f32 v51, v41  }
0x204: {  	v12 =	vmul.f32 v39, v22;
	[tilespmem:$0x1F4C0] =	vst v2;
	v2 =	vmul.f32 v7, v35;
	v5 =	vadd.f32 v5, v60  }
0x205: {  	v7 =	vmul.f32 v37, v20;
	[tilespmem:$0x1F360] =	vst v0;
	v0 =	vmul.f32 v51, v36  }
0x206: {  	v17 =	vmul.f32 v46, v21;
	v44 =	vmul.f32 v9, v21;
	[tilespmem:$0x1F1D0] =	vst v5  }
0x207: {  	v3 =	vadd.f32 v3, v45;
	v48 =	vmul.f32 v32, v21;
	v5 =	vld [tilespmem:$0x1F100];
	[tilespmem:$0x1F380] =	vst v0;
	v0 =	vmul.f32 v51, v40  }
0x208: {  	v12 =	vadd.f32 v12, v56;
	[tilespmem:$0x1F4D0] =	vst v2;
	v2 =	vmul.f32 v32, v23;
	v24 =	vmul.f32 v53, v20  }
0x209: {  	v7 =	vadd.f32 v7, v55;
	v25 =	vmul.f32 v53, v21;
	[tilespmem:$0x1F390] =	vst v0;
	v0 =	vmul.f32 v51, v35  }
0x20a: {  	v2 =	vadd.f32 v2, v31;
	v62 =	vmul.f32 v50, v21;
	v51 =	vmul.f32 v50, v20  }
0x20b: {  	v24 =	vadd.f32 v24, v59;
	[tilespmem:$0x1F3B0] =	vst v0;
	v0 =	vmul.f32 v50, v23;
	v50 =	vmul.f32 v61, v20  }
0x20c: {  	v63 =	vmul.f32 v53, v22;
	v53 =	vmul.f32 v32, v22;
	v32 =	vadd.f32 v5, v60;
	v5 =	vld [tilespmem:$0x1F110]  }
0x20d: {  	v43 =	vmul.f32 v61, v21;
	[tilespmem:$0x1F420] =	vst v2;
	v52 =	vmul.f32 v61, v22;
	v2 =	vadd.f32 v50, v54  }
0x20e: {  	v8 =	vmul.f32 v37, v21;
	v11 =	vmul.f32 v39, v21;
	[tilespmem:$0x1F230] =	vst v24;
	v24 =	vadd.f32 v25, v59  }
0x20f: {  	v17 =	vadd.f32 v17, v42;
	v19 =	vmul.f32 v46, v23;
	[tilespmem:$0x1F440] =	vst v2;
	v2 =	vadd.f32 v52, v54  }
0x210: {  	v43 =	vadd.f32 v43, v54;
	v28 =	vmul.f32 v9, v23;
	[tilespmem:$0x1F250] =	vst v24;
	v15 =	vmul.f32 v9, v20;
	v24 =	vld [tilespmem:$0x1F130]  }
0x211: {  	v9 =	vmul.f32 v37, v22;
	v33 =	vadd.f32 v5, v60;
	v5 =	vld [tilespmem:$0x1F120];
	[tilespmem:$0x1F470] =	vst v2;
	v2 =	vadd.f32 v10, v56  }
0x212: {  	[tilespmem:$0x1F410] =	vst v1;
	v8 =	vadd.f32 v8, v55;
	v11 =	vadd.f32 v11, v56;
	v37 =	vmul.f32 v37, v23  }
0x213: {  	v1 =	vmul.f32 v46, v20;
	v19 =	vadd.f32 v19, v42;
	v9 =	vadd.f32 v9, v55;
	[tilespmem:$0x1F4F0] =	vst v2;
	v2 =	vld [tilespmem:$0x1F140]  }
0x214: {  	v47 =	vmul.f32 v46, v22;
	v37 =	vadd.f32 v37, v55;
	v63 =	vadd.f32 v63, v59  }
0x215: {  	[tilespmem:$0x1F2C0] =	vst v3;
	v46 =	vmul.f32 v34, v21;
	v3 =	vadd.f32 v53, v31;
	v0 =	vadd.f32 v0, v45  }
0x216: {  	v24 =	vadd.f32 v24, v59;
	v60 =	vadd.f32 v5, v60;
	v5 =	vmul.f32 v34, v20  }
0x217: {  	v59 =	vmul.f32 v34, v22;
	v34 =	vmul.f32 v34, v23;
	[tilespmem:$0x1F2E0] =	vst v0;
	v0 =	vadd.f32 v1, v42  }
0x218: {  	v5 =	vadd.f32 v5, v2;
	v46 =	vadd.f32 v46, v2  }
0x219: {  	v39 =	vmul.f32 v39, v23;
	v59 =	vadd.f32 v59, v2;
	v34 =	vadd.f32 v34, v2;
	v2 =	vld [tilespmem:$0x1F150]  }
0x21a: {  	v55 =	vmul.f32 v30, v22;
	v62 =	vadd.f32 v62, v45;
	[tilespmem:$0x1F400] =	vst v3;
	v25 =	vadd.f32 v51, v45  }
0x21b: {  	v3 =	vmul.f32 v49, v22;
	v61 =	vmul.f32 v61, v23;
	[tilespmem:$0x1F310] =	vst v0;
	v0 =	vadd.f32 v47, v42  }
0x21c: {  	[tilespmem:$0x1F290] =	vst v25;
	v25 =	vadd.f32 v44, v38;
	v1 =	vmul.f32 v18, v21;
	v42 =	vmul.f32 v18, v22  }
0x21d: {  	v51 =	vmul.f32 v30, v21;
	v54 =	vadd.f32 v61, v54;
	[tilespmem:$0x1F340] =	vst v0;
	v0 =	vadd.f32 v15, v38  }
0x21e: {  	v45 =	vmul.f32 v18, v20;
	v15 =	vld [tilespmem:$0x1F180];
	v50 =	vadd.f32 v1, v2;
	v1 =	vadd.f32 v42, v2  }
0x21f: {  	v61 =	vmul.f32 v30, v20;
	v10 =	vmul.f32 v30, v23;
	v30 =	vadd.f32 v39, v56;
	[tilespmem:$0x1F370] =	vst v0  }
0x220: {  	v39 =	vmul.f32 v49, v20;
	v0 =	vadd.f32 v27, v38;
	v27 =	vadd.f32 v28, v38;
	[tilespmem:$0x1F520] =	vst v1;
	v1 =	vld [tilespmem:$0x1F160]  }
0x221: {  	v56 =	vmul.f32 v49, v21;
	v28 =	vadd.f32 v29, v31;
	v29 =	vadd.f32 v48, v31  }
0x222: {  	v31 =	vmul.f32 v26, v22;
	v47 =	vadd.f32 v45, v2;
	v45 =	vmul.f32 v49, v23  }
0x223: {  	[tilespmem:$0x1F3A0] =	vst v0;
	v0 =	vmul.f32 v26, v21;
	v39 =	vadd.f32 v39, v15;
	v56 =	vadd.f32 v56, v15  }
0x224: {  	v38 =	vmul.f32 v26, v20;
	v3 =	vadd.f32 v3, v15;
	v53 =	vadd.f32 v45, v15  }
0x225: {  	v26 =	vmul.f32 v26, v23;
	v15 =	vld [tilespmem:$0x1F190];
	v48 =	vadd.f32 v0, v1;
	v0 =	vadd.f32 v31, v1  }
0x226: {  	v18 =	vmul.f32 v18, v23  }
0x227: {  	[tilespmem:$0x1F540] =	vst v0;
	v0 =	vadd.f32 v26, v1  }
0x228: {  	v18 =	vadd.f32 v18, v2;
	v49 =	vmul.f32 v57, v20;
	v2 =	vmul.f32 v57, v21  }
0x229: {  	v38 =	vadd.f32 v38, v1;
	v1 =	vmul.f32 v57, v22;
	v57 =	vmul.f32 v57, v23;
	[tilespmem:$0x1F550] =	vst v0;
	v0 =	vld [tilespmem:$0x1F170]  }
0x22a: {  	v49 =	vadd.f32 v49, v15;
	v2 =	vadd.f32 v2, v15  }
0x22b: {  	v1 =	vadd.f32 v1, v15;
	v57 =	vadd.f32 v57, v15;
	v15 =	vld [tilespmem:$0x1F1A0];
	_ =	sdelay $0x2  }
0x22c: {  	v52 =	vadd.f32 v51, v0;
	v51 =	vadd.f32 v10, v0;
	v10 =	vmul.f32 v58, v20  }
0x22d: {  	v61 =	vadd.f32 v61, v0;
	v55 =	vadd.f32 v55, v0;
	v0 =	vmul.f32 v58, v21  }
0x22e: {  	v42 =	vmul.f32 v58, v22;
	[tilespmem:$0x1F5B0] =	vst v1;
	v58 =	vmul.f32 v58, v23;
	v1 =	vadd.f32 v10, v15  }
0x22f: {  	v20 =	vld [tilespmem:$0x1F1E0];
	v0 =	vadd.f32 v0, v15  }
0x230: {  	v58 =	vadd.f32 v58, v15;
	[tilespmem:$0x1F5C0] =	vst v1;
	v1 =	vadd.f32 v42, v15;
	v15 =	vld [tilespmem:$0x1F1F0]  }
0x231: {  	v45 =	vmul.f32 v16, v35;
	[tilespmem:$0x1F5D0] =	vst v0;
	v0 =	vmul.f32 v16, v40;
	v16 =	vld [tilespmem:$0x1F1C0]  }
0x232: {  	[tilespmem:$0x1F5E0] =	vst v1;
	v1 =	vld [tilespmem:$0x1F1D0];
	_ =	sdelay $0x2  }
0x233: {  	v33 =	vadd.f32 v15, v33;
	v15 =	vld [tilespmem:$0x1F200];
	_ =	sdelay $0x1  }
0x234: {  	v16 =	vadd.f32 v16, v1;
	v1 =	vadd.f32 v20, v32;
	_ =	sdelay $0x1  }
0x235: {  	[tilespmem:$0x1F630] =	vst v1;
	v1 =	vld [tilespmem:$0x1F230]  }
0x236: {  	v60 =	vadd.f32 v15, v60;
	v15 =	vld [tilespmem:$0x1F220];
	_ =	sdelay $0x3  }
0x237: {  	v20 =	vld [tilespmem:$0x1F260]  }
0x238: {  	v1 =	vadd.f32 v15, v1  }
0x239: {  	v15 =	vld [tilespmem:$0x1F240]  }
0x23a: {  	[tilespmem:$0x1F670] =	vst v1;
	v1 =	vld [tilespmem:$0x1F250];
	_ =	sdelay $0x1  }
0x23b: {  	v63 =	vadd.f32 v20, v63;
	v20 =	vld [tilespmem:$0x1F270];
	_ =	sdelay $0x2  }
0x23c: {  	v1 =	vadd.f32 v15, v1;
	_ =	sdelay $0x1  }
0x23d: {  	[tilespmem:$0x1F690] =	vst v1;
	v1 =	vadd.f32 v20, v24  }
0x23e: {  	v22 =	vld [tilespmem:$0x1F280]  }
0x23f: {  	[tilespmem:$0x1F6C0] =	vst v1;
	v1 =	vld [tilespmem:$0x1F290];
	_ =	sdelay $0x4  }
0x240: {  	v1 =	vadd.f32 v22, v1;
	v22 =	vld [tilespmem:$0x1F2A0];
	_ =	sdelay $0x3  }
0x241: {  	[tilespmem:$0x1F6F0] =	vst v1;
	v1 =	vld [tilespmem:$0x1F2C0]  }
0x242: {  	v62 =	vadd.f32 v22, v62;
	v22 =	vld [tilespmem:$0x1F2B0];
	_ =	sdelay $0x4  }
0x243: {  	v1 =	vadd.f32 v22, v1  }
0x244: {  	v22 =	vld [tilespmem:$0x1F2D0]  }
0x245: {  	[tilespmem:$0x1F730] =	vst v1;
	v1 =	vld [tilespmem:$0x1F2E0];
	_ =	sdelay $0x4  }
0x246: {  	v1 =	vadd.f32 v22, v1  }
0x247: {  	v23 =	vld [tilespmem:$0x1F300]  }
0x248: {  	[tilespmem:$0x1F750] =	vst v1;
	v1 =	vld [tilespmem:$0x1F310];
	_ =	sdelay $0x4  }
0x249: {  	v1 =	vadd.f32 v23, v1  }
0x24a: {  	v24 =	vld [tilespmem:$0x1F330]  }
0x24b: {  	[tilespmem:$0x1F770] =	vst v1;
	v1 =	vld [tilespmem:$0x1F340];
	_ =	sdelay $0x4  }
0x24c: {  	v1 =	vadd.f32 v24, v1  }
0x24d: {  	v31 =	vld [tilespmem:$0x1F360]  }
0x24e: {  	[tilespmem:$0x1F7A0] =	vst v1;
	v1 =	vld [tilespmem:$0x1F370];
	_ =	sdelay $0x2  }
0x24f: {  	v26 =	vld [tilespmem:$0x1F2F0]  }
0x250: {  	v23 =	vld [tilespmem:$0x1F320]  }
0x251: {  	v1 =	vadd.f32 v31, v1;
	v31 =	vld [tilespmem:$0x1F380]  }
0x252: {  	v24 =	vld [tilespmem:$0x1F350];
	_ =	sdelay $0x2  }
0x253: {  	v22 =	vmul.f32 v26, v41  }
0x254: {  	v17 =	vadd.f32 v23, v17;
	v23 =	vmul.f32 v26, v36;
	[tilespmem:$0x1F7E0] =	vst v1;
	v1 =	vadd.f32 v31, v25  }
0x255: {  	v19 =	vadd.f32 v24, v19;
	v24 =	vmul.f32 v26, v40;
	v25 =	vmul.f32 v26, v35;
	v26 =	vld [tilespmem:$0x1F390]  }
0x256: {  	[tilespmem:$0x1F800] =	vst v1;
	v1 =	vld [tilespmem:$0x1F3A0];
	_ =	sdelay $0x4  }
0x257: {  	v1 =	vadd.f32 v26, v1;
	v26 =	vld [tilespmem:$0x1F3B0];
	_ =	sdelay $0x4  }
0x258: {  	[tilespmem:$0x1F820] =	vst v1;
	v1 =	vadd.f32 v26, v27;
	v27 =	vld [tilespmem:$0x1F3D0];
	_ =	sdelay $0x4  }
0x259: {  	[tilespmem:$0x1F840] =	vst v1;
	v1 =	vadd.f32 v27, v28;
	v27 =	vld [tilespmem:$0x1F3E0];
	_ =	sdelay $0x4  }
0x25a: {  	[tilespmem:$0x1F860] =	vst v1;
	v1 =	vadd.f32 v27, v29  }
0x25b: {  	v28 =	vld [tilespmem:$0x1F3F0]  }
0x25c: {  	[tilespmem:$0x1F880] =	vst v1;
	v1 =	vld [tilespmem:$0x1F400];
	_ =	sdelay $0x4  }
0x25d: {  	v1 =	vadd.f32 v28, v1  }
0x25e: {  	v28 =	vld [tilespmem:$0x1F410]  }
0x25f: {  	[tilespmem:$0x1F8A0] =	vst v1;
	v1 =	vld [tilespmem:$0x1F420];
	_ =	sdelay $0x4  }
0x260: {  	v1 =	vadd.f32 v28, v1  }
0x261: {  	v29 =	vld [tilespmem:$0x1F430]  }
0x262: {  	[tilespmem:$0x1F8C0] =	vst v1;
	v1 =	vld [tilespmem:$0x1F440];
	_ =	sdelay $0x3  }
0x263: {  	v31 =	vld [tilespmem:$0x1F3C0]  }
0x264: {  	v1 =	vadd.f32 v29, v1;
	v29 =	vld [tilespmem:$0x1F450];
	_ =	sdelay $0x4  }
0x265: {  	v26 =	vmul.f32 v31, v41;
	v27 =	vmul.f32 v31, v36;
	[tilespmem:$0x1F8F0] =	vst v1;
	v1 =	vadd.f32 v29, v43  }
0x266: {  	v28 =	vmul.f32 v31, v40;
	v29 =	vmul.f32 v31, v35;
	v31 =	vld [tilespmem:$0x1F460]  }
0x267: {  	[tilespmem:$0x1F910] =	vst v1;
	v1 =	vld [tilespmem:$0x1F470];
	_ =	sdelay $0x4  }
0x268: {  	v1 =	vadd.f32 v31, v1;
	_ =	sdelay $0x1  }
0x269: {  	[tilespmem:$0x1F930] =	vst v1;
	v1 =	vld [tilespmem:$0x1F4A0];
	_ =	sdelay $0x4  }
0x26a: {  	v1 =	vadd.f32 v1, v7;
	_ =	sdelay $0x1  }
0x26b: {  	[tilespmem:$0x1F960] =	vst v1;
	v1 =	vld [tilespmem:$0x1F4B0];
	_ =	sdelay $0x4  }
0x26c: {  	v1 =	vadd.f32 v1, v8;
	v8 =	vld [tilespmem:$0x1F4C0];
	_ =	sdelay $0x4  }
0x26d: {  	[tilespmem:$0x1F980] =	vst v1;
	v1 =	vadd.f32 v8, v9  }
0x26e: {  	v9 =	vld [tilespmem:$0x1F4F0]  }
0x26f: {  	[tilespmem:$0x1F9C0] =	vst v1;
	v1 =	vld [tilespmem:$0x1F4E0];
	_ =	sdelay $0x1  }
0x270: {  	v21 =	vld [tilespmem:$0x1F210];
	_ =	sdelay $0x1  }
0x271: {  	v8 =	vld [tilespmem:$0x1F4D0]  }
0x272: {  	v9 =	vadd.f32 v1, v9;
	v1 =	vld [tilespmem:$0x1F500];
	_ =	sdelay $0x1  }
0x273: {  	v32 =	vmul.f32 v21, v41;
	v43 =	vld [tilespmem:$0x1F490];
	_ =	sdelay $0x1  }
0x274: {  	v5 =	vadd.f32 v32, v5  }
0x275: {  	v15 =	vmul.f32 v21, v36;
	v8 =	vadd.f32 v8, v37;
	[tilespmem:$0x1FA80] =	vst v9;
	v9 =	vadd.f32 v1, v11;
	v1 =	vld [tilespmem:$0x1F520]  }
0x276: {  	v0 =	vadd.f32 v0, v12;
	[tilespmem:$0x1FAB0] =	vst v5  }
0x277: {  	v5 =	vadd.f32 v15, v46;
	[tilespmem:$0x1FA70] =	vst v8;
	v8 =	vmul.f32 v43, v40  }
0x278: {  	v12 =	vld [tilespmem:$0x1F510];
	[tilespmem:$0x1FAA0] =	vst v0;
	v15 =	vadd.f32 v23, v50  }
0x279: {  	v20 =	vmul.f32 v21, v40;
	[tilespmem:$0x1FAC0] =	vst v5;
	v8 =	vadd.f32 v8, v55  }
0x27a: {  	[tilespmem:$0x1FAF0] =	vst v15;
	v15 =	vadd.f32 v24, v1;
	v1 =	vld [tilespmem:$0x1F540]  }
0x27b: {  	v21 =	vmul.f32 v21, v35;
	v7 =	vmul.f32 v43, v36;
	[tilespmem:$0x1FBC0] =	vst v8;
	v11 =	vadd.f32 v20, v59  }
0x27c: {  	v31 =	vld [tilespmem:$0x1F480];
	[tilespmem:$0x1FA90] =	vst v9;
	v9 =	vmul.f32 v43, v35  }
0x27d: {  	v0 =	vmul.f32 v12, v41;
	v7 =	vadd.f32 v7, v52;
	v20 =	vld [tilespmem:$0x1F530];
	[tilespmem:$0x1FAD0] =	vst v11;
	v11 =	vadd.f32 v21, v34  }
0x27e: {  	v5 =	vmul.f32 v12, v36;
	v8 =	vadd.f32 v9, v51;
	v9 =	vld [tilespmem:$0x1F580];
	[tilespmem:$0x1FB10] =	vst v15;
	v15 =	vadd.f32 v25, v18  }
0x27f: {  	[tilespmem:$0x1FBA0] =	vst v7;
	v18 =	vadd.f32 v27, v48;
	v21 =	vadd.f32 v28, v1;
	v1 =	vld [tilespmem:$0x1F550]  }
0x280: {  	[tilespmem:$0x1FAE0] =	vst v11;
	v25 =	vadd.f32 v0, v39;
	v0 =	vadd.f32 v5, v56;
	v5 =	vld [tilespmem:$0x1F5D0]  }
0x281: {  	v54 =	vadd.f32 v31, v54;
	v31 =	vmul.f32 v43, v41;
	[tilespmem:$0x1FBE0] =	vst v8  }
0x282: {  	v11 =	vmul.f32 v12, v40;
	v12 =	vmul.f32 v12, v35;
	[tilespmem:$0x1FB60] =	vst v18  }
0x283: {  	v7 =	vmul.f32 v20, v35;
	[tilespmem:$0x1FC00] =	vst v0;
	v0 =	vmul.f32 v9, v36  }
0x284: {  	v3 =	vadd.f32 v11, v3;
	v18 =	vmul.f32 v20, v36;
	[tilespmem:$0x1FB70] =	vst v21;
	v21 =	vadd.f32 v29, v1  }
0x285: {  	[tilespmem:$0x1FB30] =	vst v15;
	v15 =	vmul.f32 v20, v41;
	v8 =	vmul.f32 v9, v41;
	v41 =	vadd.f32 v0, v5  }
0x286: {  	v0 =	vld [tilespmem:$0x1F5E0];
	[tilespmem:$0x1FB80] =	vst v21;
	v21 =	vmul.f32 v20, v40;
	v20 =	vadd.f32 v18, v2;
	v2 =	vmul.f32 v9, v35  }
0x287: {  	v1 =	vld [tilespmem:$0x1F5B0]  }
0x288: {  	[tilespmem:$0x1FC20] =	vst v3;
	v3 =	vadd.f32 v12, v53;
	v23 =	vadd.f32 v2, v58;
	v2 =	vld [tilespmem:$0x1F610];
	_ =	sdelay $0x1  }
0x289: {  	[tilespmem:$0x1FC40] =	vst v3;
	v3 =	vmul.f32 v9, v40;
	_ =	sdelay $0x1  }
0x28a: {  	v1 =	vadd.f32 v21, v1;
	v21 =	vadd.f32 v3, v0;
	v3 =	vld [tilespmem:$0x1F630]  }
0x28b: {  	v32 =	vadd.f32 v22, v47;
	v22 =	vadd.f32 v2, v16;
	v2 =	vld [tilespmem:$0x1F620];
	_ =	sdelay $0x4  }
0x28c: {  	v2 =	vadd.f32 v2, v3;
	_ =	sdelay $0x1  }
0x28d: {  	[tilespmem:$0x1FCE0] =	vst v2;
	v2 =	vld [tilespmem:$0x1F640];
	_ =	sdelay $0x4  }
0x28e: {  	v2 =	vadd.f32 v2, v33;
	_ =	sdelay $0x1  }
0x28f: {  	[tilespmem:$0x1FD00] =	vst v2;
	v2 =	vld [tilespmem:$0x1F650];
	_ =	sdelay $0x4  }
0x290: {  	v2 =	vadd.f32 v2, v60  }
0x291: {  	v3 =	vld [tilespmem:$0x1F670]  }
0x292: {  	[tilespmem:$0x1FD10] =	vst v2;
	v2 =	vld [tilespmem:$0x1F660];
	_ =	sdelay $0x4  }
0x293: {  	v12 =	vadd.f32 v15, v49;
	v49 =	vadd.f32 v2, v3;
	v2 =	vld [tilespmem:$0x1F680]  }
0x294: {  	v3 =	vld [tilespmem:$0x1F690];
	_ =	sdelay $0x3  }
0x295: {  	v5 =	vld [tilespmem:$0x1F6F0]  }
0x296: {  	v2 =	vadd.f32 v2, v3;
	v3 =	vld [tilespmem:$0x1F6E0];
	_ =	sdelay $0x4  }
0x297: {  	v5 =	vadd.f32 v3, v5;
	v3 =	vld [tilespmem:$0x1F700];
	_ =	sdelay $0x4  }
0x298: {  	v3 =	vadd.f32 v3, v62  }
0x299: {  	v57 =	vadd.f32 v7, v57;
	v7 =	vld [tilespmem:$0x1F730]  }
0x29a: {  	[tilespmem:$0x1FD90] =	vst v3;
	v3 =	vld [tilespmem:$0x1F720];
	_ =	sdelay $0x3  }
0x29b: {  	v0 =	vld [tilespmem:$0x1F600]  }
0x29c: {  	[tilespmem:$0x1FC60] =	vst v1;
	v1 =	vld [tilespmem:$0x1F5C0];
	v3 =	vadd.f32 v3, v7  }
0x29d: {  	v7 =	vld [tilespmem:$0x1F750]  }
0x29e: {  	[tilespmem:$0x1FDB0] =	vst v3;
	v3 =	vld [tilespmem:$0x1F740];
	_ =	sdelay $0x3  }
0x29f: {  	v58 =	vmul.f32 v0, v6;
	v59 =	vmul.f32 v0, v14;
	v1 =	vadd.f32 v8, v1  }
0x2a0: {  	v8 =	vmul.f32 v0, v4;
	v60 =	vmul.f32 v0, v13;
	v0 =	vld [tilespmem:$0x1F6A0];
	v3 =	vadd.f32 v3, v7  }
0x2a1: {  	v7 =	vld [tilespmem:$0x1F770]  }
0x2a2: {  	[tilespmem:$0x1FDC0] =	vst v3;
	v3 =	vld [tilespmem:$0x1F760];
	_ =	sdelay $0x3  }
0x2a3: {  	v45 =	vadd.f32 v45, v30;
	v9 =	vld [tilespmem:$0x1F7E0]  }
0x2a4: {  	v0 =	vadd.f32 v0, v63;
	v30 =	vadd.f32 v3, v7;
	v7 =	vld [tilespmem:$0x1F7D0];
	_ =	sdelay $0x1  }
0x2a5: {  	[tilespmem:$0x1FD60] =	vst v0;
	v0 =	vld [tilespmem:$0x1F6B0]  }
0x2a6: {  	[tilespmem:$0x1FD40] =	vst v2;
	v2 =	vld [tilespmem:$0x1F6C0];
	_ =	sdelay $0x1  }
0x2a7: {  	v55 =	vadd.f32 v7, v9;
	v7 =	vld [tilespmem:$0x1F7F0]  }
0x2a8: {  	v9 =	vld [tilespmem:$0x1F800];
	_ =	sdelay $0x1  }
0x2a9: {  	v40 =	vadd.f32 v0, v2;
	v0 =	vld [tilespmem:$0x1F6D0]  }
0x2aa: {  	v3 =	vld [tilespmem:$0x1F780];
	_ =	sdelay $0x1  }
0x2ab: {  	v43 =	vadd.f32 v7, v9;
	v7 =	vld [tilespmem:$0x1F810]  }
0x2ac: {  	v9 =	vld [tilespmem:$0x1F820];
	_ =	sdelay $0x1  }
0x2ad: {  	v2 =	vmul.f32 v0, v4;
	v52 =	vmul.f32 v0, v6;
	v3 =	vadd.f32 v3, v17  }
0x2ae: {  	v53 =	vmul.f32 v0, v13;
	v33 =	vmul.f32 v0, v14;
	v0 =	vld [tilespmem:$0x1F790]  }
0x2af: {  	[tilespmem:$0x1FDF0] =	vst v3;
	v3 =	vld [tilespmem:$0x1F7A0]  }
0x2b0: {  	v46 =	vadd.f32 v7, v9;
	v7 =	vld [tilespmem:$0x1F830]  }
0x2b1: {  	v9 =	vld [tilespmem:$0x1F840];
	_ =	sdelay $0x3  }
0x2b2: {  	v15 =	vadd.f32 v0, v3;
	v0 =	vld [tilespmem:$0x1F7B0]  }
0x2b3: {  	v47 =	vadd.f32 v7, v9;
	v7 =	vld [tilespmem:$0x1F850]  }
0x2b4: {  	v9 =	vld [tilespmem:$0x1F860];
	_ =	sdelay $0x3  }
0x2b5: {  	v24 =	vadd.f32 v0, v19;
	v0 =	vld [tilespmem:$0x1F7C0]  }
0x2b6: {  	v37 =	vadd.f32 v7, v9;
	v7 =	vld [tilespmem:$0x1F870]  }
0x2b7: {  	v9 =	vld [tilespmem:$0x1F880];
	_ =	sdelay $0x2  }
0x2b8: {  	v3 =	vmul.f32 v0, v4;
	v51 =	vmul.f32 v0, v6  }
0x2b9: {  	v48 =	vadd.f32 v31, v61;
	v61 =	vmul.f32 v0, v13;
	v63 =	vmul.f32 v0, v14;
	v0 =	vld [tilespmem:$0x1F890]  }
0x2ba: {  	v50 =	vadd.f32 v7, v9;
	v7 =	vld [tilespmem:$0x1F8A0];
	_ =	sdelay $0x2  }
0x2bb: {  	v42 =	vld [tilespmem:$0x1F1B0]  }
0x2bc: {  	v27 =	vld [tilespmem:$0x1F8D0]  }
0x2bd: {  	v19 =	vadd.f32 v0, v7;
	v0 =	vld [tilespmem:$0x1F8B0]  }
0x2be: {  	v7 =	vld [tilespmem:$0x1F8C0];
	_ =	sdelay $0x3  }
0x2bf: {  	v10 =	vmul.f32 v42, v4;
	v9 =	vmul.f32 v27, v4;
	v4 =	vld [tilespmem:$0x1F8E0]  }
0x2c0: {  	v0 =	vadd.f32 v0, v7;
	v7 =	vld [tilespmem:$0x1F8F0];
	_ =	sdelay $0x4  }
0x2c1: {  	v16 =	vadd.f32 v4, v7;
	v4 =	vld [tilespmem:$0x1F900]  }
0x2c2: {  	v7 =	vld [tilespmem:$0x1F910];
	_ =	sdelay $0x4  }
0x2c3: {  	v17 =	vadd.f32 v4, v7;
	v4 =	vld [tilespmem:$0x1F920]  }
0x2c4: {  	v44 =	vmul.f32 v42, v6;
	v7 =	vmul.f32 v27, v6;
	v6 =	vld [tilespmem:$0x1F930];
	_ =	sdelay $0x4  }
0x2c5: {  	v18 =	vadd.f32 v4, v6;
	v4 =	vld [tilespmem:$0x1F940];
	_ =	sdelay $0x3  }
0x2c6: {  	v6 =	vld [tilespmem:$0x1F960]  }
0x2c7: {  	v11 =	vadd.f32 v4, v54;
	v4 =	vld [tilespmem:$0x1F950];
	_ =	sdelay $0x3  }
0x2c8: {  	v12 =	vadd.f32 v3, v12;
	v3 =	vld [tilespmem:$0x1F970]  }
0x2c9: {  	v1 =	vadd.f32 v9, v1;
	v9 =	vadd.f32 v4, v6;
	v6 =	vld [tilespmem:$0x1F980];
	_ =	sdelay $0x4  }
0x2ca: {  	v34 =	vadd.f32 v3, v6;
	v3 =	vld [tilespmem:$0x1F990];
	_ =	sdelay $0x1  }
0x2cb: {  	v31 =	vld [tilespmem:$0x1F570]  }
0x2cc: {  	v56 =	vmul.f32 v42, v13;
	v39 =	vmul.f32 v42, v14;
	v42 =	vld [tilespmem:$0x1F5F0]  }
0x2cd: {  	v38 =	vadd.f32 v26, v38;
	v26 =	vmul.f32 v27, v13;
	v13 =	vadd.f32 v2, v25;
	v2 =	vld [tilespmem:$0x1F9C0]  }
0x2ce: {  	p0 =	sne.s32 s21, $0x1FC0;
	v3 =	vmin.f32 v3, v1;
	v1 =	vld [tilespmem:$0x1F9B0]  }
.Ltmp1:
0x2cf: {  	v36 =	vld [tilespmem:$0x1F590];
	(pc) =	sbr.rel @p0 .LBB2_5-.Ltmp1, $4  }
0x2d0: {  	v29 =	vld [tilespmem:$0x1F560]  }
0x2d1: {  	v35 =	vld [tilespmem:$0x1F5A0]  }
0x2d2: {  	v62 =	vld [tilespmem:$0x1F710]  }
0x2d3: {  	s21 =	sadd.s32 $0x40, s21;
	v28 =	vimm.s32 $0xD;
	v25 =	vld [tilespmem:$0x1F9A0];
	v4 =	vmul.f32 v27, v14;
	v54 =	vadd.f32 v1, v2  }
0x2d4: {  	v1 =	vadd.f32 v8, v48;
	v48 =	vld [tilespmem:$0x1FEC0];
	_ =	sdelay $0x2  }
0x2d5: {  	v2 =	vmin.f32 v3, v12;
	v3 =	vld [tilespmem:$0x1FA70]  }
0x2d6: {  	v2 =	vmin.f32 v2, v13;
	v13 =	vld [tilespmem:$0x1FAB0]  }
0x2d7: {  	v12 =	vadd.f32 v48, v32;
	v32 =	vld [tilespmem:$0x1FE80]  }
0x2d8: {  	v6 =	vld [tilespmem:$0x1FA80]  }
0x2d9: {  	v14 =	vld [tilespmem:$0x1FAC0]  }
0x2da: {  	v38 =	vadd.f32 v10, v38;
	v27 =	vld [tilespmem:$0x1FAF0]  }
0x2db: {  	v1 =	vmin.f32 v2, v1;
	v2 =	vld [tilespmem:$0x1FA90]  }
0x2dc: {  	v1 =	vmin.f32 v1, v38;
	v38 =	vld [tilespmem:$0x1FAD0];
	v13 =	vadd.f32 v32, v13  }
0x2dd: {  	v10 =	vadd.f32 v36, v6;
	v36 =	vld [tilespmem:$0x1FE90];
	v1 =	vmin.f32 v1, v12  }
0x2de: {  	v48 =	vld [tilespmem:$0x1FED0];
	v1 =	vmin.f32 v1, v13  }
0x2df: {  	v3 =	vadd.f32 v29, v3;
	v29 =	vld [tilespmem:$0x1FB30];
	v1 =	vmin.f32 v1, v10  }
0x2e0: {  	v12 =	vadd.f32 v25, v45;
	v45 =	vld [tilespmem:$0x1FAE0];
	v1 =	vmin.f32 v1, v9  }
0x2e1: {  	v2 =	vadd.f32 v35, v2;
	v35 =	vld [tilespmem:$0x1FAA0];
	v1 =	vmin.f32 v1, v16  }
0x2e2: {  	v25 =	vadd.f32 v62, v38;
	v62 =	vld [tilespmem:$0x1FEF0];
	v1 =	vmin.f32 v1, v37  }
0x2e3: {  	v32 =	vld [tilespmem:$0x1FF00];
	v1 =	vmin.f32 v1, v55  }
0x2e4: {  	v14 =	vadd.f32 v36, v14;
	v36 =	vld [tilespmem:$0x1FB80];
	v1 =	vmin.f32 v1, v30  }
0x2e5: {  	v13 =	vadd.f32 v42, v45;
	v45 =	vadd.f32 v48, v27;
	v27 =	vld [tilespmem:$0x1FB10];
	v1 =	vmin.f32 v1, v5  }
0x2e6: {  	v10 =	vld [tilespmem:$0x1FB60];
	v1 =	vmin.f32 v1, v49  }
0x2e7: {  	v1 =	vmin.f32 v1, v22;
	v22 =	vld [tilespmem:$0x1FFB0]  }
0x2e8: {  	v42 =	vld [tilespmem:$0x1FBC0]  }
0x2e9: {  	v7 =	vadd.f32 v7, v41;
	v8 =	vadd.f32 v31, v35;
	v35 =	vld [tilespmem:$0x1FB70]  }
0x2ea: {  	v38 =	vadd.f32 v32, v29;
	v29 =	vadd.f32 v39, v36;
	v39 =	vld [tilespmem:$0x1FBA0]  }
0x2eb: {  	v10 =	vadd.f32 v44, v10;
	v44 =	vld [tilespmem:$0x1FC00]  }
0x2ec: {  	v7 =	vmin.f32 v22, v7;
	v22 =	vld [tilespmem:$0x1FFD0]  }
0x2ed: {  	v31 =	vadd.f32 v60, v42;
	v60 =	vld [tilespmem:$0x1FC40]  }
0x2ee: {  	v27 =	vadd.f32 v62, v27;
	v62 =	vadd.f32 v26, v21;
	v26 =	vld [tilespmem:$0x1FC60]  }
0x2ef: {  	v16 =	vadd.f32 v58, v39;
	v58 =	vld [tilespmem:$0x1FC20]  }
0x2f0: {  	v48 =	vadd.f32 v52, v44;
	v52 =	vld [tilespmem:$0x1FBE0]  }
0x2f1: {  	v5 =	vmin.f32 v22, v62;
	v22 =	vld [tilespmem:$0x1FFE0]  }
0x2f2: {  	v20 =	vadd.f32 v51, v20;
	v4 =	vadd.f32 v4, v23;
	v49 =	vld [tilespmem:$0x1FC80]  }
0x2f3: {  	v9 =	vadd.f32 v56, v35;
	v21 =	vadd.f32 v63, v57  }
0x2f4: {  	v41 =	vld [tilespmem:$0x1F9E0];
	v33 =	vadd.f32 v33, v60;
	v6 =	vadd.f32 v61, v26  }
0x2f5: {  	v51 =	vld [tilespmem:$0x1FC90];
	v7 =	vmin.f32 v7, v20;
	v56 =	vadd.f32 v59, v52;
	v59 =	vadd.f32 v53, v58  }
0x2f6: {  	v42 =	vld [tilespmem:$0x1FC70];
	v37 =	vmin.f32 v7, v48;
	v5 =	vmin.f32 v5, v6;
	v4 =	vmin.f32 v22, v4  }
0x2f7: {  	v55 =	vld [tilespmem:$0x1FCB0];
	v7 =	vmul.f32 v49, v49;
	v5 =	vmin.f32 v5, v59;
	v4 =	vmin.f32 v4, v21  }
0x2f8: {  	v57 =	vld [tilespmem:$0x1FCE0];
	v6 =	vmin.f32 v37, v16;
	v5 =	vmin.f32 v5, v31;
	v4 =	vmin.f32 v4, v33  }
0x2f9: {  	v39 =	vld [tilespmem:$0x1FDF0];
	v6 =	vmin.f32 v6, v10;
	v5 =	vmin.f32 v5, v9;
	v4 =	vmin.f32 v4, v56  }
0x2fa: {  	v60 =	vld [tilespmem:$0x1FFA0];
	v6 =	vmin.f32 v6, v45;
	v5 =	vmin.f32 v5, v27;
	v4 =	vmin.f32 v4, v29  }
0x2fb: {  	v48 =	vld [tilespmem:$0x1F9F0];
	v6 =	vmin.f32 v6, v14;
	v5 =	vmin.f32 v5, v25;
	v4 =	vmin.f32 v4, v38  }
0x2fc: {  	v44 =	vld [tilespmem:$0x1FDB0];
	v2 =	vmin.f32 v6, v2;
	v5 =	vmin.f32 v5, v8;
	v4 =	vmin.f32 v4, v13  }
0x2fd: {  	v52 =	vld [tilespmem:$0x1FF80];
	v2 =	vmin.f32 v2, v34;
	v5 =	vmin.f32 v5, v54;
	v4 =	vmin.f32 v4, v12  }
0x2fe: {  	v53 =	vld [tilespmem:$0x1FF90];
	v2 =	vmin.f32 v2, v17;
	v38 =	vmin.f32 v5, v18;
	v3 =	vmin.f32 v4, v3  }
0x2ff: {  	v2 =	vmin.f32 v2, v50;
	v50 =	vld [tilespmem:$0x1FA00];
	v4 =	vmin.f32 v38, v19;
	v3 =	vmin.f32 v3, v11  }
0x300: {  	v6 =	vmul.f32 v48, v48;
	v0 =	vmin.f32 v3, v0;
	v3 =	vmin.f32 v4, v46;
	v46 =	vld [tilespmem:$0x1FF50]  }
0x301: {  	v10 =	vmul.f32 v55, v55;
	v2 =	vmin.f32 v2, v43;
	v43 =	vld [tilespmem:$0x1FD90]  }
0x302: {  	v6 =	vadd.f32 v7, v6;
	v7 =	vmul.f32 v52, v52;
	v0 =	vmin.f32 v0, v47;
	v47 =	vld [tilespmem:$0x1FD40]  }
0x303: {  	v45 =	vld [tilespmem:$0x1FDC0];
	v5 =	vmul.f32 v42, v42;
	v4 =	vmul.f32 v41, v41  }
0x304: {  	v9 =	vmul.f32 v53, v53;
	v8 =	vmul.f32 v51, v51;
	v54 =	vld [tilespmem:$0x1FA10];
	v6 =	vadd.f32 v7, v6  }
0x305: {  	v56 =	vld [tilespmem:$0x1FD60];
	v2 =	vmin.f32 v2, v39;
	v4 =	vadd.f32 v5, v4;
	v5 =	vmul.f32 v46, v46  }
0x306: {  	v61 =	vld [tilespmem:$0x1FD00];
	v2 =	vmin.f32 v2, v43;
	v3 =	vmin.f32 v3, v15;
	v0 =	vmin.f32 v0, v24  }
0x307: {  	v62 =	vld [tilespmem:$0x1F9D0];
	v2 =	vmin.f32 v2, v47;
	v4 =	vadd.f32 v5, v4;
	v5 =	vmul.f32 v50, v50  }
0x308: {  	v3 =	vmin.f32 v3, v44;
	v0 =	vmin.f32 v0, v45;
	v2 =	vmin.f32 v2, v57  }
0x309: {  	v63 =	vld [tilespmem:$0x1FD10];
	v5 =	vadd.f32 v8, v5;
	v8 =	vmul.f32 v54, v54;
	v1 =	vadd.f32 v1, v4  }
0x30a: {  	v3 =	vmin.f32 v3, v56;
	v2 =	vadd.f32 v2, v6;
	v6 =	vmul.f32 v60, v60  }
0x30b: {  	v58 =	vadd.f32 v9, v5;
	v59 =	vadd.f32 v10, v8;
	v1 =	vmax.f32 v1, $0.0e+00  }
0x30c: {  	s20 =	sadd.s32 $0x1, s20;
	v0 =	vmin.f32 v0, v40;
	v3 =	vmin.f32 v3, v61;
	v1 =	vadd.f32 v1, v62  }
0x30d: {  	p0 =	sne.s32 s20, $0x8;
	v2 =	vmax.f32 v2, $0.0e+00;
	v5 =	vadd.f32 v6, v59;
	v3 =	vadd.f32 v3, v58  }
.Ltmp2:
0x30e: {  	v0 =	vmin.f32 v0, v63;
	v1 =	vadd.f32 v2, v1;
	(pc) =	sbr.rel @p0 .LBB2_4-.Ltmp2, $4  }
0x30f: {  	v35 =	vimm.s32 $0x2;
	v0 =	vadd.f32 v0, v5;
	v2 =	vmax.f32 v3, $0.0e+00  }
0x310: {  	v20 =	vimm.s32 $0x3;
	v14 =	vimm.s32 $0xF;
	v1 =	vadd.f32 v2, v1  }
0x311: {  	v33 =	vimm.s32 $0x1;
	v13 =	vimm.s32 $0xA;
	v0 =	vmax.f32 v0, $0.0e+00  }
0x312: {  	s21 =	simm.s32 $0x0;
	v44 =	vimm.s32 $0xE;
	v58 =	vimm.s32 $0x4;
	v0 =	vadd.f32 v0, v1  }
.LBB2_7:
0x313: {  	s20 =	simm.s32 $0x0  }
0x314: {  	[tilespmem:$0x1F9D0] =	vst v0;
	v0 =	vld [tilespmem:s20+$0x3000];
	_ =	sdelay $0x1  }
0x315: {  	v1 =	vld [tilespmem:s20+$0x3800];
	_ =	sdelay $0x2  }
0x316: {  	v19 =	vperm.xlane v0, v14  }
0x317: {  	v3 =	vimm.s32 $0xC;
	v59 =	vperm.xlane v0, v44;
	v4 =	vperm.xlane v0, v28  }
0x318: {  	v2 =	vimm.s32 $0xB;
	v5 =	vperm.xlane v1, v14;
	v6 =	vperm.xlane v0, v3  }
0x319: {  	v7 =	vperm.xlane v1, v44;
	v8 =	vperm.xlane v0, v2  }
0x31a: {  	v11 =	vimm.s32 $0xA;
	v9 =	vperm.xlane v1, v28;
	v10 =	vperm.xlane v0, v13  }
0x31b: {  	s22 =	sshll.u32 s21, $0x6;
	v27 =	vimm.s32 $0x6;
	v12 =	vperm.xlane v1, v3;
	v14 =	vperm.xlane v1, v2  }
0x31c: {  	v29 =	vimm.s32 $0x5;
	s23 =	sadd.s32 s9, s22;
	v16 =	vperm.xlane v1, v11;
	v22 =	vperm.xlane v0, v27  }
0x31d: {  	s24 =	sand.u32 $0x40, s22;
	s23 =	sand.u32 $0x780, s23;
	v24 =	vperm.xlane v0, v29;
	v26 =	vperm.xlane v0, v58  }
0x31e: {  	s23 =	sor.u32 s24, s23;
	v27 =	vperm.xlane v1, v27;
	v28 =	vperm.xlane v0, v20  }
0x31f: {  	v21 =	vld [tilespmem:s23+$0x1810];
	v3 =	vimm.s32 $0x9;
	v29 =	vperm.xlane v1, v29;
	v32 =	vperm.xlane v0, v35  }
0x320: {  	v13 =	vperm.xlane v0, v3;
	v18 =	vperm.xlane v1, v3;
	v3 =	vld [tilespmem:$0x1FFF0]  }
0x321: {  	v2 =	vimm.s32 $0x8;
	v30 =	vperm.xlane v1, v58;
	v31 =	vperm.xlane v1, v20  }
0x322: {  	v11 =	vimm.s32 $0x7;
	v37 =	vperm.xlane v1, v33;
	v15 =	vperm.xlane v0, v2  }
0x323: {  	v61 =	vld [tilespmem:s23+$0x1830];
	v17 =	vperm.xlane v0, v11;
	v23 =	vperm.xlane v1, v2  }
0x324: {  	v25 =	vperm.xlane v1, v11;
	v2 =	vld [tilespmem:s23+$0x1820];
	v11 =	vperm.xlane v0, v33  }
0x325: {  	v34 =	vmul.f32 v5, v21;
	v39 =	vmul.f32 v7, v21  }
0x326: {  	v42 =	vmul.f32 v9, v21;
	v45 =	vmul.f32 v12, v21  }
0x327: {  	v48 =	vmul.f32 v14, v21;
	v51 =	vmul.f32 v16, v21  }
0x328: {  	v54 =	vmul.f32 v18, v21;
	v57 =	vmul.f32 v23, v21;
	v3 =	vld.idx.msk [tilespmem:v3+s22+$0x1800 ss:$0x1], $0xffff  }
0x329: {  	v62 =	vmul.f32 v23, v61;
	v36 =	vmul.f32 v5, v2  }
0x32a: {  	v40 =	vmul.f32 v7, v2;
	v43 =	vmul.f32 v9, v2  }
0x32b: {  	v46 =	vmul.f32 v12, v2;
	v49 =	vmul.f32 v14, v2  }
0x32c: {  	v52 =	vmul.f32 v16, v2;
	v55 =	vmul.f32 v18, v2  }
0x32d: {  	v58 =	vmul.f32 v25, v2;
	v63 =	vmul.f32 v5, v3  }
0x32e: {  	v5 =	vmul.f32 v5, v61;
	v38 =	vmul.f32 v7, v3  }
0x32f: {  	v7 =	vmul.f32 v7, v61;
	v41 =	vmul.f32 v9, v3  }
0x330: {  	v9 =	vmul.f32 v9, v61;
	v44 =	vmul.f32 v12, v3  }
0x331: {  	v12 =	vmul.f32 v12, v61;
	v47 =	vmul.f32 v14, v3  }
0x332: {  	v42 =	vadd.f32 v42, v4;
	v14 =	vmul.f32 v14, v61;
	v50 =	vmul.f32 v16, v3  }
0x333: {  	v16 =	vmul.f32 v16, v61;
	v56 =	vadd.f32 v63, v19;
	v63 =	vadd.f32 v34, v19  }
0x334: {  	v53 =	vmul.f32 v18, v3;
	v34 =	vadd.f32 v36, v19;
	v19 =	vadd.f32 v5, v19  }
0x335: {  	v18 =	vmul.f32 v18, v61;
	v20 =	vadd.f32 v38, v59;
	v36 =	vadd.f32 v39, v59  }
0x336: {  	v33 =	vmul.f32 v23, v3;
	v39 =	vadd.f32 v40, v59;
	v41 =	vadd.f32 v41, v4  }
0x337: {  	v60 =	vmul.f32 v29, v3;
	v5 =	vadd.f32 v43, v4;
	v4 =	vadd.f32 v9, v4  }
0x338: {  	v38 =	vmul.f32 v23, v2;
	v7 =	vadd.f32 v7, v59;
	v18 =	vadd.f32 v18, v13  }
0x339: {  	v40 =	vmul.f32 v25, v3;
	v33 =	vadd.f32 v33, v15;
	[tilespmem:$0x1EB30] =	vst v4;
	v4 =	vadd.f32 v44, v6  }
0x33a: {  	v43 =	vmul.f32 v25, v21;
	v44 =	vadd.f32 v45, v6;
	v45 =	vadd.f32 v46, v6  }
0x33b: {  	v25 =	vmul.f32 v25, v61;
	v6 =	vadd.f32 v12, v6;
	v12 =	vadd.f32 v47, v8  }
0x33c: {  	v59 =	vmul.f32 v27, v3;
	v46 =	vadd.f32 v48, v8;
	v47 =	vadd.f32 v49, v8  }
0x33d: {  	v23 =	vmul.f32 v29, v61;
	v8 =	vadd.f32 v14, v8;
	v14 =	vadd.f32 v50, v10  }
0x33e: {  	v49 =	vmul.f32 v27, v21;
	v48 =	vadd.f32 v51, v10;
	v51 =	vadd.f32 v52, v10  }
0x33f: {  	v50 =	vmul.f32 v27, v2;
	v10 =	vadd.f32 v16, v10;
	v16 =	vadd.f32 v53, v13  }
0x340: {  	v52 =	vmul.f32 v27, v61;
	v27 =	vadd.f32 v54, v13;
	v53 =	vadd.f32 v55, v13  }
0x341: {  	v55 =	vmul.f32 v29, v21;
	v13 =	vadd.f32 v57, v15;
	v38 =	vadd.f32 v38, v15  }
0x342: {  	[tilespmem:$0x1EB20] =	vst v5;
	v5 =	vmul.f32 v29, v2;
	v15 =	vadd.f32 v62, v15;
	v29 =	vadd.f32 v40, v17  }
0x343: {  	v35 =	vperm.xlane v1, v35;
	v43 =	vadd.f32 v43, v17;
	v54 =	vadd.f32 v58, v17  }
0x344: {  	v58 =	vmul.f32 v30, v21;
	v17 =	vadd.f32 v25, v17;
	v9 =	vadd.f32 v59, v22  }
0x345: {  	v25 =	vmul.f32 v30, v2;
	[tilespmem:$0x1EB40] =	vst v4;
	v4 =	vmul.f32 v30, v3;
	v49 =	vadd.f32 v49, v22  }
0x346: {  	v59 =	vmul.f32 v30, v61;
	v57 =	vadd.f32 v50, v22;
	v62 =	vadd.f32 v52, v22  }
0x347: {  	v40 =	vmul.f32 v31, v21;
	v30 =	vadd.f32 v60, v24;
	v4 =	vadd.f32 v4, v26  }
0x348: {  	v22 =	vmul.f32 v31, v3;
	v50 =	vadd.f32 v55, v24;
	v52 =	vadd.f32 v5, v24  }
0x349: {  	v55 =	vadd.f32 v23, v24;
	v23 =	vmul.f32 v31, v2;
	[tilespmem:$0x1EC20] =	vst v4;
	v4 =	vadd.f32 v25, v26  }
0x34a: {  	v24 =	vmul.f32 v31, v61;
	v31 =	vadd.f32 v22, v28;
	v22 =	vmul.f32 v35, v3  }
0x34b: {  	v58 =	vadd.f32 v58, v26;
	v5 =	vimm.s32 $0x0;
	[tilespmem:$0x1EC40] =	vst v4;
	v4 =	vadd.f32 v40, v28  }
0x34c: {  	[tilespmem:$0x1EBA0] =	vst v9;
	v26 =	vadd.f32 v59, v26;
	v59 =	vperm.xlane v0, v5;
	v0 =	vadd.f32 v22, v32  }
0x34d: {  	[tilespmem:$0x1EC70] =	vst v4;
	v4 =	vadd.f32 v23, v28;
	v23 =	vmul.f32 v35, v21  }
0x34e: {  	[tilespmem:$0x1ECD0] =	vst v0  }
0x34f: {  	v9 =	vld [tilespmem:$0x1FFF0];
	[tilespmem:$0x1EC90] =	vst v4;
	v4 =	vadd.f32 v24, v28;
	v24 =	vmul.f32 v35, v2;
	v0 =	vadd.f32 v23, v32;
	_ =	sdelay $0x1  }
0x350: {  	v28 =	vmul.f32 v35, v61;
	[tilespmem:$0x1ECE0] =	vst v0;
	v0 =	vadd.f32 v24, v32;
	_ =	sdelay $0x1  }
0x351: {  	[tilespmem:$0x1ECF0] =	vst v0;
	v0 =	vadd.f32 v28, v32  }
0x352: {  	[tilespmem:$0x1EB00] =	vst v2  }
0x353: {  	v60 =	vld [tilespmem:s20+$0x4000];
	v40 =	vmul.f32 v37, v21;
	[tilespmem:$0x1ED10] =	vst v0;
	v0 =	vperm.xlane v1, v5  }
0x354: {  	v22 =	vmul.f32 v37, v3;
	[tilespmem:$0x1ECB0] =	vst v4;
	v28 =	vmul.f32 v37, v2  }
0x355: {  	v4 =	vld.idx.msk [tilespmem:v9+s22+$0x2000 ss:$0x1], $0xffff;
	v1 =	vadd.f32 v40, v11;
	v40 =	vmul.f32 v0, v3;
	v2 =	vmul.f32 v0, v2  }
0x356: {  	[tilespmem:$0x1EAE0] =	vst v3;
	v5 =	vld [tilespmem:s23+$0x2010];
	v3 =	vmul.f32 v0, v21;
	v0 =	vmul.f32 v0, v61  }
0x357: {  	[tilespmem:$0x1ED30] =	vst v1;
	v1 =	vimm.s32 $0xF;
	v2 =	vadd.f32 v2, v59  }
0x358: {  	v1 =	vperm.xlane v60, v1;
	v0 =	vadd.f32 v0, v59  }
0x359: {  	v23 =	vadd.f32 v22, v11;
	v22 =	vld [tilespmem:s23+$0x2020];
	v3 =	vadd.f32 v3, v59;
	[tilespmem:$0x1EDA0] =	vst v2  }
0x35a: {  	v24 =	vld [tilespmem:s23+$0x2030];
	v37 =	vmul.f32 v37, v61;
	v2 =	vmul.f32 v1, v4;
	[tilespmem:$0x1EDB0] =	vst v0;
	v0 =	vimm.s32 $0xE  }
0x35b: {  	v25 =	vadd.f32 v28, v11;
	[tilespmem:$0x1ED80] =	vst v3;
	v3 =	vmul.f32 v1, v5;
	v0 =	vperm.xlane v60, v0  }
0x35c: {  	v11 =	vadd.f32 v37, v11;
	v2 =	vadd.f32 v2, v56  }
0x35d: {  	[tilespmem:$0x1EAF0] =	vst v21;
	v56 =	vadd.f32 v3, v63;
	v3 =	vimm.s32 $0xD;
	v21 =	vmul.f32 v0, v4  }
0x35e: {  	v37 =	vadd.f32 v40, v59;
	v3 =	vperm.xlane v60, v3;
	[tilespmem:$0x1EDC0] =	vst v2;
	v2 =	vmul.f32 v1, v22  }
0x35f: {  	v40 =	vmul.f32 v0, v22;
	v1 =	vmul.f32 v1, v24;
	v20 =	vadd.f32 v21, v20  }
0x360: {  	v21 =	vld [tilespmem:$0x1EB20];
	v34 =	vadd.f32 v2, v34;
	v2 =	vmul.f32 v0, v5;
	v0 =	vmul.f32 v0, v24  }
0x361: {  	v63 =	vadd.f32 v1, v19;
	v1 =	vmul.f32 v3, v4  }
0x362: {  	v0 =	vadd.f32 v0, v7  }
0x363: {  	v59 =	vadd.f32 v1, v41;
	v1 =	vmul.f32 v3, v22  }
0x364: {  	[tilespmem:$0x1EE20] =	vst v0;
	v0 =	vimm.s32 $0xC  }
0x365: {  	v1 =	vadd.f32 v1, v21;
	v21 =	vld [tilespmem:$0x1EB30];
	v0 =	vperm.xlane v60, v0  }
0x366: {  	v36 =	vadd.f32 v2, v36;
	v2 =	vmul.f32 v3, v5  }
0x367: {  	[tilespmem:$0x1EE50] =	vst v1;
	v1 =	vmul.f32 v0, v5  }
0x368: {  	v3 =	vmul.f32 v3, v24;
	v2 =	vadd.f32 v2, v42  }
0x369: {  	v32 =	vmul.f32 v0, v22;
	v1 =	vadd.f32 v1, v44  }
0x36a: {  	[tilespmem:$0x1EE30] =	vst v2;
	v2 =	vimm.s32 $0xB;
	v3 =	vadd.f32 v3, v21  }
0x36b: {  	v2 =	vperm.xlane v60, v2;
	[tilespmem:$0x1EEA0] =	vst v1;
	v1 =	vadd.f32 v32, v45  }
0x36c: {  	[tilespmem:$0x1EE70] =	vst v3  }
0x36d: {  	v3 =	vld [tilespmem:$0x1EB40];
	[tilespmem:$0x1EEC0] =	vst v1;
	v1 =	vmul.f32 v2, v4;
	_ =	sdelay $0x1  }
0x36e: {  	v7 =	vmul.f32 v0, v4;
	v0 =	vmul.f32 v0, v24;
	v1 =	vadd.f32 v1, v12;
	_ =	sdelay $0x1  }
0x36f: {  	v0 =	vadd.f32 v0, v6;
	[tilespmem:$0x1EEE0] =	vst v1;
	v1 =	vmul.f32 v2, v22  }
0x370: {  	v19 =	vadd.f32 v40, v39;
	v40 =	vimm.s32 $0xA;
	v3 =	vadd.f32 v7, v3  }
0x371: {  	[tilespmem:$0x1EED0] =	vst v0;
	v0 =	vperm.xlane v60, v40;
	v1 =	vadd.f32 v1, v47  }
0x372: {  	[tilespmem:$0x1EE90] =	vst v3;
	v3 =	vmul.f32 v2, v5  }
0x373: {  	[tilespmem:$0x1EF00] =	vst v1;
	v1 =	vmul.f32 v0, v5  }
0x374: {  	v3 =	vadd.f32 v3, v46  }
0x375: {  	v6 =	vmul.f32 v0, v22;
	v1 =	vadd.f32 v1, v48  }
0x376: {  	v41 =	vimm.s32 $0x9;
	[tilespmem:$0x1EEF0] =	vst v3  }
0x377: {  	v3 =	vperm.xlane v60, v41;
	[tilespmem:$0x1EF50] =	vst v1;
	v1 =	vadd.f32 v6, v51;
	_ =	sdelay $0x1  }
0x378: {  	[tilespmem:$0x1EF80] =	vst v1;
	v1 =	vmul.f32 v3, v4  }
0x379: {  	v2 =	vmul.f32 v2, v24  }
0x37a: {  	v7 =	vmul.f32 v0, v4;
	v0 =	vmul.f32 v0, v24;
	v1 =	vadd.f32 v1, v16  }
0x37b: {  	v2 =	vadd.f32 v2, v8  }
0x37c: {  	v0 =	vadd.f32 v0, v10;
	[tilespmem:$0x1EFE0] =	vst v1;
	v1 =	vmul.f32 v3, v22  }
0x37d: {  	v45 =	vimm.s32 $0x8;
	[tilespmem:$0x1EF10] =	vst v2;
	v2 =	vadd.f32 v7, v14  }
0x37e: {  	[tilespmem:$0x1EFB0] =	vst v0;
	v0 =	vperm.xlane v60, v45;
	v1 =	vadd.f32 v1, v53  }
0x37f: {  	[tilespmem:$0x1EF40] =	vst v2;
	v2 =	vmul.f32 v3, v5  }
0x380: {  	[tilespmem:$0x1F010] =	vst v1;
	v1 =	vmul.f32 v0, v5  }
0x381: {  	v2 =	vadd.f32 v2, v27  }
0x382: {  	v6 =	vmul.f32 v0, v22;
	v1 =	vadd.f32 v1, v13  }
0x383: {  	v46 =	vimm.s32 $0x7;
	[tilespmem:$0x1F000] =	vst v2  }
0x384: {  	v2 =	vperm.xlane v60, v46;
	[tilespmem:$0x1F050] =	vst v1;
	v1 =	vadd.f32 v6, v38;
	_ =	sdelay $0x1  }
0x385: {  	[tilespmem:$0x1F060] =	vst v1;
	v1 =	vmul.f32 v2, v4  }
0x386: {  	v3 =	vmul.f32 v3, v24  }
0x387: {  	v7 =	vmul.f32 v0, v4;
	v0 =	vmul.f32 v0, v24;
	v1 =	vadd.f32 v1, v29  }
0x388: {  	v3 =	vadd.f32 v3, v18  }
0x389: {  	v0 =	vadd.f32 v0, v15;
	[tilespmem:$0x1EB60] =	vst v1;
	v1 =	vmul.f32 v2, v22  }
0x38a: {  	v47 =	vimm.s32 $0x6;
	[tilespmem:$0x1F020] =	vst v3;
	v3 =	vadd.f32 v7, v33  }
0x38b: {  	[tilespmem:$0x1EB50] =	vst v0;
	v0 =	vperm.xlane v60, v47;
	v1 =	vadd.f32 v1, v54  }
0x38c: {  	[tilespmem:$0x1F030] =	vst v3;
	v3 =	vmul.f32 v2, v5  }
0x38d: {  	[tilespmem:$0x1EB80] =	vst v1;
	v1 =	vmul.f32 v0, v5  }
0x38e: {  	v3 =	vadd.f32 v3, v43  }
0x38f: {  	v6 =	vmul.f32 v0, v22;
	v1 =	vadd.f32 v1, v49  }
0x390: {  	v43 =	vimm.s32 $0x5;
	[tilespmem:$0x1EB70] =	vst v3  }
0x391: {  	v3 =	vperm.xlane v60, v43;
	v2 =	vmul.f32 v2, v24;
	[tilespmem:$0x1EBC0] =	vst v1;
	v1 =	vadd.f32 v6, v57  }
0x392: {  	v7 =	vmul.f32 v0, v4  }
0x393: {  	v2 =	vadd.f32 v2, v17;
	v0 =	vmul.f32 v0, v24;
	[tilespmem:$0x1EBD0] =	vst v1;
	v1 =	vmul.f32 v3, v4;
	_ =	sdelay $0x1  }
0x394: {  	[tilespmem:$0x1EB90] =	vst v2;
	v2 =	vld [tilespmem:$0x1EBA0];
	v0 =	vadd.f32 v0, v62;
	v32 =	vadd.f32 v1, v30;
	v1 =	vmul.f32 v3, v22  }
0x395: {  	v51 =	vimm.s32 $0x4  }
0x396: {  	[tilespmem:$0x1EBE0] =	vst v0;
	v0 =	vperm.xlane v60, v51;
	v1 =	vadd.f32 v1, v52;
	_ =	sdelay $0x1  }
0x397: {  	[tilespmem:$0x1EC00] =	vst v1;
	v1 =	vmul.f32 v0, v5  }
0x398: {  	v2 =	vadd.f32 v7, v2  }
0x399: {  	v1 =	vadd.f32 v1, v58  }
0x39a: {  	[tilespmem:$0x1EBB0] =	vst v2;
	v2 =	vmul.f32 v3, v5;
	v3 =	vmul.f32 v3, v24  }
0x39b: {  	[tilespmem:$0x1EC30] =	vst v1;
	v1 =	vld [tilespmem:$0x1EC40]  }
0x39c: {  	v3 =	vadd.f32 v3, v55;
	_ =	sdelay $0x1  }
0x39d: {  	v6 =	vmul.f32 v0, v22;
	v2 =	vadd.f32 v2, v50;
	[tilespmem:$0x1EC10] =	vst v3;
	v3 =	vld [tilespmem:$0x1EC20]  }
0x39e: {  	[tilespmem:$0x1EB10] =	vst v61;
	v61 =	vimm.s32 $0x3  }
0x39f: {  	[tilespmem:$0x1EBF0] =	vst v2;
	v2 =	vperm.xlane v60, v61;
	v1 =	vadd.f32 v6, v1  }
0x3a0: {  	v10 =	vld [tilespmem:$0x1ECB0];
	v7 =	vmul.f32 v0, v4  }
0x3a1: {  	[tilespmem:$0x1EC50] =	vst v1;
	v1 =	vmul.f32 v2, v4  }
0x3a2: {  	v38 =	vadd.f32 v7, v3;
	v3 =	vmul.f32 v2, v5  }
0x3a3: {  	v48 =	vadd.f32 v1, v31;
	v1 =	vmul.f32 v2, v22;
	v2 =	vmul.f32 v2, v24  }
0x3a4: {  	v0 =	vmul.f32 v0, v24  }
0x3a5: {  	v2 =	vadd.f32 v2, v10  }
0x3a6: {  	v0 =	vadd.f32 v0, v26  }
0x3a7: {  	v35 =	vimm.s32 $0x2;
	[tilespmem:$0x1ECC0] =	vst v2;
	v2 =	vld [tilespmem:$0x1ECD0]  }
0x3a8: {  	v8 =	vld [tilespmem:$0x1EC90];
	[tilespmem:$0x1EC60] =	vst v0;
	v0 =	vperm.xlane v60, v35;
	_ =	sdelay $0x1  }
0x3a9: {  	v7 =	vmul.f32 v0, v4;
	_ =	sdelay $0x1  }
0x3aa: {  	v14 =	vadd.f32 v7, v2;
	v2 =	vld [tilespmem:$0x1ECE0]  }
0x3ab: {  	v1 =	vadd.f32 v1, v8;
	_ =	sdelay $0x1  }
0x3ac: {  	[tilespmem:$0x1ECA0] =	vst v1;
	v1 =	vmul.f32 v0, v5;
	_ =	sdelay $0x1  }
0x3ad: {  	v1 =	vadd.f32 v1, v2;
	v2 =	vld [tilespmem:$0x1ECF0]  }
0x3ae: {  	v6 =	vld [tilespmem:$0x1EC70];
	_ =	sdelay $0x1  }
0x3af: {  	v8 =	vmul.f32 v0, v22;
	_ =	sdelay $0x1  }
0x3b0: {  	v2 =	vadd.f32 v8, v2  }
0x3b1: {  	v3 =	vadd.f32 v3, v6  }
0x3b2: {  	[tilespmem:$0x1ED00] =	vst v2;
	v2 =	vld [tilespmem:$0x1ED10]  }
0x3b3: {  	v26 =	vimm.s32 $0x1;
	[tilespmem:$0x1EC80] =	vst v3;
	v3 =	vld [tilespmem:s20+$0x4800]  }
0x3b4: {  	v6 =	vperm.xlane v60, v26  }
0x3b5: {  	v0 =	vmul.f32 v0, v24  }
0x3b6: {  	v8 =	vmul.f32 v6, v4  }
0x3b7: {  	v0 =	vadd.f32 v0, v2;
	v2 =	vimm.s32 $0xF  }
0x3b8: {  	v12 =	vadd.f32 v8, v23;
	v8 =	vperm.xlane v3, v2;
	v2 =	vld [tilespmem:$0x1ED30];
	_ =	sdelay $0x2  }
0x3b9: {  	v52 =	vld.idx.msk [tilespmem:v9+s22+$0x2800 ss:$0x1], $0xffff;
	v9 =	vmul.f32 v6, v5;
	v10 =	vmul.f32 v6, v22;
	_ =	sdelay $0x1  }
0x3ba: {  	v23 =	vadd.f32 v9, v2;
	v2 =	vadd.f32 v10, v25;
	_ =	sdelay $0x1  }
0x3bb: {  	v31 =	vimm.s32 $0x0;
	[tilespmem:$0x1ED40] =	vst v2;
	v2 =	vld [tilespmem:$0x1ED80]  }
0x3bc: {  	v6 =	vmul.f32 v6, v24;
	[tilespmem:$0x1ED20] =	vst v0;
	v0 =	vperm.xlane v60, v31;
	_ =	sdelay $0x1  }
0x3bd: {  	v57 =	vadd.f32 v6, v11;
	v11 =	vmul.f32 v0, v5;
	_ =	sdelay $0x1  }
0x3be: {  	v42 =	vadd.f32 v11, v2;
	v2 =	vld [tilespmem:$0x1EDA0];
	_ =	sdelay $0x2  }
0x3bf: {  	v16 =	vmul.f32 v0, v22;
	_ =	sdelay $0x1  }
0x3c0: {  	[tilespmem:$0x1ED90] =	vst v24;
	v13 =	vmul.f32 v0, v4;
	v0 =	vmul.f32 v0, v24;
	v24 =	vadd.f32 v16, v2;
	v2 =	vld [tilespmem:$0x1EDB0];
	_ =	sdelay $0x2  }
0x3c1: {  	v62 =	vld [tilespmem:s23+$0x2810]  }
0x3c2: {  	v39 =	vimm.s32 $0xC;
	v17 =	vld [tilespmem:s23+$0x2820]  }
0x3c3: {  	[tilespmem:$0x1ED70] =	vst v22;
	v18 =	vperm.xlane v3, v39;
	v22 =	vadd.f32 v0, v2;
	v2 =	vld [tilespmem:$0x1EDC0]  }
0x3c4: {  	v27 =	vld [tilespmem:s23+$0x2830];
	v30 =	vperm.xlane v3, v40;
	v51 =	vperm.xlane v3, v51  }
0x3c5: {  	v53 =	vperm.xlane v3, v35;
	v7 =	vperm.xlane v3, v26  }
0x3c6: {  	v28 =	vimm.s32 $0xD;
	v6 =	vmul.f32 v8, v62;
	v10 =	vmul.f32 v8, v52  }
0x3c7: {  	v44 =	vimm.s32 $0xE;
	v60 =	vperm.xlane v3, v41;
	v15 =	vmul.f32 v8, v17  }
0x3c8: {  	v9 =	vperm.xlane v3, v44;
	v21 =	vadd.f32 v10, v2;
	v2 =	vadd.f32 v6, v56  }
0x3c9: {  	[tilespmem:$0x1ED50] =	vst v4;
	v4 =	vadd.f32 v13, v37;
	v8 =	vmul.f32 v8, v27;
	v37 =	vperm.xlane v3, v47  }
0x3ca: {  	v13 =	vperm.xlane v3, v31;
	v16 =	vmul.f32 v9, v62;
	[tilespmem:$0x1EDD0] =	vst v2;
	v2 =	vadd.f32 v15, v34  }
0x3cb: {  	[tilespmem:$0x1ED60] =	vst v5;
	v29 =	vimm.s32 $0xB;
	v5 =	vld [tilespmem:$0x1EE30];
	v0 =	vmul.f32 v9, v17;
	v10 =	vperm.xlane v3, v28  }
0x3cc: {  	v6 =	vperm.xlane v3, v29;
	v34 =	vperm.xlane v3, v45;
	[tilespmem:$0x1EDE0] =	vst v2;
	v2 =	vadd.f32 v8, v63  }
0x3cd: {  	v45 =	vperm.xlane v3, v43;
	v8 =	vperm.xlane v3, v46  }
0x3ce: {  	[tilespmem:$0x1EDF0] =	vst v2;
	v2 =	vadd.f32 v16, v36;
	v36 =	vperm.xlane v3, v61;
	v3 =	vmul.f32 v10, v62  }
0x3cf: {  	v0 =	vadd.f32 v0, v19  }
0x3d0: {  	v3 =	vadd.f32 v3, v5;
	v5 =	vld [tilespmem:$0x1EE50]  }
0x3d1: {  	[tilespmem:$0x1EE10] =	vst v0;
	v0 =	vmul.f32 v10, v52;
	_ =	sdelay $0x1  }
0x3d2: {  	v31 =	vadd.f32 v0, v59;
	v0 =	vmul.f32 v10, v17;
	[tilespmem:$0x1EE00] =	vst v2;
	v2 =	vld [tilespmem:$0x1EE20];
	_ =	sdelay $0x1  }
0x3d3: {  	v0 =	vadd.f32 v0, v5;
	v5 =	vld [tilespmem:$0x1EE70]  }
0x3d4: {  	v11 =	vmul.f32 v9, v52;
	v9 =	vmul.f32 v9, v27;
	_ =	sdelay $0x1  }
0x3d5: {  	v39 =	vadd.f32 v9, v2;
	v2 =	vmul.f32 v10, v27;
	_ =	sdelay $0x1  }
0x3d6: {  	v2 =	vadd.f32 v2, v5;
	v5 =	vld [tilespmem:$0x1EEE0];
	_ =	sdelay $0x2  }
0x3d7: {  	v19 =	vmul.f32 v6, v52;
	_ =	sdelay $0x1  }
0x3d8: {  	v55 =	vadd.f32 v19, v5;
	v5 =	vld [tilespmem:$0x1EEF0];
	_ =	sdelay $0x2  }
0x3d9: {  	v16 =	vmul.f32 v6, v62;
	_ =	sdelay $0x1  }
0x3da: {  	v29 =	vadd.f32 v16, v5;
	v5 =	vld [tilespmem:$0x1EF00]  }
0x3db: {  	[tilespmem:$0x1EE40] =	vst v3;
	v3 =	vmul.f32 v18, v52  }
0x3dc: {  	v9 =	vmul.f32 v18, v62;
	v10 =	vmul.f32 v18, v27  }
0x3dd: {  	[tilespmem:$0x1EE60] =	vst v0;
	v0 =	vmul.f32 v18, v17;
	v18 =	vmul.f32 v6, v17;
	_ =	sdelay $0x1  }
0x3de: {  	[tilespmem:$0x1EE80] =	vst v2;
	v2 =	vld [tilespmem:$0x1EE90];
	v46 =	vadd.f32 v18, v5;
	v5 =	vmul.f32 v34, v17;
	_ =	sdelay $0x1  }
0x3df: {  	[tilespmem:$0x1F070] =	vst v5;
	v5 =	vld [tilespmem:$0x1EF10];
	_ =	sdelay $0x2  }
0x3e0: {  	v49 =	vadd.f32 v11, v20;
	v6 =	vmul.f32 v6, v27;
	v11 =	vadd.f32 v3, v2;
	v3 =	vld [tilespmem:$0x1EEC0];
	_ =	sdelay $0x1  }
0x3e1: {  	v47 =	vadd.f32 v6, v5;
	v5 =	vmul.f32 v8, v52;
	_ =	sdelay $0x1  }
0x3e2: {  	v2 =	vld [tilespmem:$0x1EEA0];
	[tilespmem:$0x1EF20] =	vst v5;
	v5 =	vmul.f32 v8, v62  }
0x3e3: {  	v15 =	vadd.f32 v0, v3;
	v3 =	vld [tilespmem:$0x1EED0]  }
0x3e4: {  	[tilespmem:$0x1EF30] =	vst v5;
	v5 =	vld [tilespmem:$0x1EF40];
	_ =	sdelay $0x2  }
0x3e5: {  	v2 =	vadd.f32 v9, v2;
	v9 =	vmul.f32 v30, v52  }
0x3e6: {  	v54 =	vmul.f32 v60, v17;
	v33 =	vmul.f32 v60, v27;
	v26 =	vadd.f32 v10, v3  }
0x3e7: {  	v10 =	vmul.f32 v60, v52;
	v3 =	vmul.f32 v60, v62;
	v60 =	vadd.f32 v9, v5;
	v5 =	vld [tilespmem:$0x1EF50];
	_ =	sdelay $0x2  }
0x3e8: {  	[tilespmem:$0x1EEB0] =	vst v2;
	v2 =	vmul.f32 v30, v62;
	_ =	sdelay $0x1  }
0x3e9: {  	v50 =	vadd.f32 v2, v5;
	v2 =	vmul.f32 v37, v52;
	_ =	sdelay $0x1  }
0x3ea: {  	[tilespmem:$0x1EF60] =	vst v2;
	v2 =	vmul.f32 v37, v62;
	_ =	sdelay $0x1  }
0x3eb: {  	[tilespmem:$0x1EF70] =	vst v2;
	v2 =	vld [tilespmem:$0x1EF80];
	_ =	sdelay $0x2  }
0x3ec: {  	v0 =	vmul.f32 v30, v17;
	_ =	sdelay $0x1  }
0x3ed: {  	v19 =	vadd.f32 v0, v2;
	v0 =	vmul.f32 v37, v17;
	_ =	sdelay $0x1  }
0x3ee: {  	[tilespmem:$0x1EF90] =	vst v0;
	v0 =	vmul.f32 v37, v27;
	_ =	sdelay $0x1  }
0x3ef: {  	[tilespmem:$0x1EFA0] =	vst v0;
	v0 =	vld [tilespmem:$0x1EFB0];
	_ =	sdelay $0x2  }
0x3f0: {  	v30 =	vmul.f32 v30, v27;
	_ =	sdelay $0x1  }
0x3f1: {  	v20 =	vadd.f32 v30, v0;
	v0 =	vmul.f32 v45, v52  }
0x3f2: {  	v6 =	vmul.f32 v13, v52  }
0x3f3: {  	[tilespmem:$0x1EFC0] =	vst v0;
	v0 =	vmul.f32 v45, v62  }
0x3f4: {  	v2 =	vadd.f32 v6, v4  }
0x3f5: {  	[tilespmem:$0x1EFD0] =	vst v0;
	v0 =	vld [tilespmem:$0x1EFE0]  }
0x3f6: {  	[tilespmem:$0x1F0C0] =	vst v2;
	v2 =	vld [tilespmem:$0x1F030];
	_ =	sdelay $0x2  }
0x3f7: {  	v58 =	vmul.f32 v34, v52  }
0x3f8: {  	v41 =	vadd.f32 v10, v0;
	v0 =	vmul.f32 v45, v17  }
0x3f9: {  	v9 =	vadd.f32 v58, v2;
	v2 =	vld [tilespmem:$0x1F050]  }
0x3fa: {  	[tilespmem:$0x1EFF0] =	vst v0;
	v0 =	vld [tilespmem:$0x1F000];
	_ =	sdelay $0x1  }
0x3fb: {  	v61 =	vmul.f32 v34, v62;
	_ =	sdelay $0x1  }
0x3fc: {  	v30 =	vadd.f32 v61, v2;
	v2 =	vld [tilespmem:$0x1F060]  }
0x3fd: {  	v40 =	vmul.f32 v51, v62;
	v5 =	vadd.f32 v3, v0;
	v0 =	vld [tilespmem:$0x1F010]  }
0x3fe: {  	v56 =	vmul.f32 v51, v17;
	v25 =	vmul.f32 v34, v27;
	v3 =	vld [tilespmem:$0x1F070]  }
0x3ff: {  	v63 =	vmul.f32 v53, v17;
	v43 =	vmul.f32 v8, v17  }
0x400: {  	v59 =	vmul.f32 v36, v17;
	v6 =	vmul.f32 v7, v52  }
0x401: {  	v16 =	vmul.f32 v8, v27;
	v18 =	vmul.f32 v51, v27  }
0x402: {  	v8 =	vmul.f32 v36, v52;
	v12 =	vadd.f32 v6, v12;
	v6 =	vmul.f32 v53, v52  }
0x403: {  	v34 =	vadd.f32 v54, v0;
	v0 =	vld [tilespmem:$0x1F020];
	v54 =	vadd.f32 v3, v2;
	v2 =	vimm.f32 $+Inf  }
0x404: {  	v37 =	vmul.f32 v36, v62;
	v4 =	vadd.f32 v6, v14;
	v6 =	vmul.f32 v13, v17;
	[tilespmem:$0x1F0B0] =	vst v2;
	v2 =	vld [tilespmem:$0x1F0C0]  }
0x405: {  	v58 =	vmul.f32 v36, v27;
	v36 =	vmul.f32 v13, v27  }
0x406: {  	[tilespmem:$0x1F0A0] =	vst v27;
	v61 =	vmul.f32 v7, v17;
	v10 =	vmul.f32 v51, v52  }
0x407: {  	[tilespmem:$0x1F040] =	vst v52;
	v52 =	vmul.f32 v53, v62;
	v51 =	vmul.f32 v7, v62;
	v3 =	vimm.f32 $+Inf  }
0x408: {  	[tilespmem:$0x1F090] =	vst v17;
	v0 =	vadd.f32 v33, v0;
	v33 =	vmul.f32 v53, v27;
	v53 =	vmul.f32 v7, v27  }
0x409: {  	[tilespmem:$0x1F080] =	vst v62;
	v7 =	vmul.f32 v13, v62;
	v13 =	vmin.f32 v3, v2;
	v2 =	vimm.f32 $+Inf  }
0x40a: {  	[tilespmem:$0x1F0D0] =	vst v2;
	v2 =	vimm.f32 $+Inf  }
0x40b: {  	s20 =	simm.s32 $0x40;
	v45 =	vmul.f32 v45, v27;
	[tilespmem:$0x1F0E0] =	vst v2  }
.LBB2_8:
0x40c: {  	v2 =	vld [tilespmem:$0x1EB50];
	_ =	sdelay $0x3  }
0x40d: {  	v3 =	vld [tilespmem:$0x1EB60]  }
0x40e: {  	v12 =	vmin.f32 v13, v12;
	v13 =	vadd.f32 v25, v2;
	v2 =	vld [tilespmem:$0x1EF20];
	_ =	sdelay $0x4  }
0x40f: {  	v4 =	vmin.f32 v12, v4;
	v12 =	vadd.f32 v2, v3;
	v2 =	vld [tilespmem:$0x1EFC0];
	_ =	sdelay $0x2  }
0x410: {  	v8 =	vadd.f32 v8, v48  }
0x411: {  	v3 =	vld [tilespmem:$0x1EB70]  }
0x412: {  	v4 =	vmin.f32 v4, v8;
	v8 =	vadd.f32 v2, v32;
	v2 =	vld [tilespmem:$0x1EF30];
	_ =	sdelay $0x4  }
0x413: {  	v14 =	vadd.f32 v2, v3;
	v2 =	vld [tilespmem:$0x1EF60]  }
0x414: {  	v3 =	vld [tilespmem:$0x1EBB0];
	_ =	sdelay $0x2  }
0x415: {  	v10 =	vadd.f32 v10, v38;
	_ =	sdelay $0x1  }
0x416: {  	v4 =	vmin.f32 v4, v10;
	v10 =	vadd.f32 v2, v3;
	v2 =	vld [tilespmem:$0x1EB80];
	_ =	sdelay $0x3  }
0x417: {  	v3 =	vld [tilespmem:$0x1EBC0]  }
0x418: {  	v38 =	vadd.f32 v43, v2;
	v2 =	vld [tilespmem:$0x1EF70];
	_ =	sdelay $0x4  }
0x419: {  	v4 =	vmin.f32 v4, v8;
	v8 =	vadd.f32 v2, v3;
	v2 =	vld [tilespmem:$0x1EB90];
	_ =	sdelay $0x3  }
0x41a: {  	v3 =	vld [tilespmem:$0x1EBD0]  }
0x41b: {  	v48 =	vadd.f32 v16, v2;
	v2 =	vld [tilespmem:$0x1EF90];
	_ =	sdelay $0x4  }
0x41c: {  	v4 =	vmin.f32 v4, v10;
	v10 =	vadd.f32 v2, v3;
	v2 =	vld [tilespmem:$0x1EFA0]  }
0x41d: {  	v3 =	vld [tilespmem:$0x1EBE0];
	_ =	sdelay $0x2  }
0x41e: {  	v17 =	vld [tilespmem:$0x1ECA0]  }
0x41f: {  	v16 =	vld [tilespmem:$0x1EBF0]  }
0x420: {  	v3 =	vadd.f32 v2, v3;
	v2 =	vld [tilespmem:$0x1EFD0]  }
0x421: {  	v4 =	vmin.f32 v4, v12  }
0x422: {  	v4 =	vmin.f32 v4, v9  }
0x423: {  	v4 =	vmin.f32 v4, v41  }
0x424: {  	v43 =	vadd.f32 v59, v17;
	v17 =	vld [tilespmem:$0x1ECC0];
	v4 =	vmin.f32 v4, v60  }
0x425: {  	v4 =	vmin.f32 v4, v55;
	v62 =	vadd.f32 v2, v16;
	v2 =	vld [tilespmem:$0x1EFF0]  }
0x426: {  	v4 =	vmin.f32 v4, v11;
	v16 =	vld [tilespmem:$0x1EC00]  }
0x427: {  	v4 =	vmin.f32 v4, v31  }
0x428: {  	v4 =	vmin.f32 v4, v49  }
0x429: {  	v58 =	vadd.f32 v58, v17;
	v17 =	vld [tilespmem:$0x1ED00];
	v4 =	vmin.f32 v4, v21  }
0x42a: {  	[tilespmem:$0x1EAB0] =	vst v4;
	v4 =	vld [tilespmem:$0x1F0B0]  }
0x42b: {  	v2 =	vadd.f32 v2, v16;
	v16 =	vld [tilespmem:$0x1EC10];
	_ =	sdelay $0x1  }
0x42c: {  	v7 =	vadd.f32 v7, v42  }
0x42d: {  	v59 =	vadd.f32 v63, v17;
	v17 =	vld [tilespmem:$0x1ED20]  }
0x42e: {  	v4 =	vmin.f32 v4, v7;
	v7 =	vld [tilespmem:$0x1F0D0]  }
0x42f: {  	v45 =	vadd.f32 v45, v16;
	v16 =	vld [tilespmem:$0x1EC60]  }
0x430: {  	v12 =	vld [tilespmem:$0x1EC30]  }
0x431: {  	v6 =	vadd.f32 v6, v24;
	v9 =	vld [tilespmem:$0x1EC50]  }
0x432: {  	v33 =	vadd.f32 v33, v17;
	v17 =	vadd.f32 v36, v22;
	v22 =	vld [tilespmem:$0x1ED40]  }
0x433: {  	v6 =	vmin.f32 v7, v6;
	v7 =	vld [tilespmem:$0x1F0E0]  }
0x434: {  	v18 =	vadd.f32 v18, v16;
	v16 =	vld [tilespmem:$0x1EC80];
	_ =	sdelay $0x1  }
0x435: {  	v1 =	vadd.f32 v52, v1;
	v12 =	vadd.f32 v40, v12  }
0x436: {  	v11 =	vadd.f32 v51, v23;
	v9 =	vadd.f32 v56, v9  }
0x437: {  	v60 =	vadd.f32 v61, v22;
	v61 =	vadd.f32 v53, v57  }
0x438: {  	v4 =	vmin.f32 v4, v11;
	v7 =	vmin.f32 v7, v17;
	v16 =	vadd.f32 v37, v16  }
0x439: {  	v1 =	vmin.f32 v4, v1;
	v6 =	vmin.f32 v6, v60;
	v7 =	vmin.f32 v7, v61  }
0x43a: {  	v4 =	vmin.f32 v6, v59;
	v6 =	vmin.f32 v7, v33;
	v1 =	vmin.f32 v1, v16  }
0x43b: {  	v4 =	vmin.f32 v4, v43;
	v6 =	vmin.f32 v6, v58;
	v1 =	vmin.f32 v1, v12  }
0x43c: {  	v4 =	vmin.f32 v4, v9;
	v6 =	vmin.f32 v6, v18;
	v1 =	vmin.f32 v1, v62  }
0x43d: {  	v2 =	vmin.f32 v4, v2;
	v4 =	vmin.f32 v6, v45;
	v1 =	vmin.f32 v1, v8  }
0x43e: {  	v3 =	vmin.f32 v4, v3;
	v4 =	vld [tilespmem:$0x1EEB0];
	v1 =	vmin.f32 v1, v14  }
0x43f: {  	v1 =	vmin.f32 v1, v30  }
0x440: {  	v1 =	vmin.f32 v1, v5  }
0x441: {  	v1 =	vmin.f32 v1, v50  }
0x442: {  	v1 =	vmin.f32 v1, v29  }
0x443: {  	v1 =	vmin.f32 v1, v4;
	v4 =	vld [tilespmem:$0x1EE40];
	_ =	sdelay $0x2  }
0x444: {  	v2 =	vmin.f32 v2, v10  }
0x445: {  	v2 =	vmin.f32 v2, v38  }
0x446: {  	v2 =	vmin.f32 v2, v54;
	v1 =	vmin.f32 v1, v4;
	v4 =	vld [tilespmem:$0x1EE60]  }
0x447: {  	v2 =	vmin.f32 v2, v34  }
0x448: {  	v2 =	vmin.f32 v2, v19  }
0x449: {  	v2 =	vmin.f32 v2, v46  }
0x44a: {  	v2 =	vmin.f32 v2, v15;
	v3 =	vmin.f32 v3, v48  }
0x44b: {  	v3 =	vmin.f32 v3, v13;
	v2 =	vmin.f32 v2, v4;
	v4 =	vld [tilespmem:$0x1EE80]  }
0x44c: {  	v0 =	vmin.f32 v3, v0  }
0x44d: {  	v0 =	vmin.f32 v0, v20  }
0x44e: {  	v0 =	vmin.f32 v0, v47  }
0x44f: {  	v0 =	vmin.f32 v0, v26  }
0x450: {  	v0 =	vmin.f32 v0, v4;
	v4 =	vld [tilespmem:$0x1EE00];
	_ =	sdelay $0x4  }
0x451: {  	v1 =	vmin.f32 v1, v4;
	v4 =	vld [tilespmem:$0x1EE10];
	_ =	sdelay $0x2  }
0x452: {  	s22 =	sshra.s32 s20, $0x2  }
0x453: {  	v53 =	vld [tilespmem:s22+$0x3800]  }
0x454: {  	v2 =	vmin.f32 v2, v4;
	v4 =	vld [tilespmem:$0x1EDD0]  }
0x455: {  	v34 =	vld [tilespmem:s22+$0x4000]  }
0x456: {  	v3 =	vld [tilespmem:s22+$0x4800];
	_ =	sdelay $0x1  }
0x457: {  	v8 =	vld [tilespmem:s22+$0x3000]  }
0x458: {  	v63 =	vperm.xlane v53, v44;
	v49 =	vperm.xlane v53, v35;
	v1 =	vmin.f32 v1, v4  }
0x459: {  	v24 =	vperm.xlane v34, v44;
	v26 =	vperm.xlane v34, v28;
	v5 =	vimm.s32 $0xC;
	[tilespmem:$0x1F0B0] =	vst v1;
	v1 =	vld [tilespmem:$0x1EDE0]  }
0x45a: {  	v19 =	vperm.xlane v3, v44;
	v22 =	vperm.xlane v3, v5  }
0x45b: {  	v62 =	vperm.xlane v34, v5;
	v46 =	vperm.xlane v53, v5  }
0x45c: {  	v57 =	vperm.xlane v8, v44;
	v42 =	vperm.xlane v8, v5;
	v5 =	vimm.s32 $0x7  }
0x45d: {  	v44 =	vperm.xlane v3, v5;
	v56 =	vperm.xlane v8, v5  }
0x45e: {  	v11 =	vperm.xlane v34, v5;
	v4 =	vimm.s32 $0xB;
	v1 =	vmin.f32 v2, v1  }
0x45f: {  	v37 =	vperm.xlane v53, v5;
	v10 =	vperm.xlane v3, v4;
	[tilespmem:$0x1F0D0] =	vst v1;
	v1 =	vld [tilespmem:$0x1EDF0]  }
0x460: {  	v38 =	vperm.xlane v8, v4;
	v51 =	vperm.xlane v34, v4;
	v4 =	vimm.s32 $0x8  }
0x461: {  	v5 =	vperm.xlane v3, v35;
	v48 =	vperm.xlane v3, v4  }
0x462: {  	v55 =	vperm.xlane v8, v4;
	v43 =	vperm.xlane v34, v4;
	v2 =	vimm.s32 $0xA  }
0x463: {  	v0 =	vmin.f32 v0, v39;
	v60 =	vperm.xlane v53, v4;
	v15 =	vperm.xlane v3, v2  }
0x464: {  	v31 =	vperm.xlane v8, v2;
	v0 =	vmin.f32 v0, v1;
	v1 =	vimm.s32 $0x9  }
0x465: {  	v52 =	vperm.xlane v3, v1;
	v54 =	vperm.xlane v8, v1  }
0x466: {  	[tilespmem:$0x1F0E0] =	vst v0;
	v0 =	vimm.s32 $0xF;
	v41 =	vperm.xlane v34, v1;
	v61 =	vperm.xlane v53, v1  }
0x467: {  	v1 =	vimm.s32 $0x4;
	v20 =	vperm.xlane v3, v0;
	v59 =	vperm.xlane v8, v0  }
0x468: {  	v23 =	vperm.xlane v34, v0;
	v36 =	vperm.xlane v53, v0;
	v0 =	vimm.s32 $0xB  }
0x469: {  	v6 =	vperm.xlane v3, v1;
	v40 =	vperm.xlane v53, v0;
	v0 =	vimm.s32 $0x6  }
0x46a: {  	[tilespmem:$0x1E820] =	vst v5;
	v5 =	vperm.xlane v8, v1;
	v33 =	vperm.xlane v3, v0  }
0x46b: {  	[tilespmem:$0x1E2F0] =	vst v6;
	v58 =	vperm.xlane v8, v0;
	v6 =	vperm.xlane v34, v0  }
0x46c: {  	[tilespmem:$0x1E2A0] =	vst v5;
	v5 =	vperm.xlane v34, v1;
	v18 =	vperm.xlane v53, v0;
	v0 =	vimm.s32 $0x1  }
0x46d: {  	v4 =	vimm.s32 $0x3;
	v27 =	vperm.xlane v53, v1;
	v1 =	vperm.xlane v8, v0;
	[tilespmem:$0x1E350] =	vst v6  }
0x46e: {  	v47 =	vperm.xlane v34, v2;
	v6 =	vperm.xlane v3, v4;
	[tilespmem:$0x1E4F0] =	vst v5  }
0x46f: {  	v32 =	vperm.xlane v53, v2;
	v2 =	vimm.s32 $0x5;
	v5 =	vperm.xlane v3, v0;
	[tilespmem:$0x1E2D0] =	vst v1  }
0x470: {  	v7 =	vperm.xlane v3, v2;
	[tilespmem:$0x1E730] =	vst v6;
	v6 =	vperm.xlane v8, v2  }
0x471: {  	v14 =	vperm.xlane v53, v2;
	v1 =	vperm.xlane v34, v0;
	[tilespmem:$0x1E8E0] =	vst v5  }
0x472: {  	v5 =	vperm.xlane v8, v4;
	[tilespmem:$0x1E290] =	vst v6;
	v6 =	vperm.xlane v34, v2;
	v2 =	vimm.s32 $0x0  }
0x473: {  	v9 =	vld [tilespmem:$0x1F040];
	v21 =	vperm.xlane v3, v28;
	[tilespmem:$0x1E6A0] =	vst v1;
	v3 =	vperm.xlane v3, v2  }
0x474: {  	v50 =	vperm.xlane v53, v28;
	[tilespmem:$0x1E2B0] =	vst v5;
	v1 =	vperm.xlane v8, v2  }
0x475: {  	v16 =	vld [tilespmem:$0x1F080];
	v30 =	vperm.xlane v53, v4;
	[tilespmem:$0x1E9E0] =	vst v3;
	v3 =	vperm.xlane v8, v35  }
0x476: {  	v5 =	vperm.xlane v34, v4;
	[tilespmem:$0x1E2E0] =	vst v1;
	v1 =	vperm.xlane v34, v2  }
0x477: {  	v17 =	vld [tilespmem:$0x1F090];
	[tilespmem:$0x1E2C0] =	vst v3;
	v3 =	vperm.xlane v34, v35;
	v34 =	vperm.xlane v53, v2  }
0x478: {  	v53 =	vperm.xlane v53, v0;
	v0 =	vmul.f32 v20, v9  }
0x479: {  	v25 =	vld [tilespmem:$0x1F0A0]  }
0x47a: {  	[tilespmem:$0x1E740] =	vst v0;
	v0 =	vmul.f32 v20, v16;
	_ =	sdelay $0x1  }
0x47b: {  	[tilespmem:$0x1E760] =	vst v0;
	v0 =	vmul.f32 v20, v17;
	_ =	sdelay $0x1  }
0x47c: {  	[tilespmem:$0x1E780] =	vst v0;
	v0 =	vmul.f32 v20, v25;
	_ =	sdelay $0x1  }
0x47d: {  	[tilespmem:$0x1E790] =	vst v0;
	v0 =	vmul.f32 v19, v9;
	_ =	sdelay $0x1  }
0x47e: {  	[tilespmem:$0x1E7A0] =	vst v0;
	v0 =	vmul.f32 v19, v16;
	_ =	sdelay $0x1  }
0x47f: {  	[tilespmem:$0x1E7C0] =	vst v0;
	v0 =	vmul.f32 v19, v17;
	_ =	sdelay $0x1  }
0x480: {  	[tilespmem:$0x1E7E0] =	vst v0;
	v0 =	vmul.f32 v19, v25;
	_ =	sdelay $0x1  }
0x481: {  	[tilespmem:$0x1E800] =	vst v0;
	v0 =	vmul.f32 v21, v9;
	_ =	sdelay $0x1  }
0x482: {  	[tilespmem:$0x1E830] =	vst v0;
	v0 =	vmul.f32 v21, v16  }
0x483: {  	[tilespmem:$0x1E670] =	vst v3;
	v3 =	vld [tilespmem:$0x1ED50]  }
0x484: {  	[tilespmem:$0x1E850] =	vst v0;
	v0 =	vmul.f32 v21, v17  }
0x485: {  	v4 =	vld [tilespmem:$0x1ED60]  }
0x486: {  	[tilespmem:$0x1E860] =	vst v0;
	v0 =	vmul.f32 v21, v25  }
0x487: {  	[tilespmem:$0x1E5B0] =	vst v5;
	v5 =	vld [tilespmem:$0x1ED70]  }
0x488: {  	[tilespmem:$0x1E870] =	vst v0;
	v0 =	vmul.f32 v23, v3  }
0x489: {  	[tilespmem:$0x1E430] =	vst v6;
	v6 =	vld [tilespmem:$0x1ED90]  }
0x48a: {  	[tilespmem:$0x1E300] =	vst v0;
	v0 =	vmul.f32 v23, v4;
	_ =	sdelay $0x1  }
0x48b: {  	[tilespmem:$0x1E320] =	vst v0;
	v0 =	vmul.f32 v23, v5;
	_ =	sdelay $0x1  }
0x48c: {  	[tilespmem:$0x1E330] =	vst v0;
	v0 =	vmul.f32 v23, v6;
	_ =	sdelay $0x1  }
0x48d: {  	[tilespmem:$0x1E340] =	vst v0;
	v0 =	vmul.f32 v22, v9;
	_ =	sdelay $0x1  }
0x48e: {  	[tilespmem:$0x1E890] =	vst v0;
	v0 =	vmul.f32 v22, v16;
	_ =	sdelay $0x1  }
0x48f: {  	[tilespmem:$0x1E8A0] =	vst v0;
	v0 =	vmul.f32 v22, v17;
	_ =	sdelay $0x1  }
0x490: {  	[tilespmem:$0x1E8B0] =	vst v0;
	v0 =	vmul.f32 v22, v25;
	_ =	sdelay $0x1  }
0x491: {  	[tilespmem:$0x1E8C0] =	vst v0;
	v0 =	vmul.f32 v24, v3;
	_ =	sdelay $0x1  }
0x492: {  	[tilespmem:$0x1E360] =	vst v0;
	v0 =	vmul.f32 v24, v4;
	_ =	sdelay $0x1  }
0x493: {  	[tilespmem:$0x1E380] =	vst v0;
	v0 =	vmul.f32 v24, v5;
	_ =	sdelay $0x1  }
0x494: {  	[tilespmem:$0x1E3A0] =	vst v0;
	v0 =	vmul.f32 v24, v6;
	_ =	sdelay $0x1  }
0x495: {  	[tilespmem:$0x1E3C0] =	vst v0;
	v0 =	vmul.f32 v10, v9;
	_ =	sdelay $0x1  }
0x496: {  	[tilespmem:$0x1E8F0] =	vst v0;
	v0 =	vmul.f32 v10, v16;
	_ =	sdelay $0x1  }
0x497: {  	[tilespmem:$0x1E910] =	vst v0;
	v0 =	vmul.f32 v10, v17;
	_ =	sdelay $0x1  }
0x498: {  	[tilespmem:$0x1E930] =	vst v0;
	v0 =	vmul.f32 v10, v25;
	_ =	sdelay $0x1  }
0x499: {  	[tilespmem:$0x1E950] =	vst v0;
	v0 =	vmul.f32 v26, v3;
	_ =	sdelay $0x1  }
0x49a: {  	[tilespmem:$0x1E3E0] =	vst v0;
	v0 =	vmul.f32 v26, v4  }
0x49b: {  	v13 =	vld [tilespmem:$0x1EAE0]  }
0x49c: {  	[tilespmem:$0x1E3F0] =	vst v0;
	v0 =	vmul.f32 v26, v5  }
0x49d: {  	v21 =	vld [tilespmem:$0x1EAF0]  }
0x49e: {  	[tilespmem:$0x1E400] =	vst v0;
	v0 =	vmul.f32 v26, v6  }
0x49f: {  	v35 =	vld [tilespmem:$0x1EB00]  }
0x4a0: {  	[tilespmem:$0x1E410] =	vst v0;
	v0 =	vmul.f32 v36, v13  }
0x4a1: {  	v22 =	vld [tilespmem:$0x1EB10]  }
0x4a2: {  	[tilespmem:$0x1E220] =	vst v0;
	v0 =	vmul.f32 v36, v21;
	_ =	sdelay $0x1  }
0x4a3: {  	[tilespmem:$0x1E230] =	vst v0;
	v0 =	vmul.f32 v36, v35;
	_ =	sdelay $0x1  }
0x4a4: {  	[tilespmem:$0x1E240] =	vst v0;
	v0 =	vmul.f32 v36, v22;
	_ =	sdelay $0x1  }
0x4a5: {  	[tilespmem:$0x1E250] =	vst v0;
	v0 =	vmul.f32 v15, v9;
	_ =	sdelay $0x1  }
0x4a6: {  	[tilespmem:$0x1E970] =	vst v0;
	v0 =	vmul.f32 v15, v16;
	_ =	sdelay $0x1  }
0x4a7: {  	[tilespmem:$0x1E990] =	vst v0;
	v0 =	vmul.f32 v15, v17;
	_ =	sdelay $0x1  }
0x4a8: {  	[tilespmem:$0x1E9B0] =	vst v0;
	v0 =	vmul.f32 v15, v25;
	_ =	sdelay $0x1  }
0x4a9: {  	[tilespmem:$0x1E9D0] =	vst v0;
	v0 =	vmul.f32 v62, v3;
	_ =	sdelay $0x1  }
0x4aa: {  	[tilespmem:$0x1E440] =	vst v0;
	v0 =	vmul.f32 v62, v4;
	_ =	sdelay $0x1  }
0x4ab: {  	[tilespmem:$0x1E450] =	vst v0;
	v0 =	vmul.f32 v62, v5;
	_ =	sdelay $0x1  }
0x4ac: {  	[tilespmem:$0x1E460] =	vst v0;
	v0 =	vmul.f32 v62, v6;
	_ =	sdelay $0x1  }
0x4ad: {  	[tilespmem:$0x1E470] =	vst v0;
	v0 =	vmul.f32 v63, v21;
	_ =	sdelay $0x1  }
0x4ae: {  	[tilespmem:$0x1E260] =	vst v0;
	v0 =	vmul.f32 v63, v35;
	_ =	sdelay $0x1  }
0x4af: {  	[tilespmem:$0x1E270] =	vst v0;
	v0 =	vmul.f32 v63, v22;
	_ =	sdelay $0x1  }
0x4b0: {  	[tilespmem:$0x1E280] =	vst v0;
	v0 =	vmul.f32 v52, v9;
	_ =	sdelay $0x1  }
0x4b1: {  	[tilespmem:$0x1E9F0] =	vst v0;
	v0 =	vmul.f32 v52, v16  }
0x4b2: {  	[tilespmem:$0x1E6D0] =	vst v1;
	v1 =	vmul.f32 v33, v9  }
0x4b3: {  	[tilespmem:$0x1EA10] =	vst v0;
	v0 =	vmul.f32 v52, v17  }
0x4b4: {  	[tilespmem:$0x1EF60] =	vst v1;
	v1 =	vmul.f32 v33, v16  }
0x4b5: {  	[tilespmem:$0x1EA30] =	vst v0;
	v0 =	vmul.f32 v52, v25  }
0x4b6: {  	[tilespmem:$0x1EF70] =	vst v1;
	v1 =	vmul.f32 v33, v17  }
0x4b7: {  	[tilespmem:$0x1EA50] =	vst v0;
	v0 =	vmul.f32 v51, v3  }
0x4b8: {  	[tilespmem:$0x1EF90] =	vst v1;
	v1 =	vmul.f32 v33, v25  }
0x4b9: {  	[tilespmem:$0x1E490] =	vst v0;
	v0 =	vmul.f32 v51, v4  }
0x4ba: {  	[tilespmem:$0x1EFA0] =	vst v1;
	v1 =	vmul.f32 v43, v3  }
0x4bb: {  	[tilespmem:$0x1E4B0] =	vst v0;
	v0 =	vmul.f32 v51, v5  }
0x4bc: {  	[tilespmem:$0x1E5C0] =	vst v1;
	v1 =	vmul.f32 v43, v4  }
0x4bd: {  	[tilespmem:$0x1E4C0] =	vst v0;
	v0 =	vmul.f32 v51, v6  }
0x4be: {  	[tilespmem:$0x1E5E0] =	vst v1;
	v1 =	vmul.f32 v43, v5  }
0x4bf: {  	[tilespmem:$0x1E4E0] =	vst v0;
	v0 =	vmul.f32 v48, v9  }
0x4c0: {  	[tilespmem:$0x1E600] =	vst v1;
	v1 =	vmul.f32 v43, v6  }
0x4c1: {  	[tilespmem:$0x1EA60] =	vst v0;
	v0 =	vmul.f32 v48, v16  }
0x4c2: {  	[tilespmem:$0x1E620] =	vst v1;
	v1 =	vmul.f32 v7, v9  }
0x4c3: {  	[tilespmem:$0x1EA90] =	vst v0;
	v0 =	vmul.f32 v48, v17  }
0x4c4: {  	[tilespmem:$0x1EFC0] =	vst v1;
	v1 =	vmul.f32 v7, v16;
	v24 =	vmul.f32 v63, v13  }
0x4c5: {  	[tilespmem:$0x1EAC0] =	vst v0;
	v0 =	vmul.f32 v48, v25  }
0x4c6: {  	[tilespmem:$0x1EFD0] =	vst v1;
	v24 =	vadd.f32 v24, v57  }
0x4c7: {  	[tilespmem:$0x1EA80] =	vst v0;
	v0 =	vmul.f32 v47, v3  }
0x4c8: {  	v1 =	vmul.f32 v7, v17;
	[tilespmem:$0x1E370] =	vst v24  }
0x4c9: {  	v24 =	vld [tilespmem:$0x1E260];
	[tilespmem:$0x1E500] =	vst v0;
	v0 =	vmul.f32 v47, v4  }
0x4ca: {  	[tilespmem:$0x1EFF0] =	vst v1;
	v1 =	vmul.f32 v7, v25  }
0x4cb: {  	v45 =	vperm.xlane v8, v28;
	[tilespmem:$0x1E520] =	vst v0;
	v0 =	vmul.f32 v47, v5  }
0x4cc: {  	v28 =	vmul.f32 v32, v13;
	[tilespmem:$0x1E660] =	vst v1;
	v1 =	vmul.f32 v11, v3  }
0x4cd: {  	v39 =	vmul.f32 v40, v35;
	[tilespmem:$0x1E530] =	vst v0;
	v0 =	vmul.f32 v47, v6  }
0x4ce: {  	v2 =	vmul.f32 v61, v35;
	v12 =	vmul.f32 v37, v35;
	[tilespmem:$0x1E630] =	vst v1;
	v24 =	vadd.f32 v24, v57  }
0x4cf: {  	v20 =	vmul.f32 v46, v35;
	[tilespmem:$0x1E550] =	vst v0;
	v0 =	vmul.f32 v44, v9  }
0x4d0: {  	v19 =	vmul.f32 v46, v13;
	v1 =	vmul.f32 v11, v4;
	[tilespmem:$0x1E390] =	vst v24  }
0x4d1: {  	v7 =	vmul.f32 v60, v13;
	v24 =	vld [tilespmem:$0x1E270];
	[tilespmem:$0x1EF20] =	vst v0;
	v0 =	vmul.f32 v44, v16  }
0x4d2: {  	v2 =	vadd.f32 v2, v54;
	v29 =	vmul.f32 v32, v21;
	v8 =	vmul.f32 v60, v21;
	[tilespmem:$0x1E640] =	vst v1;
	v63 =	vld [tilespmem:$0x1E220]  }
0x4d3: {  	v12 =	vadd.f32 v12, v56;
	v1 =	vmul.f32 v60, v35;
	[tilespmem:$0x1EF30] =	vst v0;
	v0 =	vmul.f32 v44, v17  }
0x4d4: {  	[tilespmem:$0x1E590] =	vst v2;
	v2 =	vadd.f32 v7, v55;
	v23 =	vmul.f32 v50, v22;
	v26 =	vmul.f32 v50, v13  }
0x4d5: {  	v20 =	vadd.f32 v20, v42;
	v43 =	vld [tilespmem:$0x1E230];
	v36 =	vmul.f32 v50, v21;
	[tilespmem:$0x1E920] =	vst v0;
	v0 =	vmul.f32 v44, v25  }
0x4d6: {  	[tilespmem:$0x1E5D0] =	vst v2;
	v15 =	vmul.f32 v32, v35;
	v62 =	vmul.f32 v50, v35;
	v52 =	vld [tilespmem:$0x1E240];
	v24 =	vadd.f32 v24, v57  }
0x4d7: {  	v50 =	vmul.f32 v32, v22;
	v32 =	vadd.f32 v63, v59;
	v63 =	vld [tilespmem:$0x1E250];
	[tilespmem:$0x1EA20] =	vst v0;
	v0 =	vmul.f32 v41, v3  }
0x4d8: {  	v19 =	vadd.f32 v19, v42;
	v2 =	vadd.f32 v8, v55;
	v60 =	vmul.f32 v60, v22;
	[tilespmem:$0x1E3B0] =	vst v24  }
0x4d9: {  	v1 =	vadd.f32 v1, v55;
	v23 =	vadd.f32 v23, v45;
	v24 =	vld [tilespmem:$0x1E280];
	[tilespmem:$0x1E560] =	vst v0;
	v0 =	vmul.f32 v41, v4  }
0x4da: {  	v55 =	vadd.f32 v60, v55;
	v60 =	vmul.f32 v30, v35;
	v10 =	vmul.f32 v37, v13;
	[tilespmem:$0x1E310] =	vst v32  }
0x4db: {  	v32 =	vadd.f32 v43, v59;
	v33 =	vadd.f32 v52, v59;
	[tilespmem:$0x1E570] =	vst v0;
	v0 =	vmul.f32 v41, v5  }
0x4dc: {  	v59 =	vadd.f32 v63, v59;
	v63 =	vmul.f32 v18, v13;
	v52 =	vmul.f32 v18, v21  }
0x4dd: {  	v36 =	vadd.f32 v36, v45;
	v51 =	vmul.f32 v61, v13;
	[tilespmem:$0x1E580] =	vst v0;
	v0 =	vmul.f32 v41, v6  }
0x4de: {  	v24 =	vadd.f32 v24, v57;
	v47 =	vmul.f32 v40, v13;
	v41 =	vmul.f32 v40, v22  }
0x4df: {  	[tilespmem:$0x1E5A0] =	vst v0;
	v0 =	vmul.f32 v40, v21;
	v40 =	vmov v11;
	v11 =	vmul.f32 v37, v21  }
0x4e0: {  	[tilespmem:$0x1E610] =	vst v1;
	v62 =	vadd.f32 v62, v45;
	v57 =	vmul.f32 v18, v35;
	v18 =	vmul.f32 v18, v22  }
0x4e1: {  	[tilespmem:$0x1E3D0] =	vst v24;
	v24 =	vadd.f32 v26, v45;
	v48 =	vmul.f32 v46, v21;
	v1 =	vadd.f32 v11, v56  }
0x4e2: {  	[tilespmem:$0x1E420] =	vst v23;
	v57 =	vadd.f32 v57, v58;
	v18 =	vadd.f32 v18, v58;
	v46 =	vmul.f32 v46, v22  }
0x4e3: {  	v45 =	vmul.f32 v14, v13;
	v23 =	vadd.f32 v48, v42;
	[tilespmem:$0x1E650] =	vst v1;
	v1 =	vadd.f32 v63, v58  }
0x4e4: {  	v48 =	vmul.f32 v14, v21;
	v26 =	vadd.f32 v46, v42;
	v42 =	vmul.f32 v14, v35  }
0x4e5: {  	v14 =	vmul.f32 v14, v22;
	v44 =	vmul.f32 v61, v21;
	[tilespmem:$0x1E680] =	vst v1;
	v1 =	vadd.f32 v52, v58  }
0x4e6: {  	v46 =	vadd.f32 v10, v56;
	v10 =	vmul.f32 v30, v22;
	[tilespmem:$0x1E480] =	vst v26;
	v26 =	vadd.f32 v47, v38  }
0x4e7: {  	v61 =	vmul.f32 v61, v22;
	v44 =	vadd.f32 v44, v54;
	v43 =	vadd.f32 v0, v38;
	[tilespmem:$0x1E690] =	vst v1;
	v1 =	vld [tilespmem:$0x1E290]  }
0x4e8: {  	v37 =	vmul.f32 v37, v22;
	v0 =	vadd.f32 v39, v38;
	v39 =	vadd.f32 v51, v54  }
0x4e9: {  	v54 =	vadd.f32 v61, v54;
	v61 =	vmul.f32 v30, v13;
	v51 =	vmul.f32 v30, v21  }
0x4ea: {  	v30 =	vadd.f32 v37, v56;
	v37 =	vmul.f32 v49, v13;
	[tilespmem:$0x1E4D0] =	vst v0;
	v0 =	vadd.f32 v28, v31  }
0x4eb: {  	v56 =	vmul.f32 v49, v21;
	v28 =	vadd.f32 v29, v31;
	v29 =	vadd.f32 v50, v31  }
0x4ec: {  	v58 =	vmul.f32 v49, v35;
	v47 =	vadd.f32 v45, v1;
	v50 =	vadd.f32 v48, v1  }
0x4ed: {  	v45 =	vmul.f32 v49, v22;
	v42 =	vadd.f32 v42, v1;
	v49 =	vadd.f32 v14, v1;
	v1 =	vld [tilespmem:$0x1E2A0];
	_ =	sdelay $0x2  }
0x4ee: {  	v15 =	vadd.f32 v15, v31;
	v31 =	vmul.f32 v27, v35;
	[tilespmem:$0x1E510] =	vst v0;
	v0 =	vmul.f32 v27, v21;
	_ =	sdelay $0x1  }
0x4ef: {  	[tilespmem:$0x1E540] =	vst v15;
	v15 =	vmul.f32 v27, v22;
	v48 =	vadd.f32 v0, v1;
	v0 =	vadd.f32 v31, v1;
	_ =	sdelay $0x1  }
0x4f0: {  	[tilespmem:$0x1E6B0] =	vst v0;
	v0 =	vadd.f32 v15, v1;
	_ =	sdelay $0x1  }
0x4f1: {  	[tilespmem:$0x1E6C0] =	vst v0;
	v0 =	vld [tilespmem:$0x1E2B0];
	_ =	sdelay $0x3  }
0x4f2: {  	[tilespmem:$0x1E4A0] =	vst v26;
	v26 =	vadd.f32 v41, v38;
	v38 =	vmul.f32 v27, v13;
	v14 =	vmul.f32 v53, v13  }
0x4f3: {  	v52 =	vadd.f32 v51, v0;
	v51 =	vadd.f32 v10, v0;
	v10 =	vmul.f32 v34, v13;
	v13 =	vld [tilespmem:$0x1E2C0];
	_ =	sdelay $0x4  }
0x4f4: {  	v37 =	vadd.f32 v37, v13;
	v56 =	vadd.f32 v56, v13  }
0x4f5: {  	v58 =	vadd.f32 v58, v13;
	v63 =	vadd.f32 v45, v13;
	v13 =	vld [tilespmem:$0x1E2D0];
	_ =	sdelay $0x2  }
0x4f6: {  	v38 =	vadd.f32 v38, v1;
	v1 =	vmul.f32 v53, v35;
	_ =	sdelay $0x1  }
0x4f7: {  	v1 =	vadd.f32 v1, v13;
	_ =	sdelay $0x1  }
0x4f8: {  	[tilespmem:$0x1E6F0] =	vst v1;
	v1 =	vld [tilespmem:$0x1E2E0]  }
0x4f9: {  	[tilespmem:$0x1E5F0] =	vst v2;
	v2 =	vmul.f32 v53, v21;
	_ =	sdelay $0x1  }
0x4fa: {  	v2 =	vadd.f32 v2, v13  }
0x4fb: {  	v61 =	vadd.f32 v61, v0;
	v60 =	vadd.f32 v60, v0;
	v0 =	vmul.f32 v34, v21  }
0x4fc: {  	v41 =	vmul.f32 v34, v35;
	v34 =	vmul.f32 v34, v22;
	[tilespmem:$0x1E6E0] =	vst v2;
	v2 =	vadd.f32 v10, v1  }
0x4fd: {  	v0 =	vadd.f32 v0, v1  }
0x4fe: {  	v34 =	vadd.f32 v34, v1;
	[tilespmem:$0x1E700] =	vst v2;
	v2 =	vadd.f32 v41, v1;
	v1 =	vld [tilespmem:$0x1E330];
	_ =	sdelay $0x2  }
0x4ff: {  	v7 =	vld [tilespmem:$0x1E310]  }
0x500: {  	[tilespmem:$0x1E720] =	vst v2;
	v2 =	vld [tilespmem:$0x1E300]  }
0x501: {  	v33 =	vadd.f32 v1, v33;
	v1 =	vld [tilespmem:$0x1E340];
	_ =	sdelay $0x3  }
0x502: {  	v2 =	vadd.f32 v2, v7;
	v7 =	vld [tilespmem:$0x1E370]  }
0x503: {  	v59 =	vadd.f32 v1, v59;
	v1 =	vld [tilespmem:$0x1E360];
	_ =	sdelay $0x4  }
0x504: {  	v1 =	vadd.f32 v1, v7  }
0x505: {  	v7 =	vld [tilespmem:$0x1E390]  }
0x506: {  	[tilespmem:$0x1E7B0] =	vst v1;
	v1 =	vld [tilespmem:$0x1E380];
	_ =	sdelay $0x1  }
0x507: {  	v53 =	vmul.f32 v53, v22;
	_ =	sdelay $0x1  }
0x508: {  	v14 =	vadd.f32 v14, v13;
	v53 =	vadd.f32 v53, v13;
	v13 =	vld [tilespmem:$0x1E3A0]  }
0x509: {  	v1 =	vadd.f32 v1, v7;
	v7 =	vld [tilespmem:$0x1E3B0];
	_ =	sdelay $0x4  }
0x50a: {  	v7 =	vadd.f32 v13, v7  }
0x50b: {  	v13 =	vld [tilespmem:$0x1E3C0]  }
0x50c: {  	[tilespmem:$0x1E7F0] =	vst v7;
	v7 =	vld [tilespmem:$0x1E3D0];
	_ =	sdelay $0x3  }
0x50d: {  	[tilespmem:$0x1E750] =	vst v2;
	v2 =	vld [tilespmem:$0x1E320]  }
0x50e: {  	v7 =	vadd.f32 v13, v7;
	v13 =	vld [tilespmem:$0x1E3E0];
	_ =	sdelay $0x4  }
0x50f: {  	v2 =	vadd.f32 v2, v32;
	[tilespmem:$0x1E810] =	vst v7;
	v7 =	vadd.f32 v13, v24;
	v13 =	vld [tilespmem:$0x1E3F0];
	_ =	sdelay $0x1  }
0x510: {  	[tilespmem:$0x1E770] =	vst v2;
	v2 =	vld [tilespmem:$0x1E350];
	_ =	sdelay $0x2  }
0x511: {  	v36 =	vadd.f32 v13, v36;
	v13 =	vld [tilespmem:$0x1E440];
	_ =	sdelay $0x1  }
0x512: {  	v32 =	vmul.f32 v2, v3;
	v15 =	vmul.f32 v2, v5  }
0x513: {  	v21 =	vmul.f32 v2, v6;
	[tilespmem:$0x1E7D0] =	vst v1;
	v1 =	vmul.f32 v2, v4;
	v2 =	vld [tilespmem:$0x1E400];
	_ =	sdelay $0x1  }
0x514: {  	v19 =	vadd.f32 v13, v19;
	v13 =	vld [tilespmem:$0x1E450];
	_ =	sdelay $0x2  }
0x515: {  	v62 =	vadd.f32 v2, v62;
	v2 =	vld [tilespmem:$0x1E410]  }
0x516: {  	[tilespmem:$0x1E840] =	vst v7;
	v7 =	vld [tilespmem:$0x1E420]  }
0x517: {  	v41 =	vadd.f32 v13, v23;
	v13 =	vld [tilespmem:$0x1E460];
	_ =	sdelay $0x3  }
0x518: {  	v2 =	vadd.f32 v2, v7;
	v7 =	vld [tilespmem:$0x1E480]  }
0x519: {  	v20 =	vadd.f32 v13, v20;
	v13 =	vld [tilespmem:$0x1E470];
	_ =	sdelay $0x4  }
0x51a: {  	v7 =	vadd.f32 v13, v7  }
0x51b: {  	v13 =	vld [tilespmem:$0x1E490]  }
0x51c: {  	[tilespmem:$0x1E8D0] =	vst v7;
	v7 =	vld [tilespmem:$0x1E4A0];
	_ =	sdelay $0x4  }
0x51d: {  	v7 =	vadd.f32 v13, v7;
	v13 =	vld [tilespmem:$0x1E4B0];
	_ =	sdelay $0x3  }
0x51e: {  	[tilespmem:$0x1E900] =	vst v7;
	v7 =	vld [tilespmem:$0x1E4D0]  }
0x51f: {  	v43 =	vadd.f32 v13, v43;
	v13 =	vld [tilespmem:$0x1E4C0];
	_ =	sdelay $0x4  }
0x520: {  	v7 =	vadd.f32 v13, v7;
	v13 =	vld [tilespmem:$0x1E4E0];
	_ =	sdelay $0x4  }
0x521: {  	[tilespmem:$0x1E940] =	vst v7;
	v7 =	vadd.f32 v13, v26  }
0x522: {  	v13 =	vld [tilespmem:$0x1E500]  }
0x523: {  	[tilespmem:$0x1E960] =	vst v7;
	v7 =	vld [tilespmem:$0x1E510];
	_ =	sdelay $0x4  }
0x524: {  	v7 =	vadd.f32 v13, v7;
	v13 =	vld [tilespmem:$0x1E520];
	_ =	sdelay $0x4  }
0x525: {  	[tilespmem:$0x1E980] =	vst v7;
	v7 =	vadd.f32 v13, v28  }
0x526: {  	v13 =	vld [tilespmem:$0x1E530]  }
0x527: {  	[tilespmem:$0x1E9A0] =	vst v7;
	v7 =	vld [tilespmem:$0x1E540];
	_ =	sdelay $0x4  }
0x528: {  	v7 =	vadd.f32 v13, v7;
	v13 =	vld [tilespmem:$0x1E550];
	_ =	sdelay $0x4  }
0x529: {  	v13 =	vadd.f32 v13, v29;
	v29 =	vld [tilespmem:$0x1E560];
	_ =	sdelay $0x3  }
0x52a: {  	v31 =	vld [tilespmem:$0x1E4F0]  }
0x52b: {  	[tilespmem:$0x1E9C0] =	vst v7;
	v7 =	vadd.f32 v29, v39;
	v29 =	vld [tilespmem:$0x1E570];
	_ =	sdelay $0x3  }
0x52c: {  	v27 =	vmul.f32 v31, v4;
	v26 =	vmul.f32 v31, v3;
	[tilespmem:$0x1EA00] =	vst v7;
	v7 =	vld [tilespmem:$0x1E590]  }
0x52d: {  	v28 =	vmul.f32 v31, v5;
	v44 =	vadd.f32 v29, v44;
	v29 =	vmul.f32 v31, v6;
	v31 =	vld [tilespmem:$0x1E580];
	_ =	sdelay $0x4  }
0x52e: {  	v7 =	vadd.f32 v31, v7  }
0x52f: {  	v8 =	vld [tilespmem:$0x1E5D0]  }
0x530: {  	[tilespmem:$0x1EA40] =	vst v7;
	v7 =	vld [tilespmem:$0x1E5C0];
	_ =	sdelay $0x4  }
0x531: {  	v7 =	vadd.f32 v7, v8  }
0x532: {  	v8 =	vld [tilespmem:$0x1E5F0]  }
0x533: {  	[tilespmem:$0x1EA70] =	vst v7;
	v7 =	vld [tilespmem:$0x1E5E0];
	_ =	sdelay $0x3  }
0x534: {  	v11 =	vld [tilespmem:$0x1E610]  }
0x535: {  	v7 =	vadd.f32 v7, v8;
	v8 =	vld [tilespmem:$0x1E600]  }
0x536: {  	[tilespmem:$0x1E710] =	vst v0;
	v0 =	vmul.f32 v40, v5;
	_ =	sdelay $0x1  }
0x537: {  	v0 =	vadd.f32 v0, v12;
	v12 =	vld [tilespmem:$0x1E680];
	_ =	sdelay $0x1  }
0x538: {  	v8 =	vadd.f32 v8, v11;
	_ =	sdelay $0x1  }
0x539: {  	[tilespmem:$0x1EAD0] =	vst v8;
	v8 =	vld [tilespmem:$0x1E620]  }
0x53a: {  	v12 =	vadd.f32 v32, v12;
	_ =	sdelay $0x1  }
0x53b: {  	[tilespmem:$0x1EBB0] =	vst v12;
	v12 =	vld [tilespmem:$0x1E690]  }
0x53c: {  	[tilespmem:$0x1E880] =	vst v2;
	v2 =	vld [tilespmem:$0x1E430]  }
0x53d: {  	v8 =	vadd.f32 v8, v55;
	v55 =	vld [tilespmem:$0x1E630];
	_ =	sdelay $0x2  }
0x53e: {  	v1 =	vadd.f32 v1, v12;
	v12 =	vadd.f32 v15, v57;
	v15 =	vld [tilespmem:$0x1E6B0]  }
0x53f: {  	v22 =	vmul.f32 v2, v3;
	v24 =	vmul.f32 v2, v5;
	v11 =	vld [tilespmem:$0x1E650]  }
0x540: {  	v23 =	vmul.f32 v2, v4;
	v2 =	vmul.f32 v2, v6;
	v46 =	vadd.f32 v55, v46;
	v55 =	vld [tilespmem:$0x1E640]  }
0x541: {  	[tilespmem:$0x1EBD0] =	vst v12;
	v12 =	vadd.f32 v21, v18  }
0x542: {  	[tilespmem:$0x1EB80] =	vst v0;
	v2 =	vadd.f32 v2, v49  }
0x543: {  	[tilespmem:$0x1EBE0] =	vst v12;
	v12 =	vadd.f32 v23, v50  }
0x544: {  	v45 =	vmul.f32 v40, v6;
	[tilespmem:$0x1EC10] =	vst v2;
	v2 =	vld [tilespmem:$0x1E6A0];
	v15 =	vadd.f32 v28, v15  }
0x545: {  	[tilespmem:$0x1EBF0] =	vst v12;
	v39 =	vld [tilespmem:$0x1E5B0];
	v11 =	vadd.f32 v55, v11  }
0x546: {  	v0 =	vadd.f32 v45, v30;
	[tilespmem:$0x1EC50] =	vst v15;
	v15 =	vld [tilespmem:$0x1E6C0]  }
0x547: {  	v12 =	vadd.f32 v27, v48;
	[tilespmem:$0x1EB70] =	vst v11;
	v11 =	vld [tilespmem:$0x1E670]  }
0x548: {  	[tilespmem:$0x1EB90] =	vst v0  }
0x549: {  	[tilespmem:$0x1EC30] =	vst v12  }
0x54a: {  	[tilespmem:$0x1EAA0] =	vst v7;
	v7 =	vmul.f32 v39, v4  }
0x54b: {  	v12 =	vmul.f32 v2, v4;
	v15 =	vadd.f32 v29, v15;
	[tilespmem:$0x1EB50] =	vst v8;
	v8 =	vmul.f32 v39, v5  }
0x54c: {  	[tilespmem:$0x1EBC0] =	vst v1;
	v7 =	vadd.f32 v7, v52;
	v0 =	vmul.f32 v11, v3;
	v1 =	vmul.f32 v11, v4  }
0x54d: {  	[tilespmem:$0x1EC60] =	vst v15;
	v18 =	vmul.f32 v11, v5;
	v21 =	vmul.f32 v11, v6;
	v11 =	vadd.f32 v24, v42  }
0x54e: {  	v15 =	vmul.f32 v2, v5;
	[tilespmem:$0x1EC80] =	vst v7;
	v7 =	vmul.f32 v2, v6  }
0x54f: {  	v55 =	vmul.f32 v39, v6;
	[tilespmem:$0x1EC00] =	vst v11;
	v11 =	vmul.f32 v2, v3;
	v2 =	vadd.f32 v8, v60;
	_ =	sdelay $0x1  }
0x550: {  	[tilespmem:$0x1ECA0] =	vst v2;
	v2 =	vadd.f32 v55, v51  }
0x551: {  	v31 =	vld [tilespmem:$0x1E5A0]  }
0x552: {  	[tilespmem:$0x1ECC0] =	vst v2;
	v2 =	vld [tilespmem:$0x1E6D0];
	_ =	sdelay $0x3  }
0x553: {  	v54 =	vadd.f32 v31, v54  }
0x554: {  	v31 =	vmul.f32 v39, v3;
	v8 =	vmul.f32 v2, v3;
	v3 =	vadd.f32 v18, v58;
	_ =	sdelay $0x1  }
0x555: {  	[tilespmem:$0x1ED00] =	vst v3;
	v3 =	vadd.f32 v21, v63;
	_ =	sdelay $0x1  }
0x556: {  	[tilespmem:$0x1ED20] =	vst v3;
	v3 =	vmul.f32 v2, v5;
	v5 =	vld [tilespmem:$0x1E710];
	_ =	sdelay $0x2  }
0x557: {  	v27 =	vadd.f32 v0, v37;
	v0 =	vmul.f32 v2, v4;
	_ =	sdelay $0x1  }
0x558: {  	v42 =	vadd.f32 v0, v5;
	v0 =	vld [tilespmem:$0x1E720];
	_ =	sdelay $0x1  }
0x559: {  	v2 =	vmul.f32 v2, v6;
	_ =	sdelay $0x1  }
0x55a: {  	v32 =	vadd.f32 v22, v47;
	v22 =	vadd.f32 v2, v34;
	v2 =	vld [tilespmem:$0x1E740]  }
0x55b: {  	v24 =	vadd.f32 v3, v0;
	v3 =	vld [tilespmem:$0x1E750];
	_ =	sdelay $0x4  }
0x55c: {  	v21 =	vadd.f32 v2, v3;
	v2 =	vld [tilespmem:$0x1E760]  }
0x55d: {  	v3 =	vld [tilespmem:$0x1E770];
	_ =	sdelay $0x4  }
0x55e: {  	v2 =	vadd.f32 v2, v3;
	_ =	sdelay $0x1  }
0x55f: {  	[tilespmem:$0x1EDD0] =	vst v2;
	v2 =	vld [tilespmem:$0x1E780];
	_ =	sdelay $0x4  }
0x560: {  	v2 =	vadd.f32 v2, v33;
	_ =	sdelay $0x1  }
0x561: {  	[tilespmem:$0x1EDE0] =	vst v2;
	v2 =	vld [tilespmem:$0x1E790];
	_ =	sdelay $0x4  }
0x562: {  	v2 =	vadd.f32 v2, v59  }
0x563: {  	v3 =	vld [tilespmem:$0x1E7B0]  }
0x564: {  	[tilespmem:$0x1EDF0] =	vst v2;
	v2 =	vld [tilespmem:$0x1E7A0];
	_ =	sdelay $0x4  }
0x565: {  	v49 =	vadd.f32 v2, v3;
	v2 =	vld [tilespmem:$0x1E7C0]  }
0x566: {  	v3 =	vld [tilespmem:$0x1E7D0];
	_ =	sdelay $0x1  }
0x567: {  	v4 =	vld [tilespmem:$0x1E6E0];
	_ =	sdelay $0x1  }
0x568: {  	v5 =	vld [tilespmem:$0x1E840]  }
0x569: {  	v2 =	vadd.f32 v2, v3;
	v3 =	vld [tilespmem:$0x1E830];
	_ =	sdelay $0x1  }
0x56a: {  	v23 =	vadd.f32 v12, v4;
	v4 =	vld [tilespmem:$0x1E6F0];
	_ =	sdelay $0x2  }
0x56b: {  	v48 =	vadd.f32 v31, v61;
	v31 =	vadd.f32 v3, v5;
	v3 =	vld [tilespmem:$0x1E850];
	_ =	sdelay $0x1  }
0x56c: {  	v4 =	vadd.f32 v15, v4;
	_ =	sdelay $0x1  }
0x56d: {  	[tilespmem:$0x1ED40] =	vst v4;
	v4 =	vld [tilespmem:$0x1E700]  }
0x56e: {  	v0 =	vld [tilespmem:$0x1E730];
	v3 =	vadd.f32 v3, v36;
	_ =	sdelay $0x1  }
0x56f: {  	[tilespmem:$0x1EE40] =	vst v3;
	v3 =	vld [tilespmem:$0x1E860];
	_ =	sdelay $0x2  }
0x570: {  	v4 =	vadd.f32 v8, v4;
	v8 =	vmul.f32 v0, v9;
	v37 =	vmul.f32 v0, v16  }
0x571: {  	v58 =	vmul.f32 v0, v25;
	v59 =	vmul.f32 v0, v17;
	v0 =	vld [tilespmem:$0x1E7E0]  }
0x572: {  	[tilespmem:$0x1EE00] =	vst v2;
	v2 =	vld [tilespmem:$0x1E7F0];
	v3 =	vadd.f32 v3, v62  }
0x573: {  	v5 =	vld [tilespmem:$0x1E880]  }
0x574: {  	[tilespmem:$0x1EE60] =	vst v3;
	v3 =	vld [tilespmem:$0x1E870];
	_ =	sdelay $0x3  }
0x575: {  	v6 =	vld [tilespmem:$0x1E900]  }
0x576: {  	v0 =	vadd.f32 v0, v2;
	v3 =	vadd.f32 v3, v5;
	v5 =	vld [tilespmem:$0x1E8F0]  }
0x577: {  	v2 =	vld [tilespmem:$0x1E810]  }
0x578: {  	[tilespmem:$0x1EE10] =	vst v0;
	v0 =	vld [tilespmem:$0x1E800];
	_ =	sdelay $0x2  }
0x579: {  	v55 =	vadd.f32 v5, v6;
	v5 =	vld [tilespmem:$0x1E910];
	_ =	sdelay $0x1  }
0x57a: {  	v39 =	vadd.f32 v0, v2;
	v0 =	vld [tilespmem:$0x1E820]  }
0x57b: {  	[tilespmem:$0x1EE80] =	vst v3;
	v3 =	vld [tilespmem:$0x1E890]  }
0x57c: {  	v6 =	vld [tilespmem:$0x1E940]  }
0x57d: {  	v29 =	vadd.f32 v5, v43;
	v5 =	vld [tilespmem:$0x1E930];
	_ =	sdelay $0x1  }
0x57e: {  	v14 =	vadd.f32 v11, v14  }
0x57f: {  	v2 =	vmul.f32 v0, v9;
	v52 =	vmul.f32 v0, v16;
	v11 =	vadd.f32 v3, v19;
	v3 =	vld [tilespmem:$0x1E8A0]  }
0x580: {  	v63 =	vmul.f32 v0, v17;
	v33 =	vmul.f32 v0, v25;
	v0 =	vld [tilespmem:$0x1E8B0]  }
0x581: {  	[tilespmem:$0x1EB60] =	vst v46;
	v46 =	vadd.f32 v5, v6;
	v5 =	vld [tilespmem:$0x1E950]  }
0x582: {  	v6 =	vld [tilespmem:$0x1E960];
	_ =	sdelay $0x1  }
0x583: {  	v3 =	vadd.f32 v3, v41  }
0x584: {  	v15 =	vadd.f32 v0, v20;
	v0 =	vld [tilespmem:$0x1E8C0]  }
0x585: {  	[tilespmem:$0x1EEB0] =	vst v3;
	v3 =	vld [tilespmem:$0x1E8D0]  }
0x586: {  	v47 =	vadd.f32 v5, v6;
	v5 =	vld [tilespmem:$0x1E970]  }
0x587: {  	v6 =	vld [tilespmem:$0x1E980];
	_ =	sdelay $0x3  }
0x588: {  	v38 =	vadd.f32 v26, v38;
	v26 =	vadd.f32 v0, v3;
	v0 =	vld [tilespmem:$0x1E8E0]  }
0x589: {  	v60 =	vadd.f32 v5, v6;
	v5 =	vld [tilespmem:$0x1E990]  }
0x58a: {  	v6 =	vld [tilespmem:$0x1E9A0];
	_ =	sdelay $0x2  }
0x58b: {  	v3 =	vmul.f32 v0, v9;
	v51 =	vmul.f32 v0, v16  }
0x58c: {  	v57 =	vadd.f32 v7, v53;
	v61 =	vmul.f32 v0, v17;
	v53 =	vmul.f32 v0, v25;
	v0 =	vld [tilespmem:$0x1E9B0]  }
0x58d: {  	v50 =	vadd.f32 v5, v6;
	v5 =	vld [tilespmem:$0x1E9C0];
	_ =	sdelay $0x4  }
0x58e: {  	v19 =	vadd.f32 v0, v5;
	v0 =	vld [tilespmem:$0x1E9D0];
	_ =	sdelay $0x3  }
0x58f: {  	v5 =	vld [tilespmem:$0x1EA00]  }
0x590: {  	v20 =	vadd.f32 v0, v13;
	v0 =	vld [tilespmem:$0x1E9F0];
	_ =	sdelay $0x1  }
0x591: {  	v13 =	vld [tilespmem:$0x1E9E0]  }
0x592: {  	v35 =	vld [tilespmem:$0x1E2F0];
	_ =	sdelay $0x1  }
0x593: {  	v41 =	vadd.f32 v0, v5;
	v0 =	vld [tilespmem:$0x1EA10];
	_ =	sdelay $0x1  }
0x594: {  	v6 =	vld [tilespmem:$0x1EA40];
	v12 =	vmul.f32 v13, v9  }
0x595: {  	v10 =	vmul.f32 v35, v9;
	v9 =	vld [tilespmem:$0x1EA60]  }
0x596: {  	v4 =	vadd.f32 v12, v4;
	v12 =	vld [tilespmem:$0x1EA70]  }
0x597: {  	v5 =	vadd.f32 v0, v44;
	v0 =	vld [tilespmem:$0x1EA30];
	_ =	sdelay $0x3  }
0x598: {  	v7 =	vmul.f32 v13, v16;
	v9 =	vadd.f32 v9, v12;
	v12 =	vadd.f32 v3, v14;
	v3 =	vld [tilespmem:$0x1EA90]  }
0x599: {  	v36 =	vmul.f32 v13, v25;
	v34 =	vadd.f32 v0, v6;
	v6 =	vmul.f32 v13, v17;
	v13 =	vld [tilespmem:$0x1EAA0];
	_ =	sdelay $0x4  }
0x59a: {  	v30 =	vadd.f32 v3, v13;
	v3 =	vld [tilespmem:$0x1EAB0];
	_ =	sdelay $0x3  }
0x59b: {  	v0 =	vld [tilespmem:$0x1EA50]  }
0x59c: {  	v13 =	vmin.f32 v3, v4;
	v4 =	vadd.f32 v2, v27;
	v2 =	vld [tilespmem:$0x1EAC0]  }
0x59d: {  	p0 =	sne.s32 s20, $0x1FC0;
	v3 =	vld [tilespmem:$0x1EAD0]  }
.Ltmp3:
0x59e: {  	_ = 	snop;
	(pc) =	sbr.rel @p0 .LBB2_8-.Ltmp3, $4  }
0x59f: {  	v45 =	vld [tilespmem:$0x1E660]  }
0x5a0: {  	v40 =	vmul.f32 v35, v16;
	v28 =	vimm.s32 $0xD;
	v1 =	vadd.f32 v1, v56;
	v43 =	vld [tilespmem:$0x1E920]  }
0x5a1: {  	v56 =	vmul.f32 v35, v17;
	v18 =	vmul.f32 v35, v25;
	v35 =	vimm.s32 $0x2;
	v16 =	vld [tilespmem:$0x1EA20]  }
0x5a2: {  	s20 =	sadd.s32 $0x40, s20;
	v25 =	vld [tilespmem:$0x1EA80];
	v44 =	vimm.s32 $0xE;
	v0 =	vadd.f32 v0, v54;
	v54 =	vadd.f32 v2, v3  }
0x5a3: {  	v17 =	vld [tilespmem:$0x1EB50];
	_ =	sdelay $0x3  }
0x5a4: {  	v3 =	vmin.f32 v13, v12;
	v12 =	vld [tilespmem:$0x1EB60]  }
0x5a5: {  	v2 =	vadd.f32 v8, v48;
	v8 =	vadd.f32 v25, v17;
	v25 =	vld [tilespmem:$0x1EF20];
	_ =	sdelay $0x4  }
0x5a6: {  	v3 =	vmin.f32 v3, v4;
	v4 =	vadd.f32 v25, v12;
	v12 =	vld [tilespmem:$0x1EFC0]  }
0x5a7: {  	v13 =	vld [tilespmem:$0x1EB70]  }
0x5a8: {  	v2 =	vmin.f32 v3, v2;
	v3 =	vld [tilespmem:$0x1EF30];
	_ =	sdelay $0x2  }
0x5a9: {  	v12 =	vadd.f32 v12, v32;
	v32 =	vld [tilespmem:$0x1EB80]  }
0x5aa: {  	v14 =	vld [tilespmem:$0x1EBB0]  }
0x5ab: {  	v3 =	vadd.f32 v3, v13;
	v13 =	vld [tilespmem:$0x1EF60]  }
0x5ac: {  	v10 =	vadd.f32 v10, v38  }
0x5ad: {  	v38 =	vld [tilespmem:$0x1EF90]  }
0x5ae: {  	v2 =	vmin.f32 v2, v10;
	v10 =	vadd.f32 v43, v32;
	v43 =	vld [tilespmem:$0x1EBD0];
	_ =	sdelay $0x1  }
0x5af: {  	v62 =	vld [tilespmem:$0x1EFD0];
	v13 =	vadd.f32 v13, v14  }
0x5b0: {  	v25 =	vld [tilespmem:$0x1EBF0];
	v2 =	vmin.f32 v2, v12  }
0x5b1: {  	v2 =	vmin.f32 v2, v13;
	v32 =	vld [tilespmem:$0x1EFF0]  }
0x5b2: {  	v2 =	vmin.f32 v2, v4;
	v27 =	vadd.f32 v38, v43;
	v43 =	vld [tilespmem:$0x1EC00]  }
0x5b3: {  	v48 =	vld [tilespmem:$0x1EBE0];
	v2 =	vmin.f32 v2, v9  }
0x5b4: {  	v13 =	vld [tilespmem:$0x1EFA0];
	v2 =	vmin.f32 v2, v41  }
0x5b5: {  	v1 =	vadd.f32 v52, v1;
	v52 =	vld [tilespmem:$0x1ECC0];
	v2 =	vmin.f32 v2, v60  }
0x5b6: {  	v17 =	vld [tilespmem:$0x1EBC0];
	v2 =	vmin.f32 v2, v55  }
0x5b7: {  	v2 =	vmin.f32 v2, v11;
	v38 =	vadd.f32 v62, v25;
	v25 =	vadd.f32 v32, v43;
	v32 =	vld [tilespmem:$0x1EC50]  }
0x5b8: {  	v14 =	vld [tilespmem:$0x1EF70];
	v2 =	vmin.f32 v2, v31  }
0x5b9: {  	v13 =	vadd.f32 v13, v48;
	v48 =	vld [tilespmem:$0x1EC30];
	v2 =	vmin.f32 v2, v49  }
0x5ba: {  	v2 =	vmin.f32 v2, v21;
	v21 =	vld [tilespmem:$0x1F0B0]  }
0x5bb: {  	v43 =	vld [tilespmem:$0x1ECA0]  }
0x5bc: {  	v9 =	vadd.f32 v56, v32;
	v56 =	vadd.f32 v58, v52;
	v58 =	vld [tilespmem:$0x1ED00]  }
0x5bd: {  	v7 =	vadd.f32 v7, v42;
	v12 =	vld [tilespmem:$0x1EB90]  }
0x5be: {  	v41 =	vld [tilespmem:$0x1EC80]  }
0x5bf: {  	v7 =	vmin.f32 v21, v7;
	v21 =	vld [tilespmem:$0x1F0D0]  }
0x5c0: {  	v62 =	vld [tilespmem:$0x1EC10];
	v4 =	vadd.f32 v40, v48;
	v48 =	vadd.f32 v59, v43  }
0x5c1: {  	v59 =	vadd.f32 v63, v58;
	v63 =	vadd.f32 v36, v22;
	v22 =	vld [tilespmem:$0x1ED40]  }
0x5c2: {  	v6 =	vadd.f32 v6, v24;
	v60 =	vld [tilespmem:$0x1ED20]  }
0x5c3: {  	v40 =	vld [tilespmem:$0x1EC60]  }
0x5c4: {  	v14 =	vadd.f32 v14, v17;
	v12 =	vadd.f32 v16, v12;
	v6 =	vmin.f32 v21, v6;
	v21 =	vld [tilespmem:$0x1F0E0]  }
0x5c5: {  	v42 =	vld [tilespmem:$0x1EE40];
	v16 =	vadd.f32 v37, v41;
	v45 =	vadd.f32 v45, v62  }
0x5c6: {  	v55 =	vld [tilespmem:$0x1ED90];
	v62 =	vadd.f32 v51, v23;
	v22 =	vadd.f32 v61, v22  }
0x5c7: {  	v41 =	vld [tilespmem:$0x1ED50];
	v33 =	vadd.f32 v33, v60;
	v23 =	vadd.f32 v53, v57  }
0x5c8: {  	v49 =	vld [tilespmem:$0x1ED60];
	v18 =	vadd.f32 v18, v40;
	v7 =	vmin.f32 v7, v62;
	v6 =	vmin.f32 v6, v22  }
0x5c9: {  	v60 =	vld [tilespmem:$0x1F0A0];
	v1 =	vmin.f32 v7, v1;
	v17 =	vmin.f32 v21, v63;
	v6 =	vmin.f32 v6, v59  }
0x5ca: {  	v51 =	vld [tilespmem:$0x1ED70];
	v1 =	vmin.f32 v1, v16;
	v17 =	vmin.f32 v17, v23;
	v6 =	vmin.f32 v6, v48  }
0x5cb: {  	v53 =	vld [tilespmem:$0x1F090];
	v1 =	vmin.f32 v1, v4;
	v24 =	vmin.f32 v17, v33;
	v33 =	vmin.f32 v6, v9  }
0x5cc: {  	v57 =	vld [tilespmem:$0x1EDD0];
	v1 =	vmin.f32 v1, v38;
	v7 =	vmin.f32 v24, v56;
	v4 =	vmin.f32 v33, v25  }
0x5cd: {  	v40 =	vmovc v39;
	v39 =	vld [tilespmem:$0x1EAE0];
	v1 =	vmin.f32 v1, v14;
	v36 =	vmin.f32 v7, v18;
	v4 =	vmin.f32 v4, v27  }
0x5ce: {  	v38 =	vld [tilespmem:$0x1EEB0];
	v1 =	vmin.f32 v1, v3;
	v6 =	vmin.f32 v36, v45;
	v3 =	vmin.f32 v4, v10  }
0x5cf: {  	v52 =	vld [tilespmem:$0x1F080];
	v1 =	vmin.f32 v1, v30;
	v6 =	vmin.f32 v6, v13;
	v3 =	vmin.f32 v3, v54  }
0x5d0: {  	v1 =	vmin.f32 v1, v5;
	v48 =	vld [tilespmem:$0x1EAF0];
	v37 =	vmin.f32 v6, v12;
	v3 =	vmin.f32 v3, v34  }
0x5d1: {  	v1 =	vmin.f32 v1, v50;
	v50 =	vld [tilespmem:$0x1EB00];
	v4 =	vmin.f32 v37, v8;
	v3 =	vmin.f32 v3, v19  }
0x5d2: {  	v1 =	vmin.f32 v1, v29;
	v0 =	vmin.f32 v4, v0;
	v3 =	vmin.f32 v3, v46;
	v46 =	vld [tilespmem:$0x1F040]  }
0x5d3: {  	v5 =	vmul.f32 v41, v41;
	v1 =	vmin.f32 v1, v38;
	v45 =	vld [tilespmem:$0x1EE80];
	v0 =	vmin.f32 v0, v20  }
0x5d4: {  	v7 =	vmul.f32 v49, v49;
	v4 =	vmul.f32 v39, v39;
	v0 =	vmin.f32 v0, v47;
	v47 =	vld [tilespmem:$0x1EE00]  }
0x5d5: {  	v43 =	vld [tilespmem:$0x1EE60];
	v1 =	vmin.f32 v1, v42;
	v9 =	vmul.f32 v53, v53;
	v6 =	vmul.f32 v48, v48  }
0x5d6: {  	v8 =	vmul.f32 v51, v51;
	v10 =	vmul.f32 v55, v55;
	v54 =	vld [tilespmem:$0x1EB10];
	v4 =	vadd.f32 v5, v4  }
0x5d7: {  	v56 =	vld [tilespmem:$0x1EE10];
	v6 =	vadd.f32 v7, v6;
	v0 =	vmin.f32 v0, v26;
	v5 =	vmul.f32 v46, v46  }
0x5d8: {  	v62 =	vld [tilespmem:$0x1F9D0];
	v7 =	vmul.f32 v52, v52;
	v3 =	vmin.f32 v3, v15;
	v0 =	vmin.f32 v0, v45  }
0x5d9: {  	v61 =	vld [tilespmem:$0x1EDE0];
	v1 =	vmin.f32 v1, v47;
	v4 =	vadd.f32 v5, v4;
	v5 =	vmul.f32 v50, v50  }
0x5da: {  	v6 =	vadd.f32 v7, v6;
	v3 =	vmin.f32 v3, v43;
	v1 =	vmin.f32 v1, v57  }
0x5db: {  	v63 =	vld [tilespmem:$0x1EDF0];
	v5 =	vadd.f32 v8, v5;
	v8 =	vmul.f32 v54, v54;
	v2 =	vadd.f32 v2, v4  }
0x5dc: {  	v3 =	vmin.f32 v3, v56;
	v1 =	vadd.f32 v1, v6;
	v6 =	vmul.f32 v60, v60  }
0x5dd: {  	v58 =	vadd.f32 v9, v5;
	v59 =	vadd.f32 v10, v8;
	v2 =	vmax.f32 v2, $0.0e+00  }
0x5de: {  	s21 =	sadd.s32 $0x1, s21;
	v0 =	vmin.f32 v0, v40;
	v3 =	vmin.f32 v3, v61;
	v2 =	vadd.f32 v2, v62  }
0x5df: {  	p0 =	sne.s32 s21, $0x8;
	v1 =	vmax.f32 v1, $0.0e+00;
	v5 =	vadd.f32 v6, v59;
	v3 =	vadd.f32 v3, v58  }
.Ltmp4:
0x5e0: {  	v0 =	vmin.f32 v0, v63;
	v1 =	vadd.f32 v1, v2;
	(pc) =	sbr.rel @p0 .LBB2_7-.Ltmp4, $4  }
0x5e1: {  	v0 =	vadd.f32 v0, v5;
	v2 =	vmax.f32 v3, $0.0e+00  }
0x5e2: {  	v14 =	vimm.s32 $0xF;
	v1 =	vadd.f32 v2, v1  }
0x5e3: {  	v33 =	vimm.s32 $0x1;
	v13 =	vimm.s32 $0xA;
	v0 =	vmax.f32 v0, $0.0e+00  }
0x5e4: {  	v20 =	vimm.s32 $0x3;
	v58 =	vimm.s32 $0x4;
	v0 =	vadd.f32 v0, v1  }
0x5e5: {  	s19 =	sadd.s32 $0x1, s19  }
0x5e6: {  	p0 =	sne.s32 s19, s11  }
.Ltmp5:
0x5e7: {  	[tilespmem:$0x7000] =	vst v0;
	(pc) =	sbr.rel @p0 .LBB2_1-.Ltmp5, $4  }
0x5e8: {  	[hbm4b:s10+s2] =	stream.linear.scatter [tilespmem:s18], [sflag:$0x1], $0x10, $0x38;
	[tilespmem:$0x7080] =	vst v63  }
0x5e9: {  	_ =	swait.ge [sflag:s12], $0x10  }
0x5ea: {  	[sflag:s12] =	ssyncset.done $0x0  }
0x5eb: {  	[sflag:s12] =	ssyncadd.s32 $0xFFFFFFF0  }
0x5ec: {  	_ =	sfence.sel $0x180000  }
0x5ed: {  	[bflag:$0x0] =	sbarrier.arrive $0xFFFF  }
0x5ee: {  	p0 =	sne.s32 s1, $0x0;
	_ =	strace $0x90000047  }
0x5ef: {  	s0 =	sadd.s32 @!p0 $0x100000, s0;
	[bflag:$0x2] =	sbarrier.arrive $0xFFFF  }
0x5f0: {  	[sflag:s0] =	ssyncadd.tile.s32 @!p0 $0x1;
	_ =	shalt  }
.Lfunc_end2:
_tile_overlayer_lowered:
.L_overlay_start_2:
0x5f1: {  	(tag) =	ssettag $0x2  }
0x5f2: {  	s0 =	rddreg [dreg:$0x0];
	s2 =	stileid.u32  }
0x5f3: {  	s1 =	rddreg [dreg:$0x1];
	p0 =	sne.s32 s2, $0x0  }
0x5f4: {  	s3 =	rddreg [dreg:$0x2];
	[bflag:$0x3] =	sbarrier.arrive $0xFFFF;
	s2 =	simm.s32 @!p0 $0x1C01  }
0x5f5: {  	[timem:s3], [sflag:s2] =	dma.local @!p0 [hbm:s0], s1  }
0x5f6: {  	s0 =	simm.s32 @!p0 $0x1  }
0x5f7: {  	_ =	swait.ge @!p0 [sflag:s0], s1  }
0x5f8: {  	s1 =	ssub.s32 @!p0 $0x0, s1;
	[sflag:s0] =	ssyncset.done @!p0 $0x0  }
0x5f9: {  	[sflag:s0] =	ssyncadd.s32 @!p0 s1  }
0x5fa: {  	[bflag:$0x3] =	sbarrier.arrive $0xFFFF  }
0x5fb: {  	_ =	shalt  }

</sc_bundles>
